<compile_context>
chip_gen: v7x
topology: tpu7x:2x2x1
jax: 0.10.2.dev20260603
libtpu: 0.0.44.dev20260713+nightly
codegen_flags: <defaults>
</compile_context>

<pallas_src>
import functools

import jax
import jax.numpy as jnp
from jax import lax
from jax.experimental import pallas as pl
from jax.experimental.pallas import tpu as pltpu
from jax.experimental.pallas import tpu_sc as plsc

_LANES = 16
_ORING = 4
_PRING = 2


@functools.lru_cache(maxsize=None)
def _build(n_tok, vocab, hidden, max_pos):
    info = plsc.get_sparse_core_info()
    num_workers = info.num_cores * info.num_subcores
    assert n_tok % num_workers == 0
    tokens_per_worker = n_tok // num_workers
    chunk = 16
    assert tokens_per_worker % (_ORING * chunk) == 0
    n_chunks = tokens_per_worker // chunk
    n_vec = hidden // _LANES

    mesh = plsc.VectorSubcoreMesh(core_axis_name="c", subcore_axis_name="s")

    row_buf = pltpu.VMEM((chunk, hidden), jnp.float32)

    @functools.partial(
        pl.kernel,
        mesh=mesh,
        out_type=jax.ShapeDtypeStruct((n_tok, hidden), jnp.float32),
        scratch_types=(
            [pltpu.VMEM((tokens_per_worker,), jnp.int32)] * 2
            + [row_buf] * (_ORING + _PRING)
            + [pltpu.SemaphoreType.DMA] * (2 * _ORING + _PRING)
        ),
    )
    def emb_kernel(ids_hbm, pids_hbm, word_hbm, pos_hbm, out_hbm, *refs):
        idw, idp = refs[0], refs[1]
        ob = refs[2:2 + _ORING]
        pb = refs[2 + _ORING:2 + _ORING + _PRING]
        sems = refs[2 + _ORING + _PRING:]
        sw = sems[0:_ORING]
        so = sems[_ORING:2 * _ORING]
        sp = sems[2 * _ORING:]

        wid = lax.axis_index("s") * info.num_cores + lax.axis_index("c")
        base = wid * tokens_per_worker
        pltpu.sync_copy(ids_hbm.at[pl.ds(base, tokens_per_worker)], idw)
        pltpu.sync_copy(pids_hbm.at[pl.ds(base, tokens_per_worker)], idp)

        def issue(c, b, q):
            off = pl.multiple_of(c * chunk, chunk)
            pltpu.async_copy(word_hbm.at[idw.at[pl.ds(off, chunk)]], ob[b], sw[b])
            pltpu.async_copy(pos_hbm.at[idp.at[pl.ds(off, chunk)]], pb[q], sp[q])

        def wait_gathers(b, q):
            pltpu.make_async_copy(
                word_hbm.at[idw.at[pl.ds(0, chunk)]], ob[b], sw[b]).wait()
            pltpu.make_async_copy(
                pos_hbm.at[idp.at[pl.ds(0, chunk)]], pb[q], sp[q]).wait()

        def wait_scatter(b):
            pltpu.make_async_copy(
                ob[b], out_hbm.at[pl.ds(base, chunk)], so[b]).wait()

        def add_rows(b, q):
            obuf, pbuf = ob[b], pb[q]

            def row(t, acc):
                for j in range(n_vec):
                    sl = pl.ds(j * _LANES, _LANES)
                    plsc.addupdate(obuf.at[t, sl], pbuf[t, sl])
                return acc

            lax.fori_loop(0, chunk, row, 0)

        def step(c, b, q):
            wait_gathers(b, q)
            add_rows(b, q)
            out_off = pl.multiple_of(base + c * chunk, chunk)
            pltpu.async_copy(ob[b], out_hbm.at[pl.ds(out_off, chunk)], so[b])

            b2 = (b + 2) % _ORING

            @pl.when(c >= 2)
            def _():
                wait_scatter(b2)

            @pl.when(c + 2 < n_chunks)
            def _():
                issue(c + 2, b2, q)

        issue(0, 0, 0)
        issue(1, 1, 1)

        def body(cc, carry):
            c0 = cc * _ORING
            for b in range(_ORING):
                step(c0 + b, b, b % _PRING)
            return carry

        lax.fori_loop(0, n_chunks // _ORING, body, 0)
        wait_scatter((n_chunks - 1) % _ORING)
        wait_scatter((n_chunks - 2) % _ORING)

    return emb_kernel


def kernel(input_ids, position_ids, word_embeddings_weight, position_embeddings_weight):
    b, s = input_ids.shape
    vocab, hidden = word_embeddings_weight.shape
    max_pos = position_embeddings_weight.shape[0]
    fn = _build(b * s, vocab, hidden, max_pos)
    out = fn(
        input_ids.reshape(-1),
        position_ids.reshape(-1),
        word_embeddings_weight,
        position_embeddings_weight,
    )
    return out.reshape(b, s, hidden)

# --- scband reference (transcript-rebuilt; emitter-appended) ---
"""Pipeline reference for scband-embedding-70781061038493 (READ-ONLY COPY).

The authoritative reference and input builder live on the scoring server;
editing this copy changes nothing except your own understanding.
"""

import jax, jax.numpy as jnp
import numpy as np

VOCAB = 100000
HIDDEN = 1024
MAX_POS = 8192
B = 4
S = 8192


def setup_inputs(seed: int = 0) -> dict:
    key = jax.random.key(seed)
    k1, k2, k3, k4 = jax.random.split(key, 4)
    input_ids = jax.random.randint(k1, (B, S), 0, VOCAB, dtype=jnp.int32)
    position_ids = jax.random.randint(k2, (B, S), 0, MAX_POS, dtype=jnp.int32)
    # learned parameters (xavier_normal-like init for word embeddings)
    word_std = float(np.sqrt(2.0 / (VOCAB + HIDDEN)))
    word_embeddings_weight = jax.random.normal(k3, (VOCAB, HIDDEN), dtype=jnp.float32) * word_std
    position_embeddings_weight = jax.random.normal(k4, (MAX_POS, HIDDEN), dtype=jnp.float32) * 0.02
    return {
        "input_ids": input_ids,
        "position_ids": position_ids,
        "word_embeddings_weight": word_embeddings_weight,
        "position_embeddings_weight": position_embeddings_weight,
    }


def reference(input_ids, position_ids, word_embeddings_weight, position_embeddings_weight):
    # VocabParallelEmbedding with tensor_model_parallel_size == 1:
    # plain embedding lookup (no masking branch taken).
    words_embeddings = jnp.take(word_embeddings_weight, input_ids, axis=0)
    # absolute position embeddings
    position_embeddings = jnp.take(position_embeddings_weight, position_ids, axis=0)
    embeddings = words_embeddings + position_embeddings
    # num_tokentypes == 0 -> no tokentype embedding; dropout prob 0 / eval -> identity
    return embeddings

if __name__ == "__main__":
    import jax
    _d = setup_inputs()
    print(jax.jit(kernel)(*tuple(_d.values())))

</pallas_src>

<mosaic_0001>
#map = affine_map<(d0, d1) -> (0)>
#map1 = affine_map<(d0, d1) -> (0, 0)>
module attributes {stable_mosaic.version = 14 : i64} {
  func.func @emb_kernel(%arg0: i32, %arg1: i32, %arg2: memref<32768xi32, #tpu.memory_space<hbm>>, %arg3: memref<32768xi32, #tpu.memory_space<hbm>>, %arg4: memref<100000x1024xf32, #tpu.memory_space<hbm>>, %arg5: memref<8192x1024xf32, #tpu.memory_space<hbm>>, %arg6: memref<32768x1024xf32, #tpu.memory_space<hbm>>, %arg7: memref<1024xi32, #tpu.memory_space<vmem>>, %arg8: memref<1024xi32, #tpu.memory_space<vmem>>, %arg9: memref<16x1024xf32, #tpu.memory_space<vmem>>, %arg10: memref<16x1024xf32, #tpu.memory_space<vmem>>, %arg11: memref<16x1024xf32, #tpu.memory_space<vmem>>, %arg12: memref<16x1024xf32, #tpu.memory_space<vmem>>, %arg13: memref<16x1024xf32, #tpu.memory_space<vmem>>, %arg14: memref<16x1024xf32, #tpu.memory_space<vmem>>, %arg15: memref<!tpu.dma_semaphore, #tpu.memory_space<semaphore_mem>>, %arg16: memref<!tpu.dma_semaphore, #tpu.memory_space<semaphore_mem>>, %arg17: memref<!tpu.dma_semaphore, #tpu.memory_space<semaphore_mem>>, %arg18: memref<!tpu.dma_semaphore, #tpu.memory_space<semaphore_mem>>, %arg19: memref<!tpu.dma_semaphore, #tpu.memory_space<semaphore_mem>>, %arg20: memref<!tpu.dma_semaphore, #tpu.memory_space<semaphore_mem>>, %arg21: memref<!tpu.dma_semaphore, #tpu.memory_space<semaphore_mem>>, %arg22: memref<!tpu.dma_semaphore, #tpu.memory_space<semaphore_mem>>, %arg23: memref<!tpu.dma_semaphore, #tpu.memory_space<semaphore_mem>>, %arg24: memref<!tpu.dma_semaphore, #tpu.memory_space<semaphore_mem>>) attributes {dimension_semantics = [#tpu.dimension_semantics<core_parallel>, #tpu.dimension_semantics<subcore_parallel>], iteration_bounds = array<i64: 2, 16>, scalar_prefetch = 0 : i64, scratch_operands = 18 : i64, tpu.core_type = #tpu.core_type<sc_vector_subcore>, window_params = [{transform_indices = #map}, {transform_indices = #map}, {transform_indices = #map1}, {transform_indices = #map1}, {transform_indices = #map1}]} {
    %mul3A = arith.constant 2 : i32
    %mul3A_0 = arith.muli %arg1, %mul3A : i32
    %add3A = arith.addi %mul3A_0, %arg0 : i32
    %mul3A_1 = arith.constant 1024 : i32
    %mul3A_2 = arith.muli %add3A, %mul3A_1 : i32
    "tpu.region"() ({
      %run_scoped3A = tpu.sem_alloc : memref<!tpu.dma_semaphore, #tpu.memory_space<semaphore_mem>>
      %dma_start3A_33 = tpu.memref_slice %arg2[%mul3A_2] : memref<32768xi32, #tpu.memory_space<hbm>> -> memref<1024xi32, #tpu.memory_space<hbm>>
      %dma_start3A_34 = tpu.memref_slice %arg2[%mul3A_2] : memref<32768xi32, #tpu.memory_space<hbm>> -> memref<1024xi32, #tpu.memory_space<hbm>>
      tpu.enqueue_dma source(%dma_start3A_34 : memref<1024xi32, #tpu.memory_space<hbm>>) target(%arg7 : memref<1024xi32, #tpu.memory_space<vmem>>) target_semaphore(%run_scoped3A : memref<!tpu.dma_semaphore, #tpu.memory_space<semaphore_mem>>)
      %dma_wait3A_35 = tpu.memref_slice %arg2[%mul3A_2] : memref<32768xi32, #tpu.memory_space<hbm>> -> memref<1024xi32, #tpu.memory_space<hbm>>
      %dma_wait3A_36 = tpu.memref_slice %arg2[%mul3A_2] : memref<32768xi32, #tpu.memory_space<hbm>> -> memref<1024xi32, #tpu.memory_space<hbm>>
      tpu.wait_dma2 semaphore(%run_scoped3A : memref<!tpu.dma_semaphore, #tpu.memory_space<semaphore_mem>>) src(%dma_wait3A_36 : memref<1024xi32, #tpu.memory_space<hbm>>) dst(%arg7 : memref<1024xi32, #tpu.memory_space<vmem>>)
      tpu.yield
    }) : () -> ()
    "tpu.region"() ({
      %run_scoped3A = tpu.sem_alloc : memref<!tpu.dma_semaphore, #tpu.memory_space<semaphore_mem>>
      %dma_start3A_33 = tpu.memref_slice %arg3[%mul3A_2] : memref<32768xi32, #tpu.memory_space<hbm>> -> memref<1024xi32, #tpu.memory_space<hbm>>
      %dma_start3A_34 = tpu.memref_slice %arg3[%mul3A_2] : memref<32768xi32, #tpu.memory_space<hbm>> -> memref<1024xi32, #tpu.memory_space<hbm>>
      tpu.enqueue_dma source(%dma_start3A_34 : memref<1024xi32, #tpu.memory_space<hbm>>) target(%arg8 : memref<1024xi32, #tpu.memory_space<vmem>>) target_semaphore(%run_scoped3A : memref<!tpu.dma_semaphore, #tpu.memory_space<semaphore_mem>>)
      %dma_wait3A_35 = tpu.memref_slice %arg3[%mul3A_2] : memref<32768xi32, #tpu.memory_space<hbm>> -> memref<1024xi32, #tpu.memory_space<hbm>>
      %dma_wait3A_36 = tpu.memref_slice %arg3[%mul3A_2] : memref<32768xi32, #tpu.memory_space<hbm>> -> memref<1024xi32, #tpu.memory_space<hbm>>
      tpu.wait_dma2 semaphore(%run_scoped3A : memref<!tpu.dma_semaphore, #tpu.memory_space<semaphore_mem>>) src(%dma_wait3A_36 : memref<1024xi32, #tpu.memory_space<hbm>>) dst(%arg8 : memref<1024xi32, #tpu.memory_space<vmem>>)
      tpu.yield
    }) : () -> ()
    %multiple_of3A = arith.constant 0 : i32
    %multiple_of3A_3 = tpu.assume_multiple %multiple_of3A, 16 : i32
    %dma_start3A = tpu.memref_slice %arg7[%multiple_of3A_3] : memref<1024xi32, #tpu.memory_space<vmem>> -> memref<16xi32, #tpu.memory_space<vmem>>
    %dma_start3A_4 = arith.constant 0 : i32
    %dma_start3A_5 = arith.constant 0 : i32
    %dma_start3A_6 = tpu.memref_slice %arg4[%dma_start3A_4, %dma_start3A_5] : memref<100000x1024xf32, #tpu.memory_space<hbm>> -> memref<100000x1024xf32, #tpu.memory_space<hbm>>
    tpu.enqueue_indirect_dma source(%dma_start3A_6 : memref<100000x1024xf32, #tpu.memory_space<hbm>>) target(%arg9 : memref<16x1024xf32, #tpu.memory_space<vmem>>) offsets(%dma_start3A : memref<16xi32, #tpu.memory_space<vmem>>) semaphore(%arg15 : memref<!tpu.dma_semaphore, #tpu.memory_space<semaphore_mem>>)
    %dma_start3A_7 = tpu.memref_slice %arg8[%multiple_of3A_3] : memref<1024xi32, #tpu.memory_space<vmem>> -> memref<16xi32, #tpu.memory_space<vmem>>
    %dma_start3A_8 = arith.constant 0 : i32
    %dma_start3A_9 = arith.constant 0 : i32
    %dma_start3A_10 = tpu.memref_slice %arg5[%dma_start3A_8, %dma_start3A_9] : memref<8192x1024xf32, #tpu.memory_space<hbm>> -> memref<8192x1024xf32, #tpu.memory_space<hbm>>
    tpu.enqueue_indirect_dma source(%dma_start3A_10 : memref<8192x1024xf32, #tpu.memory_space<hbm>>) target(%arg13 : memref<16x1024xf32, #tpu.memory_space<vmem>>) offsets(%dma_start3A_7 : memref<16xi32, #tpu.memory_space<vmem>>) semaphore(%arg23 : memref<!tpu.dma_semaphore, #tpu.memory_space<semaphore_mem>>)
    %multiple_of3A_11 = arith.constant 16 : i32
    %multiple_of3A_12 = tpu.assume_multiple %multiple_of3A_11, 16 : i32
    %dma_start3A_13 = tpu.memref_slice %arg7[%multiple_of3A_12] : memref<1024xi32, #tpu.memory_space<vmem>> -> memref<16xi32, #tpu.memory_space<vmem>>
    %dma_start3A_14 = arith.constant 0 : i32
    %dma_start3A_15 = arith.constant 0 : i32
    %dma_start3A_16 = tpu.memref_slice %arg4[%dma_start3A_14, %dma_start3A_15] : memref<100000x1024xf32, #tpu.memory_space<hbm>> -> memref<100000x1024xf32, #tpu.memory_space<hbm>>
    tpu.enqueue_indirect_dma source(%dma_start3A_16 : memref<100000x1024xf32, #tpu.memory_space<hbm>>) target(%arg10 : memref<16x1024xf32, #tpu.memory_space<vmem>>) offsets(%dma_start3A_13 : memref<16xi32, #tpu.memory_space<vmem>>) semaphore(%arg16 : memref<!tpu.dma_semaphore, #tpu.memory_space<semaphore_mem>>)
    %dma_start3A_17 = tpu.memref_slice %arg8[%multiple_of3A_12] : memref<1024xi32, #tpu.memory_space<vmem>> -> memref<16xi32, #tpu.memory_space<vmem>>
    %dma_start3A_18 = arith.constant 0 : i32
    %dma_start3A_19 = arith.constant 0 : i32
    %dma_start3A_20 = tpu.memref_slice %arg5[%dma_start3A_18, %dma_start3A_19] : memref<8192x1024xf32, #tpu.memory_space<hbm>> -> memref<8192x1024xf32, #tpu.memory_space<hbm>>
    tpu.enqueue_indirect_dma source(%dma_start3A_20 : memref<8192x1024xf32, #tpu.memory_space<hbm>>) target(%arg14 : memref<16x1024xf32, #tpu.memory_space<vmem>>) offsets(%dma_start3A_17 : memref<16xi32, #tpu.memory_space<vmem>>) semaphore(%arg24 : memref<!tpu.dma_semaphore, #tpu.memory_space<semaphore_mem>>)
    %scan3A = arith.constant 0 : i32
    %scan3A_21 = arith.constant 0 : i32
    %scan3A_22 = arith.constant 16 : i32
    %scan3A_23 = arith.addi %scan3A_21, %scan3A_22 : i32
    %scan3A_24 = arith.constant 1 : i32
    scf.for %scan3A_33 = %scan3A_21 to %scan3A_23 step %scan3A_24  : i32 {
      %mul3A_34 = arith.constant 4 : i32
      %mul3A_35 = arith.muli %scan3A_33, %mul3A_34 : i32
      %add3A_36 = arith.constant 0 : i32
      %add3A_37 = arith.addi %mul3A_35, %add3A_36 : i32
      %dma_wait3A_38 = arith.constant 0 : i32
      %dma_wait3A_39 = tpu.memref_slice %arg7[%dma_wait3A_38] : memref<1024xi32, #tpu.memory_space<vmem>> -> memref<16xi32, #tpu.memory_space<vmem>>
      %dma_wait3A_40 = arith.constant 0 : i32
      %dma_wait3A_41 = arith.constant 0 : i32
      %dma_wait3A_42 = tpu.memref_slice %arg4[%dma_wait3A_40, %dma_wait3A_41] : memref<100000x1024xf32, #tpu.memory_space<hbm>> -> memref<100000x1024xf32, #tpu.memory_space<hbm>>
      tpu.wait_indirect_dma semaphore(%arg15 : memref<!tpu.dma_semaphore, #tpu.memory_space<semaphore_mem>>) src(%dma_wait3A_42 : memref<100000x1024xf32, #tpu.memory_space<hbm>>) dst(%arg9 : memref<16x1024xf32, #tpu.memory_space<vmem>>)
      %dma_wait3A_43 = arith.constant 0 : i32
      %dma_wait3A_44 = tpu.memref_slice %arg8[%dma_wait3A_43] : memref<1024xi32, #tpu.memory_space<vmem>> -> memref<16xi32, #tpu.memory_space<vmem>>
      %dma_wait3A_45 = arith.constant 0 : i32
      %dma_wait3A_46 = arith.constant 0 : i32
      %dma_wait3A_47 = tpu.memref_slice %arg5[%dma_wait3A_45, %dma_wait3A_46] : memref<8192x1024xf32, #tpu.memory_space<hbm>> -> memref<8192x1024xf32, #tpu.memory_space<hbm>>
      tpu.wait_indirect_dma semaphore(%arg23 : memref<!tpu.dma_semaphore, #tpu.memory_space<semaphore_mem>>) src(%dma_wait3A_47 : memref<8192x1024xf32, #tpu.memory_space<hbm>>) dst(%arg13 : memref<16x1024xf32, #tpu.memory_space<vmem>>)
      %scan3A_48 = arith.constant 0 : i32
      %scan3A_49 = arith.constant 0 : i32
      %scan3A_50 = arith.constant 16 : i32
      %scan3A_51 = arith.addi %scan3A_49, %scan3A_50 : i32
      %scan3A_52 = arith.constant 1 : i32
      scf.for %scan3A_184 = %scan3A_49 to %scan3A_51 step %scan3A_52  : i32 {
        %get3A = arith.index_cast %scan3A_184 : i32 to index
        %get3A_185 = arith.constant 0 : index
        %get3A_186 = tpu.vector_load %arg13[%get3A, %get3A_185] {strides = array<i32>} : memref<16x1024xf32, #tpu.memory_space<vmem>>, vector<1x16xf32>,
        %get3A_187 = vector.shape_cast %get3A_186 : vector<1x16xf32> to vector<16xf32>
        %swap3A = arith.index_cast %scan3A_184 : i32 to index
        %swap3A_188 = arith.constant 0 : index
        %swap3A_189 = tpu.vector_load %arg9[%swap3A, %swap3A_188] {strides = array<i32>} : memref<16x1024xf32, #tpu.memory_space<vmem>>, vector<1x16xf32>,
        %swap3A_190 = vector.shape_cast %swap3A_189 : vector<1x16xf32> to vector<16xf32>
        %swap3A_191 = vector.shape_cast %get3A_187 : vector<16xf32> to vector<1x16xf32>
        tpu.vector_store %arg9[%swap3A, %swap3A_188], %swap3A_191 {add = true, strides = array<i32>} : memref<16x1024xf32, #tpu.memory_space<vmem>>, vector<1x16xf32>,
        %get3A_192 = arith.index_cast %scan3A_184 : i32 to index
        %get3A_193 = arith.constant 16 : index
        %get3A_194 = tpu.vector_load %arg13[%get3A_192, %get3A_193] {strides = array<i32>} : memref<16x1024xf32, #tpu.memory_space<vmem>>, vector<1x16xf32>,
        %get3A_195 = vector.shape_cast %get3A_194 : vector<1x16xf32> to vector<16xf32>
        %swap3A_196 = arith.index_cast %scan3A_184 : i32 to index
        %swap3A_197 = arith.constant 16 : index
        %swap3A_198 = tpu.vector_load %arg9[%swap3A_196, %swap3A_197] {strides = array<i32>} : memref<16x1024xf32, #tpu.memory_space<vmem>>, vector<1x16xf32>,
        %swap3A_199 = vector.shape_cast %swap3A_198 : vector<1x16xf32> to vector<16xf32>
        %swap3A_200 = vector.shape_cast %get3A_195 : vector<16xf32> to vector<1x16xf32>
        tpu.vector_store %arg9[%swap3A_196, %swap3A_197], %swap3A_200 {add = true, strides = array<i32>} : memref<16x1024xf32, #tpu.memory_space<vmem>>, vector<1x16xf32>,
        %get3A_201 = arith.index_cast %scan3A_184 : i32 to index
        %get3A_202 = arith.constant 32 : index
        %get3A_203 = tpu.vector_load %arg13[%get3A_201, %get3A_202] {strides = array<i32>} : memref<16x1024xf32, #tpu.memory_space<vmem>>, vector<1x16xf32>,
        %get3A_204 = vector.shape_cast %get3A_203 : vector<1x16xf32> to vector<16xf32>
        %swap3A_205 = arith.index_cast %scan3A_184 : i32 to index
        %swap3A_206 = arith.constant 32 : index
        %swap3A_207 = tpu.vector_load %arg9[%swap3A_205, %swap3A_206] {strides = array<i32>} : memref<16x1024xf32, #tpu.memory_space<vmem>>, vector<1x16xf32>,
        %swap3A_208 = vector.shape_cast %swap3A_207 : vector<1x16xf32> to vector<16xf32>
        %swap3A_209 = vector.shape_cast %get3A_204 : vector<16xf32> to vector<1x16xf32>
        tpu.vector_store %arg9[%swap3A_205, %swap3A_206], %swap3A_209 {add = true, strides = array<i32>} : memref<16x1024xf32, #tpu.memory_space<vmem>>, vector<1x16xf32>,
        %get3A_210 = arith.index_cast %scan3A_184 : i32 to index
        %get3A_211 = arith.constant 48 : index
        %get3A_212 = tpu.vector_load %arg13[%get3A_210, %get3A_211] {strides = array<i32>} : memref<16x1024xf32, #tpu.memory_space<vmem>>, vector<1x16xf32>,
        %get3A_213 = vector.shape_cast %get3A_212 : vector<1x16xf32> to vector<16xf32>
        %swap3A_214 = arith.index_cast %scan3A_184 : i32 to index
        %swap3A_215 = arith.constant 48 : index
        %swap3A_216 = tpu.vector_load %arg9[%swap3A_214, %swap3A_215] {strides = array<i32>} : memref<16x1024xf32, #tpu.memory_space<vmem>>, vector<1x16xf32>,
        %swap3A_217 = vector.shape_cast %swap3A_216 : vector<1x16xf32> to vector<16xf32>
        %swap3A_218 = vector.shape_cast %get3A_213 : vector<16xf32> to vector<1x16xf32>
        tpu.vector_store %arg9[%swap3A_214, %swap3A_215], %swap3A_218 {add = true, strides = array<i32>} : memref<16x1024xf32, #tpu.memory_space<vmem>>, vector<1x16xf32>,
        %get3A_219 = arith.index_cast %scan3A_184 : i32 to index
        %get3A_220 = arith.constant 64 : index
        %get3A_221 = tpu.vector_load %arg13[%get3A_219, %get3A_220] {strides = array<i32>} : memref<16x1024xf32, #tpu.memory_space<vmem>>, vector<1x16xf32>,
        %get3A_222 = vector.shape_cast %get3A_221 : vector<1x16xf32> to vector<16xf32>
        %swap3A_223 = arith.index_cast %scan3A_184 : i32 to index
        %swap3A_224 = arith.constant 64 : index
        %swap3A_225 = tpu.vector_load %arg9[%swap3A_223, %swap3A_224] {strides = array<i32>} : memref<16x1024xf32, #tpu.memory_space<vmem>>, vector<1x16xf32>,
        %swap3A_226 = vector.shape_cast %swap3A_225 : vector<1x16xf32> to vector<16xf32>
        %swap3A_227 = vector.shape_cast %get3A_222 : vector<16xf32> to vector<1x16xf32>
        tpu.vector_store %arg9[%swap3A_223, %swap3A_224], %swap3A_227 {add = true, strides = array<i32>} : memref<16x1024xf32, #tpu.memory_space<vmem>>, vector<1x16xf32>,
        %get3A_228 = arith.index_cast %scan3A_184 : i32 to index
        %get3A_229 = arith.constant 80 : index
        %get3A_230 = tpu.vector_load %arg13[%get3A_228, %get3A_229] {strides = array<i32>} : memref<16x1024xf32, #tpu.memory_space<vmem>>, vector<1x16xf32>,
        %get3A_231 = vector.shape_cast %get3A_230 : vector<1x16xf32> to vector<16xf32>
        %swap3A_232 = arith.index_cast %scan3A_184 : i32 to index
        %swap3A_233 = arith.constant 80 : index
        %swap3A_234 = tpu.vector_load %arg9[%swap3A_232, %swap3A_233] {strides = array<i32>} : memref<16x1024xf32, #tpu.memory_space<vmem>>, vector<1x16xf32>,
        %swap3A_235 = vector.shape_cast %swap3A_234 : vector<1x16xf32> to vector<16xf32>
        %swap3A_236 = vector.shape_cast %get3A_231 : vector<16xf32> to vector<1x16xf32>
        tpu.vector_store %arg9[%swap3A_232, %swap3A_233], %swap3A_236 {add = true, strides = array<i32>} : memref<16x1024xf32, #tpu.memory_space<vmem>>, vector<1x16xf32>,
        %get3A_237 = arith.index_cast %scan3A_184 : i32 to index
        %get3A_238 = arith.constant 96 : index
        %get3A_239 = tpu.vector_load %arg13[%get3A_237, %get3A_238] {strides = array<i32>} : memref<16x1024xf32, #tpu.memory_space<vmem>>, vector<1x16xf32>,
        %get3A_240 = vector.shape_cast %get3A_239 : vector<1x16xf32> to vector<16xf32>
        %swap3A_241 = arith.index_cast %scan3A_184 : i32 to index
        %swap3A_242 = arith.constant 96 : index
        %swap3A_243 = tpu.vector_load %arg9[%swap3A_241, %swap3A_242] {strides = array<i32>} : memref<16x1024xf32, #tpu.memory_space<vmem>>, vector<1x16xf32>,
        %swap3A_244 = vector.shape_cast %swap3A_243 : vector<1x16xf32> to vector<16xf32>
        %swap3A_245 = vector.shape_cast %get3A_240 : vector<16xf32> to vector<1x16xf32>
        tpu.vector_store %arg9[%swap3A_241, %swap3A_242], %swap3A_245 {add = true, strides = array<i32>} : memref<16x1024xf32, #tpu.memory_space<vmem>>, vector<1x16xf32>,
        %get3A_246 = arith.index_cast %scan3A_184 : i32 to index
        %get3A_247 = arith.constant 112 : index
        %get3A_248 = tpu.vector_load %arg13[%get3A_246, %get3A_247] {strides = array<i32>} : memref<16x1024xf32, #tpu.memory_space<vmem>>, vector<1x16xf32>,
        %get3A_249 = vector.shape_cast %get3A_248 : vector<1x16xf32> to vector<16xf32>
        %swap3A_250 = arith.index_cast %scan3A_184 : i32 to index
        %swap3A_251 = arith.constant 112 : index
        %swap3A_252 = tpu.vector_load %arg9[%swap3A_250, %swap3A_251] {strides = array<i32>} : memref<16x1024xf32, #tpu.memory_space<vmem>>, vector<1x16xf32>,
        %swap3A_253 = vector.shape_cast %swap3A_252 : vector<1x16xf32> to vector<16xf32>
        %swap3A_254 = vector.shape_cast %get3A_249 : vector<16xf32> to vector<1x16xf32>
        tpu.vector_store %arg9[%swap3A_250, %swap3A_251], %swap3A_254 {add = true, strides = array<i32>} : memref<16x1024xf32, #tpu.memory_space<vmem>>, vector<1x16xf32>,
        %get3A_255 = arith.index_cast %scan3A_184 : i32 to index
        %get3A_256 = arith.constant 128 : index
        %get3A_257 = tpu.vector_load %arg13[%get3A_255, %get3A_256] {strides = array<i32>} : memref<16x1024xf32, #tpu.memory_space<vmem>>, vector<1x16xf32>,
        %get3A_258 = vector.shape_cast %get3A_257 : vector<1x16xf32> to vector<16xf32>
        %swap3A_259 = arith.index_cast %scan3A_184 : i32 to index
        %swap3A_260 = arith.constant 128 : index
        %swap3A_261 = tpu.vector_load %arg9[%swap3A_259, %swap3A_260] {strides = array<i32>} : memref<16x1024xf32, #tpu.memory_space<vmem>>, vector<1x16xf32>,
        %swap3A_262 = vector.shape_cast %swap3A_261 : vector<1x16xf32> to vector<16xf32>
        %swap3A_263 = vector.shape_cast %get3A_258 : vector<16xf32> to vector<1x16xf32>
        tpu.vector_store %arg9[%swap3A_259, %swap3A_260], %swap3A_263 {add = true, strides = array<i32>} : memref<16x1024xf32, #tpu.memory_space<vmem>>, vector<1x16xf32>,
        %get3A_264 = arith.index_cast %scan3A_184 : i32 to index
        %get3A_265 = arith.constant 144 : index
        %get3A_266 = tpu.vector_load %arg13[%get3A_264, %get3A_265] {strides = array<i32>} : memref<16x1024xf32, #tpu.memory_space<vmem>>, vector<1x16xf32>,
        %get3A_267 = vector.shape_cast %get3A_266 : vector<1x16xf32> to vector<16xf32>
        %swap3A_268 = arith.index_cast %scan3A_184 : i32 to index
        %swap3A_269 = arith.constant 144 : index
        %swap3A_270 = tpu.vector_load %arg9[%swap3A_268, %swap3A_269] {strides = array<i32>} : memref<16x1024xf32, #tpu.memory_space<vmem>>, vector<1x16xf32>,
        %swap3A_271 = vector.shape_cast %swap3A_270 : vector<1x16xf32> to vector<16xf32>
        %swap3A_272 = vector.shape_cast %get3A_267 : vector<16xf32> to vector<1x16xf32>
        tpu.vector_store %arg9[%swap3A_268, %swap3A_269], %swap3A_272 {add = true, strides = array<i32>} : memref<16x1024xf32, #tpu.memory_space<vmem>>, vector<1x16xf32>,
        %get3A_273 = arith.index_cast %scan3A_184 : i32 to index
        %get3A_274 = arith.constant 160 : index
        %get3A_275 = tpu.vector_load %arg13[%get3A_273, %get3A_274] {strides = array<i32>} : memref<16x1024xf32, #tpu.memory_space<vmem>>, vector<1x16xf32>,
        %get3A_276 = vector.shape_cast %get3A_275 : vector<1x16xf32> to vector<16xf32>
        %swap3A_277 = arith.index_cast %scan3A_184 : i32 to index
        %swap3A_278 = arith.constant 160 : index
        %swap3A_279 = tpu.vector_load %arg9[%swap3A_277, %swap3A_278] {strides = array<i32>} : memref<16x1024xf32, #tpu.memory_space<vmem>>, vector<1x16xf32>,
        %swap3A_280 = vector.shape_cast %swap3A_279 : vector<1x16xf32> to vector<16xf32>
        %swap3A_281 = vector.shape_cast %get3A_276 : vector<16xf32> to vector<1x16xf32>
        tpu.vector_store %arg9[%swap3A_277, %swap3A_278], %swap3A_281 {add = true, strides = array<i32>} : memref<16x1024xf32, #tpu.memory_space<vmem>>, vector<1x16xf32>,
        %get3A_282 = arith.index_cast %scan3A_184 : i32 to index
        %get3A_283 = arith.constant 176 : index
        %get3A_284 = tpu.vector_load %arg13[%get3A_282, %get3A_283] {strides = array<i32>} : memref<16x1024xf32, #tpu.memory_space<vmem>>, vector<1x16xf32>,
        %get3A_285 = vector.shape_cast %get3A_284 : vector<1x16xf32> to vector<16xf32>
        %swap3A_286 = arith.index_cast %scan3A_184 : i32 to index
        %swap3A_287 = arith.constant 176 : index
        %swap3A_288 = tpu.vector_load %arg9[%swap3A_286, %swap3A_287] {strides = array<i32>} : memref<16x1024xf32, #tpu.memory_space<vmem>>, vector<1x16xf32>,
        %swap3A_289 = vector.shape_cast %swap3A_288 : vector<1x16xf32> to vector<16xf32>
        %swap3A_290 = vector.shape_cast %get3A_285 : vector<16xf32> to vector<1x16xf32>
        tpu.vector_store %arg9[%swap3A_286, %swap3A_287], %swap3A_290 {add = true, strides = array<i32>} : memref<16x1024xf32, #tpu.memory_space<vmem>>, vector<1x16xf32>,
        %get3A_291 = arith.index_cast %scan3A_184 : i32 to index
        %get3A_292 = arith.constant 192 : index
        %get3A_293 = tpu.vector_load %arg13[%get3A_291, %get3A_292] {strides = array<i32>} : memref<16x1024xf32, #tpu.memory_space<vmem>>, vector<1x16xf32>,
        %get3A_294 = vector.shape_cast %get3A_293 : vector<1x16xf32> to vector<16xf32>
        %swap3A_295 = arith.index_cast %scan3A_184 : i32 to index
        %swap3A_296 = arith.constant 192 : index
        %swap3A_297 = tpu.vector_load %arg9[%swap3A_295, %swap3A_296] {strides = array<i32>} : memref<16x1024xf32, #tpu.memory_space<vmem>>, vector<1x16xf32>,
        %swap3A_298 = vector.shape_cast %swap3A_297 : vector<1x16xf32> to vector<16xf32>
        %swap3A_299 = vector.shape_cast %get3A_294 : vector<16xf32> to vector<1x16xf32>
        tpu.vector_store %arg9[%swap3A_295, %swap3A_296], %swap3A_299 {add = true, strides = array<i32>} : memref<16x1024xf32, #tpu.memory_space<vmem>>, vector<1x16xf32>,
        %get3A_300 = arith.index_cast %scan3A_184 : i32 to index
        %get3A_301 = arith.constant 208 : index
        %get3A_302 = tpu.vector_load %arg13[%get3A_300, %get3A_301] {strides = array<i32>} : memref<16x1024xf32, #tpu.memory_space<vmem>>, vector<1x16xf32>,
        %get3A_303 = vector.shape_cast %get3A_302 : vector<1x16xf32> to vector<16xf32>
        %swap3A_304 = arith.index_cast %scan3A_184 : i32 to index
        %swap3A_305 = arith.constant 208 : index
        %swap3A_306 = tpu.vector_load %arg9[%swap3A_304, %swap3A_305] {strides = array<i32>} : memref<16x1024xf32, #tpu.memory_space<vmem>>, vector<1x16xf32>,
        %swap3A_307 = vector.shape_cast %swap3A_306 : vector<1x16xf32> to vector<16xf32>
        %swap3A_308 = vector.shape_cast %get3A_303 : vector<16xf32> to vector<1x16xf32>
        tpu.vector_store %arg9[%swap3A_304, %swap3A_305], %swap3A_308 {add = true, strides = array<i32>} : memref<16x1024xf32, #tpu.memory_space<vmem>>, vector<1x16xf32>,
        %get3A_309 = arith.index_cast %scan3A_184 : i32 to index
        %get3A_310 = arith.constant 224 : index
        %get3A_311 = tpu.vector_load %arg13[%get3A_309, %get3A_310] {strides = array<i32>} : memref<16x1024xf32, #tpu.memory_space<vmem>>, vector<1x16xf32>,
        %get3A_312 = vector.shape_cast %get3A_311 : vector<1x16xf32> to vector<16xf32>
        %swap3A_313 = arith.index_cast %scan3A_184 : i32 to index
        %swap3A_314 = arith.constant 224 : index
        %swap3A_315 = tpu.vector_load %arg9[%swap3A_313, %swap3A_314] {strides = array<i32>} : memref<16x1024xf32, #tpu.memory_space<vmem>>, vector<1x16xf32>,
        %swap3A_316 = vector.shape_cast %swap3A_315 : vector<1x16xf32> to vector<16xf32>
        %swap3A_317 = vector.shape_cast %get3A_312 : vector<16xf32> to vector<1x16xf32>
        tpu.vector_store %arg9[%swap3A_313, %swap3A_314], %swap3A_317 {add = true, strides = array<i32>} : memref<16x1024xf32, #tpu.memory_space<vmem>>, vector<1x16xf32>,
        %get3A_318 = arith.index_cast %scan3A_184 : i32 to index
        %get3A_319 = arith.constant 240 : index
        %get3A_320 = tpu.vector_load %arg13[%get3A_318, %get3A_319] {strides = array<i32>} : memref<16x1024xf32, #tpu.memory_space<vmem>>, vector<1x16xf32>,
        %get3A_321 = vector.shape_cast %get3A_320 : vector<1x16xf32> to vector<16xf32>
        %swap3A_322 = arith.index_cast %scan3A_184 : i32 to index
        %swap3A_323 = arith.constant 240 : index
        %swap3A_324 = tpu.vector_load %arg9[%swap3A_322, %swap3A_323] {strides = array<i32>} : memref<16x1024xf32, #tpu.memory_space<vmem>>, vector<1x16xf32>,
        %swap3A_325 = vector.shape_cast %swap3A_324 : vector<1x16xf32> to vector<16xf32>
        %swap3A_326 = vector.shape_cast %get3A_321 : vector<16xf32> to vector<1x16xf32>
        tpu.vector_store %arg9[%swap3A_322, %swap3A_323], %swap3A_326 {add = true, strides = array<i32>} : memref<16x1024xf32, #tpu.memory_space<vmem>>, vector<1x16xf32>,
        %get3A_327 = arith.index_cast %scan3A_184 : i32 to index
        %get3A_328 = arith.constant 256 : index
        %get3A_329 = tpu.vector_load %arg13[%get3A_327, %get3A_328] {strides = array<i32>} : memref<16x1024xf32, #tpu.memory_space<vmem>>, vector<1x16xf32>,
        %get3A_330 = vector.shape_cast %get3A_329 : vector<1x16xf32> to vector<16xf32>
        %swap3A_331 = arith.index_cast %scan3A_184 : i32 to index
        %swap3A_332 = arith.constant 256 : index
        %swap3A_333 = tpu.vector_load %arg9[%swap3A_331, %swap3A_332] {strides = array<i32>} : memref<16x1024xf32, #tpu.memory_space<vmem>>, vector<1x16xf32>,
        %swap3A_334 = vector.shape_cast %swap3A_333 : vector<1x16xf32> to vector<16xf32>
        %swap3A_335 = vector.shape_cast %get3A_330 : vector<16xf32> to vector<1x16xf32>
        tpu.vector_store %arg9[%swap3A_331, %swap3A_332], %swap3A_335 {add = true, strides = array<i32>} : memref<16x1024xf32, #tpu.memory_space<vmem>>, vector<1x16xf32>,
        %get3A_336 = arith.index_cast %scan3A_184 : i32 to index
        %get3A_337 = arith.constant 272 : index
        %get3A_338 = tpu.vector_load %arg13[%get3A_336, %get3A_337] {strides = array<i32>} : memref<16x1024xf32, #tpu.memory_space<vmem>>, vector<1x16xf32>,
        %get3A_339 = vector.shape_cast %get3A_338 : vector<1x16xf32> to vector<16xf32>
        %swap3A_340 = arith.index_cast %scan3A_184 : i32 to index
        %swap3A_341 = arith.constant 272 : index
        %swap3A_342 = tpu.vector_load %arg9[%swap3A_340, %swap3A_341] {strides = array<i32>} : memref<16x1024xf32, #tpu.memory_space<vmem>>, vector<1x16xf32>,
        %swap3A_343 = vector.shape_cast %swap3A_342 : vector<1x16xf32> to vector<16xf32>
        %swap3A_344 = vector.shape_cast %get3A_339 : vector<16xf32> to vector<1x16xf32>
        tpu.vector_store %arg9[%swap3A_340, %swap3A_341], %swap3A_344 {add = true, strides = array<i32>} : memref<16x1024xf32, #tpu.memory_space<vmem>>, vector<1x16xf32>,
        %get3A_345 = arith.index_cast %scan3A_184 : i32 to index
        %get3A_346 = arith.constant 288 : index
        %get3A_347 = tpu.vector_load %arg13[%get3A_345, %get3A_346] {strides = array<i32>} : memref<16x1024xf32, #tpu.memory_space<vmem>>, vector<1x16xf32>,
        %get3A_348 = vector.shape_cast %get3A_347 : vector<1x16xf32> to vector<16xf32>
        %swap3A_349 = arith.index_cast %scan3A_184 : i32 to index
        %swap3A_350 = arith.constant 288 : index
        %swap3A_351 = tpu.vector_load %arg9[%swap3A_349, %swap3A_350] {strides = array<i32>} : memref<16x1024xf32, #tpu.memory_space<vmem>>, vector<1x16xf32>,
        %swap3A_352 = vector.shape_cast %swap3A_351 : vector<1x16xf32> to vector<16xf32>
        %swap3A_353 = vector.shape_cast %get3A_348 : vector<16xf32> to vector<1x16xf32>
        tpu.vector_store %arg9[%swap3A_349, %swap3A_350], %swap3A_353 {add = true, strides = array<i32>} : memref<16x1024xf32, #tpu.memory_space<vmem>>, vector<1x16xf32>,
        %get3A_354 = arith.index_cast %scan3A_184 : i32 to index
        %get3A_355 = arith.constant 304 : index
        %get3A_356 = tpu.vector_load %arg13[%get3A_354, %get3A_355] {strides = array<i32>} : memref<16x1024xf32, #tpu.memory_space<vmem>>, vector<1x16xf32>,
        %get3A_357 = vector.shape_cast %get3A_356 : vector<1x16xf32> to vector<16xf32>
        %swap3A_358 = arith.index_cast %scan3A_184 : i32 to index
        %swap3A_359 = arith.constant 304 : index
        %swap3A_360 = tpu.vector_load %arg9[%swap3A_358, %swap3A_359] {strides = array<i32>} : memref<16x1024xf32, #tpu.memory_space<vmem>>, vector<1x16xf32>,
        %swap3A_361 = vector.shape_cast %swap3A_360 : vector<1x16xf32> to vector<16xf32>
        %swap3A_362 = vector.shape_cast %get3A_357 : vector<16xf32> to vector<1x16xf32>
        tpu.vector_store %arg9[%swap3A_358, %swap3A_359], %swap3A_362 {add = true, strides = array<i32>} : memref<16x1024xf32, #tpu.memory_space<vmem>>, vector<1x16xf32>,
        %get3A_363 = arith.index_cast %scan3A_184 : i32 to index
        %get3A_364 = arith.constant 320 : index
        %get3A_365 = tpu.vector_load %arg13[%get3A_363, %get3A_364] {strides = array<i32>} : memref<16x1024xf32, #tpu.memory_space<vmem>>, vector<1x16xf32>,
        %get3A_366 = vector.shape_cast %get3A_365 : vector<1x16xf32> to vector<16xf32>
        %swap3A_367 = arith.index_cast %scan3A_184 : i32 to index
        %swap3A_368 = arith.constant 320 : index
        %swap3A_369 = tpu.vector_load %arg9[%swap3A_367, %swap3A_368] {strides = array<i32>} : memref<16x1024xf32, #tpu.memory_space<vmem>>, vector<1x16xf32>,
        %swap3A_370 = vector.shape_cast %swap3A_369 : vector<1x16xf32> to vector<16xf32>
        %swap3A_371 = vector.shape_cast %get3A_366 : vector<16xf32> to vector<1x16xf32>
        tpu.vector_store %arg9[%swap3A_367, %swap3A_368], %swap3A_371 {add = true, strides = array<i32>} : memref<16x1024xf32, #tpu.memory_space<vmem>>, vector<1x16xf32>,
        %get3A_372 = arith.index_cast %scan3A_184 : i32 to index
        %get3A_373 = arith.constant 336 : index
        %get3A_374 = tpu.vector_load %arg13[%get3A_372, %get3A_373] {strides = array<i32>} : memref<16x1024xf32, #tpu.memory_space<vmem>>, vector<1x16xf32>,
        %get3A_375 = vector.shape_cast %get3A_374 : vector<1x16xf32> to vector<16xf32>
        %swap3A_376 = arith.index_cast %scan3A_184 : i32 to index
        %swap3A_377 = arith.constant 336 : index
        %swap3A_378 = tpu.vector_load %arg9[%swap3A_376, %swap3A_377] {strides = array<i32>} : memref<16x1024xf32, #tpu.memory_space<vmem>>, vector<1x16xf32>,
        %swap3A_379 = vector.shape_cast %swap3A_378 : vector<1x16xf32> to vector<16xf32>
        %swap3A_380 = vector.shape_cast %get3A_375 : vector<16xf32> to vector<1x16xf32>
        tpu.vector_store %arg9[%swap3A_376, %swap3A_377], %swap3A_380 {add = true, strides = array<i32>} : memref<16x1024xf32, #tpu.memory_space<vmem>>, vector<1x16xf32>,
        %get3A_381 = arith.index_cast %scan3A_184 : i32 to index
        %get3A_382 = arith.constant 352 : index
        %get3A_383 = tpu.vector_load %arg13[%get3A_381, %get3A_382] {strides = array<i32>} : memref<16x1024xf32, #tpu.memory_space<vmem>>, vector<1x16xf32>,
        %get3A_384 = vector.shape_cast %get3A_383 : vector<1x16xf32> to vector<16xf32>
        %swap3A_385 = arith.index_cast %scan3A_184 : i32 to index
        %swap3A_386 = arith.constant 352 : index
        %swap3A_387 = tpu.vector_load %arg9[%swap3A_385, %swap3A_386] {strides = array<i32>} : memref<16x1024xf32, #tpu.memory_space<vmem>>, vector<1x16xf32>,
        %swap3A_388 = vector.shape_cast %swap3A_387 : vector<1x16xf32> to vector<16xf32>
        %swap3A_389 = vector.shape_cast %get3A_384 : vector<16xf32> to vector<1x16xf32>
        tpu.vector_store %arg9[%swap3A_385, %swap3A_386], %swap3A_389 {add = true, strides = array<i32>} : memref<16x1024xf32, #tpu.memory_space<vmem>>, vector<1x16xf32>,
        %get3A_390 = arith.index_cast %scan3A_184 : i32 to index
        %get3A_391 = arith.constant 368 : index
        %get3A_392 = tpu.vector_load %arg13[%get3A_390, %get3A_391] {strides = array<i32>} : memref<16x1024xf32, #tpu.memory_space<vmem>>, vector<1x16xf32>,
        %get3A_393 = vector.shape_cast %get3A_392 : vector<1x16xf32> to vector<16xf32>
        %swap3A_394 = arith.index_cast %scan3A_184 : i32 to index
        %swap3A_395 = arith.constant 368 : index
        %swap3A_396 = tpu.vector_load %arg9[%swap3A_394, %swap3A_395] {strides = array<i32>} : memref<16x1024xf32, #tpu.memory_space<vmem>>, vector<1x16xf32>,
        %swap3A_397 = vector.shape_cast %swap3A_396 : vector<1x16xf32> to vector<16xf32>
        %swap3A_398 = vector.shape_cast %get3A_393 : vector<16xf32> to vector<1x16xf32>
        tpu.vector_store %arg9[%swap3A_394, %swap3A_395], %swap3A_398 {add = true, strides = array<i32>} : memref<16x1024xf32, #tpu.memory_space<vmem>>, vector<1x16xf32>,
        %get3A_399 = arith.index_cast %scan3A_184 : i32 to index
        %get3A_400 = arith.constant 384 : index
        %get3A_401 = tpu.vector_load %arg13[%get3A_399, %get3A_400] {strides = array<i32>} : memref<16x1024xf32, #tpu.memory_space<vmem>>, vector<1x16xf32>,
        %get3A_402 = vector.shape_cast %get3A_401 : vector<1x16xf32> to vector<16xf32>
        %swap3A_403 = arith.index_cast %scan3A_184 : i32 to index
        %swap3A_404 = arith.constant 384 : index
        %swap3A_405 = tpu.vector_load %arg9[%swap3A_403, %swap3A_404] {strides = array<i32>} : memref<16x1024xf32, #tpu.memory_space<vmem>>, vector<1x16xf32>,
        %swap3A_406 = vector.shape_cast %swap3A_405 : vector<1x16xf32> to vector<16xf32>
        %swap3A_407 = vector.shape_cast %get3A_402 : vector<16xf32> to vector<1x16xf32>
        tpu.vector_store %arg9[%swap3A_403, %swap3A_404], %swap3A_407 {add = true, strides = array<i32>} : memref<16x1024xf32, #tpu.memory_space<vmem>>, vector<1x16xf32>,
        %get3A_408 = arith.index_cast %scan3A_184 : i32 to index
        %get3A_409 = arith.constant 400 : index
        %get3A_410 = tpu.vector_load %arg13[%get3A_408, %get3A_409] {strides = array<i32>} : memref<16x1024xf32, #tpu.memory_space<vmem>>, vector<1x16xf32>,
        %get3A_411 = vector.shape_cast %get3A_410 : vector<1x16xf32> to vector<16xf32>
        %swap3A_412 = arith.index_cast %scan3A_184 : i32 to index
        %swap3A_413 = arith.constant 400 : index
        %swap3A_414 = tpu.vector_load %arg9[%swap3A_412, %swap3A_413] {strides = array<i32>} : memref<16x1024xf32, #tpu.memory_space<vmem>>, vector<1x16xf32>,
        %swap3A_415 = vector.shape_cast %swap3A_414 : vector<1x16xf32> to vector<16xf32>
        %swap3A_416 = vector.shape_cast %get3A_411 : vector<16xf32> to vector<1x16xf32>
        tpu.vector_store %arg9[%swap3A_412, %swap3A_413], %swap3A_416 {add = true, strides = array<i32>} : memref<16x1024xf32, #tpu.memory_space<vmem>>, vector<1x16xf32>,
        %get3A_417 = arith.index_cast %scan3A_184 : i32 to index
        %get3A_418 = arith.constant 416 : index
        %get3A_419 = tpu.vector_load %arg13[%get3A_417, %get3A_418] {strides = array<i32>} : memref<16x1024xf32, #tpu.memory_space<vmem>>, vector<1x16xf32>,
        %get3A_420 = vector.shape_cast %get3A_419 : vector<1x16xf32> to vector<16xf32>
        %swap3A_421 = arith.index_cast %scan3A_184 : i32 to index
        %swap3A_422 = arith.constant 416 : index
        %swap3A_423 = tpu.vector_load %arg9[%swap3A_421, %swap3A_422] {strides = array<i32>} : memref<16x1024xf32, #tpu.memory_space<vmem>>, vector<1x16xf32>,
        %swap3A_424 = vector.shape_cast %swap3A_423 : vector<1x16xf32> to vector<16xf32>
        %swap3A_425 = vector.shape_cast %get3A_420 : vector<16xf32> to vector<1x16xf32>
        tpu.vector_store %arg9[%swap3A_421, %swap3A_422], %swap3A_425 {add = true, strides = array<i32>} : memref<16x1024xf32, #tpu.memory_space<vmem>>, vector<1x16xf32>,
        %get3A_426 = arith.index_cast %scan3A_184 : i32 to index
        %get3A_427 = arith.constant 432 : index
        %get3A_428 = tpu.vector_load %arg13[%get3A_426, %get3A_427] {strides = array<i32>} : memref<16x1024xf32, #tpu.memory_space<vmem>>, vector<1x16xf32>,
        %get3A_429 = vector.shape_cast %get3A_428 : vector<1x16xf32> to vector<16xf32>
        %swap3A_430 = arith.index_cast %scan3A_184 : i32 to index
        %swap3A_431 = arith.constant 432 : index
        %swap3A_432 = tpu.vector_load %arg9[%swap3A_430, %swap3A_431] {strides = array<i32>} : memref<16x1024xf32, #tpu.memory_space<vmem>>, vector<1x16xf32>,
        %swap3A_433 = vector.shape_cast %swap3A_432 : vector<1x16xf32> to vector<16xf32>
        %swap3A_434 = vector.shape_cast %get3A_429 : vector<16xf32> to vector<1x16xf32>
        tpu.vector_store %arg9[%swap3A_430, %swap3A_431], %swap3A_434 {add = true, strides = array<i32>} : memref<16x1024xf32, #tpu.memory_space<vmem>>, vector<1x16xf32>,
        %get3A_435 = arith.index_cast %scan3A_184 : i32 to index
        %get3A_436 = arith.constant 448 : index
        %get3A_437 = tpu.vector_load %arg13[%get3A_435, %get3A_436] {strides = array<i32>} : memref<16x1024xf32, #tpu.memory_space<vmem>>, vector<1x16xf32>,
        %get3A_438 = vector.shape_cast %get3A_437 : vector<1x16xf32> to vector<16xf32>
        %swap3A_439 = arith.index_cast %scan3A_184 : i32 to index
        %swap3A_440 = arith.constant 448 : index
        %swap3A_441 = tpu.vector_load %arg9[%swap3A_439, %swap3A_440] {strides = array<i32>} : memref<16x1024xf32, #tpu.memory_space<vmem>>, vector<1x16xf32>,
        %swap3A_442 = vector.shape_cast %swap3A_441 : vector<1x16xf32> to vector<16xf32>
        %swap3A_443 = vector.shape_cast %get3A_438 : vector<16xf32> to vector<1x16xf32>
        tpu.vector_store %arg9[%swap3A_439, %swap3A_440], %swap3A_443 {add = true, strides = array<i32>} : memref<16x1024xf32, #tpu.memory_space<vmem>>, vector<1x16xf32>,
        %get3A_444 = arith.index_cast %scan3A_184 : i32 to index
        %get3A_445 = arith.constant 464 : index
        %get3A_446 = tpu.vector_load %arg13[%get3A_444, %get3A_445] {strides = array<i32>} : memref<16x1024xf32, #tpu.memory_space<vmem>>, vector<1x16xf32>,
        %get3A_447 = vector.shape_cast %get3A_446 : vector<1x16xf32> to vector<16xf32>
        %swap3A_448 = arith.index_cast %scan3A_184 : i32 to index
        %swap3A_449 = arith.constant 464 : index
        %swap3A_450 = tpu.vector_load %arg9[%swap3A_448, %swap3A_449] {strides = array<i32>} : memref<16x1024xf32, #tpu.memory_space<vmem>>, vector<1x16xf32>,
        %swap3A_451 = vector.shape_cast %swap3A_450 : vector<1x16xf32> to vector<16xf32>
        %swap3A_452 = vector.shape_cast %get3A_447 : vector<16xf32> to vector<1x16xf32>
        tpu.vector_store %arg9[%swap3A_448, %swap3A_449], %swap3A_452 {add = true, strides = array<i32>} : memref<16x1024xf32, #tpu.memory_space<vmem>>, vector<1x16xf32>,
        %get3A_453 = arith.index_cast %scan3A_184 : i32 to index
        %get3A_454 = arith.constant 480 : index
        %get3A_455 = tpu.vector_load %arg13[%get3A_453, %get3A_454] {strides = array<i32>} : memref<16x1024xf32, #tpu.memory_space<vmem>>, vector<1x16xf32>,
        %get3A_456 = vector.shape_cast %get3A_455 : vector<1x16xf32> to vector<16xf32>
        %swap3A_457 = arith.index_cast %scan3A_184 : i32 to index
        %swap3A_458 = arith.constant 480 : index
        %swap3A_459 = tpu.vector_load %arg9[%swap3A_457, %swap3A_458] {strides = array<i32>} : memref<16x1024xf32, #tpu.memory_space<vmem>>, vector<1x16xf32>,
        %swap3A_460 = vector.shape_cast %swap3A_459 : vector<1x16xf32> to vector<16xf32>
        %swap3A_461 = vector.shape_cast %get3A_456 : vector<16xf32> to vector<1x16xf32>
        tpu.vector_store %arg9[%swap3A_457, %swap3A_458], %swap3A_461 {add = true, strides = array<i32>} : memref<16x1024xf32, #tpu.memory_space<vmem>>, vector<1x16xf32>,
        %get3A_462 = arith.index_cast %scan3A_184 : i32 to index
        %get3A_463 = arith.constant 496 : index
        %get3A_464 = tpu.vector_load %arg13[%get3A_462, %get3A_463] {strides = array<i32>} : memref<16x1024xf32, #tpu.memory_space<vmem>>, vector<1x16xf32>,
        %get3A_465 = vector.shape_cast %get3A_464 : vector<1x16xf32> to vector<16xf32>
        %swap3A_466 = arith.index_cast %scan3A_184 : i32 to index
        %swap3A_467 = arith.constant 496 : index
        %swap3A_468 = tpu.vector_load %arg9[%swap3A_466, %swap3A_467] {strides = array<i32>} : memref<16x1024xf32, #tpu.memory_space<vmem>>, vector<1x16xf32>,
        %swap3A_469 = vector.shape_cast %swap3A_468 : vector<1x16xf32> to vector<16xf32>
        %swap3A_470 = vector.shape_cast %get3A_465 : vector<16xf32> to vector<1x16xf32>
        tpu.vector_store %arg9[%swap3A_466, %swap3A_467], %swap3A_470 {add = true, strides = array<i32>} : memref<16x1024xf32, #tpu.memory_space<vmem>>, vector<1x16xf32>,
        %get3A_471 = arith.index_cast %scan3A_184 : i32 to index
        %get3A_472 = arith.constant 512 : index
        %get3A_473 = tpu.vector_load %arg13[%get3A_471, %get3A_472] {strides = array<i32>} : memref<16x1024xf32, #tpu.memory_space<vmem>>, vector<1x16xf32>,
        %get3A_474 = vector.shape_cast %get3A_473 : vector<1x16xf32> to vector<16xf32>
        %swap3A_475 = arith.index_cast %scan3A_184 : i32 to index
        %swap3A_476 = arith.constant 512 : index
        %swap3A_477 = tpu.vector_load %arg9[%swap3A_475, %swap3A_476] {strides = array<i32>} : memref<16x1024xf32, #tpu.memory_space<vmem>>, vector<1x16xf32>,
        %swap3A_478 = vector.shape_cast %swap3A_477 : vector<1x16xf32> to vector<16xf32>
        %swap3A_479 = vector.shape_cast %get3A_474 : vector<16xf32> to vector<1x16xf32>
        tpu.vector_store %arg9[%swap3A_475, %swap3A_476], %swap3A_479 {add = true, strides = array<i32>} : memref<16x1024xf32, #tpu.memory_space<vmem>>, vector<1x16xf32>,
        %get3A_480 = arith.index_cast %scan3A_184 : i32 to index
        %get3A_481 = arith.constant 528 : index
        %get3A_482 = tpu.vector_load %arg13[%get3A_480, %get3A_481] {strides = array<i32>} : memref<16x1024xf32, #tpu.memory_space<vmem>>, vector<1x16xf32>,
        %get3A_483 = vector.shape_cast %get3A_482 : vector<1x16xf32> to vector<16xf32>
        %swap3A_484 = arith.index_cast %scan3A_184 : i32 to index
        %swap3A_485 = arith.constant 528 : index
        %swap3A_486 = tpu.vector_load %arg9[%swap3A_484, %swap3A_485] {strides = array<i32>} : memref<16x1024xf32, #tpu.memory_space<vmem>>, vector<1x16xf32>,
        %swap3A_487 = vector.shape_cast %swap3A_486 : vector<1x16xf32> to vector<16xf32>
        %swap3A_488 = vector.shape_cast %get3A_483 : vector<16xf32> to vector<1x16xf32>
        tpu.vector_store %arg9[%swap3A_484, %swap3A_485], %swap3A_488 {add = true, strides = array<i32>} : memref<16x1024xf32, #tpu.memory_space<vmem>>, vector<1x16xf32>,
        %get3A_489 = arith.index_cast %scan3A_184 : i32 to index
        %get3A_490 = arith.constant 544 : index
        %get3A_491 = tpu.vector_load %arg13[%get3A_489, %get3A_490] {strides = array<i32>} : memref<16x1024xf32, #tpu.memory_space<vmem>>, vector<1x16xf32>,
        %get3A_492 = vector.shape_cast %get3A_491 : vector<1x16xf32> to vector<16xf32>
        %swap3A_493 = arith.index_cast %scan3A_184 : i32 to index
        %swap3A_494 = arith.constant 544 : index
        %swap3A_495 = tpu.vector_load %arg9[%swap3A_493, %swap3A_494] {strides = array<i32>} : memref<16x1024xf32, #tpu.memory_space<vmem>>, vector<1x16xf32>,
        %swap3A_496 = vector.shape_cast %swap3A_495 : vector<1x16xf32> to vector<16xf32>
        %swap3A_497 = vector.shape_cast %get3A_492 : vector<16xf32> to vector<1x16xf32>
        tpu.vector_store %arg9[%swap3A_493, %swap3A_494], %swap3A_497 {add = true, strides = array<i32>} : memref<16x1024xf32, #tpu.memory_space<vmem>>, vector<1x16xf32>,
        %get3A_498 = arith.index_cast %scan3A_184 : i32 to index
        %get3A_499 = arith.constant 560 : index
        %get3A_500 = tpu.vector_load %arg13[%get3A_498, %get3A_499] {strides = array<i32>} : memref<16x1024xf32, #tpu.memory_space<vmem>>, vector<1x16xf32>,
        %get3A_501 = vector.shape_cast %get3A_500 : vector<1x16xf32> to vector<16xf32>
        %swap3A_502 = arith.index_cast %scan3A_184 : i32 to index
        %swap3A_503 = arith.constant 560 : index
        %swap3A_504 = tpu.vector_load %arg9[%swap3A_502, %swap3A_503] {strides = array<i32>} : memref<16x1024xf32, #tpu.memory_space<vmem>>, vector<1x16xf32>,
        %swap3A_505 = vector.shape_cast %swap3A_504 : vector<1x16xf32> to vector<16xf32>
        %swap3A_506 = vector.shape_cast %get3A_501 : vector<16xf32> to vector<1x16xf32>
        tpu.vector_store %arg9[%swap3A_502, %swap3A_503], %swap3A_506 {add = true, strides = array<i32>} : memref<16x1024xf32, #tpu.memory_space<vmem>>, vector<1x16xf32>,
        %get3A_507 = arith.index_cast %scan3A_184 : i32 to index
        %get3A_508 = arith.constant 576 : index
        %get3A_509 = tpu.vector_load %arg13[%get3A_507, %get3A_508] {strides = array<i32>} : memref<16x1024xf32, #tpu.memory_space<vmem>>, vector<1x16xf32>,
        %get3A_510 = vector.shape_cast %get3A_509 : vector<1x16xf32> to vector<16xf32>
        %swap3A_511 = arith.index_cast %scan3A_184 : i32 to index
        %swap3A_512 = arith.constant 576 : index
        %swap3A_513 = tpu.vector_load %arg9[%swap3A_511, %swap3A_512] {strides = array<i32>} : memref<16x1024xf32, #tpu.memory_space<vmem>>, vector<1x16xf32>,
        %swap3A_514 = vector.shape_cast %swap3A_513 : vector<1x16xf32> to vector<16xf32>
        %swap3A_515 = vector.shape_cast %get3A_510 : vector<16xf32> to vector<1x16xf32>
        tpu.vector_store %arg9[%swap3A_511, %swap3A_512], %swap3A_515 {add = true, strides = array<i32>} : memref<16x1024xf32, #tpu.memory_space<vmem>>, vector<1x16xf32>,
        %get3A_516 = arith.index_cast %scan3A_184 : i32 to index
        %get3A_517 = arith.constant 592 : index
        %get3A_518 = tpu.vector_load %arg13[%get3A_516, %get3A_517] {strides = array<i32>} : memref<16x1024xf32, #tpu.memory_space<vmem>>, vector<1x16xf32>,
        %get3A_519 = vector.shape_cast %get3A_518 : vector<1x16xf32> to vector<16xf32>
        %swap3A_520 = arith.index_cast %scan3A_184 : i32 to index
        %swap3A_521 = arith.constant 592 : index
        %swap3A_522 = tpu.vector_load %arg9[%swap3A_520, %swap3A_521] {strides = array<i32>} : memref<16x1024xf32, #tpu.memory_space<vmem>>, vector<1x16xf32>,
        %swap3A_523 = vector.shape_cast %swap3A_522 : vector<1x16xf32> to vector<16xf32>
        %swap3A_524 = vector.shape_cast %get3A_519 : vector<16xf32> to vector<1x16xf32>
        tpu.vector_store %arg9[%swap3A_520, %swap3A_521], %swap3A_524 {add = true, strides = array<i32>} : memref<16x1024xf32, #tpu.memory_space<vmem>>, vector<1x16xf32>,
        %get3A_525 = arith.index_cast %scan3A_184 : i32 to index
        %get3A_526 = arith.constant 608 : index
        %get3A_527 = tpu.vector_load %arg13[%get3A_525, %get3A_526] {strides = array<i32>} : memref<16x1024xf32, #tpu.memory_space<vmem>>, vector<1x16xf32>,
        %get3A_528 = vector.shape_cast %get3A_527 : vector<1x16xf32> to vector<16xf32>
        %swap3A_529 = arith.index_cast %scan3A_184 : i32 to index
        %swap3A_530 = arith.constant 608 : index
        %swap3A_531 = tpu.vector_load %arg9[%swap3A_529, %swap3A_530] {strides = array<i32>} : memref<16x1024xf32, #tpu.memory_space<vmem>>, vector<1x16xf32>,
        %swap3A_532 = vector.shape_cast %swap3A_531 : vector<1x16xf32> to vector<16xf32>
        %swap3A_533 = vector.shape_cast %get3A_528 : vector<16xf32> to vector<1x16xf32>
        tpu.vector_store %arg9[%swap3A_529, %swap3A_530], %swap3A_533 {add = true, strides = array<i32>} : memref<16x1024xf32, #tpu.memory_space<vmem>>, vector<1x16xf32>,
        %get3A_534 = arith.index_cast %scan3A_184 : i32 to index
        %get3A_535 = arith.constant 624 : index
        %get3A_536 = tpu.vector_load %arg13[%get3A_534, %get3A_535] {strides = array<i32>} : memref<16x1024xf32, #tpu.memory_space<vmem>>, vector<1x16xf32>,
        %get3A_537 = vector.shape_cast %get3A_536 : vector<1x16xf32> to vector<16xf32>
        %swap3A_538 = arith.index_cast %scan3A_184 : i32 to index
        %swap3A_539 = arith.constant 624 : index
        %swap3A_540 = tpu.vector_load %arg9[%swap3A_538, %swap3A_539] {strides = array<i32>} : memref<16x1024xf32, #tpu.memory_space<vmem>>, vector<1x16xf32>,
        %swap3A_541 = vector.shape_cast %swap3A_540 : vector<1x16xf32> to vector<16xf32>
        %swap3A_542 = vector.shape_cast %get3A_537 : vector<16xf32> to vector<1x16xf32>
        tpu.vector_store %arg9[%swap3A_538, %swap3A_539], %swap3A_542 {add = true, strides = array<i32>} : memref<16x1024xf32, #tpu.memory_space<vmem>>, vector<1x16xf32>,
        %get3A_543 = arith.index_cast %scan3A_184 : i32 to index
        %get3A_544 = arith.constant 640 : index
        %get3A_545 = tpu.vector_load %arg13[%get3A_543, %get3A_544] {strides = array<i32>} : memref<16x1024xf32, #tpu.memory_space<vmem>>, vector<1x16xf32>,
        %get3A_546 = vector.shape_cast %get3A_545 : vector<1x16xf32> to vector<16xf32>
        %swap3A_547 = arith.index_cast %scan3A_184 : i32 to index
        %swap3A_548 = arith.constant 640 : index
        %swap3A_549 = tpu.vector_load %arg9[%swap3A_547, %swap3A_548] {strides = array<i32>} : memref<16x1024xf32, #tpu.memory_space<vmem>>, vector<1x16xf32>,
        %swap3A_550 = vector.shape_cast %swap3A_549 : vector<1x16xf32> to vector<16xf32>
        %swap3A_551 = vector.shape_cast %get3A_546 : vector<16xf32> to vector<1x16xf32>
        tpu.vector_store %arg9[%swap3A_547, %swap3A_548], %swap3A_551 {add = true, strides = array<i32>} : memref<16x1024xf32, #tpu.memory_space<vmem>>, vector<1x16xf32>,
        %get3A_552 = arith.index_cast %scan3A_184 : i32 to index
        %get3A_553 = arith.constant 656 : index
        %get3A_554 = tpu.vector_load %arg13[%get3A_552, %get3A_553] {strides = array<i32>} : memref<16x1024xf32, #tpu.memory_space<vmem>>, vector<1x16xf32>,
        %get3A_555 = vector.shape_cast %get3A_554 : vector<1x16xf32> to vector<16xf32>
        %swap3A_556 = arith.index_cast %scan3A_184 : i32 to index
        %swap3A_557 = arith.constant 656 : index
        %swap3A_558 = tpu.vector_load %arg9[%swap3A_556, %swap3A_557] {strides = array<i32>} : memref<16x1024xf32, #tpu.memory_space<vmem>>, vector<1x16xf32>,
        %swap3A_559 = vector.shape_cast %swap3A_558 : vector<1x16xf32> to vector<16xf32>
        %swap3A_560 = vector.shape_cast %get3A_555 : vector<16xf32> to vector<1x16xf32>
        tpu.vector_store %arg9[%swap3A_556, %swap3A_557], %swap3A_560 {add = true, strides = array<i32>} : memref<16x1024xf32, #tpu.memory_space<vmem>>, vector<1x16xf32>,
        %get3A_561 = arith.index_cast %scan3A_184 : i32 to index
        %get3A_562 = arith.constant 672 : index
        %get3A_563 = tpu.vector_load %arg13[%get3A_561, %get3A_562] {strides = array<i32>} : memref<16x1024xf32, #tpu.memory_space<vmem>>, vector<1x16xf32>,
        %get3A_564 = vector.shape_cast %get3A_563 : vector<1x16xf32> to vector<16xf32>
        %swap3A_565 = arith.index_cast %scan3A_184 : i32 to index
        %swap3A_566 = arith.constant 672 : index
        %swap3A_567 = tpu.vector_load %arg9[%swap3A_565, %swap3A_566] {strides = array<i32>} : memref<16x1024xf32, #tpu.memory_space<vmem>>, vector<1x16xf32>,
        %swap3A_568 = vector.shape_cast %swap3A_567 : vector<1x16xf32> to vector<16xf32>
        %swap3A_569 = vector.shape_cast %get3A_564 : vector<16xf32> to vector<1x16xf32>
        tpu.vector_store %arg9[%swap3A_565, %swap3A_566], %swap3A_569 {add = true, strides = array<i32>} : memref<16x1024xf32, #tpu.memory_space<vmem>>, vector<1x16xf32>,
        %get3A_570 = arith.index_cast %scan3A_184 : i32 to index
        %get3A_571 = arith.constant 688 : index
        %get3A_572 = tpu.vector_load %arg13[%get3A_570, %get3A_571] {strides = array<i32>} : memref<16x1024xf32, #tpu.memory_space<vmem>>, vector<1x16xf32>,
        %get3A_573 = vector.shape_cast %get3A_572 : vector<1x16xf32> to vector<16xf32>
        %swap3A_574 = arith.index_cast %scan3A_184 : i32 to index
        %swap3A_575 = arith.constant 688 : index
        %swap3A_576 = tpu.vector_load %arg9[%swap3A_574, %swap3A_575] {strides = array<i32>} : memref<16x1024xf32, #tpu.memory_space<vmem>>, vector<1x16xf32>,
        %swap3A_577 = vector.shape_cast %swap3A_576 : vector<1x16xf32> to vector<16xf32>
        %swap3A_578 = vector.shape_cast %get3A_573 : vector<16xf32> to vector<1x16xf32>
        tpu.vector_store %arg9[%swap3A_574, %swap3A_575], %swap3A_578 {add = true, strides = array<i32>} : memref<16x1024xf32, #tpu.memory_space<vmem>>, vector<1x16xf32>,
        %get3A_579 = arith.index_cast %scan3A_184 : i32 to index
        %get3A_580 = arith.constant 704 : index
        %get3A_581 = tpu.vector_load %arg13[%get3A_579, %get3A_580] {strides = array<i32>} : memref<16x1024xf32, #tpu.memory_space<vmem>>, vector<1x16xf32>,
        %get3A_582 = vector.shape_cast %get3A_581 : vector<1x16xf32> to vector<16xf32>
        %swap3A_583 = arith.index_cast %scan3A_184 : i32 to index
        %swap3A_584 = arith.constant 704 : index
        %swap3A_585 = tpu.vector_load %arg9[%swap3A_583, %swap3A_584] {strides = array<i32>} : memref<16x1024xf32, #tpu.memory_space<vmem>>, vector<1x16xf32>,
        %swap3A_586 = vector.shape_cast %swap3A_585 : vector<1x16xf32> to vector<16xf32>
        %swap3A_587 = vector.shape_cast %get3A_582 : vector<16xf32> to vector<1x16xf32>
        tpu.vector_store %arg9[%swap3A_583, %swap3A_584], %swap3A_587 {add = true, strides = array<i32>} : memref<16x1024xf32, #tpu.memory_space<vmem>>, vector<1x16xf32>,
        %get3A_588 = arith.index_cast %scan3A_184 : i32 to index
        %get3A_589 = arith.constant 720 : index
        %get3A_590 = tpu.vector_load %arg13[%get3A_588, %get3A_589] {strides = array<i32>} : memref<16x1024xf32, #tpu.memory_space<vmem>>, vector<1x16xf32>,
        %get3A_591 = vector.shape_cast %get3A_590 : vector<1x16xf32> to vector<16xf32>
        %swap3A_592 = arith.index_cast %scan3A_184 : i32 to index
        %swap3A_593 = arith.constant 720 : index
        %swap3A_594 = tpu.vector_load %arg9[%swap3A_592, %swap3A_593] {strides = array<i32>} : memref<16x1024xf32, #tpu.memory_space<vmem>>, vector<1x16xf32>,
        %swap3A_595 = vector.shape_cast %swap3A_594 : vector<1x16xf32> to vector<16xf32>
        %swap3A_596 = vector.shape_cast %get3A_591 : vector<16xf32> to vector<1x16xf32>
        tpu.vector_store %arg9[%swap3A_592, %swap3A_593], %swap3A_596 {add = true, strides = array<i32>} : memref<16x1024xf32, #tpu.memory_space<vmem>>, vector<1x16xf32>,
        %get3A_597 = arith.index_cast %scan3A_184 : i32 to index
        %get3A_598 = arith.constant 736 : index
        %get3A_599 = tpu.vector_load %arg13[%get3A_597, %get3A_598] {strides = array<i32>} : memref<16x1024xf32, #tpu.memory_space<vmem>>, vector<1x16xf32>,
        %get3A_600 = vector.shape_cast %get3A_599 : vector<1x16xf32> to vector<16xf32>
        %swap3A_601 = arith.index_cast %scan3A_184 : i32 to index
        %swap3A_602 = arith.constant 736 : index
        %swap3A_603 = tpu.vector_load %arg9[%swap3A_601, %swap3A_602] {strides = array<i32>} : memref<16x1024xf32, #tpu.memory_space<vmem>>, vector<1x16xf32>,
        %swap3A_604 = vector.shape_cast %swap3A_603 : vector<1x16xf32> to vector<16xf32>
        %swap3A_605 = vector.shape_cast %get3A_600 : vector<16xf32> to vector<1x16xf32>
        tpu.vector_store %arg9[%swap3A_601, %swap3A_602], %swap3A_605 {add = true, strides = array<i32>} : memref<16x1024xf32, #tpu.memory_space<vmem>>, vector<1x16xf32>,
        %get3A_606 = arith.index_cast %scan3A_184 : i32 to index
        %get3A_607 = arith.constant 752 : index
        %get3A_608 = tpu.vector_load %arg13[%get3A_606, %get3A_607] {strides = array<i32>} : memref<16x1024xf32, #tpu.memory_space<vmem>>, vector<1x16xf32>,
        %get3A_609 = vector.shape_cast %get3A_608 : vector<1x16xf32> to vector<16xf32>
        %swap3A_610 = arith.index_cast %scan3A_184 : i32 to index
        %swap3A_611 = arith.constant 752 : index
        %swap3A_612 = tpu.vector_load %arg9[%swap3A_610, %swap3A_611] {strides = array<i32>} : memref<16x1024xf32, #tpu.memory_space<vmem>>, vector<1x16xf32>,
        %swap3A_613 = vector.shape_cast %swap3A_612 : vector<1x16xf32> to vector<16xf32>
        %swap3A_614 = vector.shape_cast %get3A_609 : vector<16xf32> to vector<1x16xf32>
        tpu.vector_store %arg9[%swap3A_610, %swap3A_611], %swap3A_614 {add = true, strides = array<i32>} : memref<16x1024xf32, #tpu.memory_space<vmem>>, vector<1x16xf32>,
        %get3A_615 = arith.index_cast %scan3A_184 : i32 to index
        %get3A_616 = arith.constant 768 : index
        %get3A_617 = tpu.vector_load %arg13[%get3A_615, %get3A_616] {strides = array<i32>} : memref<16x1024xf32, #tpu.memory_space<vmem>>, vector<1x16xf32>,
        %get3A_618 = vector.shape_cast %get3A_617 : vector<1x16xf32> to vector<16xf32>
        %swap3A_619 = arith.index_cast %scan3A_184 : i32 to index
        %swap3A_620 = arith.constant 768 : index
        %swap3A_621 = tpu.vector_load %arg9[%swap3A_619, %swap3A_620] {strides = array<i32>} : memref<16x1024xf32, #tpu.memory_space<vmem>>, vector<1x16xf32>,
        %swap3A_622 = vector.shape_cast %swap3A_621 : vector<1x16xf32> to vector<16xf32>
        %swap3A_623 = vector.shape_cast %get3A_618 : vector<16xf32> to vector<1x16xf32>
        tpu.vector_store %arg9[%swap3A_619, %swap3A_620], %swap3A_623 {add = true, strides = array<i32>} : memref<16x1024xf32, #tpu.memory_space<vmem>>, vector<1x16xf32>,
        %get3A_624 = arith.index_cast %scan3A_184 : i32 to index
        %get3A_625 = arith.constant 784 : index
        %get3A_626 = tpu.vector_load %arg13[%get3A_624, %get3A_625] {strides = array<i32>} : memref<16x1024xf32, #tpu.memory_space<vmem>>, vector<1x16xf32>,
        %get3A_627 = vector.shape_cast %get3A_626 : vector<1x16xf32> to vector<16xf32>
        %swap3A_628 = arith.index_cast %scan3A_184 : i32 to index
        %swap3A_629 = arith.constant 784 : index
        %swap3A_630 = tpu.vector_load %arg9[%swap3A_628, %swap3A_629] {strides = array<i32>} : memref<16x1024xf32, #tpu.memory_space<vmem>>, vector<1x16xf32>,
        %swap3A_631 = vector.shape_cast %swap3A_630 : vector<1x16xf32> to vector<16xf32>
        %swap3A_632 = vector.shape_cast %get3A_627 : vector<16xf32> to vector<1x16xf32>
        tpu.vector_store %arg9[%swap3A_628, %swap3A_629], %swap3A_632 {add = true, strides = array<i32>} : memref<16x1024xf32, #tpu.memory_space<vmem>>, vector<1x16xf32>,
        %get3A_633 = arith.index_cast %scan3A_184 : i32 to index
        %get3A_634 = arith.constant 800 : index
        %get3A_635 = tpu.vector_load %arg13[%get3A_633, %get3A_634] {strides = array<i32>} : memref<16x1024xf32, #tpu.memory_space<vmem>>, vector<1x16xf32>,
        %get3A_636 = vector.shape_cast %get3A_635 : vector<1x16xf32> to vector<16xf32>
        %swap3A_637 = arith.index_cast %scan3A_184 : i32 to index
        %swap3A_638 = arith.constant 800 : index
        %swap3A_639 = tpu.vector_load %arg9[%swap3A_637, %swap3A_638] {strides = array<i32>} : memref<16x1024xf32, #tpu.memory_space<vmem>>, vector<1x16xf32>,
        %swap3A_640 = vector.shape_cast %swap3A_639 : vector<1x16xf32> to vector<16xf32>
        %swap3A_641 = vector.shape_cast %get3A_636 : vector<16xf32> to vector<1x16xf32>
        tpu.vector_store %arg9[%swap3A_637, %swap3A_638], %swap3A_641 {add = true, strides = array<i32>} : memref<16x1024xf32, #tpu.memory_space<vmem>>, vector<1x16xf32>,
        %get3A_642 = arith.index_cast %scan3A_184 : i32 to index
        %get3A_643 = arith.constant 816 : index
        %get3A_644 = tpu.vector_load %arg13[%get3A_642, %get3A_643] {strides = array<i32>} : memref<16x1024xf32, #tpu.memory_space<vmem>>, vector<1x16xf32>,
        %get3A_645 = vector.shape_cast %get3A_644 : vector<1x16xf32> to vector<16xf32>
        %swap3A_646 = arith.index_cast %scan3A_184 : i32 to index
        %swap3A_647 = arith.constant 816 : index
        %swap3A_648 = tpu.vector_load %arg9[%swap3A_646, %swap3A_647] {strides = array<i32>} : memref<16x1024xf32, #tpu.memory_space<vmem>>, vector<1x16xf32>,
        %swap3A_649 = vector.shape_cast %swap3A_648 : vector<1x16xf32> to vector<16xf32>
        %swap3A_650 = vector.shape_cast %get3A_645 : vector<16xf32> to vector<1x16xf32>
        tpu.vector_store %arg9[%swap3A_646, %swap3A_647], %swap3A_650 {add = true, strides = array<i32>} : memref<16x1024xf32, #tpu.memory_space<vmem>>, vector<1x16xf32>,
        %get3A_651 = arith.index_cast %scan3A_184 : i32 to index
        %get3A_652 = arith.constant 832 : index
        %get3A_653 = tpu.vector_load %arg13[%get3A_651, %get3A_652] {strides = array<i32>} : memref<16x1024xf32, #tpu.memory_space<vmem>>, vector<1x16xf32>,
        %get3A_654 = vector.shape_cast %get3A_653 : vector<1x16xf32> to vector<16xf32>
        %swap3A_655 = arith.index_cast %scan3A_184 : i32 to index
        %swap3A_656 = arith.constant 832 : index
        %swap3A_657 = tpu.vector_load %arg9[%swap3A_655, %swap3A_656] {strides = array<i32>} : memref<16x1024xf32, #tpu.memory_space<vmem>>, vector<1x16xf32>,
        %swap3A_658 = vector.shape_cast %swap3A_657 : vector<1x16xf32> to vector<16xf32>
        %swap3A_659 = vector.shape_cast %get3A_654 : vector<16xf32> to vector<1x16xf32>
        tpu.vector_store %arg9[%swap3A_655, %swap3A_656], %swap3A_659 {add = true, strides = array<i32>} : memref<16x1024xf32, #tpu.memory_space<vmem>>, vector<1x16xf32>,
        %get3A_660 = arith.index_cast %scan3A_184 : i32 to index
        %get3A_661 = arith.constant 848 : index
        %get3A_662 = tpu.vector_load %arg13[%get3A_660, %get3A_661] {strides = array<i32>} : memref<16x1024xf32, #tpu.memory_space<vmem>>, vector<1x16xf32>,
        %get3A_663 = vector.shape_cast %get3A_662 : vector<1x16xf32> to vector<16xf32>
        %swap3A_664 = arith.index_cast %scan3A_184 : i32 to index
        %swap3A_665 = arith.constant 848 : index
        %swap3A_666 = tpu.vector_load %arg9[%swap3A_664, %swap3A_665] {strides = array<i32>} : memref<16x1024xf32, #tpu.memory_space<vmem>>, vector<1x16xf32>,
        %swap3A_667 = vector.shape_cast %swap3A_666 : vector<1x16xf32> to vector<16xf32>
        %swap3A_668 = vector.shape_cast %get3A_663 : vector<16xf32> to vector<1x16xf32>
        tpu.vector_store %arg9[%swap3A_664, %swap3A_665], %swap3A_668 {add = true, strides = array<i32>} : memref<16x1024xf32, #tpu.memory_space<vmem>>, vector<1x16xf32>,
        %get3A_669 = arith.index_cast %scan3A_184 : i32 to index
        %get3A_670 = arith.constant 864 : index
        %get3A_671 = tpu.vector_load %arg13[%get3A_669, %get3A_670] {strides = array<i32>} : memref<16x1024xf32, #tpu.memory_space<vmem>>, vector<1x16xf32>,
        %get3A_672 = vector.shape_cast %get3A_671 : vector<1x16xf32> to vector<16xf32>
        %swap3A_673 = arith.index_cast %scan3A_184 : i32 to index
        %swap3A_674 = arith.constant 864 : index
        %swap3A_675 = tpu.vector_load %arg9[%swap3A_673, %swap3A_674] {strides = array<i32>} : memref<16x1024xf32, #tpu.memory_space<vmem>>, vector<1x16xf32>,
        %swap3A_676 = vector.shape_cast %swap3A_675 : vector<1x16xf32> to vector<16xf32>
        %swap3A_677 = vector.shape_cast %get3A_672 : vector<16xf32> to vector<1x16xf32>
        tpu.vector_store %arg9[%swap3A_673, %swap3A_674], %swap3A_677 {add = true, strides = array<i32>} : memref<16x1024xf32, #tpu.memory_space<vmem>>, vector<1x16xf32>,
        %get3A_678 = arith.index_cast %scan3A_184 : i32 to index
        %get3A_679 = arith.constant 880 : index
        %get3A_680 = tpu.vector_load %arg13[%get3A_678, %get3A_679] {strides = array<i32>} : memref<16x1024xf32, #tpu.memory_space<vmem>>, vector<1x16xf32>,
        %get3A_681 = vector.shape_cast %get3A_680 : vector<1x16xf32> to vector<16xf32>
        %swap3A_682 = arith.index_cast %scan3A_184 : i32 to index
        %swap3A_683 = arith.constant 880 : index
        %swap3A_684 = tpu.vector_load %arg9[%swap3A_682, %swap3A_683] {strides = array<i32>} : memref<16x1024xf32, #tpu.memory_space<vmem>>, vector<1x16xf32>,
        %swap3A_685 = vector.shape_cast %swap3A_684 : vector<1x16xf32> to vector<16xf32>
        %swap3A_686 = vector.shape_cast %get3A_681 : vector<16xf32> to vector<1x16xf32>
        tpu.vector_store %arg9[%swap3A_682, %swap3A_683], %swap3A_686 {add = true, strides = array<i32>} : memref<16x1024xf32, #tpu.memory_space<vmem>>, vector<1x16xf32>,
        %get3A_687 = arith.index_cast %scan3A_184 : i32 to index
        %get3A_688 = arith.constant 896 : index
        %get3A_689 = tpu.vector_load %arg13[%get3A_687, %get3A_688] {strides = array<i32>} : memref<16x1024xf32, #tpu.memory_space<vmem>>, vector<1x16xf32>,
        %get3A_690 = vector.shape_cast %get3A_689 : vector<1x16xf32> to vector<16xf32>
        %swap3A_691 = arith.index_cast %scan3A_184 : i32 to index
        %swap3A_692 = arith.constant 896 : index
        %swap3A_693 = tpu.vector_load %arg9[%swap3A_691, %swap3A_692] {strides = array<i32>} : memref<16x1024xf32, #tpu.memory_space<vmem>>, vector<1x16xf32>,
        %swap3A_694 = vector.shape_cast %swap3A_693 : vector<1x16xf32> to vector<16xf32>
        %swap3A_695 = vector.shape_cast %get3A_690 : vector<16xf32> to vector<1x16xf32>
        tpu.vector_store %arg9[%swap3A_691, %swap3A_692], %swap3A_695 {add = true, strides = array<i32>} : memref<16x1024xf32, #tpu.memory_space<vmem>>, vector<1x16xf32>,
        %get3A_696 = arith.index_cast %scan3A_184 : i32 to index
        %get3A_697 = arith.constant 912 : index
        %get3A_698 = tpu.vector_load %arg13[%get3A_696, %get3A_697] {strides = array<i32>} : memref<16x1024xf32, #tpu.memory_space<vmem>>, vector<1x16xf32>,
        %get3A_699 = vector.shape_cast %get3A_698 : vector<1x16xf32> to vector<16xf32>
        %swap3A_700 = arith.index_cast %scan3A_184 : i32 to index
        %swap3A_701 = arith.constant 912 : index
        %swap3A_702 = tpu.vector_load %arg9[%swap3A_700, %swap3A_701] {strides = array<i32>} : memref<16x1024xf32, #tpu.memory_space<vmem>>, vector<1x16xf32>,
        %swap3A_703 = vector.shape_cast %swap3A_702 : vector<1x16xf32> to vector<16xf32>
        %swap3A_704 = vector.shape_cast %get3A_699 : vector<16xf32> to vector<1x16xf32>
        tpu.vector_store %arg9[%swap3A_700, %swap3A_701], %swap3A_704 {add = true, strides = array<i32>} : memref<16x1024xf32, #tpu.memory_space<vmem>>, vector<1x16xf32>,
        %get3A_705 = arith.index_cast %scan3A_184 : i32 to index
        %get3A_706 = arith.constant 928 : index
        %get3A_707 = tpu.vector_load %arg13[%get3A_705, %get3A_706] {strides = array<i32>} : memref<16x1024xf32, #tpu.memory_space<vmem>>, vector<1x16xf32>,
        %get3A_708 = vector.shape_cast %get3A_707 : vector<1x16xf32> to vector<16xf32>
        %swap3A_709 = arith.index_cast %scan3A_184 : i32 to index
        %swap3A_710 = arith.constant 928 : index
        %swap3A_711 = tpu.vector_load %arg9[%swap3A_709, %swap3A_710] {strides = array<i32>} : memref<16x1024xf32, #tpu.memory_space<vmem>>, vector<1x16xf32>,
        %swap3A_712 = vector.shape_cast %swap3A_711 : vector<1x16xf32> to vector<16xf32>
        %swap3A_713 = vector.shape_cast %get3A_708 : vector<16xf32> to vector<1x16xf32>
        tpu.vector_store %arg9[%swap3A_709, %swap3A_710], %swap3A_713 {add = true, strides = array<i32>} : memref<16x1024xf32, #tpu.memory_space<vmem>>, vector<1x16xf32>,
        %get3A_714 = arith.index_cast %scan3A_184 : i32 to index
        %get3A_715 = arith.constant 944 : index
        %get3A_716 = tpu.vector_load %arg13[%get3A_714, %get3A_715] {strides = array<i32>} : memref<16x1024xf32, #tpu.memory_space<vmem>>, vector<1x16xf32>,
        %get3A_717 = vector.shape_cast %get3A_716 : vector<1x16xf32> to vector<16xf32>
        %swap3A_718 = arith.index_cast %scan3A_184 : i32 to index
        %swap3A_719 = arith.constant 944 : index
        %swap3A_720 = tpu.vector_load %arg9[%swap3A_718, %swap3A_719] {strides = array<i32>} : memref<16x1024xf32, #tpu.memory_space<vmem>>, vector<1x16xf32>,
        %swap3A_721 = vector.shape_cast %swap3A_720 : vector<1x16xf32> to vector<16xf32>
        %swap3A_722 = vector.shape_cast %get3A_717 : vector<16xf32> to vector<1x16xf32>
        tpu.vector_store %arg9[%swap3A_718, %swap3A_719], %swap3A_722 {add = true, strides = array<i32>} : memref<16x1024xf32, #tpu.memory_space<vmem>>, vector<1x16xf32>,
        %get3A_723 = arith.index_cast %scan3A_184 : i32 to index
        %get3A_724 = arith.constant 960 : index
        %get3A_725 = tpu.vector_load %arg13[%get3A_723, %get3A_724] {strides = array<i32>} : memref<16x1024xf32, #tpu.memory_space<vmem>>, vector<1x16xf32>,
        %get3A_726 = vector.shape_cast %get3A_725 : vector<1x16xf32> to vector<16xf32>
        %swap3A_727 = arith.index_cast %scan3A_184 : i32 to index
        %swap3A_728 = arith.constant 960 : index
        %swap3A_729 = tpu.vector_load %arg9[%swap3A_727, %swap3A_728] {strides = array<i32>} : memref<16x1024xf32, #tpu.memory_space<vmem>>, vector<1x16xf32>,
        %swap3A_730 = vector.shape_cast %swap3A_729 : vector<1x16xf32> to vector<16xf32>
        %swap3A_731 = vector.shape_cast %get3A_726 : vector<16xf32> to vector<1x16xf32>
        tpu.vector_store %arg9[%swap3A_727, %swap3A_728], %swap3A_731 {add = true, strides = array<i32>} : memref<16x1024xf32, #tpu.memory_space<vmem>>, vector<1x16xf32>,
        %get3A_732 = arith.index_cast %scan3A_184 : i32 to index
        %get3A_733 = arith.constant 976 : index
        %get3A_734 = tpu.vector_load %arg13[%get3A_732, %get3A_733] {strides = array<i32>} : memref<16x1024xf32, #tpu.memory_space<vmem>>, vector<1x16xf32>,
        %get3A_735 = vector.shape_cast %get3A_734 : vector<1x16xf32> to vector<16xf32>
        %swap3A_736 = arith.index_cast %scan3A_184 : i32 to index
        %swap3A_737 = arith.constant 976 : index
        %swap3A_738 = tpu.vector_load %arg9[%swap3A_736, %swap3A_737] {strides = array<i32>} : memref<16x1024xf32, #tpu.memory_space<vmem>>, vector<1x16xf32>,
        %swap3A_739 = vector.shape_cast %swap3A_738 : vector<1x16xf32> to vector<16xf32>
        %swap3A_740 = vector.shape_cast %get3A_735 : vector<16xf32> to vector<1x16xf32>
        tpu.vector_store %arg9[%swap3A_736, %swap3A_737], %swap3A_740 {add = true, strides = array<i32>} : memref<16x1024xf32, #tpu.memory_space<vmem>>, vector<1x16xf32>,
        %get3A_741 = arith.index_cast %scan3A_184 : i32 to index
        %get3A_742 = arith.constant 992 : index
        %get3A_743 = tpu.vector_load %arg13[%get3A_741, %get3A_742] {strides = array<i32>} : memref<16x1024xf32, #tpu.memory_space<vmem>>, vector<1x16xf32>,
        %get3A_744 = vector.shape_cast %get3A_743 : vector<1x16xf32> to vector<16xf32>
        %swap3A_745 = arith.index_cast %scan3A_184 : i32 to index
        %swap3A_746 = arith.constant 992 : index
        %swap3A_747 = tpu.vector_load %arg9[%swap3A_745, %swap3A_746] {strides = array<i32>} : memref<16x1024xf32, #tpu.memory_space<vmem>>, vector<1x16xf32>,
        %swap3A_748 = vector.shape_cast %swap3A_747 : vector<1x16xf32> to vector<16xf32>
        %swap3A_749 = vector.shape_cast %get3A_744 : vector<16xf32> to vector<1x16xf32>
        tpu.vector_store %arg9[%swap3A_745, %swap3A_746], %swap3A_749 {add = true, strides = array<i32>} : memref<16x1024xf32, #tpu.memory_space<vmem>>, vector<1x16xf32>,
        %get3A_750 = arith.index_cast %scan3A_184 : i32 to index
        %get3A_751 = arith.constant 1008 : index
        %get3A_752 = tpu.vector_load %arg13[%get3A_750, %get3A_751] {strides = array<i32>} : memref<16x1024xf32, #tpu.memory_space<vmem>>, vector<1x16xf32>,
        %get3A_753 = vector.shape_cast %get3A_752 : vector<1x16xf32> to vector<16xf32>
        %swap3A_754 = arith.index_cast %scan3A_184 : i32 to index
        %swap3A_755 = arith.constant 1008 : index
        %swap3A_756 = tpu.vector_load %arg9[%swap3A_754, %swap3A_755] {strides = array<i32>} : memref<16x1024xf32, #tpu.memory_space<vmem>>, vector<1x16xf32>,
        %swap3A_757 = vector.shape_cast %swap3A_756 : vector<1x16xf32> to vector<16xf32>
        %swap3A_758 = vector.shape_cast %get3A_753 : vector<16xf32> to vector<1x16xf32>
        tpu.vector_store %arg9[%swap3A_754, %swap3A_755], %swap3A_758 {add = true, strides = array<i32>} : memref<16x1024xf32, #tpu.memory_space<vmem>>, vector<1x16xf32>,
      }
      %scan3A_53 = arith.constant 16 : i32
      %mul3A_54 = arith.constant 16 : i32
      %mul3A_55 = arith.muli %add3A_37, %mul3A_54 : i32
      %add3A_56 = arith.addi %mul3A_2, %mul3A_55 : i32
      %multiple_of3A_57 = tpu.assume_multiple %add3A_56, 16 : i32
      %dma_start3A_58 = arith.constant 0 : i32
      %dma_start3A_59 = tpu.memref_slice %arg6[%multiple_of3A_57, %dma_start3A_58] : memref<32768x1024xf32, #tpu.memory_space<hbm>> -> memref<16x1024xf32, #tpu.memory_space<hbm>>
      %dma_start3A_60 = arith.constant 0 : i32
      %dma_start3A_61 = tpu.memref_slice %arg6[%multiple_of3A_57, %dma_start3A_60] : memref<32768x1024xf32, #tpu.memory_space<hbm>> -> memref<16x1024xf32, #tpu.memory_space<hbm>>
      tpu.enqueue_dma source(%arg9 : memref<16x1024xf32, #tpu.memory_space<vmem>>) target(%dma_start3A_61 : memref<16x1024xf32, #tpu.memory_space<hbm>>) target_semaphore(%arg19 : memref<!tpu.dma_semaphore, #tpu.memory_space<semaphore_mem>>)
      %ge3A = arith.constant 2 : i32
      %ge3A_62 = arith.cmpi sge, %add3A_37, %ge3A : i32
      %convert_element_type3A = arith.extui %ge3A_62 : i1 to i32
      %cond3A = arith.constant 0 : i32
      %cond3A_63 = arith.cmpi ne, %convert_element_type3A, %cond3A : i32
      scf.if %cond3A_63 {
        %dma_wait3A_184 = arith.constant 0 : i32
        %dma_wait3A_185 = tpu.memref_slice %arg6[%mul3A_2, %dma_wait3A_184] : memref<32768x1024xf32, #tpu.memory_space<hbm>> -> memref<16x1024xf32, #tpu.memory_space<hbm>>
        %dma_wait3A_186 = arith.constant 0 : i32
        %dma_wait3A_187 = tpu.memref_slice %arg6[%mul3A_2, %dma_wait3A_186] : memref<32768x1024xf32, #tpu.memory_space<hbm>> -> memref<16x1024xf32, #tpu.memory_space<hbm>>
        tpu.wait_dma2 semaphore(%arg21 : memref<!tpu.dma_semaphore, #tpu.memory_space<semaphore_mem>>) src(%arg11 : memref<16x1024xf32, #tpu.memory_space<vmem>>) dst(%dma_wait3A_187 : memref<16x1024xf32, #tpu.memory_space<hbm>>)
      } else {
      }
      %add3A_64 = arith.constant 2 : i32
      %add3A_65 = arith.addi %add3A_37, %add3A_64 : i32
      %lt3A = arith.constant 64 : i32
      %lt3A_66 = arith.cmpi slt, %add3A_65, %lt3A : i32
      %convert_element_type3A_67 = arith.extui %lt3A_66 : i1 to i32
      %cond3A_68 = arith.constant 0 : i32
      %cond3A_69 = arith.cmpi ne, %convert_element_type3A_67, %cond3A_68 : i32
      scf.if %cond3A_69 {
        %add3A_184 = arith.constant 2 : i32
        %add3A_185 = arith.addi %add3A_37, %add3A_184 : i32
        %mul3A_186 = arith.constant 16 : i32
        %mul3A_187 = arith.muli %add3A_185, %mul3A_186 : i32
        %multiple_of3A_188 = tpu.assume_multiple %mul3A_187, 16 : i32
        %dma_start3A_189 = tpu.memref_slice %arg7[%multiple_of3A_188] : memref<1024xi32, #tpu.memory_space<vmem>> -> memref<16xi32, #tpu.memory_space<vmem>>
        %dma_start3A_190 = arith.constant 0 : i32
        %dma_start3A_191 = arith.constant 0 : i32
        %dma_start3A_192 = tpu.memref_slice %arg4[%dma_start3A_190, %dma_start3A_191] : memref<100000x1024xf32, #tpu.memory_space<hbm>> -> memref<100000x1024xf32, #tpu.memory_space<hbm>>
        tpu.enqueue_indirect_dma source(%dma_start3A_192 : memref<100000x1024xf32, #tpu.memory_space<hbm>>) target(%arg11 : memref<16x1024xf32, #tpu.memory_space<vmem>>) offsets(%dma_start3A_189 : memref<16xi32, #tpu.memory_space<vmem>>) semaphore(%arg17 : memref<!tpu.dma_semaphore, #tpu.memory_space<semaphore_mem>>)
        %dma_start3A_193 = tpu.memref_slice %arg8[%multiple_of3A_188] : memref<1024xi32, #tpu.memory_space<vmem>> -> memref<16xi32, #tpu.memory_space<vmem>>
        %dma_start3A_194 = arith.constant 0 : i32
        %dma_start3A_195 = arith.constant 0 : i32
        %dma_start3A_196 = tpu.memref_slice %arg5[%dma_start3A_194, %dma_start3A_195] : memref<8192x1024xf32, #tpu.memory_space<hbm>> -> memref<8192x1024xf32, #tpu.memory_space<hbm>>
        tpu.enqueue_indirect_dma source(%dma_start3A_196 : memref<8192x1024xf32, #tpu.memory_space<hbm>>) target(%arg13 : memref<16x1024xf32, #tpu.memory_space<vmem>>) offsets(%dma_start3A_193 : memref<16xi32, #tpu.memory_space<vmem>>) semaphore(%arg23 : memref<!tpu.dma_semaphore, #tpu.memory_space<semaphore_mem>>)
      } else {
      }
      %add3A_70 = arith.constant 1 : i32
      %add3A_71 = arith.addi %mul3A_35, %add3A_70 : i32
      %dma_wait3A_72 = arith.constant 0 : i32
      %dma_wait3A_73 = tpu.memref_slice %arg7[%dma_wait3A_72] : memref<1024xi32, #tpu.memory_space<vmem>> -> memref<16xi32, #tpu.memory_space<vmem>>
      %dma_wait3A_74 = arith.constant 0 : i32
      %dma_wait3A_75 = arith.constant 0 : i32
      %dma_wait3A_76 = tpu.memref_slice %arg4[%dma_wait3A_74, %dma_wait3A_75] : memref<100000x1024xf32, #tpu.memory_space<hbm>> -> memref<100000x1024xf32, #tpu.memory_space<hbm>>
      tpu.wait_indirect_dma semaphore(%arg16 : memref<!tpu.dma_semaphore, #tpu.memory_space<semaphore_mem>>) src(%dma_wait3A_76 : memref<100000x1024xf32, #tpu.memory_space<hbm>>) dst(%arg10 : memref<16x1024xf32, #tpu.memory_space<vmem>>)
      %dma_wait3A_77 = arith.constant 0 : i32
      %dma_wait3A_78 = tpu.memref_slice %arg8[%dma_wait3A_77] : memref<1024xi32, #tpu.memory_space<vmem>> -> memref<16xi32, #tpu.memory_space<vmem>>
      %dma_wait3A_79 = arith.constant 0 : i32
      %dma_wait3A_80 = arith.constant 0 : i32
      %dma_wait3A_81 = tpu.memref_slice %arg5[%dma_wait3A_79, %dma_wait3A_80] : memref<8192x1024xf32, #tpu.memory_space<hbm>> -> memref<8192x1024xf32, #tpu.memory_space<hbm>>
      tpu.wait_indirect_dma semaphore(%arg24 : memref<!tpu.dma_semaphore, #tpu.memory_space<semaphore_mem>>) src(%dma_wait3A_81 : memref<8192x1024xf32, #tpu.memory_space<hbm>>) dst(%arg14 : memref<16x1024xf32, #tpu.memory_space<vmem>>)
      %scan3A_82 = arith.constant 0 : i32
      %scan3A_83 = arith.constant 0 : i32
      %scan3A_84 = arith.constant 16 : i32
      %scan3A_85 = arith.addi %scan3A_83, %scan3A_84 : i32
      %scan3A_86 = arith.constant 1 : i32
      scf.for %scan3A_184 = %scan3A_83 to %scan3A_85 step %scan3A_86  : i32 {
        %get3A = arith.index_cast %scan3A_184 : i32 to index
        %get3A_185 = arith.constant 0 : index
        %get3A_186 = tpu.vector_load %arg14[%get3A, %get3A_185] {strides = array<i32>} : memref<16x1024xf32, #tpu.memory_space<vmem>>, vector<1x16xf32>,
        %get3A_187 = vector.shape_cast %get3A_186 : vector<1x16xf32> to vector<16xf32>
        %swap3A = arith.index_cast %scan3A_184 : i32 to index
        %swap3A_188 = arith.constant 0 : index
        %swap3A_189 = tpu.vector_load %arg10[%swap3A, %swap3A_188] {strides = array<i32>} : memref<16x1024xf32, #tpu.memory_space<vmem>>, vector<1x16xf32>,
        %swap3A_190 = vector.shape_cast %swap3A_189 : vector<1x16xf32> to vector<16xf32>
        %swap3A_191 = vector.shape_cast %get3A_187 : vector<16xf32> to vector<1x16xf32>
        tpu.vector_store %arg10[%swap3A, %swap3A_188], %swap3A_191 {add = true, strides = array<i32>} : memref<16x1024xf32, #tpu.memory_space<vmem>>, vector<1x16xf32>,
        %get3A_192 = arith.index_cast %scan3A_184 : i32 to index
        %get3A_193 = arith.constant 16 : index
        %get3A_194 = tpu.vector_load %arg14[%get3A_192, %get3A_193] {strides = array<i32>} : memref<16x1024xf32, #tpu.memory_space<vmem>>, vector<1x16xf32>,
        %get3A_195 = vector.shape_cast %get3A_194 : vector<1x16xf32> to vector<16xf32>
        %swap3A_196 = arith.index_cast %scan3A_184 : i32 to index
        %swap3A_197 = arith.constant 16 : index
        %swap3A_198 = tpu.vector_load %arg10[%swap3A_196, %swap3A_197] {strides = array<i32>} : memref<16x1024xf32, #tpu.memory_space<vmem>>, vector<1x16xf32>,
        %swap3A_199 = vector.shape_cast %swap3A_198 : vector<1x16xf32> to vector<16xf32>
        %swap3A_200 = vector.shape_cast %get3A_195 : vector<16xf32> to vector<1x16xf32>
        tpu.vector_store %arg10[%swap3A_196, %swap3A_197], %swap3A_200 {add = true, strides = array<i32>} : memref<16x1024xf32, #tpu.memory_space<vmem>>, vector<1x16xf32>,
        %get3A_201 = arith.index_cast %scan3A_184 : i32 to index
        %get3A_202 = arith.constant 32 : index
        %get3A_203 = tpu.vector_load %arg14[%get3A_201, %get3A_202] {strides = array<i32>} : memref<16x1024xf32, #tpu.memory_space<vmem>>, vector<1x16xf32>,
        %get3A_204 = vector.shape_cast %get3A_203 : vector<1x16xf32> to vector<16xf32>
        %swap3A_205 = arith.index_cast %scan3A_184 : i32 to index
        %swap3A_206 = arith.constant 32 : index
        %swap3A_207 = tpu.vector_load %arg10[%swap3A_205, %swap3A_206] {strides = array<i32>} : memref<16x1024xf32, #tpu.memory_space<vmem>>, vector<1x16xf32>,
        %swap3A_208 = vector.shape_cast %swap3A_207 : vector<1x16xf32> to vector<16xf32>
        %swap3A_209 = vector.shape_cast %get3A_204 : vector<16xf32> to vector<1x16xf32>
        tpu.vector_store %arg10[%swap3A_205, %swap3A_206], %swap3A_209 {add = true, strides = array<i32>} : memref<16x1024xf32, #tpu.memory_space<vmem>>, vector<1x16xf32>,
        %get3A_210 = arith.index_cast %scan3A_184 : i32 to index
        %get3A_211 = arith.constant 48 : index
        %get3A_212 = tpu.vector_load %arg14[%get3A_210, %get3A_211] {strides = array<i32>} : memref<16x1024xf32, #tpu.memory_space<vmem>>, vector<1x16xf32>,
        %get3A_213 = vector.shape_cast %get3A_212 : vector<1x16xf32> to vector<16xf32>
        %swap3A_214 = arith.index_cast %scan3A_184 : i32 to index
        %swap3A_215 = arith.constant 48 : index
        %swap3A_216 = tpu.vector_load %arg10[%swap3A_214, %swap3A_215] {strides = array<i32>} : memref<16x1024xf32, #tpu.memory_space<vmem>>, vector<1x16xf32>,
        %swap3A_217 = vector.shape_cast %swap3A_216 : vector<1x16xf32> to vector<16xf32>
        %swap3A_218 = vector.shape_cast %get3A_213 : vector<16xf32> to vector<1x16xf32>
        tpu.vector_store %arg10[%swap3A_214, %swap3A_215], %swap3A_218 {add = true, strides = array<i32>} : memref<16x1024xf32, #tpu.memory_space<vmem>>, vector<1x16xf32>,
        %get3A_219 = arith.index_cast %scan3A_184 : i32 to index
        %get3A_220 = arith.constant 64 : index
        %get3A_221 = tpu.vector_load %arg14[%get3A_219, %get3A_220] {strides = array<i32>} : memref<16x1024xf32, #tpu.memory_space<vmem>>, vector<1x16xf32>,
        %get3A_222 = vector.shape_cast %get3A_221 : vector<1x16xf32> to vector<16xf32>
        %swap3A_223 = arith.index_cast %scan3A_184 : i32 to index
        %swap3A_224 = arith.constant 64 : index
        %swap3A_225 = tpu.vector_load %arg10[%swap3A_223, %swap3A_224] {strides = array<i32>} : memref<16x1024xf32, #tpu.memory_space<vmem>>, vector<1x16xf32>,
        %swap3A_226 = vector.shape_cast %swap3A_225 : vector<1x16xf32> to vector<16xf32>
        %swap3A_227 = vector.shape_cast %get3A_222 : vector<16xf32> to vector<1x16xf32>
        tpu.vector_store %arg10[%swap3A_223, %swap3A_224], %swap3A_227 {add = true, strides = array<i32>} : memref<16x1024xf32, #tpu.memory_space<vmem>>, vector<1x16xf32>,
        %get3A_228 = arith.index_cast %scan3A_184 : i32 to index
        %get3A_229 = arith.constant 80 : index
        %get3A_230 = tpu.vector_load %arg14[%get3A_228, %get3A_229] {strides = array<i32>} : memref<16x1024xf32, #tpu.memory_space<vmem>>, vector<1x16xf32>,
        %get3A_231 = vector.shape_cast %get3A_230 : vector<1x16xf32> to vector<16xf32>
        %swap3A_232 = arith.index_cast %scan3A_184 : i32 to index
        %swap3A_233 = arith.constant 80 : index
        %swap3A_234 = tpu.vector_load %arg10[%swap3A_232, %swap3A_233] {strides = array<i32>} : memref<16x1024xf32, #tpu.memory_space<vmem>>, vector<1x16xf32>,
        %swap3A_235 = vector.shape_cast %swap3A_234 : vector<1x16xf32> to vector<16xf32>
        %swap3A_236 = vector.shape_cast %get3A_231 : vector<16xf32> to vector<1x16xf32>
        tpu.vector_store %arg10[%swap3A_232, %swap3A_233], %swap3A_236 {add = true, strides = array<i32>} : memref<16x1024xf32, #tpu.memory_space<vmem>>, vector<1x16xf32>,
        %get3A_237 = arith.index_cast %scan3A_184 : i32 to index
        %get3A_238 = arith.constant 96 : index
        %get3A_239 = tpu.vector_load %arg14[%get3A_237, %get3A_238] {strides = array<i32>} : memref<16x1024xf32, #tpu.memory_space<vmem>>, vector<1x16xf32>,
        %get3A_240 = vector.shape_cast %get3A_239 : vector<1x16xf32> to vector<16xf32>
        %swap3A_241 = arith.index_cast %scan3A_184 : i32 to index
        %swap3A_242 = arith.constant 96 : index
        %swap3A_243 = tpu.vector_load %arg10[%swap3A_241, %swap3A_242] {strides = array<i32>} : memref<16x1024xf32, #tpu.memory_space<vmem>>, vector<1x16xf32>,
        %swap3A_244 = vector.shape_cast %swap3A_243 : vector<1x16xf32> to vector<16xf32>
        %swap3A_245 = vector.shape_cast %get3A_240 : vector<16xf32> to vector<1x16xf32>
        tpu.vector_store %arg10[%swap3A_241, %swap3A_242], %swap3A_245 {add = true, strides = array<i32>} : memref<16x1024xf32, #tpu.memory_space<vmem>>, vector<1x16xf32>,
        %get3A_246 = arith.index_cast %scan3A_184 : i32 to index
        %get3A_247 = arith.constant 112 : index
        %get3A_248 = tpu.vector_load %arg14[%get3A_246, %get3A_247] {strides = array<i32>} : memref<16x1024xf32, #tpu.memory_space<vmem>>, vector<1x16xf32>,
        %get3A_249 = vector.shape_cast %get3A_248 : vector<1x16xf32> to vector<16xf32>
        %swap3A_250 = arith.index_cast %scan3A_184 : i32 to index
        %swap3A_251 = arith.constant 112 : index
        %swap3A_252 = tpu.vector_load %arg10[%swap3A_250, %swap3A_251] {strides = array<i32>} : memref<16x1024xf32, #tpu.memory_space<vmem>>, vector<1x16xf32>,
        %swap3A_253 = vector.shape_cast %swap3A_252 : vector<1x16xf32> to vector<16xf32>
        %swap3A_254 = vector.shape_cast %get3A_249 : vector<16xf32> to vector<1x16xf32>
        tpu.vector_store %arg10[%swap3A_250, %swap3A_251], %swap3A_254 {add = true, strides = array<i32>} : memref<16x1024xf32, #tpu.memory_space<vmem>>, vector<1x16xf32>,
        %get3A_255 = arith.index_cast %scan3A_184 : i32 to index
        %get3A_256 = arith.constant 128 : index
        %get3A_257 = tpu.vector_load %arg14[%get3A_255, %get3A_256] {strides = array<i32>} : memref<16x1024xf32, #tpu.memory_space<vmem>>, vector<1x16xf32>,
        %get3A_258 = vector.shape_cast %get3A_257 : vector<1x16xf32> to vector<16xf32>
        %swap3A_259 = arith.index_cast %scan3A_184 : i32 to index
        %swap3A_260 = arith.constant 128 : index
        %swap3A_261 = tpu.vector_load %arg10[%swap3A_259, %swap3A_260] {strides = array<i32>} : memref<16x1024xf32, #tpu.memory_space<vmem>>, vector<1x16xf32>,
        %swap3A_262 = vector.shape_cast %swap3A_261 : vector<1x16xf32> to vector<16xf32>
        %swap3A_263 = vector.shape_cast %get3A_258 : vector<16xf32> to vector<1x16xf32>
        tpu.vector_store %arg10[%swap3A_259, %swap3A_260], %swap3A_263 {add = true, strides = array<i32>} : memref<16x1024xf32, #tpu.memory_space<vmem>>, vector<1x16xf32>,
        %get3A_264 = arith.index_cast %scan3A_184 : i32 to index
        %get3A_265 = arith.constant 144 : index
        %get3A_266 = tpu.vector_load %arg14[%get3A_264, %get3A_265] {strides = array<i32>} : memref<16x1024xf32, #tpu.memory_space<vmem>>, vector<1x16xf32>,
        %get3A_267 = vector.shape_cast %get3A_266 : vector<1x16xf32> to vector<16xf32>
        %swap3A_268 = arith.index_cast %scan3A_184 : i32 to index
        %swap3A_269 = arith.constant 144 : index
        %swap3A_270 = tpu.vector_load %arg10[%swap3A_268, %swap3A_269] {strides = array<i32>} : memref<16x1024xf32, #tpu.memory_space<vmem>>, vector<1x16xf32>,
        %swap3A_271 = vector.shape_cast %swap3A_270 : vector<1x16xf32> to vector<16xf32>
        %swap3A_272 = vector.shape_cast %get3A_267 : vector<16xf32> to vector<1x16xf32>
        tpu.vector_store %arg10[%swap3A_268, %swap3A_269], %swap3A_272 {add = true, strides = array<i32>} : memref<16x1024xf32, #tpu.memory_space<vmem>>, vector<1x16xf32>,
        %get3A_273 = arith.index_cast %scan3A_184 : i32 to index
        %get3A_274 = arith.constant 160 : index
        %get3A_275 = tpu.vector_load %arg14[%get3A_273, %get3A_274] {strides = array<i32>} : memref<16x1024xf32, #tpu.memory_space<vmem>>, vector<1x16xf32>,
        %get3A_276 = vector.shape_cast %get3A_275 : vector<1x16xf32> to vector<16xf32>
        %swap3A_277 = arith.index_cast %scan3A_184 : i32 to index
        %swap3A_278 = arith.constant 160 : index
        %swap3A_279 = tpu.vector_load %arg10[%swap3A_277, %swap3A_278] {strides = array<i32>} : memref<16x1024xf32, #tpu.memory_space<vmem>>, vector<1x16xf32>,
        %swap3A_280 = vector.shape_cast %swap3A_279 : vector<1x16xf32> to vector<16xf32>
        %swap3A_281 = vector.shape_cast %get3A_276 : vector<16xf32> to vector<1x16xf32>
        tpu.vector_store %arg10[%swap3A_277, %swap3A_278], %swap3A_281 {add = true, strides = array<i32>} : memref<16x1024xf32, #tpu.memory_space<vmem>>, vector<1x16xf32>,
        %get3A_282 = arith.index_cast %scan3A_184 : i32 to index
        %get3A_283 = arith.constant 176 : index
        %get3A_284 = tpu.vector_load %arg14[%get3A_282, %get3A_283] {strides = array<i32>} : memref<16x1024xf32, #tpu.memory_space<vmem>>, vector<1x16xf32>,
        %get3A_285 = vector.shape_cast %get3A_284 : vector<1x16xf32> to vector<16xf32>
        %swap3A_286 = arith.index_cast %scan3A_184 : i32 to index
        %swap3A_287 = arith.constant 176 : index
        %swap3A_288 = tpu.vector_load %arg10[%swap3A_286, %swap3A_287] {strides = array<i32>} : memref<16x1024xf32, #tpu.memory_space<vmem>>, vector<1x16xf32>,
        %swap3A_289 = vector.shape_cast %swap3A_288 : vector<1x16xf32> to vector<16xf32>
        %swap3A_290 = vector.shape_cast %get3A_285 : vector<16xf32> to vector<1x16xf32>
        tpu.vector_store %arg10[%swap3A_286, %swap3A_287], %swap3A_290 {add = true, strides = array<i32>} : memref<16x1024xf32, #tpu.memory_space<vmem>>, vector<1x16xf32>,
        %get3A_291 = arith.index_cast %scan3A_184 : i32 to index
        %get3A_292 = arith.constant 192 : index
        %get3A_293 = tpu.vector_load %arg14[%get3A_291, %get3A_292] {strides = array<i32>} : memref<16x1024xf32, #tpu.memory_space<vmem>>, vector<1x16xf32>,
        %get3A_294 = vector.shape_cast %get3A_293 : vector<1x16xf32> to vector<16xf32>
        %swap3A_295 = arith.index_cast %scan3A_184 : i32 to index
        %swap3A_296 = arith.constant 192 : index
        %swap3A_297 = tpu.vector_load %arg10[%swap3A_295, %swap3A_296] {strides = array<i32>} : memref<16x1024xf32, #tpu.memory_space<vmem>>, vector<1x16xf32>,
        %swap3A_298 = vector.shape_cast %swap3A_297 : vector<1x16xf32> to vector<16xf32>
        %swap3A_299 = vector.shape_cast %get3A_294 : vector<16xf32> to vector<1x16xf32>
        tpu.vector_store %arg10[%swap3A_295, %swap3A_296], %swap3A_299 {add = true, strides = array<i32>} : memref<16x1024xf32, #tpu.memory_space<vmem>>, vector<1x16xf32>,
        %get3A_300 = arith.index_cast %scan3A_184 : i32 to index
        %get3A_301 = arith.constant 208 : index
        %get3A_302 = tpu.vector_load %arg14[%get3A_300, %get3A_301] {strides = array<i32>} : memref<16x1024xf32, #tpu.memory_space<vmem>>, vector<1x16xf32>,
        %get3A_303 = vector.shape_cast %get3A_302 : vector<1x16xf32> to vector<16xf32>
        %swap3A_304 = arith.index_cast %scan3A_184 : i32 to index
        %swap3A_305 = arith.constant 208 : index
        %swap3A_306 = tpu.vector_load %arg10[%swap3A_304, %swap3A_305] {strides = array<i32>} : memref<16x1024xf32, #tpu.memory_space<vmem>>, vector<1x16xf32>,
        %swap3A_307 = vector.shape_cast %swap3A_306 : vector<1x16xf32> to vector<16xf32>
        %swap3A_308 = vector.shape_cast %get3A_303 : vector<16xf32> to vector<1x16xf32>
        tpu.vector_store %arg10[%swap3A_304, %swap3A_305], %swap3A_308 {add = true, strides = array<i32>} : memref<16x1024xf32, #tpu.memory_space<vmem>>, vector<1x16xf32>,
        %get3A_309 = arith.index_cast %scan3A_184 : i32 to index
        %get3A_310 = arith.constant 224 : index
        %get3A_311 = tpu.vector_load %arg14[%get3A_309, %get3A_310] {strides = array<i32>} : memref<16x1024xf32, #tpu.memory_space<vmem>>, vector<1x16xf32>,
        %get3A_312 = vector.shape_cast %get3A_311 : vector<1x16xf32> to vector<16xf32>
        %swap3A_313 = arith.index_cast %scan3A_184 : i32 to index
        %swap3A_314 = arith.constant 224 : index
        %swap3A_315 = tpu.vector_load %arg10[%swap3A_313, %swap3A_314] {strides = array<i32>} : memref<16x1024xf32, #tpu.memory_space<vmem>>, vector<1x16xf32>,
        %swap3A_316 = vector.shape_cast %swap3A_315 : vector<1x16xf32> to vector<16xf32>
        %swap3A_317 = vector.shape_cast %get3A_312 : vector<16xf32> to vector<1x16xf32>
        tpu.vector_store %arg10[%swap3A_313, %swap3A_314], %swap3A_317 {add = true, strides = array<i32>} : memref<16x1024xf32, #tpu.memory_space<vmem>>, vector<1x16xf32>,
        %get3A_318 = arith.index_cast %scan3A_184 : i32 to index
        %get3A_319 = arith.constant 240 : index
        %get3A_320 = tpu.vector_load %arg14[%get3A_318, %get3A_319] {strides = array<i32>} : memref<16x1024xf32, #tpu.memory_space<vmem>>, vector<1x16xf32>,
        %get3A_321 = vector.shape_cast %get3A_320 : vector<1x16xf32> to vector<16xf32>
        %swap3A_322 = arith.index_cast %scan3A_184 : i32 to index
        %swap3A_323 = arith.constant 240 : index
        %swap3A_324 = tpu.vector_load %arg10[%swap3A_322, %swap3A_323] {strides = array<i32>} : memref<16x1024xf32, #tpu.memory_space<vmem>>, vector<1x16xf32>,
        %swap3A_325 = vector.shape_cast %swap3A_324 : vector<1x16xf32> to vector<16xf32>
        %swap3A_326 = vector.shape_cast %get3A_321 : vector<16xf32> to vector<1x16xf32>
        tpu.vector_store %arg10[%swap3A_322, %swap3A_323], %swap3A_326 {add = true, strides = array<i32>} : memref<16x1024xf32, #tpu.memory_space<vmem>>, vector<1x16xf32>,
        %get3A_327 = arith.index_cast %scan3A_184 : i32 to index
        %get3A_328 = arith.constant 256 : index
        %get3A_329 = tpu.vector_load %arg14[%get3A_327, %get3A_328] {strides = array<i32>} : memref<16x1024xf32, #tpu.memory_space<vmem>>, vector<1x16xf32>,
        %get3A_330 = vector.shape_cast %get3A_329 : vector<1x16xf32> to vector<16xf32>
        %swap3A_331 = arith.index_cast %scan3A_184 : i32 to index
        %swap3A_332 = arith.constant 256 : index
        %swap3A_333 = tpu.vector_load %arg10[%swap3A_331, %swap3A_332] {strides = array<i32>} : memref<16x1024xf32, #tpu.memory_space<vmem>>, vector<1x16xf32>,
        %swap3A_334 = vector.shape_cast %swap3A_333 : vector<1x16xf32> to vector<16xf32>
        %swap3A_335 = vector.shape_cast %get3A_330 : vector<16xf32> to vector<1x16xf32>
        tpu.vector_store %arg10[%swap3A_331, %swap3A_332], %swap3A_335 {add = true, strides = array<i32>} : memref<16x1024xf32, #tpu.memory_space<vmem>>, vector<1x16xf32>,
        %get3A_336 = arith.index_cast %scan3A_184 : i32 to index
        %get3A_337 = arith.constant 272 : index
        %get3A_338 = tpu.vector_load %arg14[%get3A_336, %get3A_337] {strides = array<i32>} : memref<16x1024xf32, #tpu.memory_space<vmem>>, vector<1x16xf32>,
        %get3A_339 = vector.shape_cast %get3A_338 : vector<1x16xf32> to vector<16xf32>
        %swap3A_340 = arith.index_cast %scan3A_184 : i32 to index
        %swap3A_341 = arith.constant 272 : index
        %swap3A_342 = tpu.vector_load %arg10[%swap3A_340, %swap3A_341] {strides = array<i32>} : memref<16x1024xf32, #tpu.memory_space<vmem>>, vector<1x16xf32>,
        %swap3A_343 = vector.shape_cast %swap3A_342 : vector<1x16xf32> to vector<16xf32>
        %swap3A_344 = vector.shape_cast %get3A_339 : vector<16xf32> to vector<1x16xf32>
        tpu.vector_store %arg10[%swap3A_340, %swap3A_341], %swap3A_344 {add = true, strides = array<i32>} : memref<16x1024xf32, #tpu.memory_space<vmem>>, vector<1x16xf32>,
        %get3A_345 = arith.index_cast %scan3A_184 : i32 to index
        %get3A_346 = arith.constant 288 : index
        %get3A_347 = tpu.vector_load %arg14[%get3A_345, %get3A_346] {strides = array<i32>} : memref<16x1024xf32, #tpu.memory_space<vmem>>, vector<1x16xf32>,
        %get3A_348 = vector.shape_cast %get3A_347 : vector<1x16xf32> to vector<16xf32>
        %swap3A_349 = arith.index_cast %scan3A_184 : i32 to index
        %swap3A_350 = arith.constant 288 : index
        %swap3A_351 = tpu.vector_load %arg10[%swap3A_349, %swap3A_350] {strides = array<i32>} : memref<16x1024xf32, #tpu.memory_space<vmem>>, vector<1x16xf32>,
        %swap3A_352 = vector.shape_cast %swap3A_351 : vector<1x16xf32> to vector<16xf32>
        %swap3A_353 = vector.shape_cast %get3A_348 : vector<16xf32> to vector<1x16xf32>
        tpu.vector_store %arg10[%swap3A_349, %swap3A_350], %swap3A_353 {add = true, strides = array<i32>} : memref<16x1024xf32, #tpu.memory_space<vmem>>, vector<1x16xf32>,
        %get3A_354 = arith.index_cast %scan3A_184 : i32 to index
        %get3A_355 = arith.constant 304 : index
        %get3A_356 = tpu.vector_load %arg14[%get3A_354, %get3A_355] {strides = array<i32>} : memref<16x1024xf32, #tpu.memory_space<vmem>>, vector<1x16xf32>,
        %get3A_357 = vector.shape_cast %get3A_356 : vector<1x16xf32> to vector<16xf32>
        %swap3A_358 = arith.index_cast %scan3A_184 : i32 to index
        %swap3A_359 = arith.constant 304 : index
        %swap3A_360 = tpu.vector_load %arg10[%swap3A_358, %swap3A_359] {strides = array<i32>} : memref<16x1024xf32, #tpu.memory_space<vmem>>, vector<1x16xf32>,
        %swap3A_361 = vector.shape_cast %swap3A_360 : vector<1x16xf32> to vector<16xf32>
        %swap3A_362 = vector.shape_cast %get3A_357 : vector<16xf32> to vector<1x16xf32>
        tpu.vector_store %arg10[%swap3A_358, %swap3A_359], %swap3A_362 {add = true, strides = array<i32>} : memref<16x1024xf32, #tpu.memory_space<vmem>>, vector<1x16xf32>,
        %get3A_363 = arith.index_cast %scan3A_184 : i32 to index
        %get3A_364 = arith.constant 320 : index
        %get3A_365 = tpu.vector_load %arg14[%get3A_363, %get3A_364] {strides = array<i32>} : memref<16x1024xf32, #tpu.memory_space<vmem>>, vector<1x16xf32>,
        %get3A_366 = vector.shape_cast %get3A_365 : vector<1x16xf32> to vector<16xf32>
        %swap3A_367 = arith.index_cast %scan3A_184 : i32 to index
        %swap3A_368 = arith.constant 320 : index
        %swap3A_369 = tpu.vector_load %arg10[%swap3A_367, %swap3A_368] {strides = array<i32>} : memref<16x1024xf32, #tpu.memory_space<vmem>>, vector<1x16xf32>,
        %swap3A_370 = vector.shape_cast %swap3A_369 : vector<1x16xf32> to vector<16xf32>
        %swap3A_371 = vector.shape_cast %get3A_366 : vector<16xf32> to vector<1x16xf32>
        tpu.vector_store %arg10[%swap3A_367, %swap3A_368], %swap3A_371 {add = true, strides = array<i32>} : memref<16x1024xf32, #tpu.memory_space<vmem>>, vector<1x16xf32>,
        %get3A_372 = arith.index_cast %scan3A_184 : i32 to index
        %get3A_373 = arith.constant 336 : index
        %get3A_374 = tpu.vector_load %arg14[%get3A_372, %get3A_373] {strides = array<i32>} : memref<16x1024xf32, #tpu.memory_space<vmem>>, vector<1x16xf32>,
        %get3A_375 = vector.shape_cast %get3A_374 : vector<1x16xf32> to vector<16xf32>
        %swap3A_376 = arith.index_cast %scan3A_184 : i32 to index
        %swap3A_377 = arith.constant 336 : index
        %swap3A_378 = tpu.vector_load %arg10[%swap3A_376, %swap3A_377] {strides = array<i32>} : memref<16x1024xf32, #tpu.memory_space<vmem>>, vector<1x16xf32>,
        %swap3A_379 = vector.shape_cast %swap3A_378 : vector<1x16xf32> to vector<16xf32>
        %swap3A_380 = vector.shape_cast %get3A_375 : vector<16xf32> to vector<1x16xf32>
        tpu.vector_store %arg10[%swap3A_376, %swap3A_377], %swap3A_380 {add = true, strides = array<i32>} : memref<16x1024xf32, #tpu.memory_space<vmem>>, vector<1x16xf32>,
        %get3A_381 = arith.index_cast %scan3A_184 : i32 to index
        %get3A_382 = arith.constant 352 : index
        %get3A_383 = tpu.vector_load %arg14[%get3A_381, %get3A_382] {strides = array<i32>} : memref<16x1024xf32, #tpu.memory_space<vmem>>, vector<1x16xf32>,
        %get3A_384 = vector.shape_cast %get3A_383 : vector<1x16xf32> to vector<16xf32>
        %swap3A_385 = arith.index_cast %scan3A_184 : i32 to index
        %swap3A_386 = arith.constant 352 : index
        %swap3A_387 = tpu.vector_load %arg10[%swap3A_385, %swap3A_386] {strides = array<i32>} : memref<16x1024xf32, #tpu.memory_space<vmem>>, vector<1x16xf32>,
        %swap3A_388 = vector.shape_cast %swap3A_387 : vector<1x16xf32> to vector<16xf32>
        %swap3A_389 = vector.shape_cast %get3A_384 : vector<16xf32> to vector<1x16xf32>
        tpu.vector_store %arg10[%swap3A_385, %swap3A_386], %swap3A_389 {add = true, strides = array<i32>} : memref<16x1024xf32, #tpu.memory_space<vmem>>, vector<1x16xf32>,
        %get3A_390 = arith.index_cast %scan3A_184 : i32 to index
        %get3A_391 = arith.constant 368 : index
        %get3A_392 = tpu.vector_load %arg14[%get3A_390, %get3A_391] {strides = array<i32>} : memref<16x1024xf32, #tpu.memory_space<vmem>>, vector<1x16xf32>,
        %get3A_393 = vector.shape_cast %get3A_392 : vector<1x16xf32> to vector<16xf32>
        %swap3A_394 = arith.index_cast %scan3A_184 : i32 to index
        %swap3A_395 = arith.constant 368 : index
        %swap3A_396 = tpu.vector_load %arg10[%swap3A_394, %swap3A_395] {strides = array<i32>} : memref<16x1024xf32, #tpu.memory_space<vmem>>, vector<1x16xf32>,
        %swap3A_397 = vector.shape_cast %swap3A_396 : vector<1x16xf32> to vector<16xf32>
        %swap3A_398 = vector.shape_cast %get3A_393 : vector<16xf32> to vector<1x16xf32>
        tpu.vector_store %arg10[%swap3A_394, %swap3A_395], %swap3A_398 {add = true, strides = array<i32>} : memref<16x1024xf32, #tpu.memory_space<vmem>>, vector<1x16xf32>,
        %get3A_399 = arith.index_cast %scan3A_184 : i32 to index
        %get3A_400 = arith.constant 384 : index
        %get3A_401 = tpu.vector_load %arg14[%get3A_399, %get3A_400] {strides = array<i32>} : memref<16x1024xf32, #tpu.memory_space<vmem>>, vector<1x16xf32>,
        %get3A_402 = vector.shape_cast %get3A_401 : vector<1x16xf32> to vector<16xf32>
        %swap3A_403 = arith.index_cast %scan3A_184 : i32 to index
        %swap3A_404 = arith.constant 384 : index
        %swap3A_405 = tpu.vector_load %arg10[%swap3A_403, %swap3A_404] {strides = array<i32>} : memref<16x1024xf32, #tpu.memory_space<vmem>>, vector<1x16xf32>,
        %swap3A_406 = vector.shape_cast %swap3A_405 : vector<1x16xf32> to vector<16xf32>
        %swap3A_407 = vector.shape_cast %get3A_402 : vector<16xf32> to vector<1x16xf32>
        tpu.vector_store %arg10[%swap3A_403, %swap3A_404], %swap3A_407 {add = true, strides = array<i32>} : memref<16x1024xf32, #tpu.memory_space<vmem>>, vector<1x16xf32>,
        %get3A_408 = arith.index_cast %scan3A_184 : i32 to index
        %get3A_409 = arith.constant 400 : index
        %get3A_410 = tpu.vector_load %arg14[%get3A_408, %get3A_409] {strides = array<i32>} : memref<16x1024xf32, #tpu.memory_space<vmem>>, vector<1x16xf32>,
        %get3A_411 = vector.shape_cast %get3A_410 : vector<1x16xf32> to vector<16xf32>
        %swap3A_412 = arith.index_cast %scan3A_184 : i32 to index
        %swap3A_413 = arith.constant 400 : index
        %swap3A_414 = tpu.vector_load %arg10[%swap3A_412, %swap3A_413] {strides = array<i32>} : memref<16x1024xf32, #tpu.memory_space<vmem>>, vector<1x16xf32>,
        %swap3A_415 = vector.shape_cast %swap3A_414 : vector<1x16xf32> to vector<16xf32>
        %swap3A_416 = vector.shape_cast %get3A_411 : vector<16xf32> to vector<1x16xf32>
        tpu.vector_store %arg10[%swap3A_412, %swap3A_413], %swap3A_416 {add = true, strides = array<i32>} : memref<16x1024xf32, #tpu.memory_space<vmem>>, vector<1x16xf32>,
        %get3A_417 = arith.index_cast %scan3A_184 : i32 to index
        %get3A_418 = arith.constant 416 : index
        %get3A_419 = tpu.vector_load %arg14[%get3A_417, %get3A_418] {strides = array<i32>} : memref<16x1024xf32, #tpu.memory_space<vmem>>, vector<1x16xf32>,
        %get3A_420 = vector.shape_cast %get3A_419 : vector<1x16xf32> to vector<16xf32>
        %swap3A_421 = arith.index_cast %scan3A_184 : i32 to index
        %swap3A_422 = arith.constant 416 : index
        %swap3A_423 = tpu.vector_load %arg10[%swap3A_421, %swap3A_422] {strides = array<i32>} : memref<16x1024xf32, #tpu.memory_space<vmem>>, vector<1x16xf32>,
        %swap3A_424 = vector.shape_cast %swap3A_423 : vector<1x16xf32> to vector<16xf32>
        %swap3A_425 = vector.shape_cast %get3A_420 : vector<16xf32> to vector<1x16xf32>
        tpu.vector_store %arg10[%swap3A_421, %swap3A_422], %swap3A_425 {add = true, strides = array<i32>} : memref<16x1024xf32, #tpu.memory_space<vmem>>, vector<1x16xf32>,
        %get3A_426 = arith.index_cast %scan3A_184 : i32 to index
        %get3A_427 = arith.constant 432 : index
        %get3A_428 = tpu.vector_load %arg14[%get3A_426, %get3A_427] {strides = array<i32>} : memref<16x1024xf32, #tpu.memory_space<vmem>>, vector<1x16xf32>,
        %get3A_429 = vector.shape_cast %get3A_428 : vector<1x16xf32> to vector<16xf32>
        %swap3A_430 = arith.index_cast %scan3A_184 : i32 to index
        %swap3A_431 = arith.constant 432 : index
        %swap3A_432 = tpu.vector_load %arg10[%swap3A_430, %swap3A_431] {strides = array<i32>} : memref<16x1024xf32, #tpu.memory_space<vmem>>, vector<1x16xf32>,
        %swap3A_433 = vector.shape_cast %swap3A_432 : vector<1x16xf32> to vector<16xf32>
        %swap3A_434 = vector.shape_cast %get3A_429 : vector<16xf32> to vector<1x16xf32>
        tpu.vector_store %arg10[%swap3A_430, %swap3A_431], %swap3A_434 {add = true, strides = array<i32>} : memref<16x1024xf32, #tpu.memory_space<vmem>>, vector<1x16xf32>,
        %get3A_435 = arith.index_cast %scan3A_184 : i32 to index
        %get3A_436 = arith.constant 448 : index
        %get3A_437 = tpu.vector_load %arg14[%get3A_435, %get3A_436] {strides = array<i32>} : memref<16x1024xf32, #tpu.memory_space<vmem>>, vector<1x16xf32>,
        %get3A_438 = vector.shape_cast %get3A_437 : vector<1x16xf32> to vector<16xf32>
        %swap3A_439 = arith.index_cast %scan3A_184 : i32 to index
        %swap3A_440 = arith.constant 448 : index
        %swap3A_441 = tpu.vector_load %arg10[%swap3A_439, %swap3A_440] {strides = array<i32>} : memref<16x1024xf32, #tpu.memory_space<vmem>>, vector<1x16xf32>,
        %swap3A_442 = vector.shape_cast %swap3A_441 : vector<1x16xf32> to vector<16xf32>
        %swap3A_443 = vector.shape_cast %get3A_438 : vector<16xf32> to vector<1x16xf32>
        tpu.vector_store %arg10[%swap3A_439, %swap3A_440], %swap3A_443 {add = true, strides = array<i32>} : memref<16x1024xf32, #tpu.memory_space<vmem>>, vector<1x16xf32>,
        %get3A_444 = arith.index_cast %scan3A_184 : i32 to index
        %get3A_445 = arith.constant 464 : index
        %get3A_446 = tpu.vector_load %arg14[%get3A_444, %get3A_445] {strides = array<i32>} : memref<16x1024xf32, #tpu.memory_space<vmem>>, vector<1x16xf32>,
        %get3A_447 = vector.shape_cast %get3A_446 : vector<1x16xf32> to vector<16xf32>
        %swap3A_448 = arith.index_cast %scan3A_184 : i32 to index
        %swap3A_449 = arith.constant 464 : index
        %swap3A_450 = tpu.vector_load %arg10[%swap3A_448, %swap3A_449] {strides = array<i32>} : memref<16x1024xf32, #tpu.memory_space<vmem>>, vector<1x16xf32>,
        %swap3A_451 = vector.shape_cast %swap3A_450 : vector<1x16xf32> to vector<16xf32>
        %swap3A_452 = vector.shape_cast %get3A_447 : vector<16xf32> to vector<1x16xf32>
        tpu.vector_store %arg10[%swap3A_448, %swap3A_449], %swap3A_452 {add = true, strides = array<i32>} : memref<16x1024xf32, #tpu.memory_space<vmem>>, vector<1x16xf32>,
        %get3A_453 = arith.index_cast %scan3A_184 : i32 to index
        %get3A_454 = arith.constant 480 : index
        %get3A_455 = tpu.vector_load %arg14[%get3A_453, %get3A_454] {strides = array<i32>} : memref<16x1024xf32, #tpu.memory_space<vmem>>, vector<1x16xf32>,
        %get3A_456 = vector.shape_cast %get3A_455 : vector<1x16xf32> to vector<16xf32>
        %swap3A_457 = arith.index_cast %scan3A_184 : i32 to index
        %swap3A_458 = arith.constant 480 : index
        %swap3A_459 = tpu.vector_load %arg10[%swap3A_457, %swap3A_458] {strides = array<i32>} : memref<16x1024xf32, #tpu.memory_space<vmem>>, vector<1x16xf32>,
        %swap3A_460 = vector.shape_cast %swap3A_459 : vector<1x16xf32> to vector<16xf32>
        %swap3A_461 = vector.shape_cast %get3A_456 : vector<16xf32> to vector<1x16xf32>
        tpu.vector_store %arg10[%swap3A_457, %swap3A_458], %swap3A_461 {add = true, strides = array<i32>} : memref<16x1024xf32, #tpu.memory_space<vmem>>, vector<1x16xf32>,
        %get3A_462 = arith.index_cast %scan3A_184 : i32 to index
        %get3A_463 = arith.constant 496 : index
        %get3A_464 = tpu.vector_load %arg14[%get3A_462, %get3A_463] {strides = array<i32>} : memref<16x1024xf32, #tpu.memory_space<vmem>>, vector<1x16xf32>,
        %get3A_465 = vector.shape_cast %get3A_464 : vector<1x16xf32> to vector<16xf32>
        %swap3A_466 = arith.index_cast %scan3A_184 : i32 to index
        %swap3A_467 = arith.constant 496 : index
        %swap3A_468 = tpu.vector_load %arg10[%swap3A_466, %swap3A_467] {strides = array<i32>} : memref<16x1024xf32, #tpu.memory_space<vmem>>, vector<1x16xf32>,
        %swap3A_469 = vector.shape_cast %swap3A_468 : vector<1x16xf32> to vector<16xf32>
        %swap3A_470 = vector.shape_cast %get3A_465 : vector<16xf32> to vector<1x16xf32>
        tpu.vector_store %arg10[%swap3A_466, %swap3A_467], %swap3A_470 {add = true, strides = array<i32>} : memref<16x1024xf32, #tpu.memory_space<vmem>>, vector<1x16xf32>,
        %get3A_471 = arith.index_cast %scan3A_184 : i32 to index
        %get3A_472 = arith.constant 512 : index
        %get3A_473 = tpu.vector_load %arg14[%get3A_471, %get3A_472] {strides = array<i32>} : memref<16x1024xf32, #tpu.memory_space<vmem>>, vector<1x16xf32>,
        %get3A_474 = vector.shape_cast %get3A_473 : vector<1x16xf32> to vector<16xf32>
        %swap3A_475 = arith.index_cast %scan3A_184 : i32 to index
        %swap3A_476 = arith.constant 512 : index
        %swap3A_477 = tpu.vector_load %arg10[%swap3A_475, %swap3A_476] {strides = array<i32>} : memref<16x1024xf32, #tpu.memory_space<vmem>>, vector<1x16xf32>,
        %swap3A_478 = vector.shape_cast %swap3A_477 : vector<1x16xf32> to vector<16xf32>
        %swap3A_479 = vector.shape_cast %get3A_474 : vector<16xf32> to vector<1x16xf32>
        tpu.vector_store %arg10[%swap3A_475, %swap3A_476], %swap3A_479 {add = true, strides = array<i32>} : memref<16x1024xf32, #tpu.memory_space<vmem>>, vector<1x16xf32>,
        %get3A_480 = arith.index_cast %scan3A_184 : i32 to index
        %get3A_481 = arith.constant 528 : index
        %get3A_482 = tpu.vector_load %arg14[%get3A_480, %get3A_481] {strides = array<i32>} : memref<16x1024xf32, #tpu.memory_space<vmem>>, vector<1x16xf32>,
        %get3A_483 = vector.shape_cast %get3A_482 : vector<1x16xf32> to vector<16xf32>
        %swap3A_484 = arith.index_cast %scan3A_184 : i32 to index
        %swap3A_485 = arith.constant 528 : index
        %swap3A_486 = tpu.vector_load %arg10[%swap3A_484, %swap3A_485] {strides = array<i32>} : memref<16x1024xf32, #tpu.memory_space<vmem>>, vector<1x16xf32>,
        %swap3A_487 = vector.shape_cast %swap3A_486 : vector<1x16xf32> to vector<16xf32>
        %swap3A_488 = vector.shape_cast %get3A_483 : vector<16xf32> to vector<1x16xf32>
        tpu.vector_store %arg10[%swap3A_484, %swap3A_485], %swap3A_488 {add = true, strides = array<i32>} : memref<16x1024xf32, #tpu.memory_space<vmem>>, vector<1x16xf32>,
        %get3A_489 = arith.index_cast %scan3A_184 : i32 to index
        %get3A_490 = arith.constant 544 : index
        %get3A_491 = tpu.vector_load %arg14[%get3A_489, %get3A_490] {strides = array<i32>} : memref<16x1024xf32, #tpu.memory_space<vmem>>, vector<1x16xf32>,
        %get3A_492 = vector.shape_cast %get3A_491 : vector<1x16xf32> to vector<16xf32>
        %swap3A_493 = arith.index_cast %scan3A_184 : i32 to index
        %swap3A_494 = arith.constant 544 : index
        %swap3A_495 = tpu.vector_load %arg10[%swap3A_493, %swap3A_494] {strides = array<i32>} : memref<16x1024xf32, #tpu.memory_space<vmem>>, vector<1x16xf32>,
        %swap3A_496 = vector.shape_cast %swap3A_495 : vector<1x16xf32> to vector<16xf32>
        %swap3A_497 = vector.shape_cast %get3A_492 : vector<16xf32> to vector<1x16xf32>
        tpu.vector_store %arg10[%swap3A_493, %swap3A_494], %swap3A_497 {add = true, strides = array<i32>} : memref<16x1024xf32, #tpu.memory_space<vmem>>, vector<1x16xf32>,
        %get3A_498 = arith.index_cast %scan3A_184 : i32 to index
        %get3A_499 = arith.constant 560 : index
        %get3A_500 = tpu.vector_load %arg14[%get3A_498, %get3A_499] {strides = array<i32>} : memref<16x1024xf32, #tpu.memory_space<vmem>>, vector<1x16xf32>,
        %get3A_501 = vector.shape_cast %get3A_500 : vector<1x16xf32> to vector<16xf32>
        %swap3A_502 = arith.index_cast %scan3A_184 : i32 to index
        %swap3A_503 = arith.constant 560 : index
        %swap3A_504 = tpu.vector_load %arg10[%swap3A_502, %swap3A_503] {strides = array<i32>} : memref<16x1024xf32, #tpu.memory_space<vmem>>, vector<1x16xf32>,
        %swap3A_505 = vector.shape_cast %swap3A_504 : vector<1x16xf32> to vector<16xf32>
        %swap3A_506 = vector.shape_cast %get3A_501 : vector<16xf32> to vector<1x16xf32>
        tpu.vector_store %arg10[%swap3A_502, %swap3A_503], %swap3A_506 {add = true, strides = array<i32>} : memref<16x1024xf32, #tpu.memory_space<vmem>>, vector<1x16xf32>,
        %get3A_507 = arith.index_cast %scan3A_184 : i32 to index
        %get3A_508 = arith.constant 576 : index
        %get3A_509 = tpu.vector_load %arg14[%get3A_507, %get3A_508] {strides = array<i32>} : memref<16x1024xf32, #tpu.memory_space<vmem>>, vector<1x16xf32>,
        %get3A_510 = vector.shape_cast %get3A_509 : vector<1x16xf32> to vector<16xf32>
        %swap3A_511 = arith.index_cast %scan3A_184 : i32 to index
        %swap3A_512 = arith.constant 576 : index
        %swap3A_513 = tpu.vector_load %arg10[%swap3A_511, %swap3A_512] {strides = array<i32>} : memref<16x1024xf32, #tpu.memory_space<vmem>>, vector<1x16xf32>,
        %swap3A_514 = vector.shape_cast %swap3A_513 : vector<1x16xf32> to vector<16xf32>
        %swap3A_515 = vector.shape_cast %get3A_510 : vector<16xf32> to vector<1x16xf32>
        tpu.vector_store %arg10[%swap3A_511, %swap3A_512], %swap3A_515 {add = true, strides = array<i32>} : memref<16x1024xf32, #tpu.memory_space<vmem>>, vector<1x16xf32>,
        %get3A_516 = arith.index_cast %scan3A_184 : i32 to index
        %get3A_517 = arith.constant 592 : index
        %get3A_518 = tpu.vector_load %arg14[%get3A_516, %get3A_517] {strides = array<i32>} : memref<16x1024xf32, #tpu.memory_space<vmem>>, vector<1x16xf32>,
        %get3A_519 = vector.shape_cast %get3A_518 : vector<1x16xf32> to vector<16xf32>
        %swap3A_520 = arith.index_cast %scan3A_184 : i32 to index
        %swap3A_521 = arith.constant 592 : index
        %swap3A_522 = tpu.vector_load %arg10[%swap3A_520, %swap3A_521] {strides = array<i32>} : memref<16x1024xf32, #tpu.memory_space<vmem>>, vector<1x16xf32>,
        %swap3A_523 = vector.shape_cast %swap3A_522 : vector<1x16xf32> to vector<16xf32>
        %swap3A_524 = vector.shape_cast %get3A_519 : vector<16xf32> to vector<1x16xf32>
        tpu.vector_store %arg10[%swap3A_520, %swap3A_521], %swap3A_524 {add = true, strides = array<i32>} : memref<16x1024xf32, #tpu.memory_space<vmem>>, vector<1x16xf32>,
        %get3A_525 = arith.index_cast %scan3A_184 : i32 to index
        %get3A_526 = arith.constant 608 : index
        %get3A_527 = tpu.vector_load %arg14[%get3A_525, %get3A_526] {strides = array<i32>} : memref<16x1024xf32, #tpu.memory_space<vmem>>, vector<1x16xf32>,
        %get3A_528 = vector.shape_cast %get3A_527 : vector<1x16xf32> to vector<16xf32>
        %swap3A_529 = arith.index_cast %scan3A_184 : i32 to index
        %swap3A_530 = arith.constant 608 : index
        %swap3A_531 = tpu.vector_load %arg10[%swap3A_529, %swap3A_530] {strides = array<i32>} : memref<16x1024xf32, #tpu.memory_space<vmem>>, vector<1x16xf32>,
        %swap3A_532 = vector.shape_cast %swap3A_531 : vector<1x16xf32> to vector<16xf32>
        %swap3A_533 = vector.shape_cast %get3A_528 : vector<16xf32> to vector<1x16xf32>
        tpu.vector_store %arg10[%swap3A_529, %swap3A_530], %swap3A_533 {add = true, strides = array<i32>} : memref<16x1024xf32, #tpu.memory_space<vmem>>, vector<1x16xf32>,
        %get3A_534 = arith.index_cast %scan3A_184 : i32 to index
        %get3A_535 = arith.constant 624 : index
        %get3A_536 = tpu.vector_load %arg14[%get3A_534, %get3A_535] {strides = array<i32>} : memref<16x1024xf32, #tpu.memory_space<vmem>>, vector<1x16xf32>,
        %get3A_537 = vector.shape_cast %get3A_536 : vector<1x16xf32> to vector<16xf32>
        %swap3A_538 = arith.index_cast %scan3A_184 : i32 to index
        %swap3A_539 = arith.constant 624 : index
        %swap3A_540 = tpu.vector_load %arg10[%swap3A_538, %swap3A_539] {strides = array<i32>} : memref<16x1024xf32, #tpu.memory_space<vmem>>, vector<1x16xf32>,
        %swap3A_541 = vector.shape_cast %swap3A_540 : vector<1x16xf32> to vector<16xf32>
        %swap3A_542 = vector.shape_cast %get3A_537 : vector<16xf32> to vector<1x16xf32>
        tpu.vector_store %arg10[%swap3A_538, %swap3A_539], %swap3A_542 {add = true, strides = array<i32>} : memref<16x1024xf32, #tpu.memory_space<vmem>>, vector<1x16xf32>,
        %get3A_543 = arith.index_cast %scan3A_184 : i32 to index
        %get3A_544 = arith.constant 640 : index
        %get3A_545 = tpu.vector_load %arg14[%get3A_543, %get3A_544] {strides = array<i32>} : memref<16x1024xf32, #tpu.memory_space<vmem>>, vector<1x16xf32>,
        %get3A_546 = vector.shape_cast %get3A_545 : vector<1x16xf32> to vector<16xf32>
        %swap3A_547 = arith.index_cast %scan3A_184 : i32 to index
        %swap3A_548 = arith.constant 640 : index
        %swap3A_549 = tpu.vector_load %arg10[%swap3A_547, %swap3A_548] {strides = array<i32>} : memref<16x1024xf32, #tpu.memory_space<vmem>>, vector<1x16xf32>,
        %swap3A_550 = vector.shape_cast %swap3A_549 : vector<1x16xf32> to vector<16xf32>
        %swap3A_551 = vector.shape_cast %get3A_546 : vector<16xf32> to vector<1x16xf32>
        tpu.vector_store %arg10[%swap3A_547, %swap3A_548], %swap3A_551 {add = true, strides = array<i32>} : memref<16x1024xf32, #tpu.memory_space<vmem>>, vector<1x16xf32>,
        %get3A_552 = arith.index_cast %scan3A_184 : i32 to index
        %get3A_553 = arith.constant 656 : index
        %get3A_554 = tpu.vector_load %arg14[%get3A_552, %get3A_553] {strides = array<i32>} : memref<16x1024xf32, #tpu.memory_space<vmem>>, vector<1x16xf32>,
        %get3A_555 = vector.shape_cast %get3A_554 : vector<1x16xf32> to vector<16xf32>
        %swap3A_556 = arith.index_cast %scan3A_184 : i32 to index
        %swap3A_557 = arith.constant 656 : index
        %swap3A_558 = tpu.vector_load %arg10[%swap3A_556, %swap3A_557] {strides = array<i32>} : memref<16x1024xf32, #tpu.memory_space<vmem>>, vector<1x16xf32>,
        %swap3A_559 = vector.shape_cast %swap3A_558 : vector<1x16xf32> to vector<16xf32>
        %swap3A_560 = vector.shape_cast %get3A_555 : vector<16xf32> to vector<1x16xf32>
        tpu.vector_store %arg10[%swap3A_556, %swap3A_557], %swap3A_560 {add = true, strides = array<i32>} : memref<16x1024xf32, #tpu.memory_space<vmem>>, vector<1x16xf32>,
        %get3A_561 = arith.index_cast %scan3A_184 : i32 to index
        %get3A_562 = arith.constant 672 : index
        %get3A_563 = tpu.vector_load %arg14[%get3A_561, %get3A_562] {strides = array<i32>} : memref<16x1024xf32, #tpu.memory_space<vmem>>, vector<1x16xf32>,
        %get3A_564 = vector.shape_cast %get3A_563 : vector<1x16xf32> to vector<16xf32>
        %swap3A_565 = arith.index_cast %scan3A_184 : i32 to index
        %swap3A_566 = arith.constant 672 : index
        %swap3A_567 = tpu.vector_load %arg10[%swap3A_565, %swap3A_566] {strides = array<i32>} : memref<16x1024xf32, #tpu.memory_space<vmem>>, vector<1x16xf32>,
        %swap3A_568 = vector.shape_cast %swap3A_567 : vector<1x16xf32> to vector<16xf32>
        %swap3A_569 = vector.shape_cast %get3A_564 : vector<16xf32> to vector<1x16xf32>
        tpu.vector_store %arg10[%swap3A_565, %swap3A_566], %swap3A_569 {add = true, strides = array<i32>} : memref<16x1024xf32, #tpu.memory_space<vmem>>, vector<1x16xf32>,
        %get3A_570 = arith.index_cast %scan3A_184 : i32 to index
        %get3A_571 = arith.constant 688 : index
        %get3A_572 = tpu.vector_load %arg14[%get3A_570, %get3A_571] {strides = array<i32>} : memref<16x1024xf32, #tpu.memory_space<vmem>>, vector<1x16xf32>,
        %get3A_573 = vector.shape_cast %get3A_572 : vector<1x16xf32> to vector<16xf32>
        %swap3A_574 = arith.index_cast %scan3A_184 : i32 to index
        %swap3A_575 = arith.constant 688 : index
        %swap3A_576 = tpu.vector_load %arg10[%swap3A_574, %swap3A_575] {strides = array<i32>} : memref<16x1024xf32, #tpu.memory_space<vmem>>, vector<1x16xf32>,
        %swap3A_577 = vector.shape_cast %swap3A_576 : vector<1x16xf32> to vector<16xf32>
        %swap3A_578 = vector.shape_cast %get3A_573 : vector<16xf32> to vector<1x16xf32>
        tpu.vector_store %arg10[%swap3A_574, %swap3A_575], %swap3A_578 {add = true, strides = array<i32>} : memref<16x1024xf32, #tpu.memory_space<vmem>>, vector<1x16xf32>,
        %get3A_579 = arith.index_cast %scan3A_184 : i32 to index
        %get3A_580 = arith.constant 704 : index
        %get3A_581 = tpu.vector_load %arg14[%get3A_579, %get3A_580] {strides = array<i32>} : memref<16x1024xf32, #tpu.memory_space<vmem>>, vector<1x16xf32>,
        %get3A_582 = vector.shape_cast %get3A_581 : vector<1x16xf32> to vector<16xf32>
        %swap3A_583 = arith.index_cast %scan3A_184 : i32 to index
        %swap3A_584 = arith.constant 704 : index
        %swap3A_585 = tpu.vector_load %arg10[%swap3A_583, %swap3A_584] {strides = array<i32>} : memref<16x1024xf32, #tpu.memory_space<vmem>>, vector<1x16xf32>,
        %swap3A_586 = vector.shape_cast %swap3A_585 : vector<1x16xf32> to vector<16xf32>
        %swap3A_587 = vector.shape_cast %get3A_582 : vector<16xf32> to vector<1x16xf32>
        tpu.vector_store %arg10[%swap3A_583, %swap3A_584], %swap3A_587 {add = true, strides = array<i32>} : memref<16x1024xf32, #tpu.memory_space<vmem>>, vector<1x16xf32>,
        %get3A_588 = arith.index_cast %scan3A_184 : i32 to index
        %get3A_589 = arith.constant 720 : index
        %get3A_590 = tpu.vector_load %arg14[%get3A_588, %get3A_589] {strides = array<i32>} : memref<16x1024xf32, #tpu.memory_space<vmem>>, vector<1x16xf32>,
        %get3A_591 = vector.shape_cast %get3A_590 : vector<1x16xf32> to vector<16xf32>
        %swap3A_592 = arith.index_cast %scan3A_184 : i32 to index
        %swap3A_593 = arith.constant 720 : index
        %swap3A_594 = tpu.vector_load %arg10[%swap3A_592, %swap3A_593] {strides = array<i32>} : memref<16x1024xf32, #tpu.memory_space<vmem>>, vector<1x16xf32>,
        %swap3A_595 = vector.shape_cast %swap3A_594 : vector<1x16xf32> to vector<16xf32>
        %swap3A_596 = vector.shape_cast %get3A_591 : vector<16xf32> to vector<1x16xf32>
        tpu.vector_store %arg10[%swap3A_592, %swap3A_593], %swap3A_596 {add = true, strides = array<i32>} : memref<16x1024xf32, #tpu.memory_space<vmem>>, vector<1x16xf32>,
        %get3A_597 = arith.index_cast %scan3A_184 : i32 to index
        %get3A_598 = arith.constant 736 : index
        %get3A_599 = tpu.vector_load %arg14[%get3A_597, %get3A_598] {strides = array<i32>} : memref<16x1024xf32, #tpu.memory_space<vmem>>, vector<1x16xf32>,
        %get3A_600 = vector.shape_cast %get3A_599 : vector<1x16xf32> to vector<16xf32>
        %swap3A_601 = arith.index_cast %scan3A_184 : i32 to index
        %swap3A_602 = arith.constant 736 : index
        %swap3A_603 = tpu.vector_load %arg10[%swap3A_601, %swap3A_602] {strides = array<i32>} : memref<16x1024xf32, #tpu.memory_space<vmem>>, vector<1x16xf32>,
        %swap3A_604 = vector.shape_cast %swap3A_603 : vector<1x16xf32> to vector<16xf32>
        %swap3A_605 = vector.shape_cast %get3A_600 : vector<16xf32> to vector<1x16xf32>
        tpu.vector_store %arg10[%swap3A_601, %swap3A_602], %swap3A_605 {add = true, strides = array<i32>} : memref<16x1024xf32, #tpu.memory_space<vmem>>, vector<1x16xf32>,
        %get3A_606 = arith.index_cast %scan3A_184 : i32 to index
        %get3A_607 = arith.constant 752 : index
        %get3A_608 = tpu.vector_load %arg14[%get3A_606, %get3A_607] {strides = array<i32>} : memref<16x1024xf32, #tpu.memory_space<vmem>>, vector<1x16xf32>,
        %get3A_609 = vector.shape_cast %get3A_608 : vector<1x16xf32> to vector<16xf32>
        %swap3A_610 = arith.index_cast %scan3A_184 : i32 to index
        %swap3A_611 = arith.constant 752 : index
        %swap3A_612 = tpu.vector_load %arg10[%swap3A_610, %swap3A_611] {strides = array<i32>} : memref<16x1024xf32, #tpu.memory_space<vmem>>, vector<1x16xf32>,
        %swap3A_613 = vector.shape_cast %swap3A_612 : vector<1x16xf32> to vector<16xf32>
        %swap3A_614 = vector.shape_cast %get3A_609 : vector<16xf32> to vector<1x16xf32>
        tpu.vector_store %arg10[%swap3A_610, %swap3A_611], %swap3A_614 {add = true, strides = array<i32>} : memref<16x1024xf32, #tpu.memory_space<vmem>>, vector<1x16xf32>,
        %get3A_615 = arith.index_cast %scan3A_184 : i32 to index
        %get3A_616 = arith.constant 768 : index
        %get3A_617 = tpu.vector_load %arg14[%get3A_615, %get3A_616] {strides = array<i32>} : memref<16x1024xf32, #tpu.memory_space<vmem>>, vector<1x16xf32>,
        %get3A_618 = vector.shape_cast %get3A_617 : vector<1x16xf32> to vector<16xf32>
        %swap3A_619 = arith.index_cast %scan3A_184 : i32 to index
        %swap3A_620 = arith.constant 768 : index
        %swap3A_621 = tpu.vector_load %arg10[%swap3A_619, %swap3A_620] {strides = array<i32>} : memref<16x1024xf32, #tpu.memory_space<vmem>>, vector<1x16xf32>,
        %swap3A_622 = vector.shape_cast %swap3A_621 : vector<1x16xf32> to vector<16xf32>
        %swap3A_623 = vector.shape_cast %get3A_618 : vector<16xf32> to vector<1x16xf32>
        tpu.vector_store %arg10[%swap3A_619, %swap3A_620], %swap3A_623 {add = true, strides = array<i32>} : memref<16x1024xf32, #tpu.memory_space<vmem>>, vector<1x16xf32>,
        %get3A_624 = arith.index_cast %scan3A_184 : i32 to index
        %get3A_625 = arith.constant 784 : index
        %get3A_626 = tpu.vector_load %arg14[%get3A_624, %get3A_625] {strides = array<i32>} : memref<16x1024xf32, #tpu.memory_space<vmem>>, vector<1x16xf32>,
        %get3A_627 = vector.shape_cast %get3A_626 : vector<1x16xf32> to vector<16xf32>
        %swap3A_628 = arith.index_cast %scan3A_184 : i32 to index
        %swap3A_629 = arith.constant 784 : index
        %swap3A_630 = tpu.vector_load %arg10[%swap3A_628, %swap3A_629] {strides = array<i32>} : memref<16x1024xf32, #tpu.memory_space<vmem>>, vector<1x16xf32>,
        %swap3A_631 = vector.shape_cast %swap3A_630 : vector<1x16xf32> to vector<16xf32>
        %swap3A_632 = vector.shape_cast %get3A_627 : vector<16xf32> to vector<1x16xf32>
        tpu.vector_store %arg10[%swap3A_628, %swap3A_629], %swap3A_632 {add = true, strides = array<i32>} : memref<16x1024xf32, #tpu.memory_space<vmem>>, vector<1x16xf32>,
        %get3A_633 = arith.index_cast %scan3A_184 : i32 to index
        %get3A_634 = arith.constant 800 : index
        %get3A_635 = tpu.vector_load %arg14[%get3A_633, %get3A_634] {strides = array<i32>} : memref<16x1024xf32, #tpu.memory_space<vmem>>, vector<1x16xf32>,
        %get3A_636 = vector.shape_cast %get3A_635 : vector<1x16xf32> to vector<16xf32>
        %swap3A_637 = arith.index_cast %scan3A_184 : i32 to index
        %swap3A_638 = arith.constant 800 : index
        %swap3A_639 = tpu.vector_load %arg10[%swap3A_637, %swap3A_638] {strides = array<i32>} : memref<16x1024xf32, #tpu.memory_space<vmem>>, vector<1x16xf32>,
        %swap3A_640 = vector.shape_cast %swap3A_639 : vector<1x16xf32> to vector<16xf32>
        %swap3A_641 = vector.shape_cast %get3A_636 : vector<16xf32> to vector<1x16xf32>
        tpu.vector_store %arg10[%swap3A_637, %swap3A_638], %swap3A_641 {add = true, strides = array<i32>} : memref<16x1024xf32, #tpu.memory_space<vmem>>, vector<1x16xf32>,
        %get3A_642 = arith.index_cast %scan3A_184 : i32 to index
        %get3A_643 = arith.constant 816 : index
        %get3A_644 = tpu.vector_load %arg14[%get3A_642, %get3A_643] {strides = array<i32>} : memref<16x1024xf32, #tpu.memory_space<vmem>>, vector<1x16xf32>,
        %get3A_645 = vector.shape_cast %get3A_644 : vector<1x16xf32> to vector<16xf32>
        %swap3A_646 = arith.index_cast %scan3A_184 : i32 to index
        %swap3A_647 = arith.constant 816 : index
        %swap3A_648 = tpu.vector_load %arg10[%swap3A_646, %swap3A_647] {strides = array<i32>} : memref<16x1024xf32, #tpu.memory_space<vmem>>, vector<1x16xf32>,
        %swap3A_649 = vector.shape_cast %swap3A_648 : vector<1x16xf32> to vector<16xf32>
        %swap3A_650 = vector.shape_cast %get3A_645 : vector<16xf32> to vector<1x16xf32>
        tpu.vector_store %arg10[%swap3A_646, %swap3A_647], %swap3A_650 {add = true, strides = array<i32>} : memref<16x1024xf32, #tpu.memory_space<vmem>>, vector<1x16xf32>,
        %get3A_651 = arith.index_cast %scan3A_184 : i32 to index
        %get3A_652 = arith.constant 832 : index
        %get3A_653 = tpu.vector_load %arg14[%get3A_651, %get3A_652] {strides = array<i32>} : memref<16x1024xf32, #tpu.memory_space<vmem>>, vector<1x16xf32>,
        %get3A_654 = vector.shape_cast %get3A_653 : vector<1x16xf32> to vector<16xf32>
        %swap3A_655 = arith.index_cast %scan3A_184 : i32 to index
        %swap3A_656 = arith.constant 832 : index
        %swap3A_657 = tpu.vector_load %arg10[%swap3A_655, %swap3A_656] {strides = array<i32>} : memref<16x1024xf32, #tpu.memory_space<vmem>>, vector<1x16xf32>,
        %swap3A_658 = vector.shape_cast %swap3A_657 : vector<1x16xf32> to vector<16xf32>
        %swap3A_659 = vector.shape_cast %get3A_654 : vector<16xf32> to vector<1x16xf32>
        tpu.vector_store %arg10[%swap3A_655, %swap3A_656], %swap3A_659 {add = true, strides = array<i32>} : memref<16x1024xf32, #tpu.memory_space<vmem>>, vector<1x16xf32>,
        %get3A_660 = arith.index_cast %scan3A_184 : i32 to index
        %get3A_661 = arith.constant 848 : index
        %get3A_662 = tpu.vector_load %arg14[%get3A_660, %get3A_661] {strides = array<i32>} : memref<16x1024xf32, #tpu.memory_space<vmem>>, vector<1x16xf32>,
        %get3A_663 = vector.shape_cast %get3A_662 : vector<1x16xf32> to vector<16xf32>
        %swap3A_664 = arith.index_cast %scan3A_184 : i32 to index
        %swap3A_665 = arith.constant 848 : index
        %swap3A_666 = tpu.vector_load %arg10[%swap3A_664, %swap3A_665] {strides = array<i32>} : memref<16x1024xf32, #tpu.memory_space<vmem>>, vector<1x16xf32>,
        %swap3A_667 = vector.shape_cast %swap3A_666 : vector<1x16xf32> to vector<16xf32>
        %swap3A_668 = vector.shape_cast %get3A_663 : vector<16xf32> to vector<1x16xf32>
        tpu.vector_store %arg10[%swap3A_664, %swap3A_665], %swap3A_668 {add = true, strides = array<i32>} : memref<16x1024xf32, #tpu.memory_space<vmem>>, vector<1x16xf32>,
        %get3A_669 = arith.index_cast %scan3A_184 : i32 to index
        %get3A_670 = arith.constant 864 : index
        %get3A_671 = tpu.vector_load %arg14[%get3A_669, %get3A_670] {strides = array<i32>} : memref<16x1024xf32, #tpu.memory_space<vmem>>, vector<1x16xf32>,
        %get3A_672 = vector.shape_cast %get3A_671 : vector<1x16xf32> to vector<16xf32>
        %swap3A_673 = arith.index_cast %scan3A_184 : i32 to index
        %swap3A_674 = arith.constant 864 : index
        %swap3A_675 = tpu.vector_load %arg10[%swap3A_673, %swap3A_674] {strides = array<i32>} : memref<16x1024xf32, #tpu.memory_space<vmem>>, vector<1x16xf32>,
        %swap3A_676 = vector.shape_cast %swap3A_675 : vector<1x16xf32> to vector<16xf32>
        %swap3A_677 = vector.shape_cast %get3A_672 : vector<16xf32> to vector<1x16xf32>
        tpu.vector_store %arg10[%swap3A_673, %swap3A_674], %swap3A_677 {add = true, strides = array<i32>} : memref<16x1024xf32, #tpu.memory_space<vmem>>, vector<1x16xf32>,
        %get3A_678 = arith.index_cast %scan3A_184 : i32 to index
        %get3A_679 = arith.constant 880 : index
        %get3A_680 = tpu.vector_load %arg14[%get3A_678, %get3A_679] {strides = array<i32>} : memref<16x1024xf32, #tpu.memory_space<vmem>>, vector<1x16xf32>,
        %get3A_681 = vector.shape_cast %get3A_680 : vector<1x16xf32> to vector<16xf32>
        %swap3A_682 = arith.index_cast %scan3A_184 : i32 to index
        %swap3A_683 = arith.constant 880 : index
        %swap3A_684 = tpu.vector_load %arg10[%swap3A_682, %swap3A_683] {strides = array<i32>} : memref<16x1024xf32, #tpu.memory_space<vmem>>, vector<1x16xf32>,
        %swap3A_685 = vector.shape_cast %swap3A_684 : vector<1x16xf32> to vector<16xf32>
        %swap3A_686 = vector.shape_cast %get3A_681 : vector<16xf32> to vector<1x16xf32>
        tpu.vector_store %arg10[%swap3A_682, %swap3A_683], %swap3A_686 {add = true, strides = array<i32>} : memref<16x1024xf32, #tpu.memory_space<vmem>>, vector<1x16xf32>,
        %get3A_687 = arith.index_cast %scan3A_184 : i32 to index
        %get3A_688 = arith.constant 896 : index
        %get3A_689 = tpu.vector_load %arg14[%get3A_687, %get3A_688] {strides = array<i32>} : memref<16x1024xf32, #tpu.memory_space<vmem>>, vector<1x16xf32>,
        %get3A_690 = vector.shape_cast %get3A_689 : vector<1x16xf32> to vector<16xf32>
        %swap3A_691 = arith.index_cast %scan3A_184 : i32 to index
        %swap3A_692 = arith.constant 896 : index
        %swap3A_693 = tpu.vector_load %arg10[%swap3A_691, %swap3A_692] {strides = array<i32>} : memref<16x1024xf32, #tpu.memory_space<vmem>>, vector<1x16xf32>,
        %swap3A_694 = vector.shape_cast %swap3A_693 : vector<1x16xf32> to vector<16xf32>
        %swap3A_695 = vector.shape_cast %get3A_690 : vector<16xf32> to vector<1x16xf32>
        tpu.vector_store %arg10[%swap3A_691, %swap3A_692], %swap3A_695 {add = true, strides = array<i32>} : memref<16x1024xf32, #tpu.memory_space<vmem>>, vector<1x16xf32>,
        %get3A_696 = arith.index_cast %scan3A_184 : i32 to index
        %get3A_697 = arith.constant 912 : index
        %get3A_698 = tpu.vector_load %arg14[%get3A_696, %get3A_697] {strides = array<i32>} : memref<16x1024xf32, #tpu.memory_space<vmem>>, vector<1x16xf32>,
        %get3A_699 = vector.shape_cast %get3A_698 : vector<1x16xf32> to vector<16xf32>
        %swap3A_700 = arith.index_cast %scan3A_184 : i32 to index
        %swap3A_701 = arith.constant 912 : index
        %swap3A_702 = tpu.vector_load %arg10[%swap3A_700, %swap3A_701] {strides = array<i32>} : memref<16x1024xf32, #tpu.memory_space<vmem>>, vector<1x16xf32>,
        %swap3A_703 = vector.shape_cast %swap3A_702 : vector<1x16xf32> to vector<16xf32>
        %swap3A_704 = vector.shape_cast %get3A_699 : vector<16xf32> to vector<1x16xf32>
        tpu.vector_store %arg10[%swap3A_700, %swap3A_701], %swap3A_704 {add = true, strides = array<i32>} : memref<16x1024xf32, #tpu.memory_space<vmem>>, vector<1x16xf32>,
        %get3A_705 = arith.index_cast %scan3A_184 : i32 to index
        %get3A_706 = arith.constant 928 : index
        %get3A_707 = tpu.vector_load %arg14[%get3A_705, %get3A_706] {strides = array<i32>} : memref<16x1024xf32, #tpu.memory_space<vmem>>, vector<1x16xf32>,
        %get3A_708 = vector.shape_cast %get3A_707 : vector<1x16xf32> to vector<16xf32>
        %swap3A_709 = arith.index_cast %scan3A_184 : i32 to index
        %swap3A_710 = arith.constant 928 : index
        %swap3A_711 = tpu.vector_load %arg10[%swap3A_709, %swap3A_710] {strides = array<i32>} : memref<16x1024xf32, #tpu.memory_space<vmem>>, vector<1x16xf32>,
        %swap3A_712 = vector.shape_cast %swap3A_711 : vector<1x16xf32> to vector<16xf32>
        %swap3A_713 = vector.shape_cast %get3A_708 : vector<16xf32> to vector<1x16xf32>
        tpu.vector_store %arg10[%swap3A_709, %swap3A_710], %swap3A_713 {add = true, strides = array<i32>} : memref<16x1024xf32, #tpu.memory_space<vmem>>, vector<1x16xf32>,
        %get3A_714 = arith.index_cast %scan3A_184 : i32 to index
        %get3A_715 = arith.constant 944 : index
        %get3A_716 = tpu.vector_load %arg14[%get3A_714, %get3A_715] {strides = array<i32>} : memref<16x1024xf32, #tpu.memory_space<vmem>>, vector<1x16xf32>,
        %get3A_717 = vector.shape_cast %get3A_716 : vector<1x16xf32> to vector<16xf32>
        %swap3A_718 = arith.index_cast %scan3A_184 : i32 to index
        %swap3A_719 = arith.constant 944 : index
        %swap3A_720 = tpu.vector_load %arg10[%swap3A_718, %swap3A_719] {strides = array<i32>} : memref<16x1024xf32, #tpu.memory_space<vmem>>, vector<1x16xf32>,
        %swap3A_721 = vector.shape_cast %swap3A_720 : vector<1x16xf32> to vector<16xf32>
        %swap3A_722 = vector.shape_cast %get3A_717 : vector<16xf32> to vector<1x16xf32>
        tpu.vector_store %arg10[%swap3A_718, %swap3A_719], %swap3A_722 {add = true, strides = array<i32>} : memref<16x1024xf32, #tpu.memory_space<vmem>>, vector<1x16xf32>,
        %get3A_723 = arith.index_cast %scan3A_184 : i32 to index
        %get3A_724 = arith.constant 960 : index
        %get3A_725 = tpu.vector_load %arg14[%get3A_723, %get3A_724] {strides = array<i32>} : memref<16x1024xf32, #tpu.memory_space<vmem>>, vector<1x16xf32>,
        %get3A_726 = vector.shape_cast %get3A_725 : vector<1x16xf32> to vector<16xf32>
        %swap3A_727 = arith.index_cast %scan3A_184 : i32 to index
        %swap3A_728 = arith.constant 960 : index
        %swap3A_729 = tpu.vector_load %arg10[%swap3A_727, %swap3A_728] {strides = array<i32>} : memref<16x1024xf32, #tpu.memory_space<vmem>>, vector<1x16xf32>,
        %swap3A_730 = vector.shape_cast %swap3A_729 : vector<1x16xf32> to vector<16xf32>
        %swap3A_731 = vector.shape_cast %get3A_726 : vector<16xf32> to vector<1x16xf32>
        tpu.vector_store %arg10[%swap3A_727, %swap3A_728], %swap3A_731 {add = true, strides = array<i32>} : memref<16x1024xf32, #tpu.memory_space<vmem>>, vector<1x16xf32>,
        %get3A_732 = arith.index_cast %scan3A_184 : i32 to index
        %get3A_733 = arith.constant 976 : index
        %get3A_734 = tpu.vector_load %arg14[%get3A_732, %get3A_733] {strides = array<i32>} : memref<16x1024xf32, #tpu.memory_space<vmem>>, vector<1x16xf32>,
        %get3A_735 = vector.shape_cast %get3A_734 : vector<1x16xf32> to vector<16xf32>
        %swap3A_736 = arith.index_cast %scan3A_184 : i32 to index
        %swap3A_737 = arith.constant 976 : index
        %swap3A_738 = tpu.vector_load %arg10[%swap3A_736, %swap3A_737] {strides = array<i32>} : memref<16x1024xf32, #tpu.memory_space<vmem>>, vector<1x16xf32>,
        %swap3A_739 = vector.shape_cast %swap3A_738 : vector<1x16xf32> to vector<16xf32>
        %swap3A_740 = vector.shape_cast %get3A_735 : vector<16xf32> to vector<1x16xf32>
        tpu.vector_store %arg10[%swap3A_736, %swap3A_737], %swap3A_740 {add = true, strides = array<i32>} : memref<16x1024xf32, #tpu.memory_space<vmem>>, vector<1x16xf32>,
        %get3A_741 = arith.index_cast %scan3A_184 : i32 to index
        %get3A_742 = arith.constant 992 : index
        %get3A_743 = tpu.vector_load %arg14[%get3A_741, %get3A_742] {strides = array<i32>} : memref<16x1024xf32, #tpu.memory_space<vmem>>, vector<1x16xf32>,
        %get3A_744 = vector.shape_cast %get3A_743 : vector<1x16xf32> to vector<16xf32>
        %swap3A_745 = arith.index_cast %scan3A_184 : i32 to index
        %swap3A_746 = arith.constant 992 : index
        %swap3A_747 = tpu.vector_load %arg10[%swap3A_745, %swap3A_746] {strides = array<i32>} : memref<16x1024xf32, #tpu.memory_space<vmem>>, vector<1x16xf32>,
        %swap3A_748 = vector.shape_cast %swap3A_747 : vector<1x16xf32> to vector<16xf32>
        %swap3A_749 = vector.shape_cast %get3A_744 : vector<16xf32> to vector<1x16xf32>
        tpu.vector_store %arg10[%swap3A_745, %swap3A_746], %swap3A_749 {add = true, strides = array<i32>} : memref<16x1024xf32, #tpu.memory_space<vmem>>, vector<1x16xf32>,
        %get3A_750 = arith.index_cast %scan3A_184 : i32 to index
        %get3A_751 = arith.constant 1008 : index
        %get3A_752 = tpu.vector_load %arg14[%get3A_750, %get3A_751] {strides = array<i32>} : memref<16x1024xf32, #tpu.memory_space<vmem>>, vector<1x16xf32>,
        %get3A_753 = vector.shape_cast %get3A_752 : vector<1x16xf32> to vector<16xf32>
        %swap3A_754 = arith.index_cast %scan3A_184 : i32 to index
        %swap3A_755 = arith.constant 1008 : index
        %swap3A_756 = tpu.vector_load %arg10[%swap3A_754, %swap3A_755] {strides = array<i32>} : memref<16x1024xf32, #tpu.memory_space<vmem>>, vector<1x16xf32>,
        %swap3A_757 = vector.shape_cast %swap3A_756 : vector<1x16xf32> to vector<16xf32>
        %swap3A_758 = vector.shape_cast %get3A_753 : vector<16xf32> to vector<1x16xf32>
        tpu.vector_store %arg10[%swap3A_754, %swap3A_755], %swap3A_758 {add = true, strides = array<i32>} : memref<16x1024xf32, #tpu.memory_space<vmem>>, vector<1x16xf32>,
      }
      %scan3A_87 = arith.constant 16 : i32
      %mul3A_88 = arith.constant 16 : i32
      %mul3A_89 = arith.muli %add3A_71, %mul3A_88 : i32
      %add3A_90 = arith.addi %mul3A_2, %mul3A_89 : i32
      %multiple_of3A_91 = tpu.assume_multiple %add3A_90, 16 : i32
      %dma_start3A_92 = arith.constant 0 : i32
      %dma_start3A_93 = tpu.memref_slice %arg6[%multiple_of3A_91, %dma_start3A_92] : memref<32768x1024xf32, #tpu.memory_space<hbm>> -> memref<16x1024xf32, #tpu.memory_space<hbm>>
      %dma_start3A_94 = arith.constant 0 : i32
      %dma_start3A_95 = tpu.memref_slice %arg6[%multiple_of3A_91, %dma_start3A_94] : memref<32768x1024xf32, #tpu.memory_space<hbm>> -> memref<16x1024xf32, #tpu.memory_space<hbm>>
      tpu.enqueue_dma source(%arg10 : memref<16x1024xf32, #tpu.memory_space<vmem>>) target(%dma_start3A_95 : memref<16x1024xf32, #tpu.memory_space<hbm>>) target_semaphore(%arg20 : memref<!tpu.dma_semaphore, #tpu.memory_space<semaphore_mem>>)
      %ge3A_96 = arith.constant 2 : i32
      %ge3A_97 = arith.cmpi sge, %add3A_71, %ge3A_96 : i32
      %convert_element_type3A_98 = arith.extui %ge3A_97 : i1 to i32
      %cond3A_99 = arith.constant 0 : i32
      %cond3A_100 = arith.cmpi ne, %convert_element_type3A_98, %cond3A_99 : i32
      scf.if %cond3A_100 {
        %dma_wait3A_184 = arith.constant 0 : i32
        %dma_wait3A_185 = tpu.memref_slice %arg6[%mul3A_2, %dma_wait3A_184] : memref<32768x1024xf32, #tpu.memory_space<hbm>> -> memref<16x1024xf32, #tpu.memory_space<hbm>>
        %dma_wait3A_186 = arith.constant 0 : i32
        %dma_wait3A_187 = tpu.memref_slice %arg6[%mul3A_2, %dma_wait3A_186] : memref<32768x1024xf32, #tpu.memory_space<hbm>> -> memref<16x1024xf32, #tpu.memory_space<hbm>>
        tpu.wait_dma2 semaphore(%arg22 : memref<!tpu.dma_semaphore, #tpu.memory_space<semaphore_mem>>) src(%arg12 : memref<16x1024xf32, #tpu.memory_space<vmem>>) dst(%dma_wait3A_187 : memref<16x1024xf32, #tpu.memory_space<hbm>>)
      } else {
      }
      %add3A_101 = arith.constant 2 : i32
      %add3A_102 = arith.addi %add3A_71, %add3A_101 : i32
      %lt3A_103 = arith.constant 64 : i32
      %lt3A_104 = arith.cmpi slt, %add3A_102, %lt3A_103 : i32
      %convert_element_type3A_105 = arith.extui %lt3A_104 : i1 to i32
      %cond3A_106 = arith.constant 0 : i32
      %cond3A_107 = arith.cmpi ne, %convert_element_type3A_105, %cond3A_106 : i32
      scf.if %cond3A_107 {
        %add3A_184 = arith.constant 2 : i32
        %add3A_185 = arith.addi %add3A_71, %add3A_184 : i32
        %mul3A_186 = arith.constant 16 : i32
        %mul3A_187 = arith.muli %add3A_185, %mul3A_186 : i32
        %multiple_of3A_188 = tpu.assume_multiple %mul3A_187, 16 : i32
        %dma_start3A_189 = tpu.memref_slice %arg7[%multiple_of3A_188] : memref<1024xi32, #tpu.memory_space<vmem>> -> memref<16xi32, #tpu.memory_space<vmem>>
        %dma_start3A_190 = arith.constant 0 : i32
        %dma_start3A_191 = arith.constant 0 : i32
        %dma_start3A_192 = tpu.memref_slice %arg4[%dma_start3A_190, %dma_start3A_191] : memref<100000x1024xf32, #tpu.memory_space<hbm>> -> memref<100000x1024xf32, #tpu.memory_space<hbm>>
        tpu.enqueue_indirect_dma source(%dma_start3A_192 : memref<100000x1024xf32, #tpu.memory_space<hbm>>) target(%arg12 : memref<16x1024xf32, #tpu.memory_space<vmem>>) offsets(%dma_start3A_189 : memref<16xi32, #tpu.memory_space<vmem>>) semaphore(%arg18 : memref<!tpu.dma_semaphore, #tpu.memory_space<semaphore_mem>>)
        %dma_start3A_193 = tpu.memref_slice %arg8[%multiple_of3A_188] : memref<1024xi32, #tpu.memory_space<vmem>> -> memref<16xi32, #tpu.memory_space<vmem>>
        %dma_start3A_194 = arith.constant 0 : i32
        %dma_start3A_195 = arith.constant 0 : i32
        %dma_start3A_196 = tpu.memref_slice %arg5[%dma_start3A_194, %dma_start3A_195] : memref<8192x1024xf32, #tpu.memory_space<hbm>> -> memref<8192x1024xf32, #tpu.memory_space<hbm>>
        tpu.enqueue_indirect_dma source(%dma_start3A_196 : memref<8192x1024xf32, #tpu.memory_space<hbm>>) target(%arg14 : memref<16x1024xf32, #tpu.memory_space<vmem>>) offsets(%dma_start3A_193 : memref<16xi32, #tpu.memory_space<vmem>>) semaphore(%arg24 : memref<!tpu.dma_semaphore, #tpu.memory_space<semaphore_mem>>)
      } else {
      }
      %add3A_108 = arith.constant 2 : i32
      %add3A_109 = arith.addi %mul3A_35, %add3A_108 : i32
      %dma_wait3A_110 = arith.constant 0 : i32
      %dma_wait3A_111 = tpu.memref_slice %arg7[%dma_wait3A_110] : memref<1024xi32, #tpu.memory_space<vmem>> -> memref<16xi32, #tpu.memory_space<vmem>>
      %dma_wait3A_112 = arith.constant 0 : i32
      %dma_wait3A_113 = arith.constant 0 : i32
      %dma_wait3A_114 = tpu.memref_slice %arg4[%dma_wait3A_112, %dma_wait3A_113] : memref<100000x1024xf32, #tpu.memory_space<hbm>> -> memref<100000x1024xf32, #tpu.memory_space<hbm>>
      tpu.wait_indirect_dma semaphore(%arg17 : memref<!tpu.dma_semaphore, #tpu.memory_space<semaphore_mem>>) src(%dma_wait3A_114 : memref<100000x1024xf32, #tpu.memory_space<hbm>>) dst(%arg11 : memref<16x1024xf32, #tpu.memory_space<vmem>>)
      %dma_wait3A_115 = arith.constant 0 : i32
      %dma_wait3A_116 = tpu.memref_slice %arg8[%dma_wait3A_115] : memref<1024xi32, #tpu.memory_space<vmem>> -> memref<16xi32, #tpu.memory_space<vmem>>
      %dma_wait3A_117 = arith.constant 0 : i32
      %dma_wait3A_118 = arith.constant 0 : i32
      %dma_wait3A_119 = tpu.memref_slice %arg5[%dma_wait3A_117, %dma_wait3A_118] : memref<8192x1024xf32, #tpu.memory_space<hbm>> -> memref<8192x1024xf32, #tpu.memory_space<hbm>>
      tpu.wait_indirect_dma semaphore(%arg23 : memref<!tpu.dma_semaphore, #tpu.memory_space<semaphore_mem>>) src(%dma_wait3A_119 : memref<8192x1024xf32, #tpu.memory_space<hbm>>) dst(%arg13 : memref<16x1024xf32, #tpu.memory_space<vmem>>)
      %scan3A_120 = arith.constant 0 : i32
      %scan3A_121 = arith.constant 0 : i32
      %scan3A_122 = arith.constant 16 : i32
      %scan3A_123 = arith.addi %scan3A_121, %scan3A_122 : i32
      %scan3A_124 = arith.constant 1 : i32
      scf.for %scan3A_184 = %scan3A_121 to %scan3A_123 step %scan3A_124  : i32 {
        %get3A = arith.index_cast %scan3A_184 : i32 to index
        %get3A_185 = arith.constant 0 : index
        %get3A_186 = tpu.vector_load %arg13[%get3A, %get3A_185] {strides = array<i32>} : memref<16x1024xf32, #tpu.memory_space<vmem>>, vector<1x16xf32>,
        %get3A_187 = vector.shape_cast %get3A_186 : vector<1x16xf32> to vector<16xf32>
        %swap3A = arith.index_cast %scan3A_184 : i32 to index
        %swap3A_188 = arith.constant 0 : index
        %swap3A_189 = tpu.vector_load %arg11[%swap3A, %swap3A_188] {strides = array<i32>} : memref<16x1024xf32, #tpu.memory_space<vmem>>, vector<1x16xf32>,
        %swap3A_190 = vector.shape_cast %swap3A_189 : vector<1x16xf32> to vector<16xf32>
        %swap3A_191 = vector.shape_cast %get3A_187 : vector<16xf32> to vector<1x16xf32>
        tpu.vector_store %arg11[%swap3A, %swap3A_188], %swap3A_191 {add = true, strides = array<i32>} : memref<16x1024xf32, #tpu.memory_space<vmem>>, vector<1x16xf32>,
        %get3A_192 = arith.index_cast %scan3A_184 : i32 to index
        %get3A_193 = arith.constant 16 : index
        %get3A_194 = tpu.vector_load %arg13[%get3A_192, %get3A_193] {strides = array<i32>} : memref<16x1024xf32, #tpu.memory_space<vmem>>, vector<1x16xf32>,
        %get3A_195 = vector.shape_cast %get3A_194 : vector<1x16xf32> to vector<16xf32>
        %swap3A_196 = arith.index_cast %scan3A_184 : i32 to index
        %swap3A_197 = arith.constant 16 : index
        %swap3A_198 = tpu.vector_load %arg11[%swap3A_196, %swap3A_197] {strides = array<i32>} : memref<16x1024xf32, #tpu.memory_space<vmem>>, vector<1x16xf32>,
        %swap3A_199 = vector.shape_cast %swap3A_198 : vector<1x16xf32> to vector<16xf32>
        %swap3A_200 = vector.shape_cast %get3A_195 : vector<16xf32> to vector<1x16xf32>
        tpu.vector_store %arg11[%swap3A_196, %swap3A_197], %swap3A_200 {add = true, strides = array<i32>} : memref<16x1024xf32, #tpu.memory_space<vmem>>, vector<1x16xf32>,
        %get3A_201 = arith.index_cast %scan3A_184 : i32 to index
        %get3A_202 = arith.constant 32 : index
        %get3A_203 = tpu.vector_load %arg13[%get3A_201, %get3A_202] {strides = array<i32>} : memref<16x1024xf32, #tpu.memory_space<vmem>>, vector<1x16xf32>,
        %get3A_204 = vector.shape_cast %get3A_203 : vector<1x16xf32> to vector<16xf32>
        %swap3A_205 = arith.index_cast %scan3A_184 : i32 to index
        %swap3A_206 = arith.constant 32 : index
        %swap3A_207 = tpu.vector_load %arg11[%swap3A_205, %swap3A_206] {strides = array<i32>} : memref<16x1024xf32, #tpu.memory_space<vmem>>, vector<1x16xf32>,
        %swap3A_208 = vector.shape_cast %swap3A_207 : vector<1x16xf32> to vector<16xf32>
        %swap3A_209 = vector.shape_cast %get3A_204 : vector<16xf32> to vector<1x16xf32>
        tpu.vector_store %arg11[%swap3A_205, %swap3A_206], %swap3A_209 {add = true, strides = array<i32>} : memref<16x1024xf32, #tpu.memory_space<vmem>>, vector<1x16xf32>,
        %get3A_210 = arith.index_cast %scan3A_184 : i32 to index
        %get3A_211 = arith.constant 48 : index
        %get3A_212 = tpu.vector_load %arg13[%get3A_210, %get3A_211] {strides = array<i32>} : memref<16x1024xf32, #tpu.memory_space<vmem>>, vector<1x16xf32>,
        %get3A_213 = vector.shape_cast %get3A_212 : vector<1x16xf32> to vector<16xf32>
        %swap3A_214 = arith.index_cast %scan3A_184 : i32 to index
        %swap3A_215 = arith.constant 48 : index
        %swap3A_216 = tpu.vector_load %arg11[%swap3A_214, %swap3A_215] {strides = array<i32>} : memref<16x1024xf32, #tpu.memory_space<vmem>>, vector<1x16xf32>,
        %swap3A_217 = vector.shape_cast %swap3A_216 : vector<1x16xf32> to vector<16xf32>
        %swap3A_218 = vector.shape_cast %get3A_213 : vector<16xf32> to vector<1x16xf32>
        tpu.vector_store %arg11[%swap3A_214, %swap3A_215], %swap3A_218 {add = true, strides = array<i32>} : memref<16x1024xf32, #tpu.memory_space<vmem>>, vector<1x16xf32>,
        %get3A_219 = arith.index_cast %scan3A_184 : i32 to index
        %get3A_220 = arith.constant 64 : index
        %get3A_221 = tpu.vector_load %arg13[%get3A_219, %get3A_220] {strides = array<i32>} : memref<16x1024xf32, #tpu.memory_space<vmem>>, vector<1x16xf32>,
        %get3A_222 = vector.shape_cast %get3A_221 : vector<1x16xf32> to vector<16xf32>
        %swap3A_223 = arith.index_cast %scan3A_184 : i32 to index
        %swap3A_224 = arith.constant 64 : index
        %swap3A_225 = tpu.vector_load %arg11[%swap3A_223, %swap3A_224] {strides = array<i32>} : memref<16x1024xf32, #tpu.memory_space<vmem>>, vector<1x16xf32>,
        %swap3A_226 = vector.shape_cast %swap3A_225 : vector<1x16xf32> to vector<16xf32>
        %swap3A_227 = vector.shape_cast %get3A_222 : vector<16xf32> to vector<1x16xf32>
        tpu.vector_store %arg11[%swap3A_223, %swap3A_224], %swap3A_227 {add = true, strides = array<i32>} : memref<16x1024xf32, #tpu.memory_space<vmem>>, vector<1x16xf32>,
        %get3A_228 = arith.index_cast %scan3A_184 : i32 to index
        %get3A_229 = arith.constant 80 : index
        %get3A_230 = tpu.vector_load %arg13[%get3A_228, %get3A_229] {strides = array<i32>} : memref<16x1024xf32, #tpu.memory_space<vmem>>, vector<1x16xf32>,
        %get3A_231 = vector.shape_cast %get3A_230 : vector<1x16xf32> to vector<16xf32>
        %swap3A_232 = arith.index_cast %scan3A_184 : i32 to index
        %swap3A_233 = arith.constant 80 : index
        %swap3A_234 = tpu.vector_load %arg11[%swap3A_232, %swap3A_233] {strides = array<i32>} : memref<16x1024xf32, #tpu.memory_space<vmem>>, vector<1x16xf32>,
        %swap3A_235 = vector.shape_cast %swap3A_234 : vector<1x16xf32> to vector<16xf32>
        %swap3A_236 = vector.shape_cast %get3A_231 : vector<16xf32> to vector<1x16xf32>
        tpu.vector_store %arg11[%swap3A_232, %swap3A_233], %swap3A_236 {add = true, strides = array<i32>} : memref<16x1024xf32, #tpu.memory_space<vmem>>, vector<1x16xf32>,
        %get3A_237 = arith.index_cast %scan3A_184 : i32 to index
        %get3A_238 = arith.constant 96 : index
        %get3A_239 = tpu.vector_load %arg13[%get3A_237, %get3A_238] {strides = array<i32>} : memref<16x1024xf32, #tpu.memory_space<vmem>>, vector<1x16xf32>,
        %get3A_240 = vector.shape_cast %get3A_239 : vector<1x16xf32> to vector<16xf32>
        %swap3A_241 = arith.index_cast %scan3A_184 : i32 to index
        %swap3A_242 = arith.constant 96 : index
        %swap3A_243 = tpu.vector_load %arg11[%swap3A_241, %swap3A_242] {strides = array<i32>} : memref<16x1024xf32, #tpu.memory_space<vmem>>, vector<1x16xf32>,
        %swap3A_244 = vector.shape_cast %swap3A_243 : vector<1x16xf32> to vector<16xf32>
        %swap3A_245 = vector.shape_cast %get3A_240 : vector<16xf32> to vector<1x16xf32>
        tpu.vector_store %arg11[%swap3A_241, %swap3A_242], %swap3A_245 {add = true, strides = array<i32>} : memref<16x1024xf32, #tpu.memory_space<vmem>>, vector<1x16xf32>,
        %get3A_246 = arith.index_cast %scan3A_184 : i32 to index
        %get3A_247 = arith.constant 112 : index
        %get3A_248 = tpu.vector_load %arg13[%get3A_246, %get3A_247] {strides = array<i32>} : memref<16x1024xf32, #tpu.memory_space<vmem>>, vector<1x16xf32>,
        %get3A_249 = vector.shape_cast %get3A_248 : vector<1x16xf32> to vector<16xf32>
        %swap3A_250 = arith.index_cast %scan3A_184 : i32 to index
        %swap3A_251 = arith.constant 112 : index
        %swap3A_252 = tpu.vector_load %arg11[%swap3A_250, %swap3A_251] {strides = array<i32>} : memref<16x1024xf32, #tpu.memory_space<vmem>>, vector<1x16xf32>,
        %swap3A_253 = vector.shape_cast %swap3A_252 : vector<1x16xf32> to vector<16xf32>
        %swap3A_254 = vector.shape_cast %get3A_249 : vector<16xf32> to vector<1x16xf32>
        tpu.vector_store %arg11[%swap3A_250, %swap3A_251], %swap3A_254 {add = true, strides = array<i32>} : memref<16x1024xf32, #tpu.memory_space<vmem>>, vector<1x16xf32>,
        %get3A_255 = arith.index_cast %scan3A_184 : i32 to index
        %get3A_256 = arith.constant 128 : index
        %get3A_257 = tpu.vector_load %arg13[%get3A_255, %get3A_256] {strides = array<i32>} : memref<16x1024xf32, #tpu.memory_space<vmem>>, vector<1x16xf32>,
        %get3A_258 = vector.shape_cast %get3A_257 : vector<1x16xf32> to vector<16xf32>
        %swap3A_259 = arith.index_cast %scan3A_184 : i32 to index
        %swap3A_260 = arith.constant 128 : index
        %swap3A_261 = tpu.vector_load %arg11[%swap3A_259, %swap3A_260] {strides = array<i32>} : memref<16x1024xf32, #tpu.memory_space<vmem>>, vector<1x16xf32>,
        %swap3A_262 = vector.shape_cast %swap3A_261 : vector<1x16xf32> to vector<16xf32>
        %swap3A_263 = vector.shape_cast %get3A_258 : vector<16xf32> to vector<1x16xf32>
        tpu.vector_store %arg11[%swap3A_259, %swap3A_260], %swap3A_263 {add = true, strides = array<i32>} : memref<16x1024xf32, #tpu.memory_space<vmem>>, vector<1x16xf32>,
        %get3A_264 = arith.index_cast %scan3A_184 : i32 to index
        %get3A_265 = arith.constant 144 : index
        %get3A_266 = tpu.vector_load %arg13[%get3A_264, %get3A_265] {strides = array<i32>} : memref<16x1024xf32, #tpu.memory_space<vmem>>, vector<1x16xf32>,
        %get3A_267 = vector.shape_cast %get3A_266 : vector<1x16xf32> to vector<16xf32>
        %swap3A_268 = arith.index_cast %scan3A_184 : i32 to index
        %swap3A_269 = arith.constant 144 : index
        %swap3A_270 = tpu.vector_load %arg11[%swap3A_268, %swap3A_269] {strides = array<i32>} : memref<16x1024xf32, #tpu.memory_space<vmem>>, vector<1x16xf32>,
        %swap3A_271 = vector.shape_cast %swap3A_270 : vector<1x16xf32> to vector<16xf32>
        %swap3A_272 = vector.shape_cast %get3A_267 : vector<16xf32> to vector<1x16xf32>
        tpu.vector_store %arg11[%swap3A_268, %swap3A_269], %swap3A_272 {add = true, strides = array<i32>} : memref<16x1024xf32, #tpu.memory_space<vmem>>, vector<1x16xf32>,
        %get3A_273 = arith.index_cast %scan3A_184 : i32 to index
        %get3A_274 = arith.constant 160 : index
        %get3A_275 = tpu.vector_load %arg13[%get3A_273, %get3A_274] {strides = array<i32>} : memref<16x1024xf32, #tpu.memory_space<vmem>>, vector<1x16xf32>,
        %get3A_276 = vector.shape_cast %get3A_275 : vector<1x16xf32> to vector<16xf32>
        %swap3A_277 = arith.index_cast %scan3A_184 : i32 to index
        %swap3A_278 = arith.constant 160 : index
        %swap3A_279 = tpu.vector_load %arg11[%swap3A_277, %swap3A_278] {strides = array<i32>} : memref<16x1024xf32, #tpu.memory_space<vmem>>, vector<1x16xf32>,
        %swap3A_280 = vector.shape_cast %swap3A_279 : vector<1x16xf32> to vector<16xf32>
        %swap3A_281 = vector.shape_cast %get3A_276 : vector<16xf32> to vector<1x16xf32>
        tpu.vector_store %arg11[%swap3A_277, %swap3A_278], %swap3A_281 {add = true, strides = array<i32>} : memref<16x1024xf32, #tpu.memory_space<vmem>>, vector<1x16xf32>,
        %get3A_282 = arith.index_cast %scan3A_184 : i32 to index
        %get3A_283 = arith.constant 176 : index
        %get3A_284 = tpu.vector_load %arg13[%get3A_282, %get3A_283] {strides = array<i32>} : memref<16x1024xf32, #tpu.memory_space<vmem>>, vector<1x16xf32>,
        %get3A_285 = vector.shape_cast %get3A_284 : vector<1x16xf32> to vector<16xf32>
        %swap3A_286 = arith.index_cast %scan3A_184 : i32 to index
        %swap3A_287 = arith.constant 176 : index
        %swap3A_288 = tpu.vector_load %arg11[%swap3A_286, %swap3A_287] {strides = array<i32>} : memref<16x1024xf32, #tpu.memory_space<vmem>>, vector<1x16xf32>,
        %swap3A_289 = vector.shape_cast %swap3A_288 : vector<1x16xf32> to vector<16xf32>
        %swap3A_290 = vector.shape_cast %get3A_285 : vector<16xf32> to vector<1x16xf32>
        tpu.vector_store %arg11[%swap3A_286, %swap3A_287], %swap3A_290 {add = true, strides = array<i32>} : memref<16x1024xf32, #tpu.memory_space<vmem>>, vector<1x16xf32>,
        %get3A_291 = arith.index_cast %scan3A_184 : i32 to index
        %get3A_292 = arith.constant 192 : index
        %get3A_293 = tpu.vector_load %arg13[%get3A_291, %get3A_292] {strides = array<i32>} : memref<16x1024xf32, #tpu.memory_space<vmem>>, vector<1x16xf32>,
        %get3A_294 = vector.shape_cast %get3A_293 : vector<1x16xf32> to vector<16xf32>
        %swap3A_295 = arith.index_cast %scan3A_184 : i32 to index
        %swap3A_296 = arith.constant 192 : index
        %swap3A_297 = tpu.vector_load %arg11[%swap3A_295, %swap3A_296] {strides = array<i32>} : memref<16x1024xf32, #tpu.memory_space<vmem>>, vector<1x16xf32>,
        %swap3A_298 = vector.shape_cast %swap3A_297 : vector<1x16xf32> to vector<16xf32>
        %swap3A_299 = vector.shape_cast %get3A_294 : vector<16xf32> to vector<1x16xf32>
        tpu.vector_store %arg11[%swap3A_295, %swap3A_296], %swap3A_299 {add = true, strides = array<i32>} : memref<16x1024xf32, #tpu.memory_space<vmem>>, vector<1x16xf32>,
        %get3A_300 = arith.index_cast %scan3A_184 : i32 to index
        %get3A_301 = arith.constant 208 : index
        %get3A_302 = tpu.vector_load %arg13[%get3A_300, %get3A_301] {strides = array<i32>} : memref<16x1024xf32, #tpu.memory_space<vmem>>, vector<1x16xf32>,
        %get3A_303 = vector.shape_cast %get3A_302 : vector<1x16xf32> to vector<16xf32>
        %swap3A_304 = arith.index_cast %scan3A_184 : i32 to index
        %swap3A_305 = arith.constant 208 : index
        %swap3A_306 = tpu.vector_load %arg11[%swap3A_304, %swap3A_305] {strides = array<i32>} : memref<16x1024xf32, #tpu.memory_space<vmem>>, vector<1x16xf32>,
        %swap3A_307 = vector.shape_cast %swap3A_306 : vector<1x16xf32> to vector<16xf32>
        %swap3A_308 = vector.shape_cast %get3A_303 : vector<16xf32> to vector<1x16xf32>
        tpu.vector_store %arg11[%swap3A_304, %swap3A_305], %swap3A_308 {add = true, strides = array<i32>} : memref<16x1024xf32, #tpu.memory_space<vmem>>, vector<1x16xf32>,
        %get3A_309 = arith.index_cast %scan3A_184 : i32 to index
        %get3A_310 = arith.constant 224 : index
        %get3A_311 = tpu.vector_load %arg13[%get3A_309, %get3A_310] {strides = array<i32>} : memref<16x1024xf32, #tpu.memory_space<vmem>>, vector<1x16xf32>,
        %get3A_312 = vector.shape_cast %get3A_311 : vector<1x16xf32> to vector<16xf32>
        %swap3A_313 = arith.index_cast %scan3A_184 : i32 to index
        %swap3A_314 = arith.constant 224 : index
        %swap3A_315 = tpu.vector_load %arg11[%swap3A_313, %swap3A_314] {strides = array<i32>} : memref<16x1024xf32, #tpu.memory_space<vmem>>, vector<1x16xf32>,
        %swap3A_316 = vector.shape_cast %swap3A_315 : vector<1x16xf32> to vector<16xf32>
        %swap3A_317 = vector.shape_cast %get3A_312 : vector<16xf32> to vector<1x16xf32>
        tpu.vector_store %arg11[%swap3A_313, %swap3A_314], %swap3A_317 {add = true, strides = array<i32>} : memref<16x1024xf32, #tpu.memory_space<vmem>>, vector<1x16xf32>,
        %get3A_318 = arith.index_cast %scan3A_184 : i32 to index
        %get3A_319 = arith.constant 240 : index
        %get3A_320 = tpu.vector_load %arg13[%get3A_318, %get3A_319] {strides = array<i32>} : memref<16x1024xf32, #tpu.memory_space<vmem>>, vector<1x16xf32>,
        %get3A_321 = vector.shape_cast %get3A_320 : vector<1x16xf32> to vector<16xf32>
        %swap3A_322 = arith.index_cast %scan3A_184 : i32 to index
        %swap3A_323 = arith.constant 240 : index
        %swap3A_324 = tpu.vector_load %arg11[%swap3A_322, %swap3A_323] {strides = array<i32>} : memref<16x1024xf32, #tpu.memory_space<vmem>>, vector<1x16xf32>,
        %swap3A_325 = vector.shape_cast %swap3A_324 : vector<1x16xf32> to vector<16xf32>
        %swap3A_326 = vector.shape_cast %get3A_321 : vector<16xf32> to vector<1x16xf32>
        tpu.vector_store %arg11[%swap3A_322, %swap3A_323], %swap3A_326 {add = true, strides = array<i32>} : memref<16x1024xf32, #tpu.memory_space<vmem>>, vector<1x16xf32>,
        %get3A_327 = arith.index_cast %scan3A_184 : i32 to index
        %get3A_328 = arith.constant 256 : index
        %get3A_329 = tpu.vector_load %arg13[%get3A_327, %get3A_328] {strides = array<i32>} : memref<16x1024xf32, #tpu.memory_space<vmem>>, vector<1x16xf32>,
        %get3A_330 = vector.shape_cast %get3A_329 : vector<1x16xf32> to vector<16xf32>
        %swap3A_331 = arith.index_cast %scan3A_184 : i32 to index
        %swap3A_332 = arith.constant 256 : index
        %swap3A_333 = tpu.vector_load %arg11[%swap3A_331, %swap3A_332] {strides = array<i32>} : memref<16x1024xf32, #tpu.memory_space<vmem>>, vector<1x16xf32>,
        %swap3A_334 = vector.shape_cast %swap3A_333 : vector<1x16xf32> to vector<16xf32>
        %swap3A_335 = vector.shape_cast %get3A_330 : vector<16xf32> to vector<1x16xf32>
        tpu.vector_store %arg11[%swap3A_331, %swap3A_332], %swap3A_335 {add = true, strides = array<i32>} : memref<16x1024xf32, #tpu.memory_space<vmem>>, vector<1x16xf32>,
        %get3A_336 = arith.index_cast %scan3A_184 : i32 to index
        %get3A_337 = arith.constant 272 : index
        %get3A_338 = tpu.vector_load %arg13[%get3A_336, %get3A_337] {strides = array<i32>} : memref<16x1024xf32, #tpu.memory_space<vmem>>, vector<1x16xf32>,
        %get3A_339 = vector.shape_cast %get3A_338 : vector<1x16xf32> to vector<16xf32>
        %swap3A_340 = arith.index_cast %scan3A_184 : i32 to index
        %swap3A_341 = arith.constant 272 : index
        %swap3A_342 = tpu.vector_load %arg11[%swap3A_340, %swap3A_341] {strides = array<i32>} : memref<16x1024xf32, #tpu.memory_space<vmem>>, vector<1x16xf32>,
        %swap3A_343 = vector.shape_cast %swap3A_342 : vector<1x16xf32> to vector<16xf32>
        %swap3A_344 = vector.shape_cast %get3A_339 : vector<16xf32> to vector<1x16xf32>
        tpu.vector_store %arg11[%swap3A_340, %swap3A_341], %swap3A_344 {add = true, strides = array<i32>} : memref<16x1024xf32, #tpu.memory_space<vmem>>, vector<1x16xf32>,
        %get3A_345 = arith.index_cast %scan3A_184 : i32 to index
        %get3A_346 = arith.constant 288 : index
        %get3A_347 = tpu.vector_load %arg13[%get3A_345, %get3A_346] {strides = array<i32>} : memref<16x1024xf32, #tpu.memory_space<vmem>>, vector<1x16xf32>,
        %get3A_348 = vector.shape_cast %get3A_347 : vector<1x16xf32> to vector<16xf32>
        %swap3A_349 = arith.index_cast %scan3A_184 : i32 to index
        %swap3A_350 = arith.constant 288 : index
        %swap3A_351 = tpu.vector_load %arg11[%swap3A_349, %swap3A_350] {strides = array<i32>} : memref<16x1024xf32, #tpu.memory_space<vmem>>, vector<1x16xf32>,
        %swap3A_352 = vector.shape_cast %swap3A_351 : vector<1x16xf32> to vector<16xf32>
        %swap3A_353 = vector.shape_cast %get3A_348 : vector<16xf32> to vector<1x16xf32>
        tpu.vector_store %arg11[%swap3A_349, %swap3A_350], %swap3A_353 {add = true, strides = array<i32>} : memref<16x1024xf32, #tpu.memory_space<vmem>>, vector<1x16xf32>,
        %get3A_354 = arith.index_cast %scan3A_184 : i32 to index
        %get3A_355 = arith.constant 304 : index
        %get3A_356 = tpu.vector_load %arg13[%get3A_354, %get3A_355] {strides = array<i32>} : memref<16x1024xf32, #tpu.memory_space<vmem>>, vector<1x16xf32>,
        %get3A_357 = vector.shape_cast %get3A_356 : vector<1x16xf32> to vector<16xf32>
        %swap3A_358 = arith.index_cast %scan3A_184 : i32 to index
        %swap3A_359 = arith.constant 304 : index
        %swap3A_360 = tpu.vector_load %arg11[%swap3A_358, %swap3A_359] {strides = array<i32>} : memref<16x1024xf32, #tpu.memory_space<vmem>>, vector<1x16xf32>,
        %swap3A_361 = vector.shape_cast %swap3A_360 : vector<1x16xf32> to vector<16xf32>
        %swap3A_362 = vector.shape_cast %get3A_357 : vector<16xf32> to vector<1x16xf32>
        tpu.vector_store %arg11[%swap3A_358, %swap3A_359], %swap3A_362 {add = true, strides = array<i32>} : memref<16x1024xf32, #tpu.memory_space<vmem>>, vector<1x16xf32>,
        %get3A_363 = arith.index_cast %scan3A_184 : i32 to index
        %get3A_364 = arith.constant 320 : index
        %get3A_365 = tpu.vector_load %arg13[%get3A_363, %get3A_364] {strides = array<i32>} : memref<16x1024xf32, #tpu.memory_space<vmem>>, vector<1x16xf32>,
        %get3A_366 = vector.shape_cast %get3A_365 : vector<1x16xf32> to vector<16xf32>
        %swap3A_367 = arith.index_cast %scan3A_184 : i32 to index
        %swap3A_368 = arith.constant 320 : index
        %swap3A_369 = tpu.vector_load %arg11[%swap3A_367, %swap3A_368] {strides = array<i32>} : memref<16x1024xf32, #tpu.memory_space<vmem>>, vector<1x16xf32>,
        %swap3A_370 = vector.shape_cast %swap3A_369 : vector<1x16xf32> to vector<16xf32>
        %swap3A_371 = vector.shape_cast %get3A_366 : vector<16xf32> to vector<1x16xf32>
        tpu.vector_store %arg11[%swap3A_367, %swap3A_368], %swap3A_371 {add = true, strides = array<i32>} : memref<16x1024xf32, #tpu.memory_space<vmem>>, vector<1x16xf32>,
        %get3A_372 = arith.index_cast %scan3A_184 : i32 to index
        %get3A_373 = arith.constant 336 : index
        %get3A_374 = tpu.vector_load %arg13[%get3A_372, %get3A_373] {strides = array<i32>} : memref<16x1024xf32, #tpu.memory_space<vmem>>, vector<1x16xf32>,
        %get3A_375 = vector.shape_cast %get3A_374 : vector<1x16xf32> to vector<16xf32>
        %swap3A_376 = arith.index_cast %scan3A_184 : i32 to index
        %swap3A_377 = arith.constant 336 : index
        %swap3A_378 = tpu.vector_load %arg11[%swap3A_376, %swap3A_377] {strides = array<i32>} : memref<16x1024xf32, #tpu.memory_space<vmem>>, vector<1x16xf32>,
        %swap3A_379 = vector.shape_cast %swap3A_378 : vector<1x16xf32> to vector<16xf32>
        %swap3A_380 = vector.shape_cast %get3A_375 : vector<16xf32> to vector<1x16xf32>
        tpu.vector_store %arg11[%swap3A_376, %swap3A_377], %swap3A_380 {add = true, strides = array<i32>} : memref<16x1024xf32, #tpu.memory_space<vmem>>, vector<1x16xf32>,
        %get3A_381 = arith.index_cast %scan3A_184 : i32 to index
        %get3A_382 = arith.constant 352 : index
        %get3A_383 = tpu.vector_load %arg13[%get3A_381, %get3A_382] {strides = array<i32>} : memref<16x1024xf32, #tpu.memory_space<vmem>>, vector<1x16xf32>,
        %get3A_384 = vector.shape_cast %get3A_383 : vector<1x16xf32> to vector<16xf32>
        %swap3A_385 = arith.index_cast %scan3A_184 : i32 to index
        %swap3A_386 = arith.constant 352 : index
        %swap3A_387 = tpu.vector_load %arg11[%swap3A_385, %swap3A_386] {strides = array<i32>} : memref<16x1024xf32, #tpu.memory_space<vmem>>, vector<1x16xf32>,
        %swap3A_388 = vector.shape_cast %swap3A_387 : vector<1x16xf32> to vector<16xf32>
        %swap3A_389 = vector.shape_cast %get3A_384 : vector<16xf32> to vector<1x16xf32>
        tpu.vector_store %arg11[%swap3A_385, %swap3A_386], %swap3A_389 {add = true, strides = array<i32>} : memref<16x1024xf32, #tpu.memory_space<vmem>>, vector<1x16xf32>,
        %get3A_390 = arith.index_cast %scan3A_184 : i32 to index
        %get3A_391 = arith.constant 368 : index
        %get3A_392 = tpu.vector_load %arg13[%get3A_390, %get3A_391] {strides = array<i32>} : memref<16x1024xf32, #tpu.memory_space<vmem>>, vector<1x16xf32>,
        %get3A_393 = vector.shape_cast %get3A_392 : vector<1x16xf32> to vector<16xf32>
        %swap3A_394 = arith.index_cast %scan3A_184 : i32 to index
        %swap3A_395 = arith.constant 368 : index
        %swap3A_396 = tpu.vector_load %arg11[%swap3A_394, %swap3A_395] {strides = array<i32>} : memref<16x1024xf32, #tpu.memory_space<vmem>>, vector<1x16xf32>,
        %swap3A_397 = vector.shape_cast %swap3A_396 : vector<1x16xf32> to vector<16xf32>
        %swap3A_398 = vector.shape_cast %get3A_393 : vector<16xf32> to vector<1x16xf32>
        tpu.vector_store %arg11[%swap3A_394, %swap3A_395], %swap3A_398 {add = true, strides = array<i32>} : memref<16x1024xf32, #tpu.memory_space<vmem>>, vector<1x16xf32>,
        %get3A_399 = arith.index_cast %scan3A_184 : i32 to index
        %get3A_400 = arith.constant 384 : index
        %get3A_401 = tpu.vector_load %arg13[%get3A_399, %get3A_400] {strides = array<i32>} : memref<16x1024xf32, #tpu.memory_space<vmem>>, vector<1x16xf32>,
        %get3A_402 = vector.shape_cast %get3A_401 : vector<1x16xf32> to vector<16xf32>
        %swap3A_403 = arith.index_cast %scan3A_184 : i32 to index
        %swap3A_404 = arith.constant 384 : index
        %swap3A_405 = tpu.vector_load %arg11[%swap3A_403, %swap3A_404] {strides = array<i32>} : memref<16x1024xf32, #tpu.memory_space<vmem>>, vector<1x16xf32>,
        %swap3A_406 = vector.shape_cast %swap3A_405 : vector<1x16xf32> to vector<16xf32>
        %swap3A_407 = vector.shape_cast %get3A_402 : vector<16xf32> to vector<1x16xf32>
        tpu.vector_store %arg11[%swap3A_403, %swap3A_404], %swap3A_407 {add = true, strides = array<i32>} : memref<16x1024xf32, #tpu.memory_space<vmem>>, vector<1x16xf32>,
        %get3A_408 = arith.index_cast %scan3A_184 : i32 to index
        %get3A_409 = arith.constant 400 : index
        %get3A_410 = tpu.vector_load %arg13[%get3A_408, %get3A_409] {strides = array<i32>} : memref<16x1024xf32, #tpu.memory_space<vmem>>, vector<1x16xf32>,
        %get3A_411 = vector.shape_cast %get3A_410 : vector<1x16xf32> to vector<16xf32>
        %swap3A_412 = arith.index_cast %scan3A_184 : i32 to index
        %swap3A_413 = arith.constant 400 : index
        %swap3A_414 = tpu.vector_load %arg11[%swap3A_412, %swap3A_413] {strides = array<i32>} : memref<16x1024xf32, #tpu.memory_space<vmem>>, vector<1x16xf32>,
        %swap3A_415 = vector.shape_cast %swap3A_414 : vector<1x16xf32> to vector<16xf32>
        %swap3A_416 = vector.shape_cast %get3A_411 : vector<16xf32> to vector<1x16xf32>
        tpu.vector_store %arg11[%swap3A_412, %swap3A_413], %swap3A_416 {add = true, strides = array<i32>} : memref<16x1024xf32, #tpu.memory_space<vmem>>, vector<1x16xf32>,
        %get3A_417 = arith.index_cast %scan3A_184 : i32 to index
        %get3A_418 = arith.constant 416 : index
        %get3A_419 = tpu.vector_load %arg13[%get3A_417, %get3A_418] {strides = array<i32>} : memref<16x1024xf32, #tpu.memory_space<vmem>>, vector<1x16xf32>,
        %get3A_420 = vector.shape_cast %get3A_419 : vector<1x16xf32> to vector<16xf32>
        %swap3A_421 = arith.index_cast %scan3A_184 : i32 to index
        %swap3A_422 = arith.constant 416 : index
        %swap3A_423 = tpu.vector_load %arg11[%swap3A_421, %swap3A_422] {strides = array<i32>} : memref<16x1024xf32, #tpu.memory_space<vmem>>, vector<1x16xf32>,
        %swap3A_424 = vector.shape_cast %swap3A_423 : vector<1x16xf32> to vector<16xf32>
        %swap3A_425 = vector.shape_cast %get3A_420 : vector<16xf32> to vector<1x16xf32>
        tpu.vector_store %arg11[%swap3A_421, %swap3A_422], %swap3A_425 {add = true, strides = array<i32>} : memref<16x1024xf32, #tpu.memory_space<vmem>>, vector<1x16xf32>,
        %get3A_426 = arith.index_cast %scan3A_184 : i32 to index
        %get3A_427 = arith.constant 432 : index
        %get3A_428 = tpu.vector_load %arg13[%get3A_426, %get3A_427] {strides = array<i32>} : memref<16x1024xf32, #tpu.memory_space<vmem>>, vector<1x16xf32>,
        %get3A_429 = vector.shape_cast %get3A_428 : vector<1x16xf32> to vector<16xf32>
        %swap3A_430 = arith.index_cast %scan3A_184 : i32 to index
        %swap3A_431 = arith.constant 432 : index
        %swap3A_432 = tpu.vector_load %arg11[%swap3A_430, %swap3A_431] {strides = array<i32>} : memref<16x1024xf32, #tpu.memory_space<vmem>>, vector<1x16xf32>,
        %swap3A_433 = vector.shape_cast %swap3A_432 : vector<1x16xf32> to vector<16xf32>
        %swap3A_434 = vector.shape_cast %get3A_429 : vector<16xf32> to vector<1x16xf32>
        tpu.vector_store %arg11[%swap3A_430, %swap3A_431], %swap3A_434 {add = true, strides = array<i32>} : memref<16x1024xf32, #tpu.memory_space<vmem>>, vector<1x16xf32>,
        %get3A_435 = arith.index_cast %scan3A_184 : i32 to index
        %get3A_436 = arith.constant 448 : index
        %get3A_437 = tpu.vector_load %arg13[%get3A_435, %get3A_436] {strides = array<i32>} : memref<16x1024xf32, #tpu.memory_space<vmem>>, vector<1x16xf32>,
        %get3A_438 = vector.shape_cast %get3A_437 : vector<1x16xf32> to vector<16xf32>
        %swap3A_439 = arith.index_cast %scan3A_184 : i32 to index
        %swap3A_440 = arith.constant 448 : index
        %swap3A_441 = tpu.vector_load %arg11[%swap3A_439, %swap3A_440] {strides = array<i32>} : memref<16x1024xf32, #tpu.memory_space<vmem>>, vector<1x16xf32>,
        %swap3A_442 = vector.shape_cast %swap3A_441 : vector<1x16xf32> to vector<16xf32>
        %swap3A_443 = vector.shape_cast %get3A_438 : vector<16xf32> to vector<1x16xf32>
        tpu.vector_store %arg11[%swap3A_439, %swap3A_440], %swap3A_443 {add = true, strides = array<i32>} : memref<16x1024xf32, #tpu.memory_space<vmem>>, vector<1x16xf32>,
        %get3A_444 = arith.index_cast %scan3A_184 : i32 to index
        %get3A_445 = arith.constant 464 : index
        %get3A_446 = tpu.vector_load %arg13[%get3A_444, %get3A_445] {strides = array<i32>} : memref<16x1024xf32, #tpu.memory_space<vmem>>, vector<1x16xf32>,
        %get3A_447 = vector.shape_cast %get3A_446 : vector<1x16xf32> to vector<16xf32>
        %swap3A_448 = arith.index_cast %scan3A_184 : i32 to index
        %swap3A_449 = arith.constant 464 : index
        %swap3A_450 = tpu.vector_load %arg11[%swap3A_448, %swap3A_449] {strides = array<i32>} : memref<16x1024xf32, #tpu.memory_space<vmem>>, vector<1x16xf32>,
        %swap3A_451 = vector.shape_cast %swap3A_450 : vector<1x16xf32> to vector<16xf32>
        %swap3A_452 = vector.shape_cast %get3A_447 : vector<16xf32> to vector<1x16xf32>
        tpu.vector_store %arg11[%swap3A_448, %swap3A_449], %swap3A_452 {add = true, strides = array<i32>} : memref<16x1024xf32, #tpu.memory_space<vmem>>, vector<1x16xf32>,
        %get3A_453 = arith.index_cast %scan3A_184 : i32 to index
        %get3A_454 = arith.constant 480 : index
        %get3A_455 = tpu.vector_load %arg13[%get3A_453, %get3A_454] {strides = array<i32>} : memref<16x1024xf32, #tpu.memory_space<vmem>>, vector<1x16xf32>,
        %get3A_456 = vector.shape_cast %get3A_455 : vector<1x16xf32> to vector<16xf32>
        %swap3A_457 = arith.index_cast %scan3A_184 : i32 to index
        %swap3A_458 = arith.constant 480 : index
        %swap3A_459 = tpu.vector_load %arg11[%swap3A_457, %swap3A_458] {strides = array<i32>} : memref<16x1024xf32, #tpu.memory_space<vmem>>, vector<1x16xf32>,
        %swap3A_460 = vector.shape_cast %swap3A_459 : vector<1x16xf32> to vector<16xf32>
        %swap3A_461 = vector.shape_cast %get3A_456 : vector<16xf32> to vector<1x16xf32>
        tpu.vector_store %arg11[%swap3A_457, %swap3A_458], %swap3A_461 {add = true, strides = array<i32>} : memref<16x1024xf32, #tpu.memory_space<vmem>>, vector<1x16xf32>,
        %get3A_462 = arith.index_cast %scan3A_184 : i32 to index
        %get3A_463 = arith.constant 496 : index
        %get3A_464 = tpu.vector_load %arg13[%get3A_462, %get3A_463] {strides = array<i32>} : memref<16x1024xf32, #tpu.memory_space<vmem>>, vector<1x16xf32>,
        %get3A_465 = vector.shape_cast %get3A_464 : vector<1x16xf32> to vector<16xf32>
        %swap3A_466 = arith.index_cast %scan3A_184 : i32 to index
        %swap3A_467 = arith.constant 496 : index
        %swap3A_468 = tpu.vector_load %arg11[%swap3A_466, %swap3A_467] {strides = array<i32>} : memref<16x1024xf32, #tpu.memory_space<vmem>>, vector<1x16xf32>,
        %swap3A_469 = vector.shape_cast %swap3A_468 : vector<1x16xf32> to vector<16xf32>
        %swap3A_470 = vector.shape_cast %get3A_465 : vector<16xf32> to vector<1x16xf32>
        tpu.vector_store %arg11[%swap3A_466, %swap3A_467], %swap3A_470 {add = true, strides = array<i32>} : memref<16x1024xf32, #tpu.memory_space<vmem>>, vector<1x16xf32>,
        %get3A_471 = arith.index_cast %scan3A_184 : i32 to index
        %get3A_472 = arith.constant 512 : index
        %get3A_473 = tpu.vector_load %arg13[%get3A_471, %get3A_472] {strides = array<i32>} : memref<16x1024xf32, #tpu.memory_space<vmem>>, vector<1x16xf32>,
        %get3A_474 = vector.shape_cast %get3A_473 : vector<1x16xf32> to vector<16xf32>
        %swap3A_475 = arith.index_cast %scan3A_184 : i32 to index
        %swap3A_476 = arith.constant 512 : index
        %swap3A_477 = tpu.vector_load %arg11[%swap3A_475, %swap3A_476] {strides = array<i32>} : memref<16x1024xf32, #tpu.memory_space<vmem>>, vector<1x16xf32>,
        %swap3A_478 = vector.shape_cast %swap3A_477 : vector<1x16xf32> to vector<16xf32>
        %swap3A_479 = vector.shape_cast %get3A_474 : vector<16xf32> to vector<1x16xf32>
        tpu.vector_store %arg11[%swap3A_475, %swap3A_476], %swap3A_479 {add = true, strides = array<i32>} : memref<16x1024xf32, #tpu.memory_space<vmem>>, vector<1x16xf32>,
        %get3A_480 = arith.index_cast %scan3A_184 : i32 to index
        %get3A_481 = arith.constant 528 : index
        %get3A_482 = tpu.vector_load %arg13[%get3A_480, %get3A_481] {strides = array<i32>} : memref<16x1024xf32, #tpu.memory_space<vmem>>, vector<1x16xf32>,
        %get3A_483 = vector.shape_cast %get3A_482 : vector<1x16xf32> to vector<16xf32>
        %swap3A_484 = arith.index_cast %scan3A_184 : i32 to index
        %swap3A_485 = arith.constant 528 : index
        %swap3A_486 = tpu.vector_load %arg11[%swap3A_484, %swap3A_485] {strides = array<i32>} : memref<16x1024xf32, #tpu.memory_space<vmem>>, vector<1x16xf32>,
        %swap3A_487 = vector.shape_cast %swap3A_486 : vector<1x16xf32> to vector<16xf32>
        %swap3A_488 = vector.shape_cast %get3A_483 : vector<16xf32> to vector<1x16xf32>
        tpu.vector_store %arg11[%swap3A_484, %swap3A_485], %swap3A_488 {add = true, strides = array<i32>} : memref<16x1024xf32, #tpu.memory_space<vmem>>, vector<1x16xf32>,
        %get3A_489 = arith.index_cast %scan3A_184 : i32 to index
        %get3A_490 = arith.constant 544 : index
        %get3A_491 = tpu.vector_load %arg13[%get3A_489, %get3A_490] {strides = array<i32>} : memref<16x1024xf32, #tpu.memory_space<vmem>>, vector<1x16xf32>,
        %get3A_492 = vector.shape_cast %get3A_491 : vector<1x16xf32> to vector<16xf32>
        %swap3A_493 = arith.index_cast %scan3A_184 : i32 to index
        %swap3A_494 = arith.constant 544 : index
        %swap3A_495 = tpu.vector_load %arg11[%swap3A_493, %swap3A_494] {strides = array<i32>} : memref<16x1024xf32, #tpu.memory_space<vmem>>, vector<1x16xf32>,
        %swap3A_496 = vector.shape_cast %swap3A_495 : vector<1x16xf32> to vector<16xf32>
        %swap3A_497 = vector.shape_cast %get3A_492 : vector<16xf32> to vector<1x16xf32>
        tpu.vector_store %arg11[%swap3A_493, %swap3A_494], %swap3A_497 {add = true, strides = array<i32>} : memref<16x1024xf32, #tpu.memory_space<vmem>>, vector<1x16xf32>,
        %get3A_498 = arith.index_cast %scan3A_184 : i32 to index
        %get3A_499 = arith.constant 560 : index
        %get3A_500 = tpu.vector_load %arg13[%get3A_498, %get3A_499] {strides = array<i32>} : memref<16x1024xf32, #tpu.memory_space<vmem>>, vector<1x16xf32>,
        %get3A_501 = vector.shape_cast %get3A_500 : vector<1x16xf32> to vector<16xf32>
        %swap3A_502 = arith.index_cast %scan3A_184 : i32 to index
        %swap3A_503 = arith.constant 560 : index
        %swap3A_504 = tpu.vector_load %arg11[%swap3A_502, %swap3A_503] {strides = array<i32>} : memref<16x1024xf32, #tpu.memory_space<vmem>>, vector<1x16xf32>,
        %swap3A_505 = vector.shape_cast %swap3A_504 : vector<1x16xf32> to vector<16xf32>
        %swap3A_506 = vector.shape_cast %get3A_501 : vector<16xf32> to vector<1x16xf32>
        tpu.vector_store %arg11[%swap3A_502, %swap3A_503], %swap3A_506 {add = true, strides = array<i32>} : memref<16x1024xf32, #tpu.memory_space<vmem>>, vector<1x16xf32>,
        %get3A_507 = arith.index_cast %scan3A_184 : i32 to index
        %get3A_508 = arith.constant 576 : index
        %get3A_509 = tpu.vector_load %arg13[%get3A_507, %get3A_508] {strides = array<i32>} : memref<16x1024xf32, #tpu.memory_space<vmem>>, vector<1x16xf32>,
        %get3A_510 = vector.shape_cast %get3A_509 : vector<1x16xf32> to vector<16xf32>
        %swap3A_511 = arith.index_cast %scan3A_184 : i32 to index
        %swap3A_512 = arith.constant 576 : index
        %swap3A_513 = tpu.vector_load %arg11[%swap3A_511, %swap3A_512] {strides = array<i32>} : memref<16x1024xf32, #tpu.memory_space<vmem>>, vector<1x16xf32>,
        %swap3A_514 = vector.shape_cast %swap3A_513 : vector<1x16xf32> to vector<16xf32>
        %swap3A_515 = vector.shape_cast %get3A_510 : vector<16xf32> to vector<1x16xf32>
        tpu.vector_store %arg11[%swap3A_511, %swap3A_512], %swap3A_515 {add = true, strides = array<i32>} : memref<16x1024xf32, #tpu.memory_space<vmem>>, vector<1x16xf32>,
        %get3A_516 = arith.index_cast %scan3A_184 : i32 to index
        %get3A_517 = arith.constant 592 : index
        %get3A_518 = tpu.vector_load %arg13[%get3A_516, %get3A_517] {strides = array<i32>} : memref<16x1024xf32, #tpu.memory_space<vmem>>, vector<1x16xf32>,
        %get3A_519 = vector.shape_cast %get3A_518 : vector<1x16xf32> to vector<16xf32>
        %swap3A_520 = arith.index_cast %scan3A_184 : i32 to index
        %swap3A_521 = arith.constant 592 : index
        %swap3A_522 = tpu.vector_load %arg11[%swap3A_520, %swap3A_521] {strides = array<i32>} : memref<16x1024xf32, #tpu.memory_space<vmem>>, vector<1x16xf32>,
        %swap3A_523 = vector.shape_cast %swap3A_522 : vector<1x16xf32> to vector<16xf32>
        %swap3A_524 = vector.shape_cast %get3A_519 : vector<16xf32> to vector<1x16xf32>
        tpu.vector_store %arg11[%swap3A_520, %swap3A_521], %swap3A_524 {add = true, strides = array<i32>} : memref<16x1024xf32, #tpu.memory_space<vmem>>, vector<1x16xf32>,
        %get3A_525 = arith.index_cast %scan3A_184 : i32 to index
        %get3A_526 = arith.constant 608 : index
        %get3A_527 = tpu.vector_load %arg13[%get3A_525, %get3A_526] {strides = array<i32>} : memref<16x1024xf32, #tpu.memory_space<vmem>>, vector<1x16xf32>,
        %get3A_528 = vector.shape_cast %get3A_527 : vector<1x16xf32> to vector<16xf32>
        %swap3A_529 = arith.index_cast %scan3A_184 : i32 to index
        %swap3A_530 = arith.constant 608 : index
        %swap3A_531 = tpu.vector_load %arg11[%swap3A_529, %swap3A_530] {strides = array<i32>} : memref<16x1024xf32, #tpu.memory_space<vmem>>, vector<1x16xf32>,
        %swap3A_532 = vector.shape_cast %swap3A_531 : vector<1x16xf32> to vector<16xf32>
        %swap3A_533 = vector.shape_cast %get3A_528 : vector<16xf32> to vector<1x16xf32>
        tpu.vector_store %arg11[%swap3A_529, %swap3A_530], %swap3A_533 {add = true, strides = array<i32>} : memref<16x1024xf32, #tpu.memory_space<vmem>>, vector<1x16xf32>,
        %get3A_534 = arith.index_cast %scan3A_184 : i32 to index
        %get3A_535 = arith.constant 624 : index
        %get3A_536 = tpu.vector_load %arg13[%get3A_534, %get3A_535] {strides = array<i32>} : memref<16x1024xf32, #tpu.memory_space<vmem>>, vector<1x16xf32>,
        %get3A_537 = vector.shape_cast %get3A_536 : vector<1x16xf32> to vector<16xf32>
        %swap3A_538 = arith.index_cast %scan3A_184 : i32 to index
        %swap3A_539 = arith.constant 624 : index
        %swap3A_540 = tpu.vector_load %arg11[%swap3A_538, %swap3A_539] {strides = array<i32>} : memref<16x1024xf32, #tpu.memory_space<vmem>>, vector<1x16xf32>,
        %swap3A_541 = vector.shape_cast %swap3A_540 : vector<1x16xf32> to vector<16xf32>
        %swap3A_542 = vector.shape_cast %get3A_537 : vector<16xf32> to vector<1x16xf32>
        tpu.vector_store %arg11[%swap3A_538, %swap3A_539], %swap3A_542 {add = true, strides = array<i32>} : memref<16x1024xf32, #tpu.memory_space<vmem>>, vector<1x16xf32>,
        %get3A_543 = arith.index_cast %scan3A_184 : i32 to index
        %get3A_544 = arith.constant 640 : index
        %get3A_545 = tpu.vector_load %arg13[%get3A_543, %get3A_544] {strides = array<i32>} : memref<16x1024xf32, #tpu.memory_space<vmem>>, vector<1x16xf32>,
        %get3A_546 = vector.shape_cast %get3A_545 : vector<1x16xf32> to vector<16xf32>
        %swap3A_547 = arith.index_cast %scan3A_184 : i32 to index
        %swap3A_548 = arith.constant 640 : index
        %swap3A_549 = tpu.vector_load %arg11[%swap3A_547, %swap3A_548] {strides = array<i32>} : memref<16x1024xf32, #tpu.memory_space<vmem>>, vector<1x16xf32>,
        %swap3A_550 = vector.shape_cast %swap3A_549 : vector<1x16xf32> to vector<16xf32>
        %swap3A_551 = vector.shape_cast %get3A_546 : vector<16xf32> to vector<1x16xf32>
        tpu.vector_store %arg11[%swap3A_547, %swap3A_548], %swap3A_551 {add = true, strides = array<i32>} : memref<16x1024xf32, #tpu.memory_space<vmem>>, vector<1x16xf32>,
        %get3A_552 = arith.index_cast %scan3A_184 : i32 to index
        %get3A_553 = arith.constant 656 : index
        %get3A_554 = tpu.vector_load %arg13[%get3A_552, %get3A_553] {strides = array<i32>} : memref<16x1024xf32, #tpu.memory_space<vmem>>, vector<1x16xf32>,
        %get3A_555 = vector.shape_cast %get3A_554 : vector<1x16xf32> to vector<16xf32>
        %swap3A_556 = arith.index_cast %scan3A_184 : i32 to index
        %swap3A_557 = arith.constant 656 : index
        %swap3A_558 = tpu.vector_load %arg11[%swap3A_556, %swap3A_557] {strides = array<i32>} : memref<16x1024xf32, #tpu.memory_space<vmem>>, vector<1x16xf32>,
        %swap3A_559 = vector.shape_cast %swap3A_558 : vector<1x16xf32> to vector<16xf32>
        %swap3A_560 = vector.shape_cast %get3A_555 : vector<16xf32> to vector<1x16xf32>
        tpu.vector_store %arg11[%swap3A_556, %swap3A_557], %swap3A_560 {add = true, strides = array<i32>} : memref<16x1024xf32, #tpu.memory_space<vmem>>, vector<1x16xf32>,
        %get3A_561 = arith.index_cast %scan3A_184 : i32 to index
        %get3A_562 = arith.constant 672 : index
        %get3A_563 = tpu.vector_load %arg13[%get3A_561, %get3A_562] {strides = array<i32>} : memref<16x1024xf32, #tpu.memory_space<vmem>>, vector<1x16xf32>,
        %get3A_564 = vector.shape_cast %get3A_563 : vector<1x16xf32> to vector<16xf32>
        %swap3A_565 = arith.index_cast %scan3A_184 : i32 to index
        %swap3A_566 = arith.constant 672 : index
        %swap3A_567 = tpu.vector_load %arg11[%swap3A_565, %swap3A_566] {strides = array<i32>} : memref<16x1024xf32, #tpu.memory_space<vmem>>, vector<1x16xf32>,
        %swap3A_568 = vector.shape_cast %swap3A_567 : vector<1x16xf32> to vector<16xf32>
        %swap3A_569 = vector.shape_cast %get3A_564 : vector<16xf32> to vector<1x16xf32>
        tpu.vector_store %arg11[%swap3A_565, %swap3A_566], %swap3A_569 {add = true, strides = array<i32>} : memref<16x1024xf32, #tpu.memory_space<vmem>>, vector<1x16xf32>,
        %get3A_570 = arith.index_cast %scan3A_184 : i32 to index
        %get3A_571 = arith.constant 688 : index
        %get3A_572 = tpu.vector_load %arg13[%get3A_570, %get3A_571] {strides = array<i32>} : memref<16x1024xf32, #tpu.memory_space<vmem>>, vector<1x16xf32>,
        %get3A_573 = vector.shape_cast %get3A_572 : vector<1x16xf32> to vector<16xf32>
        %swap3A_574 = arith.index_cast %scan3A_184 : i32 to index
        %swap3A_575 = arith.constant 688 : index
        %swap3A_576 = tpu.vector_load %arg11[%swap3A_574, %swap3A_575] {strides = array<i32>} : memref<16x1024xf32, #tpu.memory_space<vmem>>, vector<1x16xf32>,
        %swap3A_577 = vector.shape_cast %swap3A_576 : vector<1x16xf32> to vector<16xf32>
        %swap3A_578 = vector.shape_cast %get3A_573 : vector<16xf32> to vector<1x16xf32>
        tpu.vector_store %arg11[%swap3A_574, %swap3A_575], %swap3A_578 {add = true, strides = array<i32>} : memref<16x1024xf32, #tpu.memory_space<vmem>>, vector<1x16xf32>,
        %get3A_579 = arith.index_cast %scan3A_184 : i32 to index
        %get3A_580 = arith.constant 704 : index
        %get3A_581 = tpu.vector_load %arg13[%get3A_579, %get3A_580] {strides = array<i32>} : memref<16x1024xf32, #tpu.memory_space<vmem>>, vector<1x16xf32>,
        %get3A_582 = vector.shape_cast %get3A_581 : vector<1x16xf32> to vector<16xf32>
        %swap3A_583 = arith.index_cast %scan3A_184 : i32 to index
        %swap3A_584 = arith.constant 704 : index
        %swap3A_585 = tpu.vector_load %arg11[%swap3A_583, %swap3A_584] {strides = array<i32>} : memref<16x1024xf32, #tpu.memory_space<vmem>>, vector<1x16xf32>,
        %swap3A_586 = vector.shape_cast %swap3A_585 : vector<1x16xf32> to vector<16xf32>
        %swap3A_587 = vector.shape_cast %get3A_582 : vector<16xf32> to vector<1x16xf32>
        tpu.vector_store %arg11[%swap3A_583, %swap3A_584], %swap3A_587 {add = true, strides = array<i32>} : memref<16x1024xf32, #tpu.memory_space<vmem>>, vector<1x16xf32>,
        %get3A_588 = arith.index_cast %scan3A_184 : i32 to index
        %get3A_589 = arith.constant 720 : index
        %get3A_590 = tpu.vector_load %arg13[%get3A_588, %get3A_589] {strides = array<i32>} : memref<16x1024xf32, #tpu.memory_space<vmem>>, vector<1x16xf32>,
        %get3A_591 = vector.shape_cast %get3A_590 : vector<1x16xf32> to vector<16xf32>
        %swap3A_592 = arith.index_cast %scan3A_184 : i32 to index
        %swap3A_593 = arith.constant 720 : index
        %swap3A_594 = tpu.vector_load %arg11[%swap3A_592, %swap3A_593] {strides = array<i32>} : memref<16x1024xf32, #tpu.memory_space<vmem>>, vector<1x16xf32>,
        %swap3A_595 = vector.shape_cast %swap3A_594 : vector<1x16xf32> to vector<16xf32>
        %swap3A_596 = vector.shape_cast %get3A_591 : vector<16xf32> to vector<1x16xf32>
        tpu.vector_store %arg11[%swap3A_592, %swap3A_593], %swap3A_596 {add = true, strides = array<i32>} : memref<16x1024xf32, #tpu.memory_space<vmem>>, vector<1x16xf32>,
        %get3A_597 = arith.index_cast %scan3A_184 : i32 to index
        %get3A_598 = arith.constant 736 : index
        %get3A_599 = tpu.vector_load %arg13[%get3A_597, %get3A_598] {strides = array<i32>} : memref<16x1024xf32, #tpu.memory_space<vmem>>, vector<1x16xf32>,
        %get3A_600 = vector.shape_cast %get3A_599 : vector<1x16xf32> to vector<16xf32>
        %swap3A_601 = arith.index_cast %scan3A_184 : i32 to index
        %swap3A_602 = arith.constant 736 : index
        %swap3A_603 = tpu.vector_load %arg11[%swap3A_601, %swap3A_602] {strides = array<i32>} : memref<16x1024xf32, #tpu.memory_space<vmem>>, vector<1x16xf32>,
        %swap3A_604 = vector.shape_cast %swap3A_603 : vector<1x16xf32> to vector<16xf32>
        %swap3A_605 = vector.shape_cast %get3A_600 : vector<16xf32> to vector<1x16xf32>
        tpu.vector_store %arg11[%swap3A_601, %swap3A_602], %swap3A_605 {add = true, strides = array<i32>} : memref<16x1024xf32, #tpu.memory_space<vmem>>, vector<1x16xf32>,
        %get3A_606 = arith.index_cast %scan3A_184 : i32 to index
        %get3A_607 = arith.constant 752 : index
        %get3A_608 = tpu.vector_load %arg13[%get3A_606, %get3A_607] {strides = array<i32>} : memref<16x1024xf32, #tpu.memory_space<vmem>>, vector<1x16xf32>,
        %get3A_609 = vector.shape_cast %get3A_608 : vector<1x16xf32> to vector<16xf32>
        %swap3A_610 = arith.index_cast %scan3A_184 : i32 to index
        %swap3A_611 = arith.constant 752 : index
        %swap3A_612 = tpu.vector_load %arg11[%swap3A_610, %swap3A_611] {strides = array<i32>} : memref<16x1024xf32, #tpu.memory_space<vmem>>, vector<1x16xf32>,
        %swap3A_613 = vector.shape_cast %swap3A_612 : vector<1x16xf32> to vector<16xf32>
        %swap3A_614 = vector.shape_cast %get3A_609 : vector<16xf32> to vector<1x16xf32>
        tpu.vector_store %arg11[%swap3A_610, %swap3A_611], %swap3A_614 {add = true, strides = array<i32>} : memref<16x1024xf32, #tpu.memory_space<vmem>>, vector<1x16xf32>,
        %get3A_615 = arith.index_cast %scan3A_184 : i32 to index
        %get3A_616 = arith.constant 768 : index
        %get3A_617 = tpu.vector_load %arg13[%get3A_615, %get3A_616] {strides = array<i32>} : memref<16x1024xf32, #tpu.memory_space<vmem>>, vector<1x16xf32>,
        %get3A_618 = vector.shape_cast %get3A_617 : vector<1x16xf32> to vector<16xf32>
        %swap3A_619 = arith.index_cast %scan3A_184 : i32 to index
        %swap3A_620 = arith.constant 768 : index
        %swap3A_621 = tpu.vector_load %arg11[%swap3A_619, %swap3A_620] {strides = array<i32>} : memref<16x1024xf32, #tpu.memory_space<vmem>>, vector<1x16xf32>,
        %swap3A_622 = vector.shape_cast %swap3A_621 : vector<1x16xf32> to vector<16xf32>
        %swap3A_623 = vector.shape_cast %get3A_618 : vector<16xf32> to vector<1x16xf32>
        tpu.vector_store %arg11[%swap3A_619, %swap3A_620], %swap3A_623 {add = true, strides = array<i32>} : memref<16x1024xf32, #tpu.memory_space<vmem>>, vector<1x16xf32>,
        %get3A_624 = arith.index_cast %scan3A_184 : i32 to index
        %get3A_625 = arith.constant 784 : index
        %get3A_626 = tpu.vector_load %arg13[%get3A_624, %get3A_625] {strides = array<i32>} : memref<16x1024xf32, #tpu.memory_space<vmem>>, vector<1x16xf32>,
        %get3A_627 = vector.shape_cast %get3A_626 : vector<1x16xf32> to vector<16xf32>
        %swap3A_628 = arith.index_cast %scan3A_184 : i32 to index
        %swap3A_629 = arith.constant 784 : index
        %swap3A_630 = tpu.vector_load %arg11[%swap3A_628, %swap3A_629] {strides = array<i32>} : memref<16x1024xf32, #tpu.memory_space<vmem>>, vector<1x16xf32>,
        %swap3A_631 = vector.shape_cast %swap3A_630 : vector<1x16xf32> to vector<16xf32>
        %swap3A_632 = vector.shape_cast %get3A_627 : vector<16xf32> to vector<1x16xf32>
        tpu.vector_store %arg11[%swap3A_628, %swap3A_629], %swap3A_632 {add = true, strides = array<i32>} : memref<16x1024xf32, #tpu.memory_space<vmem>>, vector<1x16xf32>,
        %get3A_633 = arith.index_cast %scan3A_184 : i32 to index
        %get3A_634 = arith.constant 800 : index
        %get3A_635 = tpu.vector_load %arg13[%get3A_633, %get3A_634] {strides = array<i32>} : memref<16x1024xf32, #tpu.memory_space<vmem>>, vector<1x16xf32>,
        %get3A_636 = vector.shape_cast %get3A_635 : vector<1x16xf32> to vector<16xf32>
        %swap3A_637 = arith.index_cast %scan3A_184 : i32 to index
        %swap3A_638 = arith.constant 800 : index
        %swap3A_639 = tpu.vector_load %arg11[%swap3A_637, %swap3A_638] {strides = array<i32>} : memref<16x1024xf32, #tpu.memory_space<vmem>>, vector<1x16xf32>,
        %swap3A_640 = vector.shape_cast %swap3A_639 : vector<1x16xf32> to vector<16xf32>
        %swap3A_641 = vector.shape_cast %get3A_636 : vector<16xf32> to vector<1x16xf32>
        tpu.vector_store %arg11[%swap3A_637, %swap3A_638], %swap3A_641 {add = true, strides = array<i32>} : memref<16x1024xf32, #tpu.memory_space<vmem>>, vector<1x16xf32>,
        %get3A_642 = arith.index_cast %scan3A_184 : i32 to index
        %get3A_643 = arith.constant 816 : index
        %get3A_644 = tpu.vector_load %arg13[%get3A_642, %get3A_643] {strides = array<i32>} : memref<16x1024xf32, #tpu.memory_space<vmem>>, vector<1x16xf32>,
        %get3A_645 = vector.shape_cast %get3A_644 : vector<1x16xf32> to vector<16xf32>
        %swap3A_646 = arith.index_cast %scan3A_184 : i32 to index
        %swap3A_647 = arith.constant 816 : index
        %swap3A_648 = tpu.vector_load %arg11[%swap3A_646, %swap3A_647] {strides = array<i32>} : memref<16x1024xf32, #tpu.memory_space<vmem>>, vector<1x16xf32>,
        %swap3A_649 = vector.shape_cast %swap3A_648 : vector<1x16xf32> to vector<16xf32>
        %swap3A_650 = vector.shape_cast %get3A_645 : vector<16xf32> to vector<1x16xf32>
        tpu.vector_store %arg11[%swap3A_646, %swap3A_647], %swap3A_650 {add = true, strides = array<i32>} : memref<16x1024xf32, #tpu.memory_space<vmem>>, vector<1x16xf32>,
        %get3A_651 = arith.index_cast %scan3A_184 : i32 to index
        %get3A_652 = arith.constant 832 : index
        %get3A_653 = tpu.vector_load %arg13[%get3A_651, %get3A_652] {strides = array<i32>} : memref<16x1024xf32, #tpu.memory_space<vmem>>, vector<1x16xf32>,
        %get3A_654 = vector.shape_cast %get3A_653 : vector<1x16xf32> to vector<16xf32>
        %swap3A_655 = arith.index_cast %scan3A_184 : i32 to index
        %swap3A_656 = arith.constant 832 : index
        %swap3A_657 = tpu.vector_load %arg11[%swap3A_655, %swap3A_656] {strides = array<i32>} : memref<16x1024xf32, #tpu.memory_space<vmem>>, vector<1x16xf32>,
        %swap3A_658 = vector.shape_cast %swap3A_657 : vector<1x16xf32> to vector<16xf32>
        %swap3A_659 = vector.shape_cast %get3A_654 : vector<16xf32> to vector<1x16xf32>
        tpu.vector_store %arg11[%swap3A_655, %swap3A_656], %swap3A_659 {add = true, strides = array<i32>} : memref<16x1024xf32, #tpu.memory_space<vmem>>, vector<1x16xf32>,
        %get3A_660 = arith.index_cast %scan3A_184 : i32 to index
        %get3A_661 = arith.constant 848 : index
        %get3A_662 = tpu.vector_load %arg13[%get3A_660, %get3A_661] {strides = array<i32>} : memref<16x1024xf32, #tpu.memory_space<vmem>>, vector<1x16xf32>,
        %get3A_663 = vector.shape_cast %get3A_662 : vector<1x16xf32> to vector<16xf32>
        %swap3A_664 = arith.index_cast %scan3A_184 : i32 to index
        %swap3A_665 = arith.constant 848 : index
        %swap3A_666 = tpu.vector_load %arg11[%swap3A_664, %swap3A_665] {strides = array<i32>} : memref<16x1024xf32, #tpu.memory_space<vmem>>, vector<1x16xf32>,
        %swap3A_667 = vector.shape_cast %swap3A_666 : vector<1x16xf32> to vector<16xf32>
        %swap3A_668 = vector.shape_cast %get3A_663 : vector<16xf32> to vector<1x16xf32>
        tpu.vector_store %arg11[%swap3A_664, %swap3A_665], %swap3A_668 {add = true, strides = array<i32>} : memref<16x1024xf32, #tpu.memory_space<vmem>>, vector<1x16xf32>,
        %get3A_669 = arith.index_cast %scan3A_184 : i32 to index
        %get3A_670 = arith.constant 864 : index
        %get3A_671 = tpu.vector_load %arg13[%get3A_669, %get3A_670] {strides = array<i32>} : memref<16x1024xf32, #tpu.memory_space<vmem>>, vector<1x16xf32>,
        %get3A_672 = vector.shape_cast %get3A_671 : vector<1x16xf32> to vector<16xf32>
        %swap3A_673 = arith.index_cast %scan3A_184 : i32 to index
        %swap3A_674 = arith.constant 864 : index
        %swap3A_675 = tpu.vector_load %arg11[%swap3A_673, %swap3A_674] {strides = array<i32>} : memref<16x1024xf32, #tpu.memory_space<vmem>>, vector<1x16xf32>,
        %swap3A_676 = vector.shape_cast %swap3A_675 : vector<1x16xf32> to vector<16xf32>
        %swap3A_677 = vector.shape_cast %get3A_672 : vector<16xf32> to vector<1x16xf32>
        tpu.vector_store %arg11[%swap3A_673, %swap3A_674], %swap3A_677 {add = true, strides = array<i32>} : memref<16x1024xf32, #tpu.memory_space<vmem>>, vector<1x16xf32>,
        %get3A_678 = arith.index_cast %scan3A_184 : i32 to index
        %get3A_679 = arith.constant 880 : index
        %get3A_680 = tpu.vector_load %arg13[%get3A_678, %get3A_679] {strides = array<i32>} : memref<16x1024xf32, #tpu.memory_space<vmem>>, vector<1x16xf32>,
        %get3A_681 = vector.shape_cast %get3A_680 : vector<1x16xf32> to vector<16xf32>
        %swap3A_682 = arith.index_cast %scan3A_184 : i32 to index
        %swap3A_683 = arith.constant 880 : index
        %swap3A_684 = tpu.vector_load %arg11[%swap3A_682, %swap3A_683] {strides = array<i32>} : memref<16x1024xf32, #tpu.memory_space<vmem>>, vector<1x16xf32>,
        %swap3A_685 = vector.shape_cast %swap3A_684 : vector<1x16xf32> to vector<16xf32>
        %swap3A_686 = vector.shape_cast %get3A_681 : vector<16xf32> to vector<1x16xf32>
        tpu.vector_store %arg11[%swap3A_682, %swap3A_683], %swap3A_686 {add = true, strides = array<i32>} : memref<16x1024xf32, #tpu.memory_space<vmem>>, vector<1x16xf32>,
        %get3A_687 = arith.index_cast %scan3A_184 : i32 to index
        %get3A_688 = arith.constant 896 : index
        %get3A_689 = tpu.vector_load %arg13[%get3A_687, %get3A_688] {strides = array<i32>} : memref<16x1024xf32, #tpu.memory_space<vmem>>, vector<1x16xf32>,
        %get3A_690 = vector.shape_cast %get3A_689 : vector<1x16xf32> to vector<16xf32>
        %swap3A_691 = arith.index_cast %scan3A_184 : i32 to index
        %swap3A_692 = arith.constant 896 : index
        %swap3A_693 = tpu.vector_load %arg11[%swap3A_691, %swap3A_692] {strides = array<i32>} : memref<16x1024xf32, #tpu.memory_space<vmem>>, vector<1x16xf32>,
        %swap3A_694 = vector.shape_cast %swap3A_693 : vector<1x16xf32> to vector<16xf32>
        %swap3A_695 = vector.shape_cast %get3A_690 : vector<16xf32> to vector<1x16xf32>
        tpu.vector_store %arg11[%swap3A_691, %swap3A_692], %swap3A_695 {add = true, strides = array<i32>} : memref<16x1024xf32, #tpu.memory_space<vmem>>, vector<1x16xf32>,
        %get3A_696 = arith.index_cast %scan3A_184 : i32 to index
        %get3A_697 = arith.constant 912 : index
        %get3A_698 = tpu.vector_load %arg13[%get3A_696, %get3A_697] {strides = array<i32>} : memref<16x1024xf32, #tpu.memory_space<vmem>>, vector<1x16xf32>,
        %get3A_699 = vector.shape_cast %get3A_698 : vector<1x16xf32> to vector<16xf32>
        %swap3A_700 = arith.index_cast %scan3A_184 : i32 to index
        %swap3A_701 = arith.constant 912 : index
        %swap3A_702 = tpu.vector_load %arg11[%swap3A_700, %swap3A_701] {strides = array<i32>} : memref<16x1024xf32, #tpu.memory_space<vmem>>, vector<1x16xf32>,
        %swap3A_703 = vector.shape_cast %swap3A_702 : vector<1x16xf32> to vector<16xf32>
        %swap3A_704 = vector.shape_cast %get3A_699 : vector<16xf32> to vector<1x16xf32>
        tpu.vector_store %arg11[%swap3A_700, %swap3A_701], %swap3A_704 {add = true, strides = array<i32>} : memref<16x1024xf32, #tpu.memory_space<vmem>>, vector<1x16xf32>,
        %get3A_705 = arith.index_cast %scan3A_184 : i32 to index
        %get3A_706 = arith.constant 928 : index
        %get3A_707 = tpu.vector_load %arg13[%get3A_705, %get3A_706] {strides = array<i32>} : memref<16x1024xf32, #tpu.memory_space<vmem>>, vector<1x16xf32>,
        %get3A_708 = vector.shape_cast %get3A_707 : vector<1x16xf32> to vector<16xf32>
        %swap3A_709 = arith.index_cast %scan3A_184 : i32 to index
        %swap3A_710 = arith.constant 928 : index
        %swap3A_711 = tpu.vector_load %arg11[%swap3A_709, %swap3A_710] {strides = array<i32>} : memref<16x1024xf32, #tpu.memory_space<vmem>>, vector<1x16xf32>,
        %swap3A_712 = vector.shape_cast %swap3A_711 : vector<1x16xf32> to vector<16xf32>
        %swap3A_713 = vector.shape_cast %get3A_708 : vector<16xf32> to vector<1x16xf32>
        tpu.vector_store %arg11[%swap3A_709, %swap3A_710], %swap3A_713 {add = true, strides = array<i32>} : memref<16x1024xf32, #tpu.memory_space<vmem>>, vector<1x16xf32>,
        %get3A_714 = arith.index_cast %scan3A_184 : i32 to index
        %get3A_715 = arith.constant 944 : index
        %get3A_716 = tpu.vector_load %arg13[%get3A_714, %get3A_715] {strides = array<i32>} : memref<16x1024xf32, #tpu.memory_space<vmem>>, vector<1x16xf32>,
        %get3A_717 = vector.shape_cast %get3A_716 : vector<1x16xf32> to vector<16xf32>
        %swap3A_718 = arith.index_cast %scan3A_184 : i32 to index
        %swap3A_719 = arith.constant 944 : index
        %swap3A_720 = tpu.vector_load %arg11[%swap3A_718, %swap3A_719] {strides = array<i32>} : memref<16x1024xf32, #tpu.memory_space<vmem>>, vector<1x16xf32>,
        %swap3A_721 = vector.shape_cast %swap3A_720 : vector<1x16xf32> to vector<16xf32>
        %swap3A_722 = vector.shape_cast %get3A_717 : vector<16xf32> to vector<1x16xf32>
        tpu.vector_store %arg11[%swap3A_718, %swap3A_719], %swap3A_722 {add = true, strides = array<i32>} : memref<16x1024xf32, #tpu.memory_space<vmem>>, vector<1x16xf32>,
        %get3A_723 = arith.index_cast %scan3A_184 : i32 to index
        %get3A_724 = arith.constant 960 : index
        %get3A_725 = tpu.vector_load %arg13[%get3A_723, %get3A_724] {strides = array<i32>} : memref<16x1024xf32, #tpu.memory_space<vmem>>, vector<1x16xf32>,
        %get3A_726 = vector.shape_cast %get3A_725 : vector<1x16xf32> to vector<16xf32>
        %swap3A_727 = arith.index_cast %scan3A_184 : i32 to index
        %swap3A_728 = arith.constant 960 : index
        %swap3A_729 = tpu.vector_load %arg11[%swap3A_727, %swap3A_728] {strides = array<i32>} : memref<16x1024xf32, #tpu.memory_space<vmem>>, vector<1x16xf32>,
        %swap3A_730 = vector.shape_cast %swap3A_729 : vector<1x16xf32> to vector<16xf32>
        %swap3A_731 = vector.shape_cast %get3A_726 : vector<16xf32> to vector<1x16xf32>
        tpu.vector_store %arg11[%swap3A_727, %swap3A_728], %swap3A_731 {add = true, strides = array<i32>} : memref<16x1024xf32, #tpu.memory_space<vmem>>, vector<1x16xf32>,
        %get3A_732 = arith.index_cast %scan3A_184 : i32 to index
        %get3A_733 = arith.constant 976 : index
        %get3A_734 = tpu.vector_load %arg13[%get3A_732, %get3A_733] {strides = array<i32>} : memref<16x1024xf32, #tpu.memory_space<vmem>>, vector<1x16xf32>,
        %get3A_735 = vector.shape_cast %get3A_734 : vector<1x16xf32> to vector<16xf32>
        %swap3A_736 = arith.index_cast %scan3A_184 : i32 to index
        %swap3A_737 = arith.constant 976 : index
        %swap3A_738 = tpu.vector_load %arg11[%swap3A_736, %swap3A_737] {strides = array<i32>} : memref<16x1024xf32, #tpu.memory_space<vmem>>, vector<1x16xf32>,
        %swap3A_739 = vector.shape_cast %swap3A_738 : vector<1x16xf32> to vector<16xf32>
        %swap3A_740 = vector.shape_cast %get3A_735 : vector<16xf32> to vector<1x16xf32>
        tpu.vector_store %arg11[%swap3A_736, %swap3A_737], %swap3A_740 {add = true, strides = array<i32>} : memref<16x1024xf32, #tpu.memory_space<vmem>>, vector<1x16xf32>,
        %get3A_741 = arith.index_cast %scan3A_184 : i32 to index
        %get3A_742 = arith.constant 992 : index
        %get3A_743 = tpu.vector_load %arg13[%get3A_741, %get3A_742] {strides = array<i32>} : memref<16x1024xf32, #tpu.memory_space<vmem>>, vector<1x16xf32>,
        %get3A_744 = vector.shape_cast %get3A_743 : vector<1x16xf32> to vector<16xf32>
        %swap3A_745 = arith.index_cast %scan3A_184 : i32 to index
        %swap3A_746 = arith.constant 992 : index
        %swap3A_747 = tpu.vector_load %arg11[%swap3A_745, %swap3A_746] {strides = array<i32>} : memref<16x1024xf32, #tpu.memory_space<vmem>>, vector<1x16xf32>,
        %swap3A_748 = vector.shape_cast %swap3A_747 : vector<1x16xf32> to vector<16xf32>
        %swap3A_749 = vector.shape_cast %get3A_744 : vector<16xf32> to vector<1x16xf32>
        tpu.vector_store %arg11[%swap3A_745, %swap3A_746], %swap3A_749 {add = true, strides = array<i32>} : memref<16x1024xf32, #tpu.memory_space<vmem>>, vector<1x16xf32>,
        %get3A_750 = arith.index_cast %scan3A_184 : i32 to index
        %get3A_751 = arith.constant 1008 : index
        %get3A_752 = tpu.vector_load %arg13[%get3A_750, %get3A_751] {strides = array<i32>} : memref<16x1024xf32, #tpu.memory_space<vmem>>, vector<1x16xf32>,
        %get3A_753 = vector.shape_cast %get3A_752 : vector<1x16xf32> to vector<16xf32>
        %swap3A_754 = arith.index_cast %scan3A_184 : i32 to index
        %swap3A_755 = arith.constant 1008 : index
        %swap3A_756 = tpu.vector_load %arg11[%swap3A_754, %swap3A_755] {strides = array<i32>} : memref<16x1024xf32, #tpu.memory_space<vmem>>, vector<1x16xf32>,
        %swap3A_757 = vector.shape_cast %swap3A_756 : vector<1x16xf32> to vector<16xf32>
        %swap3A_758 = vector.shape_cast %get3A_753 : vector<16xf32> to vector<1x16xf32>
        tpu.vector_store %arg11[%swap3A_754, %swap3A_755], %swap3A_758 {add = true, strides = array<i32>} : memref<16x1024xf32, #tpu.memory_space<vmem>>, vector<1x16xf32>,
      }
      %scan3A_125 = arith.constant 16 : i32
      %mul3A_126 = arith.constant 16 : i32
      %mul3A_127 = arith.muli %add3A_109, %mul3A_126 : i32
      %add3A_128 = arith.addi %mul3A_2, %mul3A_127 : i32
      %multiple_of3A_129 = tpu.assume_multiple %add3A_128, 16 : i32
      %dma_start3A_130 = arith.constant 0 : i32
      %dma_start3A_131 = tpu.memref_slice %arg6[%multiple_of3A_129, %dma_start3A_130] : memref<32768x1024xf32, #tpu.memory_space<hbm>> -> memref<16x1024xf32, #tpu.memory_space<hbm>>
      %dma_start3A_132 = arith.constant 0 : i32
      %dma_start3A_133 = tpu.memref_slice %arg6[%multiple_of3A_129, %dma_start3A_132] : memref<32768x1024xf32, #tpu.memory_space<hbm>> -> memref<16x1024xf32, #tpu.memory_space<hbm>>
      tpu.enqueue_dma source(%arg11 : memref<16x1024xf32, #tpu.memory_space<vmem>>) target(%dma_start3A_133 : memref<16x1024xf32, #tpu.memory_space<hbm>>) target_semaphore(%arg21 : memref<!tpu.dma_semaphore, #tpu.memory_space<semaphore_mem>>)
      %ge3A_134 = arith.constant 2 : i32
      %ge3A_135 = arith.cmpi sge, %add3A_109, %ge3A_134 : i32
      %convert_element_type3A_136 = arith.extui %ge3A_135 : i1 to i32
      %cond3A_137 = arith.constant 0 : i32
      %cond3A_138 = arith.cmpi ne, %convert_element_type3A_136, %cond3A_137 : i32
      scf.if %cond3A_138 {
        %dma_wait3A_184 = arith.constant 0 : i32
        %dma_wait3A_185 = tpu.memref_slice %arg6[%mul3A_2, %dma_wait3A_184] : memref<32768x1024xf32, #tpu.memory_space<hbm>> -> memref<16x1024xf32, #tpu.memory_space<hbm>>
        %dma_wait3A_186 = arith.constant 0 : i32
        %dma_wait3A_187 = tpu.memref_slice %arg6[%mul3A_2, %dma_wait3A_186] : memref<32768x1024xf32, #tpu.memory_space<hbm>> -> memref<16x1024xf32, #tpu.memory_space<hbm>>
        tpu.wait_dma2 semaphore(%arg19 : memref<!tpu.dma_semaphore, #tpu.memory_space<semaphore_mem>>) src(%arg9 : memref<16x1024xf32, #tpu.memory_space<vmem>>) dst(%dma_wait3A_187 : memref<16x1024xf32, #tpu.memory_space<hbm>>)
      } else {
      }
      %add3A_139 = arith.constant 2 : i32
      %add3A_140 = arith.addi %add3A_109, %add3A_139 : i32
      %lt3A_141 = arith.constant 64 : i32
      %lt3A_142 = arith.cmpi slt, %add3A_140, %lt3A_141 : i32
      %convert_element_type3A_143 = arith.extui %lt3A_142 : i1 to i32
      %cond3A_144 = arith.constant 0 : i32
      %cond3A_145 = arith.cmpi ne, %convert_element_type3A_143, %cond3A_144 : i32
      scf.if %cond3A_145 {
        %add3A_184 = arith.constant 2 : i32
        %add3A_185 = arith.addi %add3A_109, %add3A_184 : i32
        %mul3A_186 = arith.constant 16 : i32
        %mul3A_187 = arith.muli %add3A_185, %mul3A_186 : i32
        %multiple_of3A_188 = tpu.assume_multiple %mul3A_187, 16 : i32
        %dma_start3A_189 = tpu.memref_slice %arg7[%multiple_of3A_188] : memref<1024xi32, #tpu.memory_space<vmem>> -> memref<16xi32, #tpu.memory_space<vmem>>
        %dma_start3A_190 = arith.constant 0 : i32
        %dma_start3A_191 = arith.constant 0 : i32
        %dma_start3A_192 = tpu.memref_slice %arg4[%dma_start3A_190, %dma_start3A_191] : memref<100000x1024xf32, #tpu.memory_space<hbm>> -> memref<100000x1024xf32, #tpu.memory_space<hbm>>
        tpu.enqueue_indirect_dma source(%dma_start3A_192 : memref<100000x1024xf32, #tpu.memory_space<hbm>>) target(%arg9 : memref<16x1024xf32, #tpu.memory_space<vmem>>) offsets(%dma_start3A_189 : memref<16xi32, #tpu.memory_space<vmem>>) semaphore(%arg15 : memref<!tpu.dma_semaphore, #tpu.memory_space<semaphore_mem>>)
        %dma_start3A_193 = tpu.memref_slice %arg8[%multiple_of3A_188] : memref<1024xi32, #tpu.memory_space<vmem>> -> memref<16xi32, #tpu.memory_space<vmem>>
        %dma_start3A_194 = arith.constant 0 : i32
        %dma_start3A_195 = arith.constant 0 : i32
        %dma_start3A_196 = tpu.memref_slice %arg5[%dma_start3A_194, %dma_start3A_195] : memref<8192x1024xf32, #tpu.memory_space<hbm>> -> memref<8192x1024xf32, #tpu.memory_space<hbm>>
        tpu.enqueue_indirect_dma source(%dma_start3A_196 : memref<8192x1024xf32, #tpu.memory_space<hbm>>) target(%arg13 : memref<16x1024xf32, #tpu.memory_space<vmem>>) offsets(%dma_start3A_193 : memref<16xi32, #tpu.memory_space<vmem>>) semaphore(%arg23 : memref<!tpu.dma_semaphore, #tpu.memory_space<semaphore_mem>>)
      } else {
      }
      %add3A_146 = arith.constant 3 : i32
      %add3A_147 = arith.addi %mul3A_35, %add3A_146 : i32
      %dma_wait3A_148 = arith.constant 0 : i32
      %dma_wait3A_149 = tpu.memref_slice %arg7[%dma_wait3A_148] : memref<1024xi32, #tpu.memory_space<vmem>> -> memref<16xi32, #tpu.memory_space<vmem>>
      %dma_wait3A_150 = arith.constant 0 : i32
      %dma_wait3A_151 = arith.constant 0 : i32
      %dma_wait3A_152 = tpu.memref_slice %arg4[%dma_wait3A_150, %dma_wait3A_151] : memref<100000x1024xf32, #tpu.memory_space<hbm>> -> memref<100000x1024xf32, #tpu.memory_space<hbm>>
      tpu.wait_indirect_dma semaphore(%arg18 : memref<!tpu.dma_semaphore, #tpu.memory_space<semaphore_mem>>) src(%dma_wait3A_152 : memref<100000x1024xf32, #tpu.memory_space<hbm>>) dst(%arg12 : memref<16x1024xf32, #tpu.memory_space<vmem>>)
      %dma_wait3A_153 = arith.constant 0 : i32
      %dma_wait3A_154 = tpu.memref_slice %arg8[%dma_wait3A_153] : memref<1024xi32, #tpu.memory_space<vmem>> -> memref<16xi32, #tpu.memory_space<vmem>>
      %dma_wait3A_155 = arith.constant 0 : i32
      %dma_wait3A_156 = arith.constant 0 : i32
      %dma_wait3A_157 = tpu.memref_slice %arg5[%dma_wait3A_155, %dma_wait3A_156] : memref<8192x1024xf32, #tpu.memory_space<hbm>> -> memref<8192x1024xf32, #tpu.memory_space<hbm>>
      tpu.wait_indirect_dma semaphore(%arg24 : memref<!tpu.dma_semaphore, #tpu.memory_space<semaphore_mem>>) src(%dma_wait3A_157 : memref<8192x1024xf32, #tpu.memory_space<hbm>>) dst(%arg14 : memref<16x1024xf32, #tpu.memory_space<vmem>>)
      %scan3A_158 = arith.constant 0 : i32
      %scan3A_159 = arith.constant 0 : i32
      %scan3A_160 = arith.constant 16 : i32
      %scan3A_161 = arith.addi %scan3A_159, %scan3A_160 : i32
      %scan3A_162 = arith.constant 1 : i32
      scf.for %scan3A_184 = %scan3A_159 to %scan3A_161 step %scan3A_162  : i32 {
        %get3A = arith.index_cast %scan3A_184 : i32 to index
        %get3A_185 = arith.constant 0 : index
        %get3A_186 = tpu.vector_load %arg14[%get3A, %get3A_185] {strides = array<i32>} : memref<16x1024xf32, #tpu.memory_space<vmem>>, vector<1x16xf32>,
        %get3A_187 = vector.shape_cast %get3A_186 : vector<1x16xf32> to vector<16xf32>
        %swap3A = arith.index_cast %scan3A_184 : i32 to index
        %swap3A_188 = arith.constant 0 : index
        %swap3A_189 = tpu.vector_load %arg12[%swap3A, %swap3A_188] {strides = array<i32>} : memref<16x1024xf32, #tpu.memory_space<vmem>>, vector<1x16xf32>,
        %swap3A_190 = vector.shape_cast %swap3A_189 : vector<1x16xf32> to vector<16xf32>
        %swap3A_191 = vector.shape_cast %get3A_187 : vector<16xf32> to vector<1x16xf32>
        tpu.vector_store %arg12[%swap3A, %swap3A_188], %swap3A_191 {add = true, strides = array<i32>} : memref<16x1024xf32, #tpu.memory_space<vmem>>, vector<1x16xf32>,
        %get3A_192 = arith.index_cast %scan3A_184 : i32 to index
        %get3A_193 = arith.constant 16 : index
        %get3A_194 = tpu.vector_load %arg14[%get3A_192, %get3A_193] {strides = array<i32>} : memref<16x1024xf32, #tpu.memory_space<vmem>>, vector<1x16xf32>,
        %get3A_195 = vector.shape_cast %get3A_194 : vector<1x16xf32> to vector<16xf32>
        %swap3A_196 = arith.index_cast %scan3A_184 : i32 to index
        %swap3A_197 = arith.constant 16 : index
        %swap3A_198 = tpu.vector_load %arg12[%swap3A_196, %swap3A_197] {strides = array<i32>} : memref<16x1024xf32, #tpu.memory_space<vmem>>, vector<1x16xf32>,
        %swap3A_199 = vector.shape_cast %swap3A_198 : vector<1x16xf32> to vector<16xf32>
        %swap3A_200 = vector.shape_cast %get3A_195 : vector<16xf32> to vector<1x16xf32>
        tpu.vector_store %arg12[%swap3A_196, %swap3A_197], %swap3A_200 {add = true, strides = array<i32>} : memref<16x1024xf32, #tpu.memory_space<vmem>>, vector<1x16xf32>,
        %get3A_201 = arith.index_cast %scan3A_184 : i32 to index
        %get3A_202 = arith.constant 32 : index
        %get3A_203 = tpu.vector_load %arg14[%get3A_201, %get3A_202] {strides = array<i32>} : memref<16x1024xf32, #tpu.memory_space<vmem>>, vector<1x16xf32>,
        %get3A_204 = vector.shape_cast %get3A_203 : vector<1x16xf32> to vector<16xf32>
        %swap3A_205 = arith.index_cast %scan3A_184 : i32 to index
        %swap3A_206 = arith.constant 32 : index
        %swap3A_207 = tpu.vector_load %arg12[%swap3A_205, %swap3A_206] {strides = array<i32>} : memref<16x1024xf32, #tpu.memory_space<vmem>>, vector<1x16xf32>,
        %swap3A_208 = vector.shape_cast %swap3A_207 : vector<1x16xf32> to vector<16xf32>
        %swap3A_209 = vector.shape_cast %get3A_204 : vector<16xf32> to vector<1x16xf32>
        tpu.vector_store %arg12[%swap3A_205, %swap3A_206], %swap3A_209 {add = true, strides = array<i32>} : memref<16x1024xf32, #tpu.memory_space<vmem>>, vector<1x16xf32>,
        %get3A_210 = arith.index_cast %scan3A_184 : i32 to index
        %get3A_211 = arith.constant 48 : index
        %get3A_212 = tpu.vector_load %arg14[%get3A_210, %get3A_211] {strides = array<i32>} : memref<16x1024xf32, #tpu.memory_space<vmem>>, vector<1x16xf32>,
        %get3A_213 = vector.shape_cast %get3A_212 : vector<1x16xf32> to vector<16xf32>
        %swap3A_214 = arith.index_cast %scan3A_184 : i32 to index
        %swap3A_215 = arith.constant 48 : index
        %swap3A_216 = tpu.vector_load %arg12[%swap3A_214, %swap3A_215] {strides = array<i32>} : memref<16x1024xf32, #tpu.memory_space<vmem>>, vector<1x16xf32>,
        %swap3A_217 = vector.shape_cast %swap3A_216 : vector<1x16xf32> to vector<16xf32>
        %swap3A_218 = vector.shape_cast %get3A_213 : vector<16xf32> to vector<1x16xf32>
        tpu.vector_store %arg12[%swap3A_214, %swap3A_215], %swap3A_218 {add = true, strides = array<i32>} : memref<16x1024xf32, #tpu.memory_space<vmem>>, vector<1x16xf32>,
        %get3A_219 = arith.index_cast %scan3A_184 : i32 to index
        %get3A_220 = arith.constant 64 : index
        %get3A_221 = tpu.vector_load %arg14[%get3A_219, %get3A_220] {strides = array<i32>} : memref<16x1024xf32, #tpu.memory_space<vmem>>, vector<1x16xf32>,
        %get3A_222 = vector.shape_cast %get3A_221 : vector<1x16xf32> to vector<16xf32>
        %swap3A_223 = arith.index_cast %scan3A_184 : i32 to index
        %swap3A_224 = arith.constant 64 : index
        %swap3A_225 = tpu.vector_load %arg12[%swap3A_223, %swap3A_224] {strides = array<i32>} : memref<16x1024xf32, #tpu.memory_space<vmem>>, vector<1x16xf32>,
        %swap3A_226 = vector.shape_cast %swap3A_225 : vector<1x16xf32> to vector<16xf32>
        %swap3A_227 = vector.shape_cast %get3A_222 : vector<16xf32> to vector<1x16xf32>
        tpu.vector_store %arg12[%swap3A_223, %swap3A_224], %swap3A_227 {add = true, strides = array<i32>} : memref<16x1024xf32, #tpu.memory_space<vmem>>, vector<1x16xf32>,
        %get3A_228 = arith.index_cast %scan3A_184 : i32 to index
        %get3A_229 = arith.constant 80 : index
        %get3A_230 = tpu.vector_load %arg14[%get3A_228, %get3A_229] {strides = array<i32>} : memref<16x1024xf32, #tpu.memory_space<vmem>>, vector<1x16xf32>,
        %get3A_231 = vector.shape_cast %get3A_230 : vector<1x16xf32> to vector<16xf32>
        %swap3A_232 = arith.index_cast %scan3A_184 : i32 to index
        %swap3A_233 = arith.constant 80 : index
        %swap3A_234 = tpu.vector_load %arg12[%swap3A_232, %swap3A_233] {strides = array<i32>} : memref<16x1024xf32, #tpu.memory_space<vmem>>, vector<1x16xf32>,
        %swap3A_235 = vector.shape_cast %swap3A_234 : vector<1x16xf32> to vector<16xf32>
        %swap3A_236 = vector.shape_cast %get3A_231 : vector<16xf32> to vector<1x16xf32>
        tpu.vector_store %arg12[%swap3A_232, %swap3A_233], %swap3A_236 {add = true, strides = array<i32>} : memref<16x1024xf32, #tpu.memory_space<vmem>>, vector<1x16xf32>,
        %get3A_237 = arith.index_cast %scan3A_184 : i32 to index
        %get3A_238 = arith.constant 96 : index
        %get3A_239 = tpu.vector_load %arg14[%get3A_237, %get3A_238] {strides = array<i32>} : memref<16x1024xf32, #tpu.memory_space<vmem>>, vector<1x16xf32>,
        %get3A_240 = vector.shape_cast %get3A_239 : vector<1x16xf32> to vector<16xf32>
        %swap3A_241 = arith.index_cast %scan3A_184 : i32 to index
        %swap3A_242 = arith.constant 96 : index
        %swap3A_243 = tpu.vector_load %arg12[%swap3A_241, %swap3A_242] {strides = array<i32>} : memref<16x1024xf32, #tpu.memory_space<vmem>>, vector<1x16xf32>,
        %swap3A_244 = vector.shape_cast %swap3A_243 : vector<1x16xf32> to vector<16xf32>
        %swap3A_245 = vector.shape_cast %get3A_240 : vector<16xf32> to vector<1x16xf32>
        tpu.vector_store %arg12[%swap3A_241, %swap3A_242], %swap3A_245 {add = true, strides = array<i32>} : memref<16x1024xf32, #tpu.memory_space<vmem>>, vector<1x16xf32>,
        %get3A_246 = arith.index_cast %scan3A_184 : i32 to index
        %get3A_247 = arith.constant 112 : index
        %get3A_248 = tpu.vector_load %arg14[%get3A_246, %get3A_247] {strides = array<i32>} : memref<16x1024xf32, #tpu.memory_space<vmem>>, vector<1x16xf32>,
        %get3A_249 = vector.shape_cast %get3A_248 : vector<1x16xf32> to vector<16xf32>
        %swap3A_250 = arith.index_cast %scan3A_184 : i32 to index
        %swap3A_251 = arith.constant 112 : index
        %swap3A_252 = tpu.vector_load %arg12[%swap3A_250, %swap3A_251] {strides = array<i32>} : memref<16x1024xf32, #tpu.memory_space<vmem>>, vector<1x16xf32>,
        %swap3A_253 = vector.shape_cast %swap3A_252 : vector<1x16xf32> to vector<16xf32>
        %swap3A_254 = vector.shape_cast %get3A_249 : vector<16xf32> to vector<1x16xf32>
        tpu.vector_store %arg12[%swap3A_250, %swap3A_251], %swap3A_254 {add = true, strides = array<i32>} : memref<16x1024xf32, #tpu.memory_space<vmem>>, vector<1x16xf32>,
        %get3A_255 = arith.index_cast %scan3A_184 : i32 to index
        %get3A_256 = arith.constant 128 : index
        %get3A_257 = tpu.vector_load %arg14[%get3A_255, %get3A_256] {strides = array<i32>} : memref<16x1024xf32, #tpu.memory_space<vmem>>, vector<1x16xf32>,
        %get3A_258 = vector.shape_cast %get3A_257 : vector<1x16xf32> to vector<16xf32>
        %swap3A_259 = arith.index_cast %scan3A_184 : i32 to index
        %swap3A_260 = arith.constant 128 : index
        %swap3A_261 = tpu.vector_load %arg12[%swap3A_259, %swap3A_260] {strides = array<i32>} : memref<16x1024xf32, #tpu.memory_space<vmem>>, vector<1x16xf32>,
        %swap3A_262 = vector.shape_cast %swap3A_261 : vector<1x16xf32> to vector<16xf32>
        %swap3A_263 = vector.shape_cast %get3A_258 : vector<16xf32> to vector<1x16xf32>
        tpu.vector_store %arg12[%swap3A_259, %swap3A_260], %swap3A_263 {add = true, strides = array<i32>} : memref<16x1024xf32, #tpu.memory_space<vmem>>, vector<1x16xf32>,
        %get3A_264 = arith.index_cast %scan3A_184 : i32 to index
        %get3A_265 = arith.constant 144 : index
        %get3A_266 = tpu.vector_load %arg14[%get3A_264, %get3A_265] {strides = array<i32>} : memref<16x1024xf32, #tpu.memory_space<vmem>>, vector<1x16xf32>,
        %get3A_267 = vector.shape_cast %get3A_266 : vector<1x16xf32> to vector<16xf32>
        %swap3A_268 = arith.index_cast %scan3A_184 : i32 to index
        %swap3A_269 = arith.constant 144 : index
        %swap3A_270 = tpu.vector_load %arg12[%swap3A_268, %swap3A_269] {strides = array<i32>} : memref<16x1024xf32, #tpu.memory_space<vmem>>, vector<1x16xf32>,
        %swap3A_271 = vector.shape_cast %swap3A_270 : vector<1x16xf32> to vector<16xf32>
        %swap3A_272 = vector.shape_cast %get3A_267 : vector<16xf32> to vector<1x16xf32>
        tpu.vector_store %arg12[%swap3A_268, %swap3A_269], %swap3A_272 {add = true, strides = array<i32>} : memref<16x1024xf32, #tpu.memory_space<vmem>>, vector<1x16xf32>,
        %get3A_273 = arith.index_cast %scan3A_184 : i32 to index
        %get3A_274 = arith.constant 160 : index
        %get3A_275 = tpu.vector_load %arg14[%get3A_273, %get3A_274] {strides = array<i32>} : memref<16x1024xf32, #tpu.memory_space<vmem>>, vector<1x16xf32>,
        %get3A_276 = vector.shape_cast %get3A_275 : vector<1x16xf32> to vector<16xf32>
        %swap3A_277 = arith.index_cast %scan3A_184 : i32 to index
        %swap3A_278 = arith.constant 160 : index
        %swap3A_279 = tpu.vector_load %arg12[%swap3A_277, %swap3A_278] {strides = array<i32>} : memref<16x1024xf32, #tpu.memory_space<vmem>>, vector<1x16xf32>,
        %swap3A_280 = vector.shape_cast %swap3A_279 : vector<1x16xf32> to vector<16xf32>
        %swap3A_281 = vector.shape_cast %get3A_276 : vector<16xf32> to vector<1x16xf32>
        tpu.vector_store %arg12[%swap3A_277, %swap3A_278], %swap3A_281 {add = true, strides = array<i32>} : memref<16x1024xf32, #tpu.memory_space<vmem>>, vector<1x16xf32>,
        %get3A_282 = arith.index_cast %scan3A_184 : i32 to index
        %get3A_283 = arith.constant 176 : index
        %get3A_284 = tpu.vector_load %arg14[%get3A_282, %get3A_283] {strides = array<i32>} : memref<16x1024xf32, #tpu.memory_space<vmem>>, vector<1x16xf32>,
        %get3A_285 = vector.shape_cast %get3A_284 : vector<1x16xf32> to vector<16xf32>
        %swap3A_286 = arith.index_cast %scan3A_184 : i32 to index
        %swap3A_287 = arith.constant 176 : index
        %swap3A_288 = tpu.vector_load %arg12[%swap3A_286, %swap3A_287] {strides = array<i32>} : memref<16x1024xf32, #tpu.memory_space<vmem>>, vector<1x16xf32>,
        %swap3A_289 = vector.shape_cast %swap3A_288 : vector<1x16xf32> to vector<16xf32>
        %swap3A_290 = vector.shape_cast %get3A_285 : vector<16xf32> to vector<1x16xf32>
        tpu.vector_store %arg12[%swap3A_286, %swap3A_287], %swap3A_290 {add = true, strides = array<i32>} : memref<16x1024xf32, #tpu.memory_space<vmem>>, vector<1x16xf32>,
        %get3A_291 = arith.index_cast %scan3A_184 : i32 to index
        %get3A_292 = arith.constant 192 : index
        %get3A_293 = tpu.vector_load %arg14[%get3A_291, %get3A_292] {strides = array<i32>} : memref<16x1024xf32, #tpu.memory_space<vmem>>, vector<1x16xf32>,
        %get3A_294 = vector.shape_cast %get3A_293 : vector<1x16xf32> to vector<16xf32>
        %swap3A_295 = arith.index_cast %scan3A_184 : i32 to index
        %swap3A_296 = arith.constant 192 : index
        %swap3A_297 = tpu.vector_load %arg12[%swap3A_295, %swap3A_296] {strides = array<i32>} : memref<16x1024xf32, #tpu.memory_space<vmem>>, vector<1x16xf32>,
        %swap3A_298 = vector.shape_cast %swap3A_297 : vector<1x16xf32> to vector<16xf32>
        %swap3A_299 = vector.shape_cast %get3A_294 : vector<16xf32> to vector<1x16xf32>
        tpu.vector_store %arg12[%swap3A_295, %swap3A_296], %swap3A_299 {add = true, strides = array<i32>} : memref<16x1024xf32, #tpu.memory_space<vmem>>, vector<1x16xf32>,
        %get3A_300 = arith.index_cast %scan3A_184 : i32 to index
        %get3A_301 = arith.constant 208 : index
        %get3A_302 = tpu.vector_load %arg14[%get3A_300, %get3A_301] {strides = array<i32>} : memref<16x1024xf32, #tpu.memory_space<vmem>>, vector<1x16xf32>,
        %get3A_303 = vector.shape_cast %get3A_302 : vector<1x16xf32> to vector<16xf32>
        %swap3A_304 = arith.index_cast %scan3A_184 : i32 to index
        %swap3A_305 = arith.constant 208 : index
        %swap3A_306 = tpu.vector_load %arg12[%swap3A_304, %swap3A_305] {strides = array<i32>} : memref<16x1024xf32, #tpu.memory_space<vmem>>, vector<1x16xf32>,
        %swap3A_307 = vector.shape_cast %swap3A_306 : vector<1x16xf32> to vector<16xf32>
        %swap3A_308 = vector.shape_cast %get3A_303 : vector<16xf32> to vector<1x16xf32>
        tpu.vector_store %arg12[%swap3A_304, %swap3A_305], %swap3A_308 {add = true, strides = array<i32>} : memref<16x1024xf32, #tpu.memory_space<vmem>>, vector<1x16xf32>,
        %get3A_309 = arith.index_cast %scan3A_184 : i32 to index
        %get3A_310 = arith.constant 224 : index
        %get3A_311 = tpu.vector_load %arg14[%get3A_309, %get3A_310] {strides = array<i32>} : memref<16x1024xf32, #tpu.memory_space<vmem>>, vector<1x16xf32>,
        %get3A_312 = vector.shape_cast %get3A_311 : vector<1x16xf32> to vector<16xf32>
        %swap3A_313 = arith.index_cast %scan3A_184 : i32 to index
        %swap3A_314 = arith.constant 224 : index
        %swap3A_315 = tpu.vector_load %arg12[%swap3A_313, %swap3A_314] {strides = array<i32>} : memref<16x1024xf32, #tpu.memory_space<vmem>>, vector<1x16xf32>,
        %swap3A_316 = vector.shape_cast %swap3A_315 : vector<1x16xf32> to vector<16xf32>
        %swap3A_317 = vector.shape_cast %get3A_312 : vector<16xf32> to vector<1x16xf32>
        tpu.vector_store %arg12[%swap3A_313, %swap3A_314], %swap3A_317 {add = true, strides = array<i32>} : memref<16x1024xf32, #tpu.memory_space<vmem>>, vector<1x16xf32>,
        %get3A_318 = arith.index_cast %scan3A_184 : i32 to index
        %get3A_319 = arith.constant 240 : index
        %get3A_320 = tpu.vector_load %arg14[%get3A_318, %get3A_319] {strides = array<i32>} : memref<16x1024xf32, #tpu.memory_space<vmem>>, vector<1x16xf32>,
        %get3A_321 = vector.shape_cast %get3A_320 : vector<1x16xf32> to vector<16xf32>
        %swap3A_322 = arith.index_cast %scan3A_184 : i32 to index
        %swap3A_323 = arith.constant 240 : index
        %swap3A_324 = tpu.vector_load %arg12[%swap3A_322, %swap3A_323] {strides = array<i32>} : memref<16x1024xf32, #tpu.memory_space<vmem>>, vector<1x16xf32>,
        %swap3A_325 = vector.shape_cast %swap3A_324 : vector<1x16xf32> to vector<16xf32>
        %swap3A_326 = vector.shape_cast %get3A_321 : vector<16xf32> to vector<1x16xf32>
        tpu.vector_store %arg12[%swap3A_322, %swap3A_323], %swap3A_326 {add = true, strides = array<i32>} : memref<16x1024xf32, #tpu.memory_space<vmem>>, vector<1x16xf32>,
        %get3A_327 = arith.index_cast %scan3A_184 : i32 to index
        %get3A_328 = arith.constant 256 : index
        %get3A_329 = tpu.vector_load %arg14[%get3A_327, %get3A_328] {strides = array<i32>} : memref<16x1024xf32, #tpu.memory_space<vmem>>, vector<1x16xf32>,
        %get3A_330 = vector.shape_cast %get3A_329 : vector<1x16xf32> to vector<16xf32>
        %swap3A_331 = arith.index_cast %scan3A_184 : i32 to index
        %swap3A_332 = arith.constant 256 : index
        %swap3A_333 = tpu.vector_load %arg12[%swap3A_331, %swap3A_332] {strides = array<i32>} : memref<16x1024xf32, #tpu.memory_space<vmem>>, vector<1x16xf32>,
        %swap3A_334 = vector.shape_cast %swap3A_333 : vector<1x16xf32> to vector<16xf32>
        %swap3A_335 = vector.shape_cast %get3A_330 : vector<16xf32> to vector<1x16xf32>
        tpu.vector_store %arg12[%swap3A_331, %swap3A_332], %swap3A_335 {add = true, strides = array<i32>} : memref<16x1024xf32, #tpu.memory_space<vmem>>, vector<1x16xf32>,
        %get3A_336 = arith.index_cast %scan3A_184 : i32 to index
        %get3A_337 = arith.constant 272 : index
        %get3A_338 = tpu.vector_load %arg14[%get3A_336, %get3A_337] {strides = array<i32>} : memref<16x1024xf32, #tpu.memory_space<vmem>>, vector<1x16xf32>,
        %get3A_339 = vector.shape_cast %get3A_338 : vector<1x16xf32> to vector<16xf32>
        %swap3A_340 = arith.index_cast %scan3A_184 : i32 to index
        %swap3A_341 = arith.constant 272 : index
        %swap3A_342 = tpu.vector_load %arg12[%swap3A_340, %swap3A_341] {strides = array<i32>} : memref<16x1024xf32, #tpu.memory_space<vmem>>, vector<1x16xf32>,
        %swap3A_343 = vector.shape_cast %swap3A_342 : vector<1x16xf32> to vector<16xf32>
        %swap3A_344 = vector.shape_cast %get3A_339 : vector<16xf32> to vector<1x16xf32>
        tpu.vector_store %arg12[%swap3A_340, %swap3A_341], %swap3A_344 {add = true, strides = array<i32>} : memref<16x1024xf32, #tpu.memory_space<vmem>>, vector<1x16xf32>,
        %get3A_345 = arith.index_cast %scan3A_184 : i32 to index
        %get3A_346 = arith.constant 288 : index
        %get3A_347 = tpu.vector_load %arg14[%get3A_345, %get3A_346] {strides = array<i32>} : memref<16x1024xf32, #tpu.memory_space<vmem>>, vector<1x16xf32>,
        %get3A_348 = vector.shape_cast %get3A_347 : vector<1x16xf32> to vector<16xf32>
        %swap3A_349 = arith.index_cast %scan3A_184 : i32 to index
        %swap3A_350 = arith.constant 288 : index
        %swap3A_351 = tpu.vector_load %arg12[%swap3A_349, %swap3A_350] {strides = array<i32>} : memref<16x1024xf32, #tpu.memory_space<vmem>>, vector<1x16xf32>,
        %swap3A_352 = vector.shape_cast %swap3A_351 : vector<1x16xf32> to vector<16xf32>
        %swap3A_353 = vector.shape_cast %get3A_348 : vector<16xf32> to vector<1x16xf32>
        tpu.vector_store %arg12[%swap3A_349, %swap3A_350], %swap3A_353 {add = true, strides = array<i32>} : memref<16x1024xf32, #tpu.memory_space<vmem>>, vector<1x16xf32>,
        %get3A_354 = arith.index_cast %scan3A_184 : i32 to index
        %get3A_355 = arith.constant 304 : index
        %get3A_356 = tpu.vector_load %arg14[%get3A_354, %get3A_355] {strides = array<i32>} : memref<16x1024xf32, #tpu.memory_space<vmem>>, vector<1x16xf32>,
        %get3A_357 = vector.shape_cast %get3A_356 : vector<1x16xf32> to vector<16xf32>
        %swap3A_358 = arith.index_cast %scan3A_184 : i32 to index
        %swap3A_359 = arith.constant 304 : index
        %swap3A_360 = tpu.vector_load %arg12[%swap3A_358, %swap3A_359] {strides = array<i32>} : memref<16x1024xf32, #tpu.memory_space<vmem>>, vector<1x16xf32>,
        %swap3A_361 = vector.shape_cast %swap3A_360 : vector<1x16xf32> to vector<16xf32>
        %swap3A_362 = vector.shape_cast %get3A_357 : vector<16xf32> to vector<1x16xf32>
        tpu.vector_store %arg12[%swap3A_358, %swap3A_359], %swap3A_362 {add = true, strides = array<i32>} : memref<16x1024xf32, #tpu.memory_space<vmem>>, vector<1x16xf32>,
        %get3A_363 = arith.index_cast %scan3A_184 : i32 to index
        %get3A_364 = arith.constant 320 : index
        %get3A_365 = tpu.vector_load %arg14[%get3A_363, %get3A_364] {strides = array<i32>} : memref<16x1024xf32, #tpu.memory_space<vmem>>, vector<1x16xf32>,
        %get3A_366 = vector.shape_cast %get3A_365 : vector<1x16xf32> to vector<16xf32>
        %swap3A_367 = arith.index_cast %scan3A_184 : i32 to index
        %swap3A_368 = arith.constant 320 : index
        %swap3A_369 = tpu.vector_load %arg12[%swap3A_367, %swap3A_368] {strides = array<i32>} : memref<16x1024xf32, #tpu.memory_space<vmem>>, vector<1x16xf32>,
        %swap3A_370 = vector.shape_cast %swap3A_369 : vector<1x16xf32> to vector<16xf32>
        %swap3A_371 = vector.shape_cast %get3A_366 : vector<16xf32> to vector<1x16xf32>
        tpu.vector_store %arg12[%swap3A_367, %swap3A_368], %swap3A_371 {add = true, strides = array<i32>} : memref<16x1024xf32, #tpu.memory_space<vmem>>, vector<1x16xf32>,
        %get3A_372 = arith.index_cast %scan3A_184 : i32 to index
        %get3A_373 = arith.constant 336 : index
        %get3A_374 = tpu.vector_load %arg14[%get3A_372, %get3A_373] {strides = array<i32>} : memref<16x1024xf32, #tpu.memory_space<vmem>>, vector<1x16xf32>,
        %get3A_375 = vector.shape_cast %get3A_374 : vector<1x16xf32> to vector<16xf32>
        %swap3A_376 = arith.index_cast %scan3A_184 : i32 to index
        %swap3A_377 = arith.constant 336 : index
        %swap3A_378 = tpu.vector_load %arg12[%swap3A_376, %swap3A_377] {strides = array<i32>} : memref<16x1024xf32, #tpu.memory_space<vmem>>, vector<1x16xf32>,
        %swap3A_379 = vector.shape_cast %swap3A_378 : vector<1x16xf32> to vector<16xf32>
        %swap3A_380 = vector.shape_cast %get3A_375 : vector<16xf32> to vector<1x16xf32>
        tpu.vector_store %arg12[%swap3A_376, %swap3A_377], %swap3A_380 {add = true, strides = array<i32>} : memref<16x1024xf32, #tpu.memory_space<vmem>>, vector<1x16xf32>,
        %get3A_381 = arith.index_cast %scan3A_184 : i32 to index
        %get3A_382 = arith.constant 352 : index
        %get3A_383 = tpu.vector_load %arg14[%get3A_381, %get3A_382] {strides = array<i32>} : memref<16x1024xf32, #tpu.memory_space<vmem>>, vector<1x16xf32>,
        %get3A_384 = vector.shape_cast %get3A_383 : vector<1x16xf32> to vector<16xf32>
        %swap3A_385 = arith.index_cast %scan3A_184 : i32 to index
        %swap3A_386 = arith.constant 352 : index
        %swap3A_387 = tpu.vector_load %arg12[%swap3A_385, %swap3A_386] {strides = array<i32>} : memref<16x1024xf32, #tpu.memory_space<vmem>>, vector<1x16xf32>,
        %swap3A_388 = vector.shape_cast %swap3A_387 : vector<1x16xf32> to vector<16xf32>
        %swap3A_389 = vector.shape_cast %get3A_384 : vector<16xf32> to vector<1x16xf32>
        tpu.vector_store %arg12[%swap3A_385, %swap3A_386], %swap3A_389 {add = true, strides = array<i32>} : memref<16x1024xf32, #tpu.memory_space<vmem>>, vector<1x16xf32>,
        %get3A_390 = arith.index_cast %scan3A_184 : i32 to index
        %get3A_391 = arith.constant 368 : index
        %get3A_392 = tpu.vector_load %arg14[%get3A_390, %get3A_391] {strides = array<i32>} : memref<16x1024xf32, #tpu.memory_space<vmem>>, vector<1x16xf32>,
        %get3A_393 = vector.shape_cast %get3A_392 : vector<1x16xf32> to vector<16xf32>
        %swap3A_394 = arith.index_cast %scan3A_184 : i32 to index
        %swap3A_395 = arith.constant 368 : index
        %swap3A_396 = tpu.vector_load %arg12[%swap3A_394, %swap3A_395] {strides = array<i32>} : memref<16x1024xf32, #tpu.memory_space<vmem>>, vector<1x16xf32>,
        %swap3A_397 = vector.shape_cast %swap3A_396 : vector<1x16xf32> to vector<16xf32>
        %swap3A_398 = vector.shape_cast %get3A_393 : vector<16xf32> to vector<1x16xf32>
        tpu.vector_store %arg12[%swap3A_394, %swap3A_395], %swap3A_398 {add = true, strides = array<i32>} : memref<16x1024xf32, #tpu.memory_space<vmem>>, vector<1x16xf32>,
        %get3A_399 = arith.index_cast %scan3A_184 : i32 to index
        %get3A_400 = arith.constant 384 : index
        %get3A_401 = tpu.vector_load %arg14[%get3A_399, %get3A_400] {strides = array<i32>} : memref<16x1024xf32, #tpu.memory_space<vmem>>, vector<1x16xf32>,
        %get3A_402 = vector.shape_cast %get3A_401 : vector<1x16xf32> to vector<16xf32>
        %swap3A_403 = arith.index_cast %scan3A_184 : i32 to index
        %swap3A_404 = arith.constant 384 : index
        %swap3A_405 = tpu.vector_load %arg12[%swap3A_403, %swap3A_404] {strides = array<i32>} : memref<16x1024xf32, #tpu.memory_space<vmem>>, vector<1x16xf32>,
        %swap3A_406 = vector.shape_cast %swap3A_405 : vector<1x16xf32> to vector<16xf32>
        %swap3A_407 = vector.shape_cast %get3A_402 : vector<16xf32> to vector<1x16xf32>
        tpu.vector_store %arg12[%swap3A_403, %swap3A_404], %swap3A_407 {add = true, strides = array<i32>} : memref<16x1024xf32, #tpu.memory_space<vmem>>, vector<1x16xf32>,
        %get3A_408 = arith.index_cast %scan3A_184 : i32 to index
        %get3A_409 = arith.constant 400 : index
        %get3A_410 = tpu.vector_load %arg14[%get3A_408, %get3A_409] {strides = array<i32>} : memref<16x1024xf32, #tpu.memory_space<vmem>>, vector<1x16xf32>,
        %get3A_411 = vector.shape_cast %get3A_410 : vector<1x16xf32> to vector<16xf32>
        %swap3A_412 = arith.index_cast %scan3A_184 : i32 to index
        %swap3A_413 = arith.constant 400 : index
        %swap3A_414 = tpu.vector_load %arg12[%swap3A_412, %swap3A_413] {strides = array<i32>} : memref<16x1024xf32, #tpu.memory_space<vmem>>, vector<1x16xf32>,
        %swap3A_415 = vector.shape_cast %swap3A_414 : vector<1x16xf32> to vector<16xf32>
        %swap3A_416 = vector.shape_cast %get3A_411 : vector<16xf32> to vector<1x16xf32>
        tpu.vector_store %arg12[%swap3A_412, %swap3A_413], %swap3A_416 {add = true, strides = array<i32>} : memref<16x1024xf32, #tpu.memory_space<vmem>>, vector<1x16xf32>,
        %get3A_417 = arith.index_cast %scan3A_184 : i32 to index
        %get3A_418 = arith.constant 416 : index
        %get3A_419 = tpu.vector_load %arg14[%get3A_417, %get3A_418] {strides = array<i32>} : memref<16x1024xf32, #tpu.memory_space<vmem>>, vector<1x16xf32>,
        %get3A_420 = vector.shape_cast %get3A_419 : vector<1x16xf32> to vector<16xf32>
        %swap3A_421 = arith.index_cast %scan3A_184 : i32 to index
        %swap3A_422 = arith.constant 416 : index
        %swap3A_423 = tpu.vector_load %arg12[%swap3A_421, %swap3A_422] {strides = array<i32>} : memref<16x1024xf32, #tpu.memory_space<vmem>>, vector<1x16xf32>,
        %swap3A_424 = vector.shape_cast %swap3A_423 : vector<1x16xf32> to vector<16xf32>
        %swap3A_425 = vector.shape_cast %get3A_420 : vector<16xf32> to vector<1x16xf32>
        tpu.vector_store %arg12[%swap3A_421, %swap3A_422], %swap3A_425 {add = true, strides = array<i32>} : memref<16x1024xf32, #tpu.memory_space<vmem>>, vector<1x16xf32>,
        %get3A_426 = arith.index_cast %scan3A_184 : i32 to index
        %get3A_427 = arith.constant 432 : index
        %get3A_428 = tpu.vector_load %arg14[%get3A_426, %get3A_427] {strides = array<i32>} : memref<16x1024xf32, #tpu.memory_space<vmem>>, vector<1x16xf32>,
        %get3A_429 = vector.shape_cast %get3A_428 : vector<1x16xf32> to vector<16xf32>
        %swap3A_430 = arith.index_cast %scan3A_184 : i32 to index
        %swap3A_431 = arith.constant 432 : index
        %swap3A_432 = tpu.vector_load %arg12[%swap3A_430, %swap3A_431] {strides = array<i32>} : memref<16x1024xf32, #tpu.memory_space<vmem>>, vector<1x16xf32>,
        %swap3A_433 = vector.shape_cast %swap3A_432 : vector<1x16xf32> to vector<16xf32>
        %swap3A_434 = vector.shape_cast %get3A_429 : vector<16xf32> to vector<1x16xf32>
        tpu.vector_store %arg12[%swap3A_430, %swap3A_431], %swap3A_434 {add = true, strides = array<i32>} : memref<16x1024xf32, #tpu.memory_space<vmem>>, vector<1x16xf32>,
        %get3A_435 = arith.index_cast %scan3A_184 : i32 to index
        %get3A_436 = arith.constant 448 : index
        %get3A_437 = tpu.vector_load %arg14[%get3A_435, %get3A_436] {strides = array<i32>} : memref<16x1024xf32, #tpu.memory_space<vmem>>, vector<1x16xf32>,
        %get3A_438 = vector.shape_cast %get3A_437 : vector<1x16xf32> to vector<16xf32>
        %swap3A_439 = arith.index_cast %scan3A_184 : i32 to index
        %swap3A_440 = arith.constant 448 : index
        %swap3A_441 = tpu.vector_load %arg12[%swap3A_439, %swap3A_440] {strides = array<i32>} : memref<16x1024xf32, #tpu.memory_space<vmem>>, vector<1x16xf32>,
        %swap3A_442 = vector.shape_cast %swap3A_441 : vector<1x16xf32> to vector<16xf32>
        %swap3A_443 = vector.shape_cast %get3A_438 : vector<16xf32> to vector<1x16xf32>
        tpu.vector_store %arg12[%swap3A_439, %swap3A_440], %swap3A_443 {add = true, strides = array<i32>} : memref<16x1024xf32, #tpu.memory_space<vmem>>, vector<1x16xf32>,
        %get3A_444 = arith.index_cast %scan3A_184 : i32 to index
        %get3A_445 = arith.constant 464 : index
        %get3A_446 = tpu.vector_load %arg14[%get3A_444, %get3A_445] {strides = array<i32>} : memref<16x1024xf32, #tpu.memory_space<vmem>>, vector<1x16xf32>,
        %get3A_447 = vector.shape_cast %get3A_446 : vector<1x16xf32> to vector<16xf32>
        %swap3A_448 = arith.index_cast %scan3A_184 : i32 to index
        %swap3A_449 = arith.constant 464 : index
        %swap3A_450 = tpu.vector_load %arg12[%swap3A_448, %swap3A_449] {strides = array<i32>} : memref<16x1024xf32, #tpu.memory_space<vmem>>, vector<1x16xf32>,
        %swap3A_451 = vector.shape_cast %swap3A_450 : vector<1x16xf32> to vector<16xf32>
        %swap3A_452 = vector.shape_cast %get3A_447 : vector<16xf32> to vector<1x16xf32>
        tpu.vector_store %arg12[%swap3A_448, %swap3A_449], %swap3A_452 {add = true, strides = array<i32>} : memref<16x1024xf32, #tpu.memory_space<vmem>>, vector<1x16xf32>,
        %get3A_453 = arith.index_cast %scan3A_184 : i32 to index
        %get3A_454 = arith.constant 480 : index
        %get3A_455 = tpu.vector_load %arg14[%get3A_453, %get3A_454] {strides = array<i32>} : memref<16x1024xf32, #tpu.memory_space<vmem>>, vector<1x16xf32>,
        %get3A_456 = vector.shape_cast %get3A_455 : vector<1x16xf32> to vector<16xf32>
        %swap3A_457 = arith.index_cast %scan3A_184 : i32 to index
        %swap3A_458 = arith.constant 480 : index
        %swap3A_459 = tpu.vector_load %arg12[%swap3A_457, %swap3A_458] {strides = array<i32>} : memref<16x1024xf32, #tpu.memory_space<vmem>>, vector<1x16xf32>,
        %swap3A_460 = vector.shape_cast %swap3A_459 : vector<1x16xf32> to vector<16xf32>
        %swap3A_461 = vector.shape_cast %get3A_456 : vector<16xf32> to vector<1x16xf32>
        tpu.vector_store %arg12[%swap3A_457, %swap3A_458], %swap3A_461 {add = true, strides = array<i32>} : memref<16x1024xf32, #tpu.memory_space<vmem>>, vector<1x16xf32>,
        %get3A_462 = arith.index_cast %scan3A_184 : i32 to index
        %get3A_463 = arith.constant 496 : index
        %get3A_464 = tpu.vector_load %arg14[%get3A_462, %get3A_463] {strides = array<i32>} : memref<16x1024xf32, #tpu.memory_space<vmem>>, vector<1x16xf32>,
        %get3A_465 = vector.shape_cast %get3A_464 : vector<1x16xf32> to vector<16xf32>
        %swap3A_466 = arith.index_cast %scan3A_184 : i32 to index
        %swap3A_467 = arith.constant 496 : index
        %swap3A_468 = tpu.vector_load %arg12[%swap3A_466, %swap3A_467] {strides = array<i32>} : memref<16x1024xf32, #tpu.memory_space<vmem>>, vector<1x16xf32>,
        %swap3A_469 = vector.shape_cast %swap3A_468 : vector<1x16xf32> to vector<16xf32>
        %swap3A_470 = vector.shape_cast %get3A_465 : vector<16xf32> to vector<1x16xf32>
        tpu.vector_store %arg12[%swap3A_466, %swap3A_467], %swap3A_470 {add = true, strides = array<i32>} : memref<16x1024xf32, #tpu.memory_space<vmem>>, vector<1x16xf32>,
        %get3A_471 = arith.index_cast %scan3A_184 : i32 to index
        %get3A_472 = arith.constant 512 : index
        %get3A_473 = tpu.vector_load %arg14[%get3A_471, %get3A_472] {strides = array<i32>} : memref<16x1024xf32, #tpu.memory_space<vmem>>, vector<1x16xf32>,
        %get3A_474 = vector.shape_cast %get3A_473 : vector<1x16xf32> to vector<16xf32>
        %swap3A_475 = arith.index_cast %scan3A_184 : i32 to index
        %swap3A_476 = arith.constant 512 : index
        %swap3A_477 = tpu.vector_load %arg12[%swap3A_475, %swap3A_476] {strides = array<i32>} : memref<16x1024xf32, #tpu.memory_space<vmem>>, vector<1x16xf32>,
        %swap3A_478 = vector.shape_cast %swap3A_477 : vector<1x16xf32> to vector<16xf32>
        %swap3A_479 = vector.shape_cast %get3A_474 : vector<16xf32> to vector<1x16xf32>
        tpu.vector_store %arg12[%swap3A_475, %swap3A_476], %swap3A_479 {add = true, strides = array<i32>} : memref<16x1024xf32, #tpu.memory_space<vmem>>, vector<1x16xf32>,
        %get3A_480 = arith.index_cast %scan3A_184 : i32 to index
        %get3A_481 = arith.constant 528 : index
        %get3A_482 = tpu.vector_load %arg14[%get3A_480, %get3A_481] {strides = array<i32>} : memref<16x1024xf32, #tpu.memory_space<vmem>>, vector<1x16xf32>,
        %get3A_483 = vector.shape_cast %get3A_482 : vector<1x16xf32> to vector<16xf32>
        %swap3A_484 = arith.index_cast %scan3A_184 : i32 to index
        %swap3A_485 = arith.constant 528 : index
        %swap3A_486 = tpu.vector_load %arg12[%swap3A_484, %swap3A_485] {strides = array<i32>} : memref<16x1024xf32, #tpu.memory_space<vmem>>, vector<1x16xf32>,
        %swap3A_487 = vector.shape_cast %swap3A_486 : vector<1x16xf32> to vector<16xf32>
        %swap3A_488 = vector.shape_cast %get3A_483 : vector<16xf32> to vector<1x16xf32>
        tpu.vector_store %arg12[%swap3A_484, %swap3A_485], %swap3A_488 {add = true, strides = array<i32>} : memref<16x1024xf32, #tpu.memory_space<vmem>>, vector<1x16xf32>,
        %get3A_489 = arith.index_cast %scan3A_184 : i32 to index
        %get3A_490 = arith.constant 544 : index
        %get3A_491 = tpu.vector_load %arg14[%get3A_489, %get3A_490] {strides = array<i32>} : memref<16x1024xf32, #tpu.memory_space<vmem>>, vector<1x16xf32>,
        %get3A_492 = vector.shape_cast %get3A_491 : vector<1x16xf32> to vector<16xf32>
        %swap3A_493 = arith.index_cast %scan3A_184 : i32 to index
        %swap3A_494 = arith.constant 544 : index
        %swap3A_495 = tpu.vector_load %arg12[%swap3A_493, %swap3A_494] {strides = array<i32>} : memref<16x1024xf32, #tpu.memory_space<vmem>>, vector<1x16xf32>,
        %swap3A_496 = vector.shape_cast %swap3A_495 : vector<1x16xf32> to vector<16xf32>
        %swap3A_497 = vector.shape_cast %get3A_492 : vector<16xf32> to vector<1x16xf32>
        tpu.vector_store %arg12[%swap3A_493, %swap3A_494], %swap3A_497 {add = true, strides = array<i32>} : memref<16x1024xf32, #tpu.memory_space<vmem>>, vector<1x16xf32>,
        %get3A_498 = arith.index_cast %scan3A_184 : i32 to index
        %get3A_499 = arith.constant 560 : index
        %get3A_500 = tpu.vector_load %arg14[%get3A_498, %get3A_499] {strides = array<i32>} : memref<16x1024xf32, #tpu.memory_space<vmem>>, vector<1x16xf32>,
        %get3A_501 = vector.shape_cast %get3A_500 : vector<1x16xf32> to vector<16xf32>
        %swap3A_502 = arith.index_cast %scan3A_184 : i32 to index
        %swap3A_503 = arith.constant 560 : index
        %swap3A_504 = tpu.vector_load %arg12[%swap3A_502, %swap3A_503] {strides = array<i32>} : memref<16x1024xf32, #tpu.memory_space<vmem>>, vector<1x16xf32>,
        %swap3A_505 = vector.shape_cast %swap3A_504 : vector<1x16xf32> to vector<16xf32>
        %swap3A_506 = vector.shape_cast %get3A_501 : vector<16xf32> to vector<1x16xf32>
        tpu.vector_store %arg12[%swap3A_502, %swap3A_503], %swap3A_506 {add = true, strides = array<i32>} : memref<16x1024xf32, #tpu.memory_space<vmem>>, vector<1x16xf32>,
        %get3A_507 = arith.index_cast %scan3A_184 : i32 to index
        %get3A_508 = arith.constant 576 : index
        %get3A_509 = tpu.vector_load %arg14[%get3A_507, %get3A_508] {strides = array<i32>} : memref<16x1024xf32, #tpu.memory_space<vmem>>, vector<1x16xf32>,
        %get3A_510 = vector.shape_cast %get3A_509 : vector<1x16xf32> to vector<16xf32>
        %swap3A_511 = arith.index_cast %scan3A_184 : i32 to index
        %swap3A_512 = arith.constant 576 : index
        %swap3A_513 = tpu.vector_load %arg12[%swap3A_511, %swap3A_512] {strides = array<i32>} : memref<16x1024xf32, #tpu.memory_space<vmem>>, vector<1x16xf32>,
        %swap3A_514 = vector.shape_cast %swap3A_513 : vector<1x16xf32> to vector<16xf32>
        %swap3A_515 = vector.shape_cast %get3A_510 : vector<16xf32> to vector<1x16xf32>
        tpu.vector_store %arg12[%swap3A_511, %swap3A_512], %swap3A_515 {add = true, strides = array<i32>} : memref<16x1024xf32, #tpu.memory_space<vmem>>, vector<1x16xf32>,
        %get3A_516 = arith.index_cast %scan3A_184 : i32 to index
        %get3A_517 = arith.constant 592 : index
        %get3A_518 = tpu.vector_load %arg14[%get3A_516, %get3A_517] {strides = array<i32>} : memref<16x1024xf32, #tpu.memory_space<vmem>>, vector<1x16xf32>,
        %get3A_519 = vector.shape_cast %get3A_518 : vector<1x16xf32> to vector<16xf32>
        %swap3A_520 = arith.index_cast %scan3A_184 : i32 to index
        %swap3A_521 = arith.constant 592 : index
        %swap3A_522 = tpu.vector_load %arg12[%swap3A_520, %swap3A_521] {strides = array<i32>} : memref<16x1024xf32, #tpu.memory_space<vmem>>, vector<1x16xf32>,
        %swap3A_523 = vector.shape_cast %swap3A_522 : vector<1x16xf32> to vector<16xf32>
        %swap3A_524 = vector.shape_cast %get3A_519 : vector<16xf32> to vector<1x16xf32>
        tpu.vector_store %arg12[%swap3A_520, %swap3A_521], %swap3A_524 {add = true, strides = array<i32>} : memref<16x1024xf32, #tpu.memory_space<vmem>>, vector<1x16xf32>,
        %get3A_525 = arith.index_cast %scan3A_184 : i32 to index
        %get3A_526 = arith.constant 608 : index
        %get3A_527 = tpu.vector_load %arg14[%get3A_525, %get3A_526] {strides = array<i32>} : memref<16x1024xf32, #tpu.memory_space<vmem>>, vector<1x16xf32>,
        %get3A_528 = vector.shape_cast %get3A_527 : vector<1x16xf32> to vector<16xf32>
        %swap3A_529 = arith.index_cast %scan3A_184 : i32 to index
        %swap3A_530 = arith.constant 608 : index
        %swap3A_531 = tpu.vector_load %arg12[%swap3A_529, %swap3A_530] {strides = array<i32>} : memref<16x1024xf32, #tpu.memory_space<vmem>>, vector<1x16xf32>,
        %swap3A_532 = vector.shape_cast %swap3A_531 : vector<1x16xf32> to vector<16xf32>
        %swap3A_533 = vector.shape_cast %get3A_528 : vector<16xf32> to vector<1x16xf32>
        tpu.vector_store %arg12[%swap3A_529, %swap3A_530], %swap3A_533 {add = true, strides = array<i32>} : memref<16x1024xf32, #tpu.memory_space<vmem>>, vector<1x16xf32>,
        %get3A_534 = arith.index_cast %scan3A_184 : i32 to index
        %get3A_535 = arith.constant 624 : index
        %get3A_536 = tpu.vector_load %arg14[%get3A_534, %get3A_535] {strides = array<i32>} : memref<16x1024xf32, #tpu.memory_space<vmem>>, vector<1x16xf32>,
        %get3A_537 = vector.shape_cast %get3A_536 : vector<1x16xf32> to vector<16xf32>
        %swap3A_538 = arith.index_cast %scan3A_184 : i32 to index
        %swap3A_539 = arith.constant 624 : index
        %swap3A_540 = tpu.vector_load %arg12[%swap3A_538, %swap3A_539] {strides = array<i32>} : memref<16x1024xf32, #tpu.memory_space<vmem>>, vector<1x16xf32>,
        %swap3A_541 = vector.shape_cast %swap3A_540 : vector<1x16xf32> to vector<16xf32>
        %swap3A_542 = vector.shape_cast %get3A_537 : vector<16xf32> to vector<1x16xf32>
        tpu.vector_store %arg12[%swap3A_538, %swap3A_539], %swap3A_542 {add = true, strides = array<i32>} : memref<16x1024xf32, #tpu.memory_space<vmem>>, vector<1x16xf32>,
        %get3A_543 = arith.index_cast %scan3A_184 : i32 to index
        %get3A_544 = arith.constant 640 : index
        %get3A_545 = tpu.vector_load %arg14[%get3A_543, %get3A_544] {strides = array<i32>} : memref<16x1024xf32, #tpu.memory_space<vmem>>, vector<1x16xf32>,
        %get3A_546 = vector.shape_cast %get3A_545 : vector<1x16xf32> to vector<16xf32>
        %swap3A_547 = arith.index_cast %scan3A_184 : i32 to index
        %swap3A_548 = arith.constant 640 : index
        %swap3A_549 = tpu.vector_load %arg12[%swap3A_547, %swap3A_548] {strides = array<i32>} : memref<16x1024xf32, #tpu.memory_space<vmem>>, vector<1x16xf32>,
        %swap3A_550 = vector.shape_cast %swap3A_549 : vector<1x16xf32> to vector<16xf32>
        %swap3A_551 = vector.shape_cast %get3A_546 : vector<16xf32> to vector<1x16xf32>
        tpu.vector_store %arg12[%swap3A_547, %swap3A_548], %swap3A_551 {add = true, strides = array<i32>} : memref<16x1024xf32, #tpu.memory_space<vmem>>, vector<1x16xf32>,
        %get3A_552 = arith.index_cast %scan3A_184 : i32 to index
        %get3A_553 = arith.constant 656 : index
        %get3A_554 = tpu.vector_load %arg14[%get3A_552, %get3A_553] {strides = array<i32>} : memref<16x1024xf32, #tpu.memory_space<vmem>>, vector<1x16xf32>,
        %get3A_555 = vector.shape_cast %get3A_554 : vector<1x16xf32> to vector<16xf32>
        %swap3A_556 = arith.index_cast %scan3A_184 : i32 to index
        %swap3A_557 = arith.constant 656 : index
        %swap3A_558 = tpu.vector_load %arg12[%swap3A_556, %swap3A_557] {strides = array<i32>} : memref<16x1024xf32, #tpu.memory_space<vmem>>, vector<1x16xf32>,
        %swap3A_559 = vector.shape_cast %swap3A_558 : vector<1x16xf32> to vector<16xf32>
        %swap3A_560 = vector.shape_cast %get3A_555 : vector<16xf32> to vector<1x16xf32>
        tpu.vector_store %arg12[%swap3A_556, %swap3A_557], %swap3A_560 {add = true, strides = array<i32>} : memref<16x1024xf32, #tpu.memory_space<vmem>>, vector<1x16xf32>,
        %get3A_561 = arith.index_cast %scan3A_184 : i32 to index
        %get3A_562 = arith.constant 672 : index
        %get3A_563 = tpu.vector_load %arg14[%get3A_561, %get3A_562] {strides = array<i32>} : memref<16x1024xf32, #tpu.memory_space<vmem>>, vector<1x16xf32>,
        %get3A_564 = vector.shape_cast %get3A_563 : vector<1x16xf32> to vector<16xf32>
        %swap3A_565 = arith.index_cast %scan3A_184 : i32 to index
        %swap3A_566 = arith.constant 672 : index
        %swap3A_567 = tpu.vector_load %arg12[%swap3A_565, %swap3A_566] {strides = array<i32>} : memref<16x1024xf32, #tpu.memory_space<vmem>>, vector<1x16xf32>,
        %swap3A_568 = vector.shape_cast %swap3A_567 : vector<1x16xf32> to vector<16xf32>
        %swap3A_569 = vector.shape_cast %get3A_564 : vector<16xf32> to vector<1x16xf32>
        tpu.vector_store %arg12[%swap3A_565, %swap3A_566], %swap3A_569 {add = true, strides = array<i32>} : memref<16x1024xf32, #tpu.memory_space<vmem>>, vector<1x16xf32>,
        %get3A_570 = arith.index_cast %scan3A_184 : i32 to index
        %get3A_571 = arith.constant 688 : index
        %get3A_572 = tpu.vector_load %arg14[%get3A_570, %get3A_571] {strides = array<i32>} : memref<16x1024xf32, #tpu.memory_space<vmem>>, vector<1x16xf32>,
        %get3A_573 = vector.shape_cast %get3A_572 : vector<1x16xf32> to vector<16xf32>
        %swap3A_574 = arith.index_cast %scan3A_184 : i32 to index
        %swap3A_575 = arith.constant 688 : index
        %swap3A_576 = tpu.vector_load %arg12[%swap3A_574, %swap3A_575] {strides = array<i32>} : memref<16x1024xf32, #tpu.memory_space<vmem>>, vector<1x16xf32>,
        %swap3A_577 = vector.shape_cast %swap3A_576 : vector<1x16xf32> to vector<16xf32>
        %swap3A_578 = vector.shape_cast %get3A_573 : vector<16xf32> to vector<1x16xf32>
        tpu.vector_store %arg12[%swap3A_574, %swap3A_575], %swap3A_578 {add = true, strides = array<i32>} : memref<16x1024xf32, #tpu.memory_space<vmem>>, vector<1x16xf32>,
        %get3A_579 = arith.index_cast %scan3A_184 : i32 to index
        %get3A_580 = arith.constant 704 : index
        %get3A_581 = tpu.vector_load %arg14[%get3A_579, %get3A_580] {strides = array<i32>} : memref<16x1024xf32, #tpu.memory_space<vmem>>, vector<1x16xf32>,
        %get3A_582 = vector.shape_cast %get3A_581 : vector<1x16xf32> to vector<16xf32>
        %swap3A_583 = arith.index_cast %scan3A_184 : i32 to index
        %swap3A_584 = arith.constant 704 : index
        %swap3A_585 = tpu.vector_load %arg12[%swap3A_583, %swap3A_584] {strides = array<i32>} : memref<16x1024xf32, #tpu.memory_space<vmem>>, vector<1x16xf32>,
        %swap3A_586 = vector.shape_cast %swap3A_585 : vector<1x16xf32> to vector<16xf32>
        %swap3A_587 = vector.shape_cast %get3A_582 : vector<16xf32> to vector<1x16xf32>
        tpu.vector_store %arg12[%swap3A_583, %swap3A_584], %swap3A_587 {add = true, strides = array<i32>} : memref<16x1024xf32, #tpu.memory_space<vmem>>, vector<1x16xf32>,
        %get3A_588 = arith.index_cast %scan3A_184 : i32 to index
        %get3A_589 = arith.constant 720 : index
        %get3A_590 = tpu.vector_load %arg14[%get3A_588, %get3A_589] {strides = array<i32>} : memref<16x1024xf32, #tpu.memory_space<vmem>>, vector<1x16xf32>,
        %get3A_591 = vector.shape_cast %get3A_590 : vector<1x16xf32> to vector<16xf32>
        %swap3A_592 = arith.index_cast %scan3A_184 : i32 to index
        %swap3A_593 = arith.constant 720 : index
        %swap3A_594 = tpu.vector_load %arg12[%swap3A_592, %swap3A_593] {strides = array<i32>} : memref<16x1024xf32, #tpu.memory_space<vmem>>, vector<1x16xf32>,
        %swap3A_595 = vector.shape_cast %swap3A_594 : vector<1x16xf32> to vector<16xf32>
        %swap3A_596 = vector.shape_cast %get3A_591 : vector<16xf32> to vector<1x16xf32>
        tpu.vector_store %arg12[%swap3A_592, %swap3A_593], %swap3A_596 {add = true, strides = array<i32>} : memref<16x1024xf32, #tpu.memory_space<vmem>>, vector<1x16xf32>,
        %get3A_597 = arith.index_cast %scan3A_184 : i32 to index
        %get3A_598 = arith.constant 736 : index
        %get3A_599 = tpu.vector_load %arg14[%get3A_597, %get3A_598] {strides = array<i32>} : memref<16x1024xf32, #tpu.memory_space<vmem>>, vector<1x16xf32>,
        %get3A_600 = vector.shape_cast %get3A_599 : vector<1x16xf32> to vector<16xf32>
        %swap3A_601 = arith.index_cast %scan3A_184 : i32 to index
        %swap3A_602 = arith.constant 736 : index
        %swap3A_603 = tpu.vector_load %arg12[%swap3A_601, %swap3A_602] {strides = array<i32>} : memref<16x1024xf32, #tpu.memory_space<vmem>>, vector<1x16xf32>,
        %swap3A_604 = vector.shape_cast %swap3A_603 : vector<1x16xf32> to vector<16xf32>
        %swap3A_605 = vector.shape_cast %get3A_600 : vector<16xf32> to vector<1x16xf32>
        tpu.vector_store %arg12[%swap3A_601, %swap3A_602], %swap3A_605 {add = true, strides = array<i32>} : memref<16x1024xf32, #tpu.memory_space<vmem>>, vector<1x16xf32>,
        %get3A_606 = arith.index_cast %scan3A_184 : i32 to index
        %get3A_607 = arith.constant 752 : index
        %get3A_608 = tpu.vector_load %arg14[%get3A_606, %get3A_607] {strides = array<i32>} : memref<16x1024xf32, #tpu.memory_space<vmem>>, vector<1x16xf32>,
        %get3A_609 = vector.shape_cast %get3A_608 : vector<1x16xf32> to vector<16xf32>
        %swap3A_610 = arith.index_cast %scan3A_184 : i32 to index
        %swap3A_611 = arith.constant 752 : index
        %swap3A_612 = tpu.vector_load %arg12[%swap3A_610, %swap3A_611] {strides = array<i32>} : memref<16x1024xf32, #tpu.memory_space<vmem>>, vector<1x16xf32>,
        %swap3A_613 = vector.shape_cast %swap3A_612 : vector<1x16xf32> to vector<16xf32>
        %swap3A_614 = vector.shape_cast %get3A_609 : vector<16xf32> to vector<1x16xf32>
        tpu.vector_store %arg12[%swap3A_610, %swap3A_611], %swap3A_614 {add = true, strides = array<i32>} : memref<16x1024xf32, #tpu.memory_space<vmem>>, vector<1x16xf32>,
        %get3A_615 = arith.index_cast %scan3A_184 : i32 to index
        %get3A_616 = arith.constant 768 : index
        %get3A_617 = tpu.vector_load %arg14[%get3A_615, %get3A_616] {strides = array<i32>} : memref<16x1024xf32, #tpu.memory_space<vmem>>, vector<1x16xf32>,
        %get3A_618 = vector.shape_cast %get3A_617 : vector<1x16xf32> to vector<16xf32>
        %swap3A_619 = arith.index_cast %scan3A_184 : i32 to index
        %swap3A_620 = arith.constant 768 : index
        %swap3A_621 = tpu.vector_load %arg12[%swap3A_619, %swap3A_620] {strides = array<i32>} : memref<16x1024xf32, #tpu.memory_space<vmem>>, vector<1x16xf32>,
        %swap3A_622 = vector.shape_cast %swap3A_621 : vector<1x16xf32> to vector<16xf32>
        %swap3A_623 = vector.shape_cast %get3A_618 : vector<16xf32> to vector<1x16xf32>
        tpu.vector_store %arg12[%swap3A_619, %swap3A_620], %swap3A_623 {add = true, strides = array<i32>} : memref<16x1024xf32, #tpu.memory_space<vmem>>, vector<1x16xf32>,
        %get3A_624 = arith.index_cast %scan3A_184 : i32 to index
        %get3A_625 = arith.constant 784 : index
        %get3A_626 = tpu.vector_load %arg14[%get3A_624, %get3A_625] {strides = array<i32>} : memref<16x1024xf32, #tpu.memory_space<vmem>>, vector<1x16xf32>,
        %get3A_627 = vector.shape_cast %get3A_626 : vector<1x16xf32> to vector<16xf32>
        %swap3A_628 = arith.index_cast %scan3A_184 : i32 to index
        %swap3A_629 = arith.constant 784 : index
        %swap3A_630 = tpu.vector_load %arg12[%swap3A_628, %swap3A_629] {strides = array<i32>} : memref<16x1024xf32, #tpu.memory_space<vmem>>, vector<1x16xf32>,
        %swap3A_631 = vector.shape_cast %swap3A_630 : vector<1x16xf32> to vector<16xf32>
        %swap3A_632 = vector.shape_cast %get3A_627 : vector<16xf32> to vector<1x16xf32>
        tpu.vector_store %arg12[%swap3A_628, %swap3A_629], %swap3A_632 {add = true, strides = array<i32>} : memref<16x1024xf32, #tpu.memory_space<vmem>>, vector<1x16xf32>,
        %get3A_633 = arith.index_cast %scan3A_184 : i32 to index
        %get3A_634 = arith.constant 800 : index
        %get3A_635 = tpu.vector_load %arg14[%get3A_633, %get3A_634] {strides = array<i32>} : memref<16x1024xf32, #tpu.memory_space<vmem>>, vector<1x16xf32>,
        %get3A_636 = vector.shape_cast %get3A_635 : vector<1x16xf32> to vector<16xf32>
        %swap3A_637 = arith.index_cast %scan3A_184 : i32 to index
        %swap3A_638 = arith.constant 800 : index
        %swap3A_639 = tpu.vector_load %arg12[%swap3A_637, %swap3A_638] {strides = array<i32>} : memref<16x1024xf32, #tpu.memory_space<vmem>>, vector<1x16xf32>,
        %swap3A_640 = vector.shape_cast %swap3A_639 : vector<1x16xf32> to vector<16xf32>
        %swap3A_641 = vector.shape_cast %get3A_636 : vector<16xf32> to vector<1x16xf32>
        tpu.vector_store %arg12[%swap3A_637, %swap3A_638], %swap3A_641 {add = true, strides = array<i32>} : memref<16x1024xf32, #tpu.memory_space<vmem>>, vector<1x16xf32>,
        %get3A_642 = arith.index_cast %scan3A_184 : i32 to index
        %get3A_643 = arith.constant 816 : index
        %get3A_644 = tpu.vector_load %arg14[%get3A_642, %get3A_643] {strides = array<i32>} : memref<16x1024xf32, #tpu.memory_space<vmem>>, vector<1x16xf32>,
        %get3A_645 = vector.shape_cast %get3A_644 : vector<1x16xf32> to vector<16xf32>
        %swap3A_646 = arith.index_cast %scan3A_184 : i32 to index
        %swap3A_647 = arith.constant 816 : index
        %swap3A_648 = tpu.vector_load %arg12[%swap3A_646, %swap3A_647] {strides = array<i32>} : memref<16x1024xf32, #tpu.memory_space<vmem>>, vector<1x16xf32>,
        %swap3A_649 = vector.shape_cast %swap3A_648 : vector<1x16xf32> to vector<16xf32>
        %swap3A_650 = vector.shape_cast %get3A_645 : vector<16xf32> to vector<1x16xf32>
        tpu.vector_store %arg12[%swap3A_646, %swap3A_647], %swap3A_650 {add = true, strides = array<i32>} : memref<16x1024xf32, #tpu.memory_space<vmem>>, vector<1x16xf32>,
        %get3A_651 = arith.index_cast %scan3A_184 : i32 to index
        %get3A_652 = arith.constant 832 : index
        %get3A_653 = tpu.vector_load %arg14[%get3A_651, %get3A_652] {strides = array<i32>} : memref<16x1024xf32, #tpu.memory_space<vmem>>, vector<1x16xf32>,
        %get3A_654 = vector.shape_cast %get3A_653 : vector<1x16xf32> to vector<16xf32>
        %swap3A_655 = arith.index_cast %scan3A_184 : i32 to index
        %swap3A_656 = arith.constant 832 : index
        %swap3A_657 = tpu.vector_load %arg12[%swap3A_655, %swap3A_656] {strides = array<i32>} : memref<16x1024xf32, #tpu.memory_space<vmem>>, vector<1x16xf32>,
        %swap3A_658 = vector.shape_cast %swap3A_657 : vector<1x16xf32> to vector<16xf32>
        %swap3A_659 = vector.shape_cast %get3A_654 : vector<16xf32> to vector<1x16xf32>
        tpu.vector_store %arg12[%swap3A_655, %swap3A_656], %swap3A_659 {add = true, strides = array<i32>} : memref<16x1024xf32, #tpu.memory_space<vmem>>, vector<1x16xf32>,
        %get3A_660 = arith.index_cast %scan3A_184 : i32 to index
        %get3A_661 = arith.constant 848 : index
        %get3A_662 = tpu.vector_load %arg14[%get3A_660, %get3A_661] {strides = array<i32>} : memref<16x1024xf32, #tpu.memory_space<vmem>>, vector<1x16xf32>,
        %get3A_663 = vector.shape_cast %get3A_662 : vector<1x16xf32> to vector<16xf32>
        %swap3A_664 = arith.index_cast %scan3A_184 : i32 to index
        %swap3A_665 = arith.constant 848 : index
        %swap3A_666 = tpu.vector_load %arg12[%swap3A_664, %swap3A_665] {strides = array<i32>} : memref<16x1024xf32, #tpu.memory_space<vmem>>, vector<1x16xf32>,
        %swap3A_667 = vector.shape_cast %swap3A_666 : vector<1x16xf32> to vector<16xf32>
        %swap3A_668 = vector.shape_cast %get3A_663 : vector<16xf32> to vector<1x16xf32>
        tpu.vector_store %arg12[%swap3A_664, %swap3A_665], %swap3A_668 {add = true, strides = array<i32>} : memref<16x1024xf32, #tpu.memory_space<vmem>>, vector<1x16xf32>,
        %get3A_669 = arith.index_cast %scan3A_184 : i32 to index
        %get3A_670 = arith.constant 864 : index
        %get3A_671 = tpu.vector_load %arg14[%get3A_669, %get3A_670] {strides = array<i32>} : memref<16x1024xf32, #tpu.memory_space<vmem>>, vector<1x16xf32>,
        %get3A_672 = vector.shape_cast %get3A_671 : vector<1x16xf32> to vector<16xf32>
        %swap3A_673 = arith.index_cast %scan3A_184 : i32 to index
        %swap3A_674 = arith.constant 864 : index
        %swap3A_675 = tpu.vector_load %arg12[%swap3A_673, %swap3A_674] {strides = array<i32>} : memref<16x1024xf32, #tpu.memory_space<vmem>>, vector<1x16xf32>,
        %swap3A_676 = vector.shape_cast %swap3A_675 : vector<1x16xf32> to vector<16xf32>
        %swap3A_677 = vector.shape_cast %get3A_672 : vector<16xf32> to vector<1x16xf32>
        tpu.vector_store %arg12[%swap3A_673, %swap3A_674], %swap3A_677 {add = true, strides = array<i32>} : memref<16x1024xf32, #tpu.memory_space<vmem>>, vector<1x16xf32>,
        %get3A_678 = arith.index_cast %scan3A_184 : i32 to index
        %get3A_679 = arith.constant 880 : index
        %get3A_680 = tpu.vector_load %arg14[%get3A_678, %get3A_679] {strides = array<i32>} : memref<16x1024xf32, #tpu.memory_space<vmem>>, vector<1x16xf32>,
        %get3A_681 = vector.shape_cast %get3A_680 : vector<1x16xf32> to vector<16xf32>
        %swap3A_682 = arith.index_cast %scan3A_184 : i32 to index
        %swap3A_683 = arith.constant 880 : index
        %swap3A_684 = tpu.vector_load %arg12[%swap3A_682, %swap3A_683] {strides = array<i32>} : memref<16x1024xf32, #tpu.memory_space<vmem>>, vector<1x16xf32>,
        %swap3A_685 = vector.shape_cast %swap3A_684 : vector<1x16xf32> to vector<16xf32>
        %swap3A_686 = vector.shape_cast %get3A_681 : vector<16xf32> to vector<1x16xf32>
        tpu.vector_store %arg12[%swap3A_682, %swap3A_683], %swap3A_686 {add = true, strides = array<i32>} : memref<16x1024xf32, #tpu.memory_space<vmem>>, vector<1x16xf32>,
        %get3A_687 = arith.index_cast %scan3A_184 : i32 to index
        %get3A_688 = arith.constant 896 : index
        %get3A_689 = tpu.vector_load %arg14[%get3A_687, %get3A_688] {strides = array<i32>} : memref<16x1024xf32, #tpu.memory_space<vmem>>, vector<1x16xf32>,
        %get3A_690 = vector.shape_cast %get3A_689 : vector<1x16xf32> to vector<16xf32>
        %swap3A_691 = arith.index_cast %scan3A_184 : i32 to index
        %swap3A_692 = arith.constant 896 : index
        %swap3A_693 = tpu.vector_load %arg12[%swap3A_691, %swap3A_692] {strides = array<i32>} : memref<16x1024xf32, #tpu.memory_space<vmem>>, vector<1x16xf32>,
        %swap3A_694 = vector.shape_cast %swap3A_693 : vector<1x16xf32> to vector<16xf32>
        %swap3A_695 = vector.shape_cast %get3A_690 : vector<16xf32> to vector<1x16xf32>
        tpu.vector_store %arg12[%swap3A_691, %swap3A_692], %swap3A_695 {add = true, strides = array<i32>} : memref<16x1024xf32, #tpu.memory_space<vmem>>, vector<1x16xf32>,
        %get3A_696 = arith.index_cast %scan3A_184 : i32 to index
        %get3A_697 = arith.constant 912 : index
        %get3A_698 = tpu.vector_load %arg14[%get3A_696, %get3A_697] {strides = array<i32>} : memref<16x1024xf32, #tpu.memory_space<vmem>>, vector<1x16xf32>,
        %get3A_699 = vector.shape_cast %get3A_698 : vector<1x16xf32> to vector<16xf32>
        %swap3A_700 = arith.index_cast %scan3A_184 : i32 to index
        %swap3A_701 = arith.constant 912 : index
        %swap3A_702 = tpu.vector_load %arg12[%swap3A_700, %swap3A_701] {strides = array<i32>} : memref<16x1024xf32, #tpu.memory_space<vmem>>, vector<1x16xf32>,
        %swap3A_703 = vector.shape_cast %swap3A_702 : vector<1x16xf32> to vector<16xf32>
        %swap3A_704 = vector.shape_cast %get3A_699 : vector<16xf32> to vector<1x16xf32>
        tpu.vector_store %arg12[%swap3A_700, %swap3A_701], %swap3A_704 {add = true, strides = array<i32>} : memref<16x1024xf32, #tpu.memory_space<vmem>>, vector<1x16xf32>,
        %get3A_705 = arith.index_cast %scan3A_184 : i32 to index
        %get3A_706 = arith.constant 928 : index
        %get3A_707 = tpu.vector_load %arg14[%get3A_705, %get3A_706] {strides = array<i32>} : memref<16x1024xf32, #tpu.memory_space<vmem>>, vector<1x16xf32>,
        %get3A_708 = vector.shape_cast %get3A_707 : vector<1x16xf32> to vector<16xf32>
        %swap3A_709 = arith.index_cast %scan3A_184 : i32 to index
        %swap3A_710 = arith.constant 928 : index
        %swap3A_711 = tpu.vector_load %arg12[%swap3A_709, %swap3A_710] {strides = array<i32>} : memref<16x1024xf32, #tpu.memory_space<vmem>>, vector<1x16xf32>,
        %swap3A_712 = vector.shape_cast %swap3A_711 : vector<1x16xf32> to vector<16xf32>
        %swap3A_713 = vector.shape_cast %get3A_708 : vector<16xf32> to vector<1x16xf32>
        tpu.vector_store %arg12[%swap3A_709, %swap3A_710], %swap3A_713 {add = true, strides = array<i32>} : memref<16x1024xf32, #tpu.memory_space<vmem>>, vector<1x16xf32>,
        %get3A_714 = arith.index_cast %scan3A_184 : i32 to index
        %get3A_715 = arith.constant 944 : index
        %get3A_716 = tpu.vector_load %arg14[%get3A_714, %get3A_715] {strides = array<i32>} : memref<16x1024xf32, #tpu.memory_space<vmem>>, vector<1x16xf32>,
        %get3A_717 = vector.shape_cast %get3A_716 : vector<1x16xf32> to vector<16xf32>
        %swap3A_718 = arith.index_cast %scan3A_184 : i32 to index
        %swap3A_719 = arith.constant 944 : index
        %swap3A_720 = tpu.vector_load %arg12[%swap3A_718, %swap3A_719] {strides = array<i32>} : memref<16x1024xf32, #tpu.memory_space<vmem>>, vector<1x16xf32>,
        %swap3A_721 = vector.shape_cast %swap3A_720 : vector<1x16xf32> to vector<16xf32>
        %swap3A_722 = vector.shape_cast %get3A_717 : vector<16xf32> to vector<1x16xf32>
        tpu.vector_store %arg12[%swap3A_718, %swap3A_719], %swap3A_722 {add = true, strides = array<i32>} : memref<16x1024xf32, #tpu.memory_space<vmem>>, vector<1x16xf32>,
        %get3A_723 = arith.index_cast %scan3A_184 : i32 to index
        %get3A_724 = arith.constant 960 : index
        %get3A_725 = tpu.vector_load %arg14[%get3A_723, %get3A_724] {strides = array<i32>} : memref<16x1024xf32, #tpu.memory_space<vmem>>, vector<1x16xf32>,
        %get3A_726 = vector.shape_cast %get3A_725 : vector<1x16xf32> to vector<16xf32>
        %swap3A_727 = arith.index_cast %scan3A_184 : i32 to index
        %swap3A_728 = arith.constant 960 : index
        %swap3A_729 = tpu.vector_load %arg12[%swap3A_727, %swap3A_728] {strides = array<i32>} : memref<16x1024xf32, #tpu.memory_space<vmem>>, vector<1x16xf32>,
        %swap3A_730 = vector.shape_cast %swap3A_729 : vector<1x16xf32> to vector<16xf32>
        %swap3A_731 = vector.shape_cast %get3A_726 : vector<16xf32> to vector<1x16xf32>
        tpu.vector_store %arg12[%swap3A_727, %swap3A_728], %swap3A_731 {add = true, strides = array<i32>} : memref<16x1024xf32, #tpu.memory_space<vmem>>, vector<1x16xf32>,
        %get3A_732 = arith.index_cast %scan3A_184 : i32 to index
        %get3A_733 = arith.constant 976 : index
        %get3A_734 = tpu.vector_load %arg14[%get3A_732, %get3A_733] {strides = array<i32>} : memref<16x1024xf32, #tpu.memory_space<vmem>>, vector<1x16xf32>,
        %get3A_735 = vector.shape_cast %get3A_734 : vector<1x16xf32> to vector<16xf32>
        %swap3A_736 = arith.index_cast %scan3A_184 : i32 to index
        %swap3A_737 = arith.constant 976 : index
        %swap3A_738 = tpu.vector_load %arg12[%swap3A_736, %swap3A_737] {strides = array<i32>} : memref<16x1024xf32, #tpu.memory_space<vmem>>, vector<1x16xf32>,
        %swap3A_739 = vector.shape_cast %swap3A_738 : vector<1x16xf32> to vector<16xf32>
        %swap3A_740 = vector.shape_cast %get3A_735 : vector<16xf32> to vector<1x16xf32>
        tpu.vector_store %arg12[%swap3A_736, %swap3A_737], %swap3A_740 {add = true, strides = array<i32>} : memref<16x1024xf32, #tpu.memory_space<vmem>>, vector<1x16xf32>,
        %get3A_741 = arith.index_cast %scan3A_184 : i32 to index
        %get3A_742 = arith.constant 992 : index
        %get3A_743 = tpu.vector_load %arg14[%get3A_741, %get3A_742] {strides = array<i32>} : memref<16x1024xf32, #tpu.memory_space<vmem>>, vector<1x16xf32>,
        %get3A_744 = vector.shape_cast %get3A_743 : vector<1x16xf32> to vector<16xf32>
        %swap3A_745 = arith.index_cast %scan3A_184 : i32 to index
        %swap3A_746 = arith.constant 992 : index
        %swap3A_747 = tpu.vector_load %arg12[%swap3A_745, %swap3A_746] {strides = array<i32>} : memref<16x1024xf32, #tpu.memory_space<vmem>>, vector<1x16xf32>,
        %swap3A_748 = vector.shape_cast %swap3A_747 : vector<1x16xf32> to vector<16xf32>
        %swap3A_749 = vector.shape_cast %get3A_744 : vector<16xf32> to vector<1x16xf32>
        tpu.vector_store %arg12[%swap3A_745, %swap3A_746], %swap3A_749 {add = true, strides = array<i32>} : memref<16x1024xf32, #tpu.memory_space<vmem>>, vector<1x16xf32>,
        %get3A_750 = arith.index_cast %scan3A_184 : i32 to index
        %get3A_751 = arith.constant 1008 : index
        %get3A_752 = tpu.vector_load %arg14[%get3A_750, %get3A_751] {strides = array<i32>} : memref<16x1024xf32, #tpu.memory_space<vmem>>, vector<1x16xf32>,
        %get3A_753 = vector.shape_cast %get3A_752 : vector<1x16xf32> to vector<16xf32>
        %swap3A_754 = arith.index_cast %scan3A_184 : i32 to index
        %swap3A_755 = arith.constant 1008 : index
        %swap3A_756 = tpu.vector_load %arg12[%swap3A_754, %swap3A_755] {strides = array<i32>} : memref<16x1024xf32, #tpu.memory_space<vmem>>, vector<1x16xf32>,
        %swap3A_757 = vector.shape_cast %swap3A_756 : vector<1x16xf32> to vector<16xf32>
        %swap3A_758 = vector.shape_cast %get3A_753 : vector<16xf32> to vector<1x16xf32>
        tpu.vector_store %arg12[%swap3A_754, %swap3A_755], %swap3A_758 {add = true, strides = array<i32>} : memref<16x1024xf32, #tpu.memory_space<vmem>>, vector<1x16xf32>,
      }
      %scan3A_163 = arith.constant 16 : i32
      %mul3A_164 = arith.constant 16 : i32
      %mul3A_165 = arith.muli %add3A_147, %mul3A_164 : i32
      %add3A_166 = arith.addi %mul3A_2, %mul3A_165 : i32
      %multiple_of3A_167 = tpu.assume_multiple %add3A_166, 16 : i32
      %dma_start3A_168 = arith.constant 0 : i32
      %dma_start3A_169 = tpu.memref_slice %arg6[%multiple_of3A_167, %dma_start3A_168] : memref<32768x1024xf32, #tpu.memory_space<hbm>> -> memref<16x1024xf32, #tpu.memory_space<hbm>>
      %dma_start3A_170 = arith.constant 0 : i32
      %dma_start3A_171 = tpu.memref_slice %arg6[%multiple_of3A_167, %dma_start3A_170] : memref<32768x1024xf32, #tpu.memory_space<hbm>> -> memref<16x1024xf32, #tpu.memory_space<hbm>>
      tpu.enqueue_dma source(%arg12 : memref<16x1024xf32, #tpu.memory_space<vmem>>) target(%dma_start3A_171 : memref<16x1024xf32, #tpu.memory_space<hbm>>) target_semaphore(%arg22 : memref<!tpu.dma_semaphore, #tpu.memory_space<semaphore_mem>>)
      %ge3A_172 = arith.constant 2 : i32
      %ge3A_173 = arith.cmpi sge, %add3A_147, %ge3A_172 : i32
      %convert_element_type3A_174 = arith.extui %ge3A_173 : i1 to i32
      %cond3A_175 = arith.constant 0 : i32
      %cond3A_176 = arith.cmpi ne, %convert_element_type3A_174, %cond3A_175 : i32
      scf.if %cond3A_176 {
        %dma_wait3A_184 = arith.constant 0 : i32
        %dma_wait3A_185 = tpu.memref_slice %arg6[%mul3A_2, %dma_wait3A_184] : memref<32768x1024xf32, #tpu.memory_space<hbm>> -> memref<16x1024xf32, #tpu.memory_space<hbm>>
        %dma_wait3A_186 = arith.constant 0 : i32
        %dma_wait3A_187 = tpu.memref_slice %arg6[%mul3A_2, %dma_wait3A_186] : memref<32768x1024xf32, #tpu.memory_space<hbm>> -> memref<16x1024xf32, #tpu.memory_space<hbm>>
        tpu.wait_dma2 semaphore(%arg20 : memref<!tpu.dma_semaphore, #tpu.memory_space<semaphore_mem>>) src(%arg10 : memref<16x1024xf32, #tpu.memory_space<vmem>>) dst(%dma_wait3A_187 : memref<16x1024xf32, #tpu.memory_space<hbm>>)
      } else {
      }
      %add3A_177 = arith.constant 2 : i32
      %add3A_178 = arith.addi %add3A_147, %add3A_177 : i32
      %lt3A_179 = arith.constant 64 : i32
      %lt3A_180 = arith.cmpi slt, %add3A_178, %lt3A_179 : i32
      %convert_element_type3A_181 = arith.extui %lt3A_180 : i1 to i32
      %cond3A_182 = arith.constant 0 : i32
      %cond3A_183 = arith.cmpi ne, %convert_element_type3A_181, %cond3A_182 : i32
      scf.if %cond3A_183 {
        %add3A_184 = arith.constant 2 : i32
        %add3A_185 = arith.addi %add3A_147, %add3A_184 : i32
        %mul3A_186 = arith.constant 16 : i32
        %mul3A_187 = arith.muli %add3A_185, %mul3A_186 : i32
        %multiple_of3A_188 = tpu.assume_multiple %mul3A_187, 16 : i32
        %dma_start3A_189 = tpu.memref_slice %arg7[%multiple_of3A_188] : memref<1024xi32, #tpu.memory_space<vmem>> -> memref<16xi32, #tpu.memory_space<vmem>>
        %dma_start3A_190 = arith.constant 0 : i32
        %dma_start3A_191 = arith.constant 0 : i32
        %dma_start3A_192 = tpu.memref_slice %arg4[%dma_start3A_190, %dma_start3A_191] : memref<100000x1024xf32, #tpu.memory_space<hbm>> -> memref<100000x1024xf32, #tpu.memory_space<hbm>>
        tpu.enqueue_indirect_dma source(%dma_start3A_192 : memref<100000x1024xf32, #tpu.memory_space<hbm>>) target(%arg10 : memref<16x1024xf32, #tpu.memory_space<vmem>>) offsets(%dma_start3A_189 : memref<16xi32, #tpu.memory_space<vmem>>) semaphore(%arg16 : memref<!tpu.dma_semaphore, #tpu.memory_space<semaphore_mem>>)
        %dma_start3A_193 = tpu.memref_slice %arg8[%multiple_of3A_188] : memref<1024xi32, #tpu.memory_space<vmem>> -> memref<16xi32, #tpu.memory_space<vmem>>
        %dma_start3A_194 = arith.constant 0 : i32
        %dma_start3A_195 = arith.constant 0 : i32
        %dma_start3A_196 = tpu.memref_slice %arg5[%dma_start3A_194, %dma_start3A_195] : memref<8192x1024xf32, #tpu.memory_space<hbm>> -> memref<8192x1024xf32, #tpu.memory_space<hbm>>
        tpu.enqueue_indirect_dma source(%dma_start3A_196 : memref<8192x1024xf32, #tpu.memory_space<hbm>>) target(%arg14 : memref<16x1024xf32, #tpu.memory_space<vmem>>) offsets(%dma_start3A_193 : memref<16xi32, #tpu.memory_space<vmem>>) semaphore(%arg24 : memref<!tpu.dma_semaphore, #tpu.memory_space<semaphore_mem>>)
      } else {
      }
    }
    %scan3A_25 = arith.constant 16 : i32
    %dma_wait3A = arith.constant 0 : i32
    %dma_wait3A_26 = tpu.memref_slice %arg6[%mul3A_2, %dma_wait3A] : memref<32768x1024xf32, #tpu.memory_space<hbm>> -> memref<16x1024xf32, #tpu.memory_space<hbm>>
    %dma_wait3A_27 = arith.constant 0 : i32
    %dma_wait3A_28 = tpu.memref_slice %arg6[%mul3A_2, %dma_wait3A_27] : memref<32768x1024xf32, #tpu.memory_space<hbm>> -> memref<16x1024xf32, #tpu.memory_space<hbm>>
    tpu.wait_dma2 semaphore(%arg22 : memref<!tpu.dma_semaphore, #tpu.memory_space<semaphore_mem>>) src(%arg12 : memref<16x1024xf32, #tpu.memory_space<vmem>>) dst(%dma_wait3A_28 : memref<16x1024xf32, #tpu.memory_space<hbm>>)
    %dma_wait3A_29 = arith.constant 0 : i32
    %dma_wait3A_30 = tpu.memref_slice %arg6[%mul3A_2, %dma_wait3A_29] : memref<32768x1024xf32, #tpu.memory_space<hbm>> -> memref<16x1024xf32, #tpu.memory_space<hbm>>
    %dma_wait3A_31 = arith.constant 0 : i32
    %dma_wait3A_32 = tpu.memref_slice %arg6[%mul3A_2, %dma_wait3A_31] : memref<32768x1024xf32, #tpu.memory_space<hbm>> -> memref<16x1024xf32, #tpu.memory_space<hbm>>
    tpu.wait_dma2 semaphore(%arg21 : memref<!tpu.dma_semaphore, #tpu.memory_space<semaphore_mem>>) src(%arg11 : memref<16x1024xf32, #tpu.memory_space<vmem>>) dst(%dma_wait3A_32 : memref<16x1024xf32, #tpu.memory_space<hbm>>)
    return
  }
}

</mosaic_0001>

<sc_bundles>
// kernel: kernel.3.cloned.1.call-start
scs
__scs_entry_jumppad:
0x0: {  	(pc) =	sbr.rel $0x88, $3  }
0x1: {  	(tag) =	ssettag $0x0;
	lr =	simm.s32 $0x1  }
0x2: {  	[smem:$0x3F9D] =	sst lr;
	_ =	strace $0xD0000000  }
0x3: {  	_ = 	snop  }
0x4: {  	_ = 	snop  }
0x5: {  	_ = 	snop  }
0x6: {  	_ = 	snop  }
0x7: {  	_ = 	snop  }
__scs_overlays_trampoline_lowered:
0x8: {  	[smem:$0x3FAC] =	sst s0  }
0x9: {  	[smem:$0x3FAD] =	sst s1  }
0xa: {  	[smem:$0x3FAE] =	sst s2  }
0xb: {  	[smem:$0x3FAF] =	sst s3  }
0xc: {  	[smem:$0x3FB0] =	sst s4  }
0xd: {  	[smem:$0x3FB1] =	sst s5  }
0xe: {  	[smem:$0x3FB2] =	sst s6  }
0xf: {  	[smem:$0x3FB3] =	sst s7  }
0x10: {  	[smem:$0x3FB4] =	sst s8  }
0x11: {  	[smem:$0x3FB5] =	sst s9;
	s0 =	simm.s32 @!p0 $0x0  }
0x12: {  	s1 =	sld [smem:$0x3F9B];
	s0 =	simm.s32 @p0 $0x1  }
0x13: {  	[smem:$0x3FB6] =	sst s0;
	s0 =	simm.s32 @!p1 $0x0  }
0x14: {  	s2 =	sld [smem:$0x3F9A];
	s0 =	simm.s32 @p1 $0x1  }
0x15: {  	[smem:$0x3FB7] =	sst s0;
	s0 =	simm.s32 @!p2 $0x0  }
0x16: {  	s3 =	sld [smem:$0x3FDB];
	s0 =	simm.s32 @p2 $0x1  }
0x17: {  	s4 =	simm.s32 $0x1BF5;
	[smem:$0x3FB9] =	sst s0  }
0x18: {  	s0 =	sld [smem:$0x3F9C];
	_ =	swait.ge [sflag:s4], $0x0  }
0x19: {  	s7 =	sld [smem:$0x3F9D]  }
0x1a: {  	s8 =	sadd.s32 $0xFFFFE003, lr  }
0x1b: {  	s9 =	sadd.s32 $0xFFFFFEF7, lr;
	s5 =	simm.s32 $0xFFFFFFFF;
	p2 =	slt.u32 s8, $0xFFFFF086  }
0x1c: {  	p1 =	slt.u32 s9, $0xF7A;
	s5 =	simm.s32 @!p2 $0x0  }
0x1d: {  	s5 =	simm.s32 @p1 $0x1;
	p0 =	seq.s32 s7, s2  }
0x1e: {  	s7 =	smul.u32 @!p0 $0xF7A, s2;
	p2 =	seq.s32 @!p0 s5, $0x0  }
0x1f: {  	s9 =	smul.u32 $0xF7A, s1;
	s8 =	simm.s32 @!p0 $0x1BF5;
	p2 =	por !p2, p0  }
0x20: {  	[sflag:s8] =	ssyncset.s32 @!p0 $0xFFFFF086;
	s6 =	sadd.s32 @!p0 s3, s7;
	s7 =	simm.s32 @!p0 $0x108  }
0x21: {  	s3 =	sadd.s32 s3, s9;
	s6 =	sadd.s32 @!p0 $0x88, s6;
	s7 =	simm.s32 @p2 $0x1082  }
0x22: {  	[simem:s7], [sflag:s8] =	dma.local @!p0 [hbm:s6], $0xF7A  }
0x23: {  	s9 =	sor.u32 $0xD0000000, s2;
	s6 =	simm.s32 $0x108;
	_ =	swait.ge @!p0 [sflag:s8], $0x0  }
0x24: {  	s3 =	sadd.s32 $0x88, s3;
	s6 =	simm.s32 @!p1 $0x1082;
	[sflag:s4] =	ssyncset.s32 $0xFFFFF086  }
0x25: {  	[simem:s6], [sflag:s4] =	dma.local [hbm:s3], $0xF7A  }
0x26: {  	[smem:$0x3F9D] =	sst s1;
	(tag) =	ssettag s2;
	_ =	strace s9  }
0x27: {  	s1 =	sld [smem:$0x3FAD]  }
0x28: {  	s2 =	sld [smem:$0x3FAE]  }
0x29: {  	s4 =	sld [smem:$0x3FB0]  }
0x2a: {  	p0 =	seq.s32 s5, $0x0;
	s5 =	sld [smem:$0x3FB1]  }
0x2b: {  	s6 =	sld [smem:$0x3FB2]  }
0x2c: {  	s7 =	sld [smem:$0x3FB3]  }
0x2d: {  	s3 =	simm.s32 $0x108;
	s8 =	sld [smem:$0x3FB4]  }
0x2e: {  	s3 =	simm.s32 @!p0 $0x1082;
	s9 =	sld [smem:$0x3FB5]  }
0x2f: {  	lr =	sadd.s32 s0, s3;
	s0 =	sld [smem:$0x3FAC]  }
0x30: {  	s3 =	sld [smem:$0x3FAF]  }
0x31: {  	[smem:$0x3FB8] =	sst s10  }
0x32: {  	s10 =	sld [smem:$0x3FB6];
	_ =	sdelay $0x3  }
0x33: {  	p0 =	seq.s32 s10, $0x1;
	s10 =	sld [smem:$0x3FB8];
	_ =	sdelay $0x3  }
0x34: {  	[smem:$0x3FB8] =	sst s10  }
0x35: {  	s10 =	sld [smem:$0x3FB7];
	_ =	sdelay $0x3  }
0x36: {  	p1 =	seq.s32 s10, $0x1;
	s10 =	sld [smem:$0x3FB8];
	_ =	sdelay $0x3  }
0x37: {  	[smem:$0x3FB8] =	sst s10  }
0x38: {  	s10 =	sld [smem:$0x3FB9]  }
0x39: {  	_ = 	snop;
	(pc) =	sbr.ind lr, $3  }
0x3a: {  	_ = 	snop  }
0x3b: {  	_ = 	snop  }
0x3c: {  	p2 =	seq.s32 s10, $0x1;
	s10 =	sld [smem:$0x3FB8]  }
0x3d: {  	_ =	shalt  }
0x3e: {  	_ =	shalt  }
0x3f: {  	_ =	shalt  }
0x40: {  	_ =	shalt  }
0x41: {  	_ =	shalt  }
0x42: {  	_ =	shalt  }
0x43: {  	_ =	shalt  }
0x44: {  	_ =	shalt  }
0x45: {  	_ =	shalt  }
0x46: {  	_ =	shalt  }
0x47: {  	_ =	shalt  }
0x48: {  	_ =	shalt  }
0x49: {  	_ =	shalt  }
0x4a: {  	_ =	shalt  }
0x4b: {  	_ =	shalt  }
0x4c: {  	_ =	shalt  }
0x4d: {  	_ =	shalt  }
0x4e: {  	_ =	shalt  }
0x4f: {  	_ =	shalt  }
0x50: {  	_ =	shalt  }
0x51: {  	_ =	shalt  }
0x52: {  	_ =	shalt  }
0x53: {  	_ =	shalt  }
0x54: {  	_ =	shalt  }
0x55: {  	_ =	shalt  }
0x56: {  	_ =	shalt  }
0x57: {  	_ =	shalt  }
0x58: {  	_ =	shalt  }
0x59: {  	_ =	shalt  }
0x5a: {  	_ =	shalt  }
0x5b: {  	_ =	shalt  }
0x5c: {  	_ =	shalt  }
0x5d: {  	_ =	shalt  }
0x5e: {  	_ =	shalt  }
0x5f: {  	_ =	shalt  }
0x60: {  	_ =	shalt  }
0x61: {  	_ =	shalt  }
0x62: {  	_ =	shalt  }
0x63: {  	_ =	shalt  }
0x64: {  	_ =	shalt  }
0x65: {  	_ =	shalt  }
0x66: {  	_ =	shalt  }
0x67: {  	_ =	shalt  }
0x68: {  	_ =	shalt  }
0x69: {  	_ =	shalt  }
0x6a: {  	_ =	shalt  }
0x6b: {  	_ =	shalt  }
0x6c: {  	_ =	shalt  }
0x6d: {  	_ =	shalt  }
0x6e: {  	_ =	shalt  }
0x6f: {  	_ =	shalt  }
0x70: {  	_ =	shalt  }
0x71: {  	_ =	shalt  }
0x72: {  	_ =	shalt  }
0x73: {  	_ =	shalt  }
0x74: {  	_ =	shalt  }
0x75: {  	_ =	shalt  }
0x76: {  	_ =	shalt  }
0x77: {  	_ =	shalt  }
0x78: {  	_ =	shalt  }
0x79: {  	_ =	shalt  }
0x7a: {  	_ =	shalt  }
0x7b: {  	_ =	shalt  }
0x7c: {  	_ =	shalt  }
0x7d: {  	_ =	shalt  }
0x7e: {  	_ =	shalt  }
0x7f: {  	_ =	shalt  }
0x80: {  	_ =	shalt  }
0x81: {  	_ =	shalt  }
0x82: {  	_ =	shalt  }
0x83: {  	_ =	shalt  }
0x84: {  	_ =	shalt  }
0x85: {  	_ =	shalt  }
0x86: {  	_ =	shalt  }
0x87: {  	_ =	shalt  }
.Lfunc_end0:
.L_simem_size_0:
called_computation_lowered:
.L_overlay_start_0:
0x88: {  	s2 =	sld [smem:$0x3FD9]  }
0x89: {  	s3 =	sld [smem:$0x3FFE];
	_ =	sdelay $0x1  }
0x8a: {  	s1 =	srdreg.scid  }
0x8b: {  	s0 =	sand.u32 $0x1, s1  }
0x8c: {  	s17 =	sshll.u32 s0, $0xA;
	s2 =	sadd.s32 s3, s2  }
0x8d: {  	s2 =	sadd.s32 s2, s17  }
0x8e: {  	[smem:$0x3FC4] =	sst s2  }
0x8f: {  	_ = 	snop  }
0x90: {  	s2 =	sld [smem:$0x3FC7]  }
0x91: {  	s18 =	sld [smem:$0x3FC6]  }
0x92: {  	s4 =	sld [smem:$0x3FD0];
	(tm) =	ssettm $0x1  }
0x93: {  	s5 =	sld [smem:$0x3FFB];
	_ =	sdelay $0x3  }
0x94: {  	_ =	strace s5  }
0x95: {  	s5 =	sld [smem:$0x3FFC];
	_ =	sdelay $0x3  }
0x96: {  	_ =	strace s5  }
0x97: {  	s5 =	sld [smem:$0x3FFD];
	_ =	sdelay $0x3  }
0x98: {  	_ =	strace s5  }
0x99: {  	_ =	strace $0x8FFFFFFF  }
0x9a: {  	s19 =	sld [smem:$0x3FDB];
	_ =	sdelay $0x1  }
0x9b: {  	s6 =	simm.s32 $_scs_section_size  }
0x9c: {  	s7 =	simm.s32 $_size__tile_overlayer_lowered;
	s8 =	simm.s32 $_tile_overlayer_lowered  }
0x9d: {  	s22 =	simm.s32 $0x1BFF;
	s21 =	sshll.u32 s8, $0x1;
	s5 =	sadd.s32 s6, s19  }
0x9e: {  	s9 =	simm.s32 $0x0;
	s20 =	sshll.u32 s7, $0x1;
	s7 =	sadd.s32 s21, s5  }
0x9f: {  	[timem:s9], [sflag:s22] =	dma.local [hbm:s7], s20  }
0xa0: {  	_ =	swait.ge [sflag:s22], s20  }
0xa1: {  	s6 =	ssub.s32 $0x0, s20;
	[sflag:s22] =	ssyncset.done $0x0  }
0xa2: {  	[sflag:s22] =	ssyncadd.s32 s6;
	_ =	sdelay $0x1  }
0xa3: {  	s23 =	simm.s32 $0x1B8B  }
0xa4: {  	_ =	swait.ge [sflag:s23], $0x1  }
0xa5: {  	[sflag:s23] =	ssyncset.done $0x0  }
0xa6: {  	s25 =	simm.s32 $0x1B8E;
	s24 =	sld [smem:$0x3FFE];
	[sflag:s23] =	ssyncadd.s32 $0xFFFFFFFF  }
0xa7: {  	s26 =	simm.s32 $execute0_lowered;
	[smem:$0x3FD2] =	sst s25  }
0xa8: {  	s7 =	sshll.u32 s26, $0x1;
	_ =	strace $0x80000046;
	[dreg:$0x1] =	wrdreg $0xFFFFFFFF  }
0xa9: {  	s28 =	simm.s32 $_size_execute0_lowered;
	s5 =	sadd.s32 s5, s7;
	[dreg:$0x0] =	wrdreg $0x0  }
0xaa: {  	s7 =	sshll.u32 s28, $0x1;
	[dreg:$0x2] =	wrdreg s5  }
0xab: {  	[dreg:$0x3] =	wrdreg s7  }
0xac: {  	[dreg:$0x4] =	wrdreg $0xC0  }
0xad: {  	_ =	task [dreg:s9], $0x5FFFF  }
0xae: {  	[dreg:$0x1] =	wrdreg $0xFFFFFFFF  }
0xaf: {  	[dreg:$0x0] =	wrdreg $0x60  }
0xb0: {  	[dreg:$0x2] =	wrdreg s24  }
0xb1: {  	[dreg:$0x3] =	wrdreg s2  }
0xb2: {  	[dreg:$0x4] =	wrdreg s18  }
0xb3: {  	[dreg:$0x5] =	wrdreg s4  }
0xb4: {  	[dreg:$0x6] =	wrdreg $0x9  }
0xb5: {  	_ =	task.clear_ibuf [dreg:s9], $0x7FFFF;
	_ =	strace $0x90000046  }
0xb6: {  	s29 =	simm.s32 $0x9;
	_ =	strace $0x80000048  }
0xb7: {  	_ =	swait.ge [sflag:s29], $0x1  }
0xb8: {  	[sflag:s29] =	ssyncadd.s32 $0xFFFFFFFF  }
0xb9: {  	_ =	strace $0x90000048  }
0xba: {  	_ =	sfence  }
0xbb: {  	s30 =	sld [smem:$0x0];
	_ =	sdelay $0x2  }
0xbc: {  	s31 =	sshll.u32 s1, $0xD;
	s1 =	sshrl.u32 s1, $0x2  }
0xbd: {  	s3 =	sand.u32 $0x4000, s31;
	s1 =	sadd.s32 s1, s30  }
0xbe: {  	s0 =	sor.u32 s3, s0;
	s1 =	sshll.u32 s1, $0x11  }
0xbf: {  	s0 =	sor.u32 s1, s0  }
0xc0: {  	s0 =	sadd.s32 $0x8F2B, s0  }
0xc1: {  	[sflag:s0] =	ssyncadd.remote.s32 $0x1  }
0xc2: {  	_ =	sfence.sel $0xFFFF  }
0xc3: {  	[dreg:$0x0] =	wrdreg $0xFFFFFFFF;
	(pc) =	sbr.abs _section_cstart, $3  }
0xc4: {  	[dreg:$0x1] =	wrdreg $0xFFFFFFFF  }
0xc5: {  	_ =	task.clear_ibuf [dreg:s9], $0x2FFFF;
	_ =	strace $0x9FFFFFFF  }
0xc6: {  	(tm) =	ssettm $0x7FFFFFFF  }
0xc7: {  	_ =	shalt  }
tec
execute0_lowered:
.L_overlay_start_1:
0x0: {  	(tag) =	ssettag $0x1  }
0x1: {  	s0 =	rddreg [dreg:$0x0]  }
0x2: {  	s1 =	rddreg [dreg:$0x1]  }
0x3: {  	s2 =	srdreg.scid;
	s3 =	rddreg [dreg:$0x2]  }
0x4: {  	s4 =	stileid.u32;
	s7 =	rddreg [dreg:$0x3]  }
0x5: {  	s29 =	simm.s32 $0x4800;
	s17 =	simm.s32 $0x1;
	s20 =	simm.s32 $0x9  }
0x6: {  	s28 =	simm.s32 $0x8800;
	s30 =	simm.s32 $0x2;
	s31 =	simm.s32 $0xA  }
0x7: {  	s19 =	simm.s32 $0x5;
	s21 =	simm.s32 $0x4;
	s2 =	sand.u32 $0x1, s2  }
0x8: {  	s4 =	sshll.u32 s4, $0xB;
	s8 =	sadd.s32 $0x100, s1;
	s9 =	sadd.s32 $0x200, s1  }
0x9: {  	s10 =	sadd.s32 $0x300, s1;
	s11 =	sadd.s32 $0x100, s3;
	s12 =	sadd.s32 $0x200, s3  }
0xa: {  	s13 =	sadd.s32 $0x300, s3;
	s25 =	sadd.s32 $0x800, s7;
	s5 =	sshll.u32 s2, $0xA  }
0xb: {  	s2 =	ssub.s32 $0x2, s2;
	s4 =	sor.u32 s5, s4;
	s5 =	simm.s32 $0x0  }
0xc: {  	s22 =	sshrl.u32 s2, $0x1;
	s6 =	sshrl.u32 s4, $0x3;
	[smem:$0x7FF] =	sst s5  }
0xd: {  	s2 =	ssub.s32 s2, s22;
	s24 =	sshll.u32 s4, $0x7;
	s22 =	simm.s32 $0x6  }
.Ltmp0:
0xe: {  	_ =	strace $0x80000047;
	[dreg:$0x8] =	wrdreg s25;
	(pc) =	sbr.rel .LBB2_1-.Ltmp0, $4  }
0xf: {  	s0 =	sadd.s32 s6, s0;
	[dreg:$0x7] =	wrdreg s24;
	s26 =	smax.u32 s2, $0x1  }
0x10: {  	v2 =	vlaneseq.u32;
	s16 =	sadd.s32 s7, s24;
	s23 =	sadd.s32 $0x400, s0;
	[dreg:$0x9] =	wrdreg s26  }
0x11: {  	vm0 =	vmmov $0xffff;
	v1 =	vshrl.u32 v2, $0x3;
	s2 =	simm.s32 $0xC800;
	s0 =	sadd.s32 $0x1400, s0;
	[dreg:$0x5] =	wrdreg s23  }
0x12: {  	v0 =	vand.u32 $0x7, v2;
	v2 =	vor.u32 $0x8, v2;
	v1 =	vmul.u32 $0x8, v1;
	s7 =	simm.s32 $0x0;
	[dreg:$0x6] =	wrdreg s0;
	s0 =	simm.s32 $0x3  }
.LBB2_12:
0x13: {  	s4 =	simm.s32 $0x8  }
0x14: {  	_ =	swait.ge [sflag:s4], $0x4000  }
0x15: {  	[sflag:s4] =	ssyncset.done $0x0  }
0x16: {  	s6 =	simm.s32 $0x7;
	[sflag:s4] =	ssyncadd.s32 $0xFFFFC000  }
0x17: {  	_ =	swait.ge [sflag:s6], $0x4000  }
0x18: {  	s7 =	rddreg [dreg:$0xa]  }
0x19: {  	s26 =	rddreg [dreg:$0x9];
	s7 =	sadd.s32 $0x1, s7  }
0x1a: {  	p0 =	sne.s32 s7, s26  }
.Ltmp1:
0x1b: {  	_ = 	snop;
	(pc) =	sbr.rel @!p0 .LBB2_13-.Ltmp1, $3  }
0x1c: {  	_ =	sdelay $0x1  }
0x1d: {  	[sflag:s6] =	ssyncset.done $0x0  }
0x1e: {  	[sflag:s6] =	ssyncadd.s32 $0xFFFFC000  }
.LBB2_1:
0x1f: {  	[dreg:$0xa] =	wrdreg s7  }
0x20: {  	s4 =	rddreg [dreg:$0x5];
	s6 =	simm.s32 $0xB  }
0x21: {  	[tilespmem:s5], [sflag:$0xB] =	stream.linear.gather [hbm4b:s4+s5], $0x400, $0x38;
	[tilespmem:$0x18800] =	vst v63  }
0x22: {  	_ =	swait.ge [sflag:s6], $0x400  }
0x23: {  	[sflag:s6] =	ssyncset.done $0x0  }
0x24: {  	s24 =	simm.s32 $0x400;
	s23 =	rddreg [dreg:$0x6];
	[sflag:s6] =	ssyncadd.s32 $0xFFFFFC00  }
0x25: {  	[tilespmem:s24], [sflag:$0xB] =	stream.linear.gather [hbm4b:s23+s5], $0x400, $0x38;
	[tilespmem:$0x18800] =	vst v63  }
0x26: {  	_ =	swait.ge [sflag:s6], $0x400  }
0x27: {  	[sflag:s6] =	ssyncset.done $0x0  }
0x28: {  	[sflag:s6] =	ssyncadd.s32 $0xFFFFFC00  }
0x29: {  	v3 =	vld [tilespmem:$0x0];
	_ =	sdelay $0x4  }
0x2a: {  	v4 =	vshll.u32 v3, $0x3  }
0x2b: {  	v3 =	vand.u32 $0x7, v3;
	v4 =	vand.u32 $0xFFFFFFC0, v4  }
0x2c: {  	v3 =	vor.u32 v3, v4  }
0x2d: {  	v4 =	vperm.xlane v3, v0;
	_ =	sdelay $0x1  }
0x2e: {  	v4 =	vadd.s32 v1, v4;
	_ =	sdelay $0x3  }
0x2f: {  	s25 =	simm.s32 $0x800  }
0x30: {  	[tilespmem:s25], [sflag:$0x1] =	stream.indirect_vreg.gather [hbm4b:s1+s5], $0x80, v4, vm0, $0xb8;
	[tilespmem:$0x18800] =	vst v63  }
0x31: {  	s26 =	simm.s32 $0x1000;
	v3 =	vperm.xlane v3, v2  }
0x32: {  	[tilespmem:s26], [sflag:$0x1] =	stream.indirect_vreg.gather [hbm4b:s8+s5], $0x80, v4, vm0, $0xb8;
	[tilespmem:$0x18800] =	vst v63  }
0x33: {  	s6 =	simm.s32 $0x1800;
	v3 =	vadd.s32 v1, v3  }
0x34: {  	[tilespmem:s6], [sflag:$0x1] =	stream.indirect_vreg.gather [hbm4b:s9+s5], $0x80, v4, vm0, $0xb8;
	[tilespmem:$0x18800] =	vst v63  }
0x35: {  	s7 =	simm.s32 $0x2000  }
0x36: {  	[tilespmem:s7], [sflag:$0x1] =	stream.indirect_vreg.gather [hbm4b:s10+s5], $0x80, v4, vm0, $0xb8;
	[tilespmem:$0x18800] =	vst v63  }
0x37: {  	s14 =	simm.s32 $0x2800  }
0x38: {  	[tilespmem:s14], [sflag:$0x1] =	stream.indirect_vreg.gather [hbm4b:s1+s5], $0x80, v3, vm0, $0xb8;
	[tilespmem:$0x18800] =	vst v63  }
0x39: {  	s15 =	simm.s32 $0x3000  }
0x3a: {  	[tilespmem:s15], [sflag:$0x1] =	stream.indirect_vreg.gather [hbm4b:s8+s5], $0x80, v3, vm0, $0xb8;
	[tilespmem:$0x18800] =	vst v63  }
0x3b: {  	s18 =	simm.s32 $0x3800  }
0x3c: {  	[tilespmem:s18], [sflag:$0x1] =	stream.indirect_vreg.gather [hbm4b:s9+s5], $0x80, v3, vm0, $0xb8;
	[tilespmem:$0x18800] =	vst v63  }
0x3d: {  	s23 =	simm.s32 $0x4000  }
0x3e: {  	[tilespmem:s23], [sflag:$0x1] =	stream.indirect_vreg.gather [hbm4b:s10+s5], $0x80, v3, vm0, $0xb8;
	[tilespmem:$0x18800] =	vst v63  }
0x3f: {  	v3 =	vld [tilespmem:$0x400];
	_ =	sdelay $0x4  }
0x40: {  	v61 =	vshll.u32 v3, $0x3  }
0x41: {  	v3 =	vand.u32 $0x7, v3;
	v4 =	vand.u32 $0xFFFFFFC0, v61  }
0x42: {  	v3 =	vor.u32 v3, v4  }
0x43: {  	v4 =	vperm.xlane v3, v0;
	_ =	sdelay $0x1  }
0x44: {  	v4 =	vadd.s32 v1, v4;
	_ =	sdelay $0x3  }
0x45: {  	s24 =	simm.s32 $0x10800  }
0x46: {  	[tilespmem:s24], [sflag:$0x9] =	stream.indirect_vreg.gather [hbm4b:s3+s5], $0x80, v4, vm0, $0xb8;
	[tilespmem:$0x18800] =	vst v63  }
0x47: {  	s25 =	simm.s32 $0x11000;
	v3 =	vperm.xlane v3, v2  }
0x48: {  	[tilespmem:s25], [sflag:$0x9] =	stream.indirect_vreg.gather [hbm4b:s11+s5], $0x80, v4, vm0, $0xb8;
	[tilespmem:$0x18800] =	vst v63  }
0x49: {  	s26 =	simm.s32 $0x11800;
	v3 =	vadd.s32 v1, v3  }
0x4a: {  	[tilespmem:s26], [sflag:$0x9] =	stream.indirect_vreg.gather [hbm4b:s12+s5], $0x80, v4, vm0, $0xb8;
	[tilespmem:$0x18800] =	vst v63  }
0x4b: {  	s6 =	simm.s32 $0x12000  }
0x4c: {  	[tilespmem:s6], [sflag:$0x9] =	stream.indirect_vreg.gather [hbm4b:s13+s5], $0x80, v4, vm0, $0xb8;
	[tilespmem:$0x18800] =	vst v63  }
0x4d: {  	s7 =	simm.s32 $0x12800  }
0x4e: {  	[tilespmem:s7], [sflag:$0x9] =	stream.indirect_vreg.gather [hbm4b:s3+s5], $0x80, v3, vm0, $0xb8;
	[tilespmem:$0x18800] =	vst v63  }
0x4f: {  	s14 =	simm.s32 $0x13000  }
0x50: {  	[tilespmem:s14], [sflag:$0x9] =	stream.indirect_vreg.gather [hbm4b:s11+s5], $0x80, v3, vm0, $0xb8;
	[tilespmem:$0x18800] =	vst v63  }
0x51: {  	s15 =	simm.s32 $0x13800  }
0x52: {  	[tilespmem:s15], [sflag:$0x9] =	stream.indirect_vreg.gather [hbm4b:s12+s5], $0x80, v3, vm0, $0xb8;
	[tilespmem:$0x18800] =	vst v63  }
0x53: {  	s18 =	simm.s32 $0x14000  }
0x54: {  	[tilespmem:s18], [sflag:$0x9] =	stream.indirect_vreg.gather [hbm4b:s13+s5], $0x80, v3, vm0, $0xb8;
	[tilespmem:$0x18800] =	vst v63  }
0x55: {  	v3 =	vld [tilespmem:$0x10];
	_ =	sdelay $0x4  }
0x56: {  	v62 =	vshll.u32 v3, $0x3  }
0x57: {  	v3 =	vand.u32 $0x7, v3;
	v4 =	vand.u32 $0xFFFFFFC0, v62  }
0x58: {  	v3 =	vor.u32 v3, v4  }
0x59: {  	v4 =	vperm.xlane v3, v0;
	_ =	sdelay $0x1  }
0x5a: {  	v4 =	vadd.s32 v1, v4;
	_ =	sdelay $0x4  }
0x5b: {  	[tilespmem:s29], [sflag:$0x2] =	stream.indirect_vreg.gather [hbm4b:s1+s5], $0x80, v4, vm0, $0xb8;
	[tilespmem:$0x18800] =	vst v63  }
0x5c: {  	s23 =	simm.s32 $0x5000;
	v3 =	vperm.xlane v3, v2  }
0x5d: {  	[tilespmem:s23], [sflag:$0x2] =	stream.indirect_vreg.gather [hbm4b:s8+s5], $0x80, v4, vm0, $0xb8;
	[tilespmem:$0x18800] =	vst v63  }
0x5e: {  	s24 =	simm.s32 $0x5800;
	v3 =	vadd.s32 v1, v3  }
0x5f: {  	[tilespmem:s24], [sflag:$0x2] =	stream.indirect_vreg.gather [hbm4b:s9+s5], $0x80, v4, vm0, $0xb8;
	[tilespmem:$0x18800] =	vst v63  }
0x60: {  	s25 =	simm.s32 $0x6000  }
0x61: {  	[tilespmem:s25], [sflag:$0x2] =	stream.indirect_vreg.gather [hbm4b:s10+s5], $0x80, v4, vm0, $0xb8;
	[tilespmem:$0x18800] =	vst v63  }
0x62: {  	s26 =	simm.s32 $0x6800  }
0x63: {  	[tilespmem:s26], [sflag:$0x2] =	stream.indirect_vreg.gather [hbm4b:s1+s5], $0x80, v3, vm0, $0xb8;
	[tilespmem:$0x18800] =	vst v63  }
0x64: {  	s29 =	simm.s32 $0x7000  }
0x65: {  	[tilespmem:s29], [sflag:$0x2] =	stream.indirect_vreg.gather [hbm4b:s8+s5], $0x80, v3, vm0, $0xb8;
	[tilespmem:$0x18800] =	vst v63  }
0x66: {  	s6 =	simm.s32 $0x7800  }
0x67: {  	[tilespmem:s6], [sflag:$0x2] =	stream.indirect_vreg.gather [hbm4b:s9+s5], $0x80, v3, vm0, $0xb8;
	[tilespmem:$0x18800] =	vst v63  }
0x68: {  	s7 =	simm.s32 $0x8000  }
0x69: {  	[tilespmem:s7], [sflag:$0x2] =	stream.indirect_vreg.gather [hbm4b:s10+s5], $0x80, v3, vm0, $0xb8;
	[tilespmem:$0x18800] =	vst v63  }
0x6a: {  	v3 =	vld [tilespmem:$0x410];
	_ =	sdelay $0x4  }
0x6b: {  	v63 =	vshll.u32 v3, $0x3  }
0x6c: {  	v3 =	vand.u32 $0x7, v3;
	v4 =	vand.u32 $0xFFFFFFC0, v63  }
0x6d: {  	v3 =	vor.u32 v3, v4  }
0x6e: {  	v4 =	vperm.xlane v3, v0;
	_ =	sdelay $0x1  }
0x6f: {  	v4 =	vadd.s32 v1, v4;
	_ =	sdelay $0x3  }
0x70: {  	s14 =	simm.s32 $0x14800  }
0x71: {  	[tilespmem:s14], [sflag:$0xA] =	stream.indirect_vreg.gather [hbm4b:s3+s5], $0x80, v4, vm0, $0xb8;
	[tilespmem:$0x18800] =	vst v63  }
0x72: {  	s15 =	simm.s32 $0x15000;
	v3 =	vperm.xlane v3, v2  }
0x73: {  	[tilespmem:s15], [sflag:$0xA] =	stream.indirect_vreg.gather [hbm4b:s11+s5], $0x80, v4, vm0, $0xb8;
	[tilespmem:$0x18800] =	vst v63  }
0x74: {  	s18 =	simm.s32 $0x15800;
	v3 =	vadd.s32 v1, v3  }
0x75: {  	[tilespmem:s18], [sflag:$0xA] =	stream.indirect_vreg.gather [hbm4b:s12+s5], $0x80, v4, vm0, $0xb8;
	[tilespmem:$0x18800] =	vst v63  }
0x76: {  	s23 =	simm.s32 $0x16000  }
0x77: {  	[tilespmem:s23], [sflag:$0xA] =	stream.indirect_vreg.gather [hbm4b:s13+s5], $0x80, v4, vm0, $0xb8;
	[tilespmem:$0x18800] =	vst v63  }
0x78: {  	s24 =	simm.s32 $0x16800  }
0x79: {  	[tilespmem:s24], [sflag:$0xA] =	stream.indirect_vreg.gather [hbm4b:s3+s5], $0x80, v3, vm0, $0xb8;
	[tilespmem:$0x18800] =	vst v63  }
0x7a: {  	s25 =	simm.s32 $0x17000  }
0x7b: {  	[tilespmem:s25], [sflag:$0xA] =	stream.indirect_vreg.gather [hbm4b:s11+s5], $0x80, v3, vm0, $0xb8;
	[tilespmem:$0x18800] =	vst v63  }
0x7c: {  	s26 =	simm.s32 $0x17800  }
0x7d: {  	[tilespmem:s26], [sflag:$0xA] =	stream.indirect_vreg.gather [hbm4b:s12+s5], $0x80, v3, vm0, $0xb8;
	[tilespmem:$0x18800] =	vst v63  }
0x7e: {  	s29 =	simm.s32 $0x18000;
	s15 =	simm.s32 $0x0  }
0x7f: {  	[tilespmem:s29], [sflag:$0xA] =	stream.indirect_vreg.gather [hbm4b:s13+s5], $0x80, v3, vm0, $0xb8;
	[tilespmem:$0x18800] =	vst v63  }
.LBB2_2:
0x80: {  	_ =	swait.ge [sflag:s17], $0x4000  }
0x81: {  	[sflag:s17] =	ssyncset.done $0x0  }
0x82: {  	[sflag:s17] =	ssyncadd.s32 $0xFFFFC000  }
0x83: {  	s4 =	simm.s32 $0x0;
	s6 =	simm.s32 $0x0;
	_ =	swait.ge [sflag:s20], $0x4000  }
0x84: {  	s6 =	sand.u32 $0x2000, s6;
	s14 =	sand.u32 $0x380, s4;
	[sflag:s20] =	ssyncset.done $0x0  }
0x85: {  	s14 =	sor.u32 s14, s6;
	[sflag:s20] =	ssyncadd.s32 $0xFFFFC000  }
0x86: {  	v3 =	vld [tilespmem:s14+$0x10800];
	_ =	sdelay $0x3  }
0x87: {  	s6 =	sor.u32 $0x800, s14  }
0x88: {  	[tilespmem:s6+$0x0] =	vst.add.f32.msk $0xffff, v3  }
0x89: {  	v3 =	vld [tilespmem:s14+$0x10810];
	_ =	sdelay $0x3  }
0x8a: {  	s23 =	sor.u32 $0x810, s14  }
0x8b: {  	[tilespmem:s23+$0x0] =	vst.add.f32.msk $0xffff, v3  }
0x8c: {  	v3 =	vld [tilespmem:s14+$0x10820];
	_ =	sdelay $0x3  }
0x8d: {  	s24 =	sor.u32 $0x820, s14  }
0x8e: {  	[tilespmem:s24+$0x0] =	vst.add.f32.msk $0xffff, v3  }
0x8f: {  	v3 =	vld [tilespmem:s14+$0x10830];
	_ =	sdelay $0x3  }
0x90: {  	s25 =	sor.u32 $0x830, s14  }
0x91: {  	[tilespmem:s25+$0x0] =	vst.add.f32.msk $0xffff, v3  }
0x92: {  	v3 =	vld [tilespmem:s14+$0x10840];
	_ =	sdelay $0x3  }
0x93: {  	s26 =	sor.u32 $0x840, s14  }
0x94: {  	[tilespmem:s26+$0x0] =	vst.add.f32.msk $0xffff, v3  }
0x95: {  	v3 =	vld [tilespmem:s14+$0x10850];
	_ =	sdelay $0x3  }
0x96: {  	s29 =	sor.u32 $0x850, s14  }
0x97: {  	[tilespmem:s29+$0x0] =	vst.add.f32.msk $0xffff, v3  }
0x98: {  	v3 =	vld [tilespmem:s14+$0x10860];
	_ =	sdelay $0x3  }
0x99: {  	s7 =	sor.u32 $0x860, s14  }
0x9a: {  	[tilespmem:s7+$0x0] =	vst.add.f32.msk $0xffff, v3  }
0x9b: {  	v3 =	vld [tilespmem:s14+$0x10870];
	_ =	sdelay $0x3  }
0x9c: {  	s18 =	sor.u32 $0x870, s14  }
0x9d: {  	[tilespmem:s18+$0x0] =	vst.add.f32.msk $0xffff, v3  }
0x9e: {  	v3 =	vld [tilespmem:s14+$0x10C00];
	_ =	sdelay $0x3  }
0x9f: {  	s23 =	sor.u32 $0xC00, s14  }
0xa0: {  	[tilespmem:s23+$0x0] =	vst.add.f32.msk $0xffff, v3  }
0xa1: {  	v3 =	vld [tilespmem:s14+$0x10C10];
	_ =	sdelay $0x3  }
0xa2: {  	s24 =	sor.u32 $0xC10, s14  }
0xa3: {  	[tilespmem:s24+$0x0] =	vst.add.f32.msk $0xffff, v3  }
0xa4: {  	v3 =	vld [tilespmem:s14+$0x10C20];
	_ =	sdelay $0x3  }
0xa5: {  	s25 =	sor.u32 $0xC20, s14  }
0xa6: {  	[tilespmem:s25+$0x0] =	vst.add.f32.msk $0xffff, v3  }
0xa7: {  	v3 =	vld [tilespmem:s14+$0x10C30];
	_ =	sdelay $0x3  }
0xa8: {  	s26 =	sor.u32 $0xC30, s14  }
0xa9: {  	[tilespmem:s26+$0x0] =	vst.add.f32.msk $0xffff, v3  }
0xaa: {  	v3 =	vld [tilespmem:s14+$0x10C40];
	_ =	sdelay $0x3  }
0xab: {  	s29 =	sor.u32 $0xC40, s14  }
0xac: {  	[tilespmem:s29+$0x0] =	vst.add.f32.msk $0xffff, v3  }
0xad: {  	v3 =	vld [tilespmem:s14+$0x10C50];
	_ =	sdelay $0x3  }
0xae: {  	s7 =	sor.u32 $0xC50, s14  }
0xaf: {  	[tilespmem:s7+$0x0] =	vst.add.f32.msk $0xffff, v3  }
0xb0: {  	v3 =	vld [tilespmem:s14+$0x10C60];
	_ =	sdelay $0x3  }
0xb1: {  	s18 =	sor.u32 $0xC60, s14  }
0xb2: {  	[tilespmem:s18+$0x0] =	vst.add.f32.msk $0xffff, v3  }
0xb3: {  	v3 =	vld [tilespmem:s14+$0x10C70];
	_ =	sdelay $0x3  }
0xb4: {  	s23 =	sor.u32 $0xC70, s14  }
0xb5: {  	[tilespmem:s23+$0x0] =	vst.add.f32.msk $0xffff, v3  }
0xb6: {  	v3 =	vld [tilespmem:s14+$0x11000];
	_ =	sdelay $0x3  }
0xb7: {  	s24 =	sor.u32 $0x1000, s14  }
0xb8: {  	[tilespmem:s24+$0x0] =	vst.add.f32.msk $0xffff, v3  }
0xb9: {  	v3 =	vld [tilespmem:s14+$0x11010];
	_ =	sdelay $0x3  }
0xba: {  	s25 =	sor.u32 $0x1010, s14  }
0xbb: {  	[tilespmem:s25+$0x0] =	vst.add.f32.msk $0xffff, v3  }
0xbc: {  	v3 =	vld [tilespmem:s14+$0x11020];
	_ =	sdelay $0x3  }
0xbd: {  	s26 =	sor.u32 $0x1020, s14  }
0xbe: {  	[tilespmem:s26+$0x0] =	vst.add.f32.msk $0xffff, v3  }
0xbf: {  	v3 =	vld [tilespmem:s14+$0x11030];
	_ =	sdelay $0x3  }
0xc0: {  	s29 =	sor.u32 $0x1030, s14  }
0xc1: {  	[tilespmem:s29+$0x0] =	vst.add.f32.msk $0xffff, v3  }
0xc2: {  	v3 =	vld [tilespmem:s14+$0x11040];
	_ =	sdelay $0x3  }
0xc3: {  	s7 =	sor.u32 $0x1040, s14  }
0xc4: {  	[tilespmem:s7+$0x0] =	vst.add.f32.msk $0xffff, v3  }
0xc5: {  	v3 =	vld [tilespmem:s14+$0x11050];
	_ =	sdelay $0x3  }
0xc6: {  	s18 =	sor.u32 $0x1050, s14  }
0xc7: {  	[tilespmem:s18+$0x0] =	vst.add.f32.msk $0xffff, v3  }
0xc8: {  	v3 =	vld [tilespmem:s14+$0x11060];
	_ =	sdelay $0x3  }
0xc9: {  	s23 =	sor.u32 $0x1060, s14  }
0xca: {  	[tilespmem:s23+$0x0] =	vst.add.f32.msk $0xffff, v3  }
0xcb: {  	v3 =	vld [tilespmem:s14+$0x11070];
	_ =	sdelay $0x3  }
0xcc: {  	s24 =	sor.u32 $0x1070, s14  }
0xcd: {  	[tilespmem:s24+$0x0] =	vst.add.f32.msk $0xffff, v3  }
0xce: {  	v3 =	vld [tilespmem:s14+$0x11400];
	_ =	sdelay $0x3  }
0xcf: {  	s25 =	sor.u32 $0x1400, s14  }
0xd0: {  	[tilespmem:s25+$0x0] =	vst.add.f32.msk $0xffff, v3  }
0xd1: {  	v3 =	vld [tilespmem:s14+$0x11410];
	_ =	sdelay $0x3  }
0xd2: {  	s26 =	sor.u32 $0x1410, s14  }
0xd3: {  	[tilespmem:s26+$0x0] =	vst.add.f32.msk $0xffff, v3  }
0xd4: {  	v3 =	vld [tilespmem:s14+$0x11420];
	_ =	sdelay $0x3  }
0xd5: {  	s29 =	sor.u32 $0x1420, s14  }
0xd6: {  	[tilespmem:s29+$0x0] =	vst.add.f32.msk $0xffff, v3  }
0xd7: {  	v3 =	vld [tilespmem:s14+$0x11430];
	_ =	sdelay $0x3  }
0xd8: {  	s7 =	sor.u32 $0x1430, s14  }
0xd9: {  	[tilespmem:s7+$0x0] =	vst.add.f32.msk $0xffff, v3  }
0xda: {  	v3 =	vld [tilespmem:s14+$0x11440];
	_ =	sdelay $0x3  }
0xdb: {  	s18 =	sor.u32 $0x1440, s14  }
0xdc: {  	[tilespmem:s18+$0x0] =	vst.add.f32.msk $0xffff, v3  }
0xdd: {  	v3 =	vld [tilespmem:s14+$0x11450];
	_ =	sdelay $0x3  }
0xde: {  	s23 =	sor.u32 $0x1450, s14  }
0xdf: {  	[tilespmem:s23+$0x0] =	vst.add.f32.msk $0xffff, v3  }
0xe0: {  	v3 =	vld [tilespmem:s14+$0x11460];
	_ =	sdelay $0x3  }
0xe1: {  	s24 =	sor.u32 $0x1460, s14  }
0xe2: {  	[tilespmem:s24+$0x0] =	vst.add.f32.msk $0xffff, v3  }
0xe3: {  	v3 =	vld [tilespmem:s14+$0x11470];
	_ =	sdelay $0x3  }
0xe4: {  	s25 =	sor.u32 $0x1470, s14  }
0xe5: {  	[tilespmem:s25+$0x0] =	vst.add.f32.msk $0xffff, v3  }
0xe6: {  	v3 =	vld [tilespmem:s14+$0x11800];
	_ =	sdelay $0x3  }
0xe7: {  	s26 =	sor.u32 $0x1800, s14  }
0xe8: {  	[tilespmem:s26+$0x0] =	vst.add.f32.msk $0xffff, v3  }
0xe9: {  	v3 =	vld [tilespmem:s14+$0x11810];
	_ =	sdelay $0x3  }
0xea: {  	s29 =	sor.u32 $0x1810, s14  }
0xeb: {  	[tilespmem:s29+$0x0] =	vst.add.f32.msk $0xffff, v3  }
0xec: {  	v3 =	vld [tilespmem:s14+$0x11820];
	_ =	sdelay $0x3  }
0xed: {  	s7 =	sor.u32 $0x1820, s14  }
0xee: {  	[tilespmem:s7+$0x0] =	vst.add.f32.msk $0xffff, v3  }
0xef: {  	v3 =	vld [tilespmem:s14+$0x11830];
	_ =	sdelay $0x3  }
0xf0: {  	s18 =	sor.u32 $0x1830, s14  }
0xf1: {  	[tilespmem:s18+$0x0] =	vst.add.f32.msk $0xffff, v3  }
0xf2: {  	v3 =	vld [tilespmem:s14+$0x11840];
	_ =	sdelay $0x3  }
0xf3: {  	s23 =	sor.u32 $0x1840, s14  }
0xf4: {  	[tilespmem:s23+$0x0] =	vst.add.f32.msk $0xffff, v3  }
0xf5: {  	v3 =	vld [tilespmem:s14+$0x11850];
	_ =	sdelay $0x3  }
0xf6: {  	s24 =	sor.u32 $0x1850, s14  }
0xf7: {  	[tilespmem:s24+$0x0] =	vst.add.f32.msk $0xffff, v3  }
0xf8: {  	v3 =	vld [tilespmem:s14+$0x11860];
	_ =	sdelay $0x3  }
0xf9: {  	s25 =	sor.u32 $0x1860, s14  }
0xfa: {  	[tilespmem:s25+$0x0] =	vst.add.f32.msk $0xffff, v3  }
0xfb: {  	v3 =	vld [tilespmem:s14+$0x11870];
	_ =	sdelay $0x3  }
0xfc: {  	s26 =	sor.u32 $0x1870, s14  }
0xfd: {  	[tilespmem:s26+$0x0] =	vst.add.f32.msk $0xffff, v3  }
0xfe: {  	v3 =	vld [tilespmem:s14+$0x11C00];
	_ =	sdelay $0x3  }
0xff: {  	s29 =	sor.u32 $0x1C00, s14  }
0x100: {  	[tilespmem:s29+$0x0] =	vst.add.f32.msk $0xffff, v3  }
0x101: {  	v3 =	vld [tilespmem:s14+$0x11C10];
	_ =	sdelay $0x3  }
0x102: {  	s7 =	sor.u32 $0x1C10, s14  }
0x103: {  	[tilespmem:s7+$0x0] =	vst.add.f32.msk $0xffff, v3  }
0x104: {  	v3 =	vld [tilespmem:s14+$0x11C20];
	_ =	sdelay $0x3  }
0x105: {  	s18 =	sor.u32 $0x1C20, s14  }
0x106: {  	[tilespmem:s18+$0x0] =	vst.add.f32.msk $0xffff, v3  }
0x107: {  	v3 =	vld [tilespmem:s14+$0x11C30];
	_ =	sdelay $0x3  }
0x108: {  	s23 =	sor.u32 $0x1C30, s14  }
0x109: {  	[tilespmem:s23+$0x0] =	vst.add.f32.msk $0xffff, v3  }
0x10a: {  	v3 =	vld [tilespmem:s14+$0x11C40];
	_ =	sdelay $0x3  }
0x10b: {  	s24 =	sor.u32 $0x1C40, s14  }
0x10c: {  	[tilespmem:s24+$0x0] =	vst.add.f32.msk $0xffff, v3  }
0x10d: {  	v3 =	vld [tilespmem:s14+$0x11C50];
	_ =	sdelay $0x3  }
0x10e: {  	s25 =	sor.u32 $0x1C50, s14  }
0x10f: {  	[tilespmem:s25+$0x0] =	vst.add.f32.msk $0xffff, v3  }
0x110: {  	v3 =	vld [tilespmem:s14+$0x11C60];
	_ =	sdelay $0x3  }
0x111: {  	s26 =	sor.u32 $0x1C60, s14  }
0x112: {  	[tilespmem:s26+$0x0] =	vst.add.f32.msk $0xffff, v3  }
0x113: {  	v3 =	vld [tilespmem:s14+$0x11C70];
	_ =	sdelay $0x3  }
0x114: {  	s29 =	sor.u32 $0x1C70, s14  }
0x115: {  	[tilespmem:s29+$0x0] =	vst.add.f32.msk $0xffff, v3  }
0x116: {  	v3 =	vld [tilespmem:s14+$0x12070]  }
0x117: {  	v4 =	vld [tilespmem:s14+$0x12050]  }
0x118: {  	v5 =	vld [tilespmem:s14+$0x12060]  }
0x119: {  	v6 =	vld [tilespmem:s14+$0x12030]  }
0x11a: {  	v7 =	vld [tilespmem:s14+$0x12000]  }
0x11b: {  	[tilespmem:s14+$0x2070] =	vst.add.f32.msk $0xffff, v3  }
0x11c: {  	v3 =	vld [tilespmem:s14+$0x12020]  }
0x11d: {  	[tilespmem:s14+$0x2050] =	vst.add.f32.msk $0xffff, v4  }
0x11e: {  	v4 =	vld [tilespmem:s14+$0x12040]  }
0x11f: {  	[tilespmem:s14+$0x2060] =	vst.add.f32.msk $0xffff, v5  }
0x120: {  	v5 =	vld [tilespmem:s14+$0x12010]  }
0x121: {  	[tilespmem:s14+$0x2000] =	vst.add.f32.msk $0xffff, v7  }
0x122: {  	s7 =	sand.u32 $0x7, s4;
	[tilespmem:s14+$0x2030] =	vst.add.f32.msk $0xffff, v6  }
0x123: {  	s6 =	sshll.u32 s7, $0x7;
	[tilespmem:s14+$0x2020] =	vst.add.f32.msk $0xffff, v3  }
0x124: {  	s25 =	sadd.s32 $0x0, s6;
	[tilespmem:s14+$0x2040] =	vst.add.f32.msk $0xffff, v4  }
0x125: {  	s6 =	sor.u32 $0x1C00, s25;
	[tilespmem:s14+$0x2010] =	vst.add.f32.msk $0xffff, v5  }
0x126: {  	v3 =	vld [tilespmem:s6+$0x10800];
	_ =	sdelay $0x4  }
0x127: {  	s18 =	sor.u32 $0x1C10, s25;
	[tilespmem:s6+$0x800] =	vst.add.f32.msk $0xffff, v3  }
0x128: {  	v3 =	vld [tilespmem:s18+$0x10800];
	_ =	sdelay $0x4  }
0x129: {  	s23 =	sor.u32 $0x1C20, s25;
	[tilespmem:s18+$0x800] =	vst.add.f32.msk $0xffff, v3  }
0x12a: {  	v3 =	vld [tilespmem:s23+$0x10800];
	_ =	sdelay $0x4  }
0x12b: {  	s24 =	sor.u32 $0x1C30, s25;
	[tilespmem:s23+$0x800] =	vst.add.f32.msk $0xffff, v3  }
0x12c: {  	v3 =	vld [tilespmem:s24+$0x10800];
	_ =	sdelay $0x4  }
0x12d: {  	s26 =	sor.u32 $0x1C40, s25;
	[tilespmem:s24+$0x800] =	vst.add.f32.msk $0xffff, v3  }
0x12e: {  	v3 =	vld [tilespmem:s26+$0x10800];
	_ =	sdelay $0x4  }
0x12f: {  	s29 =	sor.u32 $0x1C50, s25;
	[tilespmem:s26+$0x800] =	vst.add.f32.msk $0xffff, v3  }
0x130: {  	v3 =	vld [tilespmem:s29+$0x10800];
	_ =	sdelay $0x4  }
0x131: {  	s6 =	sor.u32 $0x1C60, s25;
	[tilespmem:s29+$0x800] =	vst.add.f32.msk $0xffff, v3  }
0x132: {  	s14 =	simm.s32 $0xFFFFC000;
	s18 =	simm.s32 $0x80;
	s23 =	simm.s32 $0x0;
	v3 =	vld [tilespmem:s6+$0x10800]  }
.LBB2_3:
0x133: {  	s4 =	sadd.s32 $0x400, s4;
	s23 =	sadd.s32 $0x1, s23;
	s14 =	sadd.s32 $0x400, s14  }
0x134: {  	p0 =	sne.s32 s18, $0x780;
	s24 =	smov.u32 s18;
	s18 =	sadd.s32 $0x80, s18  }
0x135: {  	_ = 	snop  }
0x136: {  	s25 =	sor.u32 $0x1C70, s25  }
0x137: {  	[tilespmem:s6+$0x800] =	vst.add.f32.msk $0xffff, v3  }
0x138: {  	v3 =	vld [tilespmem:s25+$0x10800];
	_ =	sdelay $0x2  }
0x139: {  	s6 =	sadd.s32 $0x4000, s14  }
0x13a: {  	s24 =	sand.u32 $0x380, s24;
	s6 =	sand.u32 $0x2000, s6  }
0x13b: {  	s24 =	sor.u32 s24, s6;
	[tilespmem:s25+$0x800] =	vst.add.f32.msk $0xffff, v3  }
0x13c: {  	v3 =	vld [tilespmem:s24+$0x10800];
	_ =	sdelay $0x3  }
0x13d: {  	s6 =	sor.u32 $0x800, s24  }
0x13e: {  	[tilespmem:s6+$0x0] =	vst.add.f32.msk $0xffff, v3  }
0x13f: {  	v3 =	vld [tilespmem:s24+$0x10810];
	_ =	sdelay $0x3  }
0x140: {  	s6 =	sor.u32 $0x810, s24  }
0x141: {  	[tilespmem:s6+$0x0] =	vst.add.f32.msk $0xffff, v3  }
0x142: {  	v3 =	vld [tilespmem:s24+$0x10820];
	_ =	sdelay $0x3  }
0x143: {  	s6 =	sor.u32 $0x820, s24  }
0x144: {  	[tilespmem:s6+$0x0] =	vst.add.f32.msk $0xffff, v3  }
0x145: {  	v3 =	vld [tilespmem:s24+$0x10830];
	_ =	sdelay $0x3  }
0x146: {  	s6 =	sor.u32 $0x830, s24  }
0x147: {  	[tilespmem:s6+$0x0] =	vst.add.f32.msk $0xffff, v3  }
0x148: {  	v3 =	vld [tilespmem:s24+$0x10840];
	_ =	sdelay $0x3  }
0x149: {  	s6 =	sor.u32 $0x840, s24  }
0x14a: {  	[tilespmem:s6+$0x0] =	vst.add.f32.msk $0xffff, v3  }
0x14b: {  	v3 =	vld [tilespmem:s24+$0x10850];
	_ =	sdelay $0x3  }
0x14c: {  	s6 =	sor.u32 $0x850, s24  }
0x14d: {  	[tilespmem:s6+$0x0] =	vst.add.f32.msk $0xffff, v3  }
0x14e: {  	v3 =	vld [tilespmem:s24+$0x10860];
	_ =	sdelay $0x3  }
0x14f: {  	s6 =	sor.u32 $0x860, s24  }
0x150: {  	[tilespmem:s6+$0x0] =	vst.add.f32.msk $0xffff, v3  }
0x151: {  	v3 =	vld [tilespmem:s24+$0x10870];
	_ =	sdelay $0x3  }
0x152: {  	s6 =	sor.u32 $0x870, s24  }
0x153: {  	[tilespmem:s6+$0x0] =	vst.add.f32.msk $0xffff, v3  }
0x154: {  	v3 =	vld [tilespmem:s24+$0x10C00];
	_ =	sdelay $0x3  }
0x155: {  	s6 =	sor.u32 $0xC00, s24  }
0x156: {  	[tilespmem:s6+$0x0] =	vst.add.f32.msk $0xffff, v3  }
0x157: {  	v3 =	vld [tilespmem:s24+$0x10C10];
	_ =	sdelay $0x3  }
0x158: {  	s6 =	sor.u32 $0xC10, s24  }
0x159: {  	[tilespmem:s6+$0x0] =	vst.add.f32.msk $0xffff, v3  }
0x15a: {  	v3 =	vld [tilespmem:s24+$0x10C20];
	_ =	sdelay $0x3  }
0x15b: {  	s6 =	sor.u32 $0xC20, s24  }
0x15c: {  	[tilespmem:s6+$0x0] =	vst.add.f32.msk $0xffff, v3  }
0x15d: {  	v3 =	vld [tilespmem:s24+$0x10C30];
	_ =	sdelay $0x3  }
0x15e: {  	s6 =	sor.u32 $0xC30, s24  }
0x15f: {  	[tilespmem:s6+$0x0] =	vst.add.f32.msk $0xffff, v3  }
0x160: {  	v3 =	vld [tilespmem:s24+$0x10C40];
	_ =	sdelay $0x3  }
0x161: {  	s6 =	sor.u32 $0xC40, s24  }
0x162: {  	[tilespmem:s6+$0x0] =	vst.add.f32.msk $0xffff, v3  }
0x163: {  	v3 =	vld [tilespmem:s24+$0x10C50];
	_ =	sdelay $0x3  }
0x164: {  	s6 =	sor.u32 $0xC50, s24  }
0x165: {  	[tilespmem:s6+$0x0] =	vst.add.f32.msk $0xffff, v3  }
0x166: {  	v3 =	vld [tilespmem:s24+$0x10C60];
	_ =	sdelay $0x3  }
0x167: {  	s6 =	sor.u32 $0xC60, s24  }
0x168: {  	[tilespmem:s6+$0x0] =	vst.add.f32.msk $0xffff, v3  }
0x169: {  	v3 =	vld [tilespmem:s24+$0x10C70];
	_ =	sdelay $0x3  }
0x16a: {  	s6 =	sor.u32 $0xC70, s24  }
0x16b: {  	[tilespmem:s6+$0x0] =	vst.add.f32.msk $0xffff, v3  }
0x16c: {  	v3 =	vld [tilespmem:s24+$0x11000];
	_ =	sdelay $0x3  }
0x16d: {  	s6 =	sor.u32 $0x1000, s24  }
0x16e: {  	[tilespmem:s6+$0x0] =	vst.add.f32.msk $0xffff, v3  }
0x16f: {  	v3 =	vld [tilespmem:s24+$0x11010];
	_ =	sdelay $0x3  }
0x170: {  	s6 =	sor.u32 $0x1010, s24  }
0x171: {  	[tilespmem:s6+$0x0] =	vst.add.f32.msk $0xffff, v3  }
0x172: {  	v3 =	vld [tilespmem:s24+$0x11020];
	_ =	sdelay $0x3  }
0x173: {  	s6 =	sor.u32 $0x1020, s24  }
0x174: {  	[tilespmem:s6+$0x0] =	vst.add.f32.msk $0xffff, v3  }
0x175: {  	v3 =	vld [tilespmem:s24+$0x11030];
	_ =	sdelay $0x3  }
0x176: {  	s6 =	sor.u32 $0x1030, s24  }
0x177: {  	[tilespmem:s6+$0x0] =	vst.add.f32.msk $0xffff, v3  }
0x178: {  	v3 =	vld [tilespmem:s24+$0x11040];
	_ =	sdelay $0x3  }
0x179: {  	s6 =	sor.u32 $0x1040, s24  }
0x17a: {  	[tilespmem:s6+$0x0] =	vst.add.f32.msk $0xffff, v3  }
0x17b: {  	v3 =	vld [tilespmem:s24+$0x11050];
	_ =	sdelay $0x3  }
0x17c: {  	s6 =	sor.u32 $0x1050, s24  }
0x17d: {  	[tilespmem:s6+$0x0] =	vst.add.f32.msk $0xffff, v3  }
0x17e: {  	v3 =	vld [tilespmem:s24+$0x11060];
	_ =	sdelay $0x3  }
0x17f: {  	s6 =	sor.u32 $0x1060, s24  }
0x180: {  	[tilespmem:s6+$0x0] =	vst.add.f32.msk $0xffff, v3  }
0x181: {  	v3 =	vld [tilespmem:s24+$0x11070];
	_ =	sdelay $0x3  }
0x182: {  	s6 =	sor.u32 $0x1070, s24  }
0x183: {  	[tilespmem:s6+$0x0] =	vst.add.f32.msk $0xffff, v3  }
0x184: {  	v3 =	vld [tilespmem:s24+$0x11400];
	_ =	sdelay $0x3  }
0x185: {  	s6 =	sor.u32 $0x1400, s24  }
0x186: {  	[tilespmem:s6+$0x0] =	vst.add.f32.msk $0xffff, v3  }
0x187: {  	v3 =	vld [tilespmem:s24+$0x11410];
	_ =	sdelay $0x3  }
0x188: {  	s6 =	sor.u32 $0x1410, s24  }
0x189: {  	[tilespmem:s6+$0x0] =	vst.add.f32.msk $0xffff, v3  }
0x18a: {  	v3 =	vld [tilespmem:s24+$0x11420];
	_ =	sdelay $0x3  }
0x18b: {  	s6 =	sor.u32 $0x1420, s24  }
0x18c: {  	[tilespmem:s6+$0x0] =	vst.add.f32.msk $0xffff, v3  }
0x18d: {  	v3 =	vld [tilespmem:s24+$0x11430];
	_ =	sdelay $0x3  }
0x18e: {  	s6 =	sor.u32 $0x1430, s24  }
0x18f: {  	[tilespmem:s6+$0x0] =	vst.add.f32.msk $0xffff, v3  }
0x190: {  	v3 =	vld [tilespmem:s24+$0x11440];
	_ =	sdelay $0x3  }
0x191: {  	s6 =	sor.u32 $0x1440, s24  }
0x192: {  	[tilespmem:s6+$0x0] =	vst.add.f32.msk $0xffff, v3  }
0x193: {  	v3 =	vld [tilespmem:s24+$0x11450];
	_ =	sdelay $0x3  }
0x194: {  	s6 =	sor.u32 $0x1450, s24  }
0x195: {  	[tilespmem:s6+$0x0] =	vst.add.f32.msk $0xffff, v3  }
0x196: {  	v3 =	vld [tilespmem:s24+$0x11460];
	_ =	sdelay $0x3  }
0x197: {  	s6 =	sor.u32 $0x1460, s24  }
0x198: {  	[tilespmem:s6+$0x0] =	vst.add.f32.msk $0xffff, v3  }
0x199: {  	v3 =	vld [tilespmem:s24+$0x11470];
	_ =	sdelay $0x3  }
0x19a: {  	s6 =	sor.u32 $0x1470, s24  }
0x19b: {  	[tilespmem:s6+$0x0] =	vst.add.f32.msk $0xffff, v3  }
0x19c: {  	v3 =	vld [tilespmem:s24+$0x11800];
	_ =	sdelay $0x3  }
0x19d: {  	s6 =	sor.u32 $0x1800, s24  }
0x19e: {  	[tilespmem:s6+$0x0] =	vst.add.f32.msk $0xffff, v3  }
0x19f: {  	v3 =	vld [tilespmem:s24+$0x11810];
	_ =	sdelay $0x3  }
0x1a0: {  	s6 =	sor.u32 $0x1810, s24  }
0x1a1: {  	[tilespmem:s6+$0x0] =	vst.add.f32.msk $0xffff, v3  }
0x1a2: {  	v3 =	vld [tilespmem:s24+$0x11820];
	_ =	sdelay $0x3  }
0x1a3: {  	s6 =	sor.u32 $0x1820, s24  }
0x1a4: {  	[tilespmem:s6+$0x0] =	vst.add.f32.msk $0xffff, v3  }
0x1a5: {  	v3 =	vld [tilespmem:s24+$0x11830];
	_ =	sdelay $0x3  }
0x1a6: {  	s6 =	sor.u32 $0x1830, s24  }
0x1a7: {  	[tilespmem:s6+$0x0] =	vst.add.f32.msk $0xffff, v3  }
0x1a8: {  	v3 =	vld [tilespmem:s24+$0x11840];
	_ =	sdelay $0x3  }
0x1a9: {  	s6 =	sor.u32 $0x1840, s24  }
0x1aa: {  	[tilespmem:s6+$0x0] =	vst.add.f32.msk $0xffff, v3  }
0x1ab: {  	v3 =	vld [tilespmem:s24+$0x11850];
	_ =	sdelay $0x3  }
0x1ac: {  	s6 =	sor.u32 $0x1850, s24  }
0x1ad: {  	[tilespmem:s6+$0x0] =	vst.add.f32.msk $0xffff, v3  }
0x1ae: {  	v3 =	vld [tilespmem:s24+$0x11860];
	_ =	sdelay $0x3  }
0x1af: {  	s6 =	sor.u32 $0x1860, s24  }
0x1b0: {  	[tilespmem:s6+$0x0] =	vst.add.f32.msk $0xffff, v3  }
0x1b1: {  	v3 =	vld [tilespmem:s24+$0x11870];
	_ =	sdelay $0x3  }
0x1b2: {  	s6 =	sor.u32 $0x1870, s24  }
0x1b3: {  	[tilespmem:s6+$0x0] =	vst.add.f32.msk $0xffff, v3  }
0x1b4: {  	v3 =	vld [tilespmem:s24+$0x11C00];
	_ =	sdelay $0x3  }
0x1b5: {  	s6 =	sor.u32 $0x1C00, s24  }
0x1b6: {  	[tilespmem:s6+$0x0] =	vst.add.f32.msk $0xffff, v3  }
0x1b7: {  	v3 =	vld [tilespmem:s24+$0x11C10];
	_ =	sdelay $0x3  }
0x1b8: {  	s6 =	sor.u32 $0x1C10, s24  }
0x1b9: {  	[tilespmem:s6+$0x0] =	vst.add.f32.msk $0xffff, v3  }
0x1ba: {  	v3 =	vld [tilespmem:s24+$0x11C20];
	_ =	sdelay $0x3  }
0x1bb: {  	s6 =	sor.u32 $0x1C20, s24  }
0x1bc: {  	[tilespmem:s6+$0x0] =	vst.add.f32.msk $0xffff, v3  }
0x1bd: {  	v3 =	vld [tilespmem:s24+$0x11C30];
	_ =	sdelay $0x3  }
0x1be: {  	s6 =	sor.u32 $0x1C30, s24  }
0x1bf: {  	[tilespmem:s6+$0x0] =	vst.add.f32.msk $0xffff, v3  }
0x1c0: {  	v3 =	vld [tilespmem:s24+$0x11C40];
	_ =	sdelay $0x3  }
0x1c1: {  	s6 =	sor.u32 $0x1C40, s24  }
0x1c2: {  	[tilespmem:s6+$0x0] =	vst.add.f32.msk $0xffff, v3  }
0x1c3: {  	v3 =	vld [tilespmem:s24+$0x11C50];
	_ =	sdelay $0x3  }
0x1c4: {  	s6 =	sor.u32 $0x1C50, s24  }
0x1c5: {  	[tilespmem:s6+$0x0] =	vst.add.f32.msk $0xffff, v3  }
0x1c6: {  	v3 =	vld [tilespmem:s24+$0x11C60];
	_ =	sdelay $0x3  }
0x1c7: {  	s6 =	sor.u32 $0x1C60, s24  }
0x1c8: {  	[tilespmem:s6+$0x0] =	vst.add.f32.msk $0xffff, v3  }
0x1c9: {  	v3 =	vld [tilespmem:s24+$0x11C70];
	_ =	sdelay $0x3  }
0x1ca: {  	s6 =	sor.u32 $0x1C70, s24  }
0x1cb: {  	[tilespmem:s6+$0x0] =	vst.add.f32.msk $0xffff, v3  }
0x1cc: {  	v3 =	vld [tilespmem:s24+$0x12070]  }
0x1cd: {  	v4 =	vld [tilespmem:s24+$0x12050]  }
0x1ce: {  	v5 =	vld [tilespmem:s24+$0x12060]  }
0x1cf: {  	v6 =	vld [tilespmem:s24+$0x12030]  }
0x1d0: {  	v7 =	vld [tilespmem:s24+$0x12000]  }
0x1d1: {  	[tilespmem:s24+$0x2070] =	vst.add.f32.msk $0xffff, v3  }
0x1d2: {  	v3 =	vld [tilespmem:s24+$0x12020]  }
0x1d3: {  	[tilespmem:s24+$0x2050] =	vst.add.f32.msk $0xffff, v4  }
0x1d4: {  	v4 =	vld [tilespmem:s24+$0x12040]  }
0x1d5: {  	[tilespmem:s24+$0x2060] =	vst.add.f32.msk $0xffff, v5  }
0x1d6: {  	v5 =	vld [tilespmem:s24+$0x12010]  }
0x1d7: {  	s6 =	sand.u32 $0x7, s23;
	[tilespmem:s24+$0x2000] =	vst.add.f32.msk $0xffff, v7  }
0x1d8: {  	s6 =	sshll.u32 s6, $0x7;
	[tilespmem:s24+$0x2020] =	vst.add.f32.msk $0xffff, v3  }
0x1d9: {  	s25 =	sadd.s32 s6, s4;
	[tilespmem:s24+$0x2040] =	vst.add.f32.msk $0xffff, v4  }
0x1da: {  	s6 =	sor.u32 $0x1C00, s25;
	[tilespmem:s24+$0x2030] =	vst.add.f32.msk $0xffff, v6  }
0x1db: {  	[tilespmem:s24+$0x2010] =	vst.add.f32.msk $0xffff, v5  }
0x1dc: {  	v3 =	vld [tilespmem:s6+$0x10800];
	_ =	sdelay $0x3  }
0x1dd: {  	s24 =	sor.u32 $0x1C10, s25  }
0x1de: {  	[tilespmem:s6+$0x800] =	vst.add.f32.msk $0xffff, v3  }
0x1df: {  	v3 =	vld [tilespmem:s24+$0x10800];
	_ =	sdelay $0x3  }
0x1e0: {  	s6 =	sor.u32 $0x1C20, s25  }
0x1e1: {  	[tilespmem:s24+$0x800] =	vst.add.f32.msk $0xffff, v3  }
0x1e2: {  	v3 =	vld [tilespmem:s6+$0x10800];
	_ =	sdelay $0x3  }
0x1e3: {  	s24 =	sor.u32 $0x1C30, s25  }
0x1e4: {  	[tilespmem:s6+$0x800] =	vst.add.f32.msk $0xffff, v3  }
0x1e5: {  	v3 =	vld [tilespmem:s24+$0x10800];
	_ =	sdelay $0x3  }
0x1e6: {  	s6 =	sor.u32 $0x1C40, s25  }
0x1e7: {  	[tilespmem:s24+$0x800] =	vst.add.f32.msk $0xffff, v3  }
0x1e8: {  	v3 =	vld [tilespmem:s6+$0x10800];
	_ =	sdelay $0x3  }
0x1e9: {  	s24 =	sor.u32 $0x1C50, s25  }
0x1ea: {  	[tilespmem:s6+$0x800] =	vst.add.f32.msk $0xffff, v3  }
0x1eb: {  	v3 =	vld [tilespmem:s24+$0x10800];
	_ =	sdelay $0x1  }
.Ltmp2:
0x1ec: {  	(pc) =	sbr.rel @p0 .LBB2_3-.Ltmp2, $4  }
0x1ed: {  	_ = 	snop  }
0x1ee: {  	s6 =	sor.u32 $0x1C60, s25  }
0x1ef: {  	[tilespmem:s24+$0x800] =	vst.add.f32.msk $0xffff, v3  }
0x1f0: {  	v3 =	vld [tilespmem:s6+$0x10800]  }
0x1f1: {  	_ =	sdelay $0x3  }
0x1f2: {  	s4 =	sor.u32 $0x1C70, s25;
	[tilespmem:s6+$0x800] =	vst.add.f32.msk $0xffff, v3  }
0x1f3: {  	v3 =	vld [tilespmem:s4+$0x10800];
	_ =	sdelay $0x2  }
0x1f4: {  	s18 =	sshll.u32 s15, $0xD;
	s7 =	rddreg [dreg:$0x7]  }
0x1f5: {  	s23 =	rddreg [dreg:$0x3];
	s14 =	sadd.s32 s7, s18  }
0x1f6: {  	s24 =	simm.s32 $0x800;
	p0 =	seq.s32 s15, $0x0;
	[tilespmem:s4+$0x800] =	vst.add.f32.msk $0xffff, v3;
	s4 =	sadd.s32 s23, s14  }
0x1f7: {  	[hbm4b:s4+s5] =	stream.linear.scatter [tilespmem:s24], [sflag:$0x5], $0x4000, $0x38;
	[tilespmem:$0x18800] =	vst v63  }
0x1f8: {  	s4 =	simm.s32 @!p0 $0x7  }
0x1f9: {  	s18 =	sshll.u32 s15, $0x2;
	_ =	swait.ge @!p0 [sflag:s4], $0x4000  }
0x1fa: {  	s23 =	sor.u32 $0x2, s18;
	[sflag:s4] =	ssyncset.done @!p0 $0x0  }
0x1fb: {  	s6 =	sshll.u32 s23, $0x4;
	[sflag:s4] =	ssyncadd.s32 @!p0 $0xFFFFC000  }
0x1fc: {  	v3 =	vld [tilespmem:s6+$0x0];
	_ =	sdelay $0x4  }
0x1fd: {  	v4 =	vshll.u32 v3, $0x3  }
0x1fe: {  	v3 =	vand.u32 $0x7, v3;
	v4 =	vand.u32 $0xFFFFFFC0, v4  }
0x1ff: {  	v3 =	vor.u32 v3, v4  }
0x200: {  	v4 =	vperm.xlane v3, v0;
	_ =	sdelay $0x1  }
0x201: {  	v4 =	vadd.s32 v1, v4;
	_ =	sdelay $0x3  }
0x202: {  	s4 =	simm.s32 $0x0  }
0x203: {  	[tilespmem:s28], [sflag:$0x3] =	stream.indirect_vreg.gather [hbm4b:s1+s4], $0x80, v4, vm0, $0xb8;
	[tilespmem:$0x18800] =	vst v63  }
0x204: {  	s25 =	simm.s32 $0x9000;
	v3 =	vperm.xlane v3, v2  }
0x205: {  	[tilespmem:s25], [sflag:$0x3] =	stream.indirect_vreg.gather [hbm4b:s8+s4], $0x80, v4, vm0, $0xb8;
	[tilespmem:$0x18800] =	vst v63  }
0x206: {  	s26 =	simm.s32 $0x9800;
	v3 =	vadd.s32 v1, v3  }
0x207: {  	[tilespmem:s26], [sflag:$0x3] =	stream.indirect_vreg.gather [hbm4b:s9+s4], $0x80, v4, vm0, $0xb8;
	[tilespmem:$0x18800] =	vst v63  }
0x208: {  	s29 =	simm.s32 $0xA000  }
0x209: {  	[tilespmem:s29], [sflag:$0x3] =	stream.indirect_vreg.gather [hbm4b:s10+s4], $0x80, v4, vm0, $0xb8;
	[tilespmem:$0x18800] =	vst v63  }
0x20a: {  	s24 =	simm.s32 $0xA800  }
0x20b: {  	[tilespmem:s24], [sflag:$0x3] =	stream.indirect_vreg.gather [hbm4b:s1+s4], $0x80, v3, vm0, $0xb8;
	[tilespmem:$0x18800] =	vst v63  }
0x20c: {  	s25 =	simm.s32 $0xB000  }
0x20d: {  	[tilespmem:s25], [sflag:$0x3] =	stream.indirect_vreg.gather [hbm4b:s8+s4], $0x80, v3, vm0, $0xb8;
	[tilespmem:$0x18800] =	vst v63  }
0x20e: {  	s26 =	simm.s32 $0xB800  }
0x20f: {  	[tilespmem:s26], [sflag:$0x3] =	stream.indirect_vreg.gather [hbm4b:s9+s4], $0x80, v3, vm0, $0xb8;
	[tilespmem:$0x18800] =	vst v63  }
0x210: {  	s29 =	simm.s32 $0xC000  }
0x211: {  	[tilespmem:s29], [sflag:$0x3] =	stream.indirect_vreg.gather [hbm4b:s10+s4], $0x80, v3, vm0, $0xb8;
	[tilespmem:$0x18800] =	vst v63  }
0x212: {  	v3 =	vld [tilespmem:s6+$0x400];
	_ =	sdelay $0x4  }
0x213: {  	v4 =	vshll.u32 v3, $0x3  }
0x214: {  	v3 =	vand.u32 $0x7, v3;
	v4 =	vand.u32 $0xFFFFFFC0, v4  }
0x215: {  	v3 =	vor.u32 v3, v4  }
0x216: {  	v4 =	vperm.xlane v3, v0;
	_ =	sdelay $0x1  }
0x217: {  	v4 =	vadd.s32 v1, v4;
	_ =	sdelay $0x3  }
0x218: {  	s24 =	simm.s32 $0x10800  }
0x219: {  	[tilespmem:s24], [sflag:$0x9] =	stream.indirect_vreg.gather [hbm4b:s3+s4], $0x80, v4, vm0, $0xb8;
	[tilespmem:$0x18800] =	vst v63  }
0x21a: {  	s25 =	simm.s32 $0x11000;
	v3 =	vperm.xlane v3, v2  }
0x21b: {  	[tilespmem:s25], [sflag:$0x9] =	stream.indirect_vreg.gather [hbm4b:s11+s4], $0x80, v4, vm0, $0xb8;
	[tilespmem:$0x18800] =	vst v63  }
0x21c: {  	s26 =	simm.s32 $0x11800;
	v3 =	vadd.s32 v1, v3  }
0x21d: {  	[tilespmem:s26], [sflag:$0x9] =	stream.indirect_vreg.gather [hbm4b:s12+s4], $0x80, v4, vm0, $0xb8;
	[tilespmem:$0x18800] =	vst v63  }
0x21e: {  	s29 =	simm.s32 $0x12000  }
0x21f: {  	[tilespmem:s29], [sflag:$0x9] =	stream.indirect_vreg.gather [hbm4b:s13+s4], $0x80, v4, vm0, $0xb8;
	[tilespmem:$0x18800] =	vst v63  }
0x220: {  	s7 =	simm.s32 $0x12800  }
0x221: {  	[tilespmem:s7], [sflag:$0x9] =	stream.indirect_vreg.gather [hbm4b:s3+s4], $0x80, v3, vm0, $0xb8;
	[tilespmem:$0x18800] =	vst v63  }
0x222: {  	s24 =	simm.s32 $0x13000  }
0x223: {  	[tilespmem:s24], [sflag:$0x9] =	stream.indirect_vreg.gather [hbm4b:s11+s4], $0x80, v3, vm0, $0xb8;
	[tilespmem:$0x18800] =	vst v63  }
0x224: {  	s25 =	simm.s32 $0x13800  }
0x225: {  	[tilespmem:s25], [sflag:$0x9] =	stream.indirect_vreg.gather [hbm4b:s12+s4], $0x80, v3, vm0, $0xb8;
	[tilespmem:$0x18800] =	vst v63  }
0x226: {  	s26 =	simm.s32 $0x14000  }
0x227: {  	[tilespmem:s26], [sflag:$0x9] =	stream.indirect_vreg.gather [hbm4b:s13+s4], $0x80, v3, vm0, $0xb8;
	[tilespmem:$0x18800] =	vst v63  }
0x228: {  	_ =	swait.ge [sflag:s30], $0x4000  }
0x229: {  	[sflag:s30] =	ssyncset.done $0x0  }
0x22a: {  	[sflag:s30] =	ssyncadd.s32 $0xFFFFC000  }
0x22b: {  	s29 =	simm.s32 $0x0;
	_ =	swait.ge [sflag:s31], $0x4000  }
0x22c: {  	s6 =	sand.u32 $0x2000, s29;
	s24 =	sand.u32 $0x380, s4;
	[sflag:s31] =	ssyncset.done $0x0  }
0x22d: {  	s24 =	sor.u32 s24, s6;
	[sflag:s31] =	ssyncadd.s32 $0xFFFFC000  }
0x22e: {  	v3 =	vld [tilespmem:s24+$0x14800];
	_ =	sdelay $0x3  }
0x22f: {  	s6 =	sor.u32 $0x4800, s24  }
0x230: {  	[tilespmem:s6+$0x0] =	vst.add.f32.msk $0xffff, v3  }
0x231: {  	v3 =	vld [tilespmem:s24+$0x14810];
	_ =	sdelay $0x3  }
0x232: {  	s7 =	sor.u32 $0x4810, s24  }
0x233: {  	[tilespmem:s7+$0x0] =	vst.add.f32.msk $0xffff, v3  }
0x234: {  	v3 =	vld [tilespmem:s24+$0x14820];
	_ =	sdelay $0x3  }
0x235: {  	s25 =	sor.u32 $0x4820, s24  }
0x236: {  	[tilespmem:s25+$0x0] =	vst.add.f32.msk $0xffff, v3  }
0x237: {  	v3 =	vld [tilespmem:s24+$0x14830];
	_ =	sdelay $0x3  }
0x238: {  	s26 =	sor.u32 $0x4830, s24  }
0x239: {  	[tilespmem:s26+$0x0] =	vst.add.f32.msk $0xffff, v3  }
0x23a: {  	v3 =	vld [tilespmem:s24+$0x14840];
	_ =	sdelay $0x3  }
0x23b: {  	s29 =	sor.u32 $0x4840, s24  }
0x23c: {  	[tilespmem:s29+$0x0] =	vst.add.f32.msk $0xffff, v3  }
0x23d: {  	v3 =	vld [tilespmem:s24+$0x14850];
	_ =	sdelay $0x3  }
0x23e: {  	s7 =	sor.u32 $0x4850, s24  }
0x23f: {  	[tilespmem:s7+$0x0] =	vst.add.f32.msk $0xffff, v3  }
0x240: {  	v3 =	vld [tilespmem:s24+$0x14860];
	_ =	sdelay $0x3  }
0x241: {  	s25 =	sor.u32 $0x4860, s24  }
0x242: {  	[tilespmem:s25+$0x0] =	vst.add.f32.msk $0xffff, v3  }
0x243: {  	v3 =	vld [tilespmem:s24+$0x14870];
	_ =	sdelay $0x3  }
0x244: {  	s26 =	sor.u32 $0x4870, s24  }
0x245: {  	[tilespmem:s26+$0x0] =	vst.add.f32.msk $0xffff, v3  }
0x246: {  	v3 =	vld [tilespmem:s24+$0x14C00];
	_ =	sdelay $0x3  }
0x247: {  	s29 =	sor.u32 $0x4C00, s24  }
0x248: {  	[tilespmem:s29+$0x0] =	vst.add.f32.msk $0xffff, v3  }
0x249: {  	v3 =	vld [tilespmem:s24+$0x14C10];
	_ =	sdelay $0x3  }
0x24a: {  	s7 =	sor.u32 $0x4C10, s24  }
0x24b: {  	[tilespmem:s7+$0x0] =	vst.add.f32.msk $0xffff, v3  }
0x24c: {  	v3 =	vld [tilespmem:s24+$0x14C20];
	_ =	sdelay $0x3  }
0x24d: {  	s25 =	sor.u32 $0x4C20, s24  }
0x24e: {  	[tilespmem:s25+$0x0] =	vst.add.f32.msk $0xffff, v3  }
0x24f: {  	v3 =	vld [tilespmem:s24+$0x14C30];
	_ =	sdelay $0x3  }
0x250: {  	s26 =	sor.u32 $0x4C30, s24  }
0x251: {  	[tilespmem:s26+$0x0] =	vst.add.f32.msk $0xffff, v3  }
0x252: {  	v3 =	vld [tilespmem:s24+$0x14C40];
	_ =	sdelay $0x3  }
0x253: {  	s29 =	sor.u32 $0x4C40, s24  }
0x254: {  	[tilespmem:s29+$0x0] =	vst.add.f32.msk $0xffff, v3  }
0x255: {  	v3 =	vld [tilespmem:s24+$0x14C50];
	_ =	sdelay $0x3  }
0x256: {  	s7 =	sor.u32 $0x4C50, s24  }
0x257: {  	[tilespmem:s7+$0x0] =	vst.add.f32.msk $0xffff, v3  }
0x258: {  	v3 =	vld [tilespmem:s24+$0x14C60];
	_ =	sdelay $0x3  }
0x259: {  	s25 =	sor.u32 $0x4C60, s24  }
0x25a: {  	[tilespmem:s25+$0x0] =	vst.add.f32.msk $0xffff, v3  }
0x25b: {  	v3 =	vld [tilespmem:s24+$0x14C70];
	_ =	sdelay $0x3  }
0x25c: {  	s26 =	sor.u32 $0x4C70, s24  }
0x25d: {  	[tilespmem:s26+$0x0] =	vst.add.f32.msk $0xffff, v3  }
0x25e: {  	v3 =	vld [tilespmem:s24+$0x15000];
	_ =	sdelay $0x3  }
0x25f: {  	s29 =	sor.u32 $0x5000, s24  }
0x260: {  	[tilespmem:s29+$0x0] =	vst.add.f32.msk $0xffff, v3  }
0x261: {  	v3 =	vld [tilespmem:s24+$0x15010];
	_ =	sdelay $0x3  }
0x262: {  	s7 =	sor.u32 $0x5010, s24  }
0x263: {  	[tilespmem:s7+$0x0] =	vst.add.f32.msk $0xffff, v3  }
0x264: {  	v3 =	vld [tilespmem:s24+$0x15020];
	_ =	sdelay $0x3  }
0x265: {  	s25 =	sor.u32 $0x5020, s24  }
0x266: {  	[tilespmem:s25+$0x0] =	vst.add.f32.msk $0xffff, v3  }
0x267: {  	v3 =	vld [tilespmem:s24+$0x15030];
	_ =	sdelay $0x3  }
0x268: {  	s26 =	sor.u32 $0x5030, s24  }
0x269: {  	[tilespmem:s26+$0x0] =	vst.add.f32.msk $0xffff, v3  }
0x26a: {  	v3 =	vld [tilespmem:s24+$0x15040];
	_ =	sdelay $0x3  }
0x26b: {  	s29 =	sor.u32 $0x5040, s24  }
0x26c: {  	[tilespmem:s29+$0x0] =	vst.add.f32.msk $0xffff, v3  }
0x26d: {  	v3 =	vld [tilespmem:s24+$0x15050];
	_ =	sdelay $0x3  }
0x26e: {  	s7 =	sor.u32 $0x5050, s24  }
0x26f: {  	[tilespmem:s7+$0x0] =	vst.add.f32.msk $0xffff, v3  }
0x270: {  	v3 =	vld [tilespmem:s24+$0x15060];
	_ =	sdelay $0x3  }
0x271: {  	s25 =	sor.u32 $0x5060, s24  }
0x272: {  	[tilespmem:s25+$0x0] =	vst.add.f32.msk $0xffff, v3  }
0x273: {  	v3 =	vld [tilespmem:s24+$0x15070];
	_ =	sdelay $0x3  }
0x274: {  	s26 =	sor.u32 $0x5070, s24  }
0x275: {  	[tilespmem:s26+$0x0] =	vst.add.f32.msk $0xffff, v3  }
0x276: {  	v3 =	vld [tilespmem:s24+$0x15400];
	_ =	sdelay $0x3  }
0x277: {  	s29 =	sor.u32 $0x5400, s24  }
0x278: {  	[tilespmem:s29+$0x0] =	vst.add.f32.msk $0xffff, v3  }
0x279: {  	v3 =	vld [tilespmem:s24+$0x15410];
	_ =	sdelay $0x3  }
0x27a: {  	s7 =	sor.u32 $0x5410, s24  }
0x27b: {  	[tilespmem:s7+$0x0] =	vst.add.f32.msk $0xffff, v3  }
0x27c: {  	v3 =	vld [tilespmem:s24+$0x15420];
	_ =	sdelay $0x3  }
0x27d: {  	s25 =	sor.u32 $0x5420, s24  }
0x27e: {  	[tilespmem:s25+$0x0] =	vst.add.f32.msk $0xffff, v3  }
0x27f: {  	v3 =	vld [tilespmem:s24+$0x15430];
	_ =	sdelay $0x3  }
0x280: {  	s26 =	sor.u32 $0x5430, s24  }
0x281: {  	[tilespmem:s26+$0x0] =	vst.add.f32.msk $0xffff, v3  }
0x282: {  	v3 =	vld [tilespmem:s24+$0x15440];
	_ =	sdelay $0x3  }
0x283: {  	s29 =	sor.u32 $0x5440, s24  }
0x284: {  	[tilespmem:s29+$0x0] =	vst.add.f32.msk $0xffff, v3  }
0x285: {  	v3 =	vld [tilespmem:s24+$0x15450];
	_ =	sdelay $0x3  }
0x286: {  	s7 =	sor.u32 $0x5450, s24  }
0x287: {  	[tilespmem:s7+$0x0] =	vst.add.f32.msk $0xffff, v3  }
0x288: {  	v3 =	vld [tilespmem:s24+$0x15460];
	_ =	sdelay $0x3  }
0x289: {  	s25 =	sor.u32 $0x5460, s24  }
0x28a: {  	[tilespmem:s25+$0x0] =	vst.add.f32.msk $0xffff, v3  }
0x28b: {  	v3 =	vld [tilespmem:s24+$0x15470];
	_ =	sdelay $0x3  }
0x28c: {  	s26 =	sor.u32 $0x5470, s24  }
0x28d: {  	[tilespmem:s26+$0x0] =	vst.add.f32.msk $0xffff, v3  }
0x28e: {  	v3 =	vld [tilespmem:s24+$0x15800];
	_ =	sdelay $0x3  }
0x28f: {  	s29 =	sor.u32 $0x5800, s24  }
0x290: {  	[tilespmem:s29+$0x0] =	vst.add.f32.msk $0xffff, v3  }
0x291: {  	v3 =	vld [tilespmem:s24+$0x15810];
	_ =	sdelay $0x3  }
0x292: {  	s7 =	sor.u32 $0x5810, s24  }
0x293: {  	[tilespmem:s7+$0x0] =	vst.add.f32.msk $0xffff, v3  }
0x294: {  	v3 =	vld [tilespmem:s24+$0x15820];
	_ =	sdelay $0x3  }
0x295: {  	s25 =	sor.u32 $0x5820, s24  }
0x296: {  	[tilespmem:s25+$0x0] =	vst.add.f32.msk $0xffff, v3  }
0x297: {  	v3 =	vld [tilespmem:s24+$0x15830];
	_ =	sdelay $0x3  }
0x298: {  	s26 =	sor.u32 $0x5830, s24  }
0x299: {  	[tilespmem:s26+$0x0] =	vst.add.f32.msk $0xffff, v3  }
0x29a: {  	v3 =	vld [tilespmem:s24+$0x15840];
	_ =	sdelay $0x3  }
0x29b: {  	s29 =	sor.u32 $0x5840, s24  }
0x29c: {  	[tilespmem:s29+$0x0] =	vst.add.f32.msk $0xffff, v3  }
0x29d: {  	v3 =	vld [tilespmem:s24+$0x15850];
	_ =	sdelay $0x3  }
0x29e: {  	s7 =	sor.u32 $0x5850, s24  }
0x29f: {  	[tilespmem:s7+$0x0] =	vst.add.f32.msk $0xffff, v3  }
0x2a0: {  	v3 =	vld [tilespmem:s24+$0x15860];
	_ =	sdelay $0x3  }
0x2a1: {  	s25 =	sor.u32 $0x5860, s24  }
0x2a2: {  	[tilespmem:s25+$0x0] =	vst.add.f32.msk $0xffff, v3  }
0x2a3: {  	v3 =	vld [tilespmem:s24+$0x15870];
	_ =	sdelay $0x3  }
0x2a4: {  	s26 =	sor.u32 $0x5870, s24  }
0x2a5: {  	[tilespmem:s26+$0x0] =	vst.add.f32.msk $0xffff, v3  }
0x2a6: {  	v3 =	vld [tilespmem:s24+$0x15C00];
	_ =	sdelay $0x3  }
0x2a7: {  	s29 =	sor.u32 $0x5C00, s24  }
0x2a8: {  	[tilespmem:s29+$0x0] =	vst.add.f32.msk $0xffff, v3  }
0x2a9: {  	v3 =	vld [tilespmem:s24+$0x15C10];
	_ =	sdelay $0x3  }
0x2aa: {  	s7 =	sor.u32 $0x5C10, s24  }
0x2ab: {  	[tilespmem:s7+$0x0] =	vst.add.f32.msk $0xffff, v3  }
0x2ac: {  	v3 =	vld [tilespmem:s24+$0x15C20];
	_ =	sdelay $0x3  }
0x2ad: {  	s25 =	sor.u32 $0x5C20, s24  }
0x2ae: {  	[tilespmem:s25+$0x0] =	vst.add.f32.msk $0xffff, v3  }
0x2af: {  	v3 =	vld [tilespmem:s24+$0x15C30];
	_ =	sdelay $0x3  }
0x2b0: {  	s26 =	sor.u32 $0x5C30, s24  }
0x2b1: {  	[tilespmem:s26+$0x0] =	vst.add.f32.msk $0xffff, v3  }
0x2b2: {  	v3 =	vld [tilespmem:s24+$0x15C40];
	_ =	sdelay $0x3  }
0x2b3: {  	s29 =	sor.u32 $0x5C40, s24  }
0x2b4: {  	[tilespmem:s29+$0x0] =	vst.add.f32.msk $0xffff, v3  }
0x2b5: {  	v3 =	vld [tilespmem:s24+$0x15C50];
	_ =	sdelay $0x3  }
0x2b6: {  	s7 =	sor.u32 $0x5C50, s24  }
0x2b7: {  	[tilespmem:s7+$0x0] =	vst.add.f32.msk $0xffff, v3  }
0x2b8: {  	v3 =	vld [tilespmem:s24+$0x15C60];
	_ =	sdelay $0x3  }
0x2b9: {  	s25 =	sor.u32 $0x5C60, s24  }
0x2ba: {  	[tilespmem:s25+$0x0] =	vst.add.f32.msk $0xffff, v3  }
0x2bb: {  	v3 =	vld [tilespmem:s24+$0x15C70];
	_ =	sdelay $0x3  }
0x2bc: {  	s26 =	sor.u32 $0x5C70, s24  }
0x2bd: {  	[tilespmem:s26+$0x0] =	vst.add.f32.msk $0xffff, v3  }
0x2be: {  	v3 =	vld [tilespmem:s24+$0x16070]  }
0x2bf: {  	v4 =	vld [tilespmem:s24+$0x16050]  }
0x2c0: {  	v5 =	vld [tilespmem:s24+$0x16060]  }
0x2c1: {  	v6 =	vld [tilespmem:s24+$0x16030]  }
0x2c2: {  	v7 =	vld [tilespmem:s24+$0x16000]  }
0x2c3: {  	[tilespmem:s24+$0x6070] =	vst.add.f32.msk $0xffff, v3  }
0x2c4: {  	v3 =	vld [tilespmem:s24+$0x16020]  }
0x2c5: {  	[tilespmem:s24+$0x6050] =	vst.add.f32.msk $0xffff, v4  }
0x2c6: {  	v4 =	vld [tilespmem:s24+$0x16040]  }
0x2c7: {  	[tilespmem:s24+$0x6060] =	vst.add.f32.msk $0xffff, v5  }
0x2c8: {  	v5 =	vld [tilespmem:s24+$0x16010]  }
0x2c9: {  	[tilespmem:s24+$0x6000] =	vst.add.f32.msk $0xffff, v7  }
0x2ca: {  	s29 =	sand.u32 $0x7, s4;
	[tilespmem:s24+$0x6030] =	vst.add.f32.msk $0xffff, v6  }
0x2cb: {  	s6 =	sshll.u32 s29, $0x7;
	[tilespmem:s24+$0x6020] =	vst.add.f32.msk $0xffff, v3  }
0x2cc: {  	s6 =	sadd.s32 $0x0, s6;
	[tilespmem:s24+$0x6040] =	vst.add.f32.msk $0xffff, v4  }
0x2cd: {  	s7 =	sor.u32 $0x1C00, s6;
	[tilespmem:s24+$0x6010] =	vst.add.f32.msk $0xffff, v5  }
0x2ce: {  	v3 =	vld [tilespmem:s7+$0x14800];
	_ =	sdelay $0x4  }
0x2cf: {  	s26 =	sor.u32 $0x1C10, s6;
	[tilespmem:s7+$0x4800] =	vst.add.f32.msk $0xffff, v3  }
0x2d0: {  	v3 =	vld [tilespmem:s26+$0x14800];
	_ =	sdelay $0x4  }
0x2d1: {  	s29 =	sor.u32 $0x1C20, s6;
	[tilespmem:s26+$0x4800] =	vst.add.f32.msk $0xffff, v3  }
0x2d2: {  	v3 =	vld [tilespmem:s29+$0x14800];
	_ =	sdelay $0x4  }
0x2d3: {  	s7 =	sor.u32 $0x1C30, s6;
	[tilespmem:s29+$0x4800] =	vst.add.f32.msk $0xffff, v3  }
0x2d4: {  	v3 =	vld [tilespmem:s7+$0x14800];
	_ =	sdelay $0x4  }
0x2d5: {  	s26 =	sor.u32 $0x1C40, s6;
	[tilespmem:s7+$0x4800] =	vst.add.f32.msk $0xffff, v3  }
0x2d6: {  	v3 =	vld [tilespmem:s26+$0x14800];
	_ =	sdelay $0x4  }
0x2d7: {  	s29 =	sor.u32 $0x1C50, s6;
	[tilespmem:s26+$0x4800] =	vst.add.f32.msk $0xffff, v3  }
0x2d8: {  	v3 =	vld [tilespmem:s29+$0x14800];
	_ =	sdelay $0x4  }
0x2d9: {  	s28 =	sor.u32 $0x1C60, s6;
	[tilespmem:s29+$0x4800] =	vst.add.f32.msk $0xffff, v3  }
0x2da: {  	s25 =	simm.s32 $0x80;
	s24 =	simm.s32 $0xFFFFC000;
	s26 =	simm.s32 $0x0;
	v3 =	vld [tilespmem:s28+$0x14800]  }
.LBB2_5:
0x2db: {  	s4 =	sadd.s32 $0x400, s4;
	s26 =	sadd.s32 $0x1, s26;
	s24 =	sadd.s32 $0x400, s24  }
0x2dc: {  	p1 =	sne.s32 s25, $0x780;
	s7 =	smov.u32 s25;
	s25 =	sadd.s32 $0x80, s25  }
0x2dd: {  	_ = 	snop  }
0x2de: {  	s6 =	sor.u32 $0x1C70, s6  }
0x2df: {  	[tilespmem:s28+$0x4800] =	vst.add.f32.msk $0xffff, v3  }
0x2e0: {  	v3 =	vld [tilespmem:s6+$0x14800];
	_ =	sdelay $0x2  }
0x2e1: {  	s28 =	sadd.s32 $0x4000, s24  }
0x2e2: {  	s7 =	sand.u32 $0x380, s7;
	s28 =	sand.u32 $0x2000, s28  }
0x2e3: {  	s28 =	sor.u32 s7, s28;
	[tilespmem:s6+$0x4800] =	vst.add.f32.msk $0xffff, v3  }
0x2e4: {  	v3 =	vld [tilespmem:s28+$0x14800];
	_ =	sdelay $0x3  }
0x2e5: {  	s6 =	sor.u32 $0x4800, s28  }
0x2e6: {  	[tilespmem:s6+$0x0] =	vst.add.f32.msk $0xffff, v3  }
0x2e7: {  	v3 =	vld [tilespmem:s28+$0x14810];
	_ =	sdelay $0x3  }
0x2e8: {  	s6 =	sor.u32 $0x4810, s28  }
0x2e9: {  	[tilespmem:s6+$0x0] =	vst.add.f32.msk $0xffff, v3  }
0x2ea: {  	v3 =	vld [tilespmem:s28+$0x14820];
	_ =	sdelay $0x3  }
0x2eb: {  	s6 =	sor.u32 $0x4820, s28  }
0x2ec: {  	[tilespmem:s6+$0x0] =	vst.add.f32.msk $0xffff, v3  }
0x2ed: {  	v3 =	vld [tilespmem:s28+$0x14830];
	_ =	sdelay $0x3  }
0x2ee: {  	s6 =	sor.u32 $0x4830, s28  }
0x2ef: {  	[tilespmem:s6+$0x0] =	vst.add.f32.msk $0xffff, v3  }
0x2f0: {  	v3 =	vld [tilespmem:s28+$0x14840];
	_ =	sdelay $0x3  }
0x2f1: {  	s6 =	sor.u32 $0x4840, s28  }
0x2f2: {  	[tilespmem:s6+$0x0] =	vst.add.f32.msk $0xffff, v3  }
0x2f3: {  	v3 =	vld [tilespmem:s28+$0x14850];
	_ =	sdelay $0x3  }
0x2f4: {  	s6 =	sor.u32 $0x4850, s28  }
0x2f5: {  	[tilespmem:s6+$0x0] =	vst.add.f32.msk $0xffff, v3  }
0x2f6: {  	v3 =	vld [tilespmem:s28+$0x14860];
	_ =	sdelay $0x3  }
0x2f7: {  	s6 =	sor.u32 $0x4860, s28  }
0x2f8: {  	[tilespmem:s6+$0x0] =	vst.add.f32.msk $0xffff, v3  }
0x2f9: {  	v3 =	vld [tilespmem:s28+$0x14870];
	_ =	sdelay $0x3  }
0x2fa: {  	s6 =	sor.u32 $0x4870, s28  }
0x2fb: {  	[tilespmem:s6+$0x0] =	vst.add.f32.msk $0xffff, v3  }
0x2fc: {  	v3 =	vld [tilespmem:s28+$0x14C00];
	_ =	sdelay $0x3  }
0x2fd: {  	s6 =	sor.u32 $0x4C00, s28  }
0x2fe: {  	[tilespmem:s6+$0x0] =	vst.add.f32.msk $0xffff, v3  }
0x2ff: {  	v3 =	vld [tilespmem:s28+$0x14C10];
	_ =	sdelay $0x3  }
0x300: {  	s6 =	sor.u32 $0x4C10, s28  }
0x301: {  	[tilespmem:s6+$0x0] =	vst.add.f32.msk $0xffff, v3  }
0x302: {  	v3 =	vld [tilespmem:s28+$0x14C20];
	_ =	sdelay $0x3  }
0x303: {  	s6 =	sor.u32 $0x4C20, s28  }
0x304: {  	[tilespmem:s6+$0x0] =	vst.add.f32.msk $0xffff, v3  }
0x305: {  	v3 =	vld [tilespmem:s28+$0x14C30];
	_ =	sdelay $0x3  }
0x306: {  	s6 =	sor.u32 $0x4C30, s28  }
0x307: {  	[tilespmem:s6+$0x0] =	vst.add.f32.msk $0xffff, v3  }
0x308: {  	v3 =	vld [tilespmem:s28+$0x14C40];
	_ =	sdelay $0x3  }
0x309: {  	s6 =	sor.u32 $0x4C40, s28  }
0x30a: {  	[tilespmem:s6+$0x0] =	vst.add.f32.msk $0xffff, v3  }
0x30b: {  	v3 =	vld [tilespmem:s28+$0x14C50];
	_ =	sdelay $0x3  }
0x30c: {  	s6 =	sor.u32 $0x4C50, s28  }
0x30d: {  	[tilespmem:s6+$0x0] =	vst.add.f32.msk $0xffff, v3  }
0x30e: {  	v3 =	vld [tilespmem:s28+$0x14C60];
	_ =	sdelay $0x3  }
0x30f: {  	s6 =	sor.u32 $0x4C60, s28  }
0x310: {  	[tilespmem:s6+$0x0] =	vst.add.f32.msk $0xffff, v3  }
0x311: {  	v3 =	vld [tilespmem:s28+$0x14C70];
	_ =	sdelay $0x3  }
0x312: {  	s6 =	sor.u32 $0x4C70, s28  }
0x313: {  	[tilespmem:s6+$0x0] =	vst.add.f32.msk $0xffff, v3  }
0x314: {  	v3 =	vld [tilespmem:s28+$0x15000];
	_ =	sdelay $0x3  }
0x315: {  	s6 =	sor.u32 $0x5000, s28  }
0x316: {  	[tilespmem:s6+$0x0] =	vst.add.f32.msk $0xffff, v3  }
0x317: {  	v3 =	vld [tilespmem:s28+$0x15010];
	_ =	sdelay $0x3  }
0x318: {  	s6 =	sor.u32 $0x5010, s28  }
0x319: {  	[tilespmem:s6+$0x0] =	vst.add.f32.msk $0xffff, v3  }
0x31a: {  	v3 =	vld [tilespmem:s28+$0x15020];
	_ =	sdelay $0x3  }
0x31b: {  	s6 =	sor.u32 $0x5020, s28  }
0x31c: {  	[tilespmem:s6+$0x0] =	vst.add.f32.msk $0xffff, v3  }
0x31d: {  	v3 =	vld [tilespmem:s28+$0x15030];
	_ =	sdelay $0x3  }
0x31e: {  	s6 =	sor.u32 $0x5030, s28  }
0x31f: {  	[tilespmem:s6+$0x0] =	vst.add.f32.msk $0xffff, v3  }
0x320: {  	v3 =	vld [tilespmem:s28+$0x15040];
	_ =	sdelay $0x3  }
0x321: {  	s6 =	sor.u32 $0x5040, s28  }
0x322: {  	[tilespmem:s6+$0x0] =	vst.add.f32.msk $0xffff, v3  }
0x323: {  	v3 =	vld [tilespmem:s28+$0x15050];
	_ =	sdelay $0x3  }
0x324: {  	s6 =	sor.u32 $0x5050, s28  }
0x325: {  	[tilespmem:s6+$0x0] =	vst.add.f32.msk $0xffff, v3  }
0x326: {  	v3 =	vld [tilespmem:s28+$0x15060];
	_ =	sdelay $0x3  }
0x327: {  	s6 =	sor.u32 $0x5060, s28  }
0x328: {  	[tilespmem:s6+$0x0] =	vst.add.f32.msk $0xffff, v3  }
0x329: {  	v3 =	vld [tilespmem:s28+$0x15070];
	_ =	sdelay $0x3  }
0x32a: {  	s6 =	sor.u32 $0x5070, s28  }
0x32b: {  	[tilespmem:s6+$0x0] =	vst.add.f32.msk $0xffff, v3  }
0x32c: {  	v3 =	vld [tilespmem:s28+$0x15400];
	_ =	sdelay $0x3  }
0x32d: {  	s6 =	sor.u32 $0x5400, s28  }
0x32e: {  	[tilespmem:s6+$0x0] =	vst.add.f32.msk $0xffff, v3  }
0x32f: {  	v3 =	vld [tilespmem:s28+$0x15410];
	_ =	sdelay $0x3  }
0x330: {  	s6 =	sor.u32 $0x5410, s28  }
0x331: {  	[tilespmem:s6+$0x0] =	vst.add.f32.msk $0xffff, v3  }
0x332: {  	v3 =	vld [tilespmem:s28+$0x15420];
	_ =	sdelay $0x3  }
0x333: {  	s6 =	sor.u32 $0x5420, s28  }
0x334: {  	[tilespmem:s6+$0x0] =	vst.add.f32.msk $0xffff, v3  }
0x335: {  	v3 =	vld [tilespmem:s28+$0x15430];
	_ =	sdelay $0x3  }
0x336: {  	s6 =	sor.u32 $0x5430, s28  }
0x337: {  	[tilespmem:s6+$0x0] =	vst.add.f32.msk $0xffff, v3  }
0x338: {  	v3 =	vld [tilespmem:s28+$0x15440];
	_ =	sdelay $0x3  }
0x339: {  	s6 =	sor.u32 $0x5440, s28  }
0x33a: {  	[tilespmem:s6+$0x0] =	vst.add.f32.msk $0xffff, v3  }
0x33b: {  	v3 =	vld [tilespmem:s28+$0x15450];
	_ =	sdelay $0x3  }
0x33c: {  	s6 =	sor.u32 $0x5450, s28  }
0x33d: {  	[tilespmem:s6+$0x0] =	vst.add.f32.msk $0xffff, v3  }
0x33e: {  	v3 =	vld [tilespmem:s28+$0x15460];
	_ =	sdelay $0x3  }
0x33f: {  	s6 =	sor.u32 $0x5460, s28  }
0x340: {  	[tilespmem:s6+$0x0] =	vst.add.f32.msk $0xffff, v3  }
0x341: {  	v3 =	vld [tilespmem:s28+$0x15470];
	_ =	sdelay $0x3  }
0x342: {  	s6 =	sor.u32 $0x5470, s28  }
0x343: {  	[tilespmem:s6+$0x0] =	vst.add.f32.msk $0xffff, v3  }
0x344: {  	v3 =	vld [tilespmem:s28+$0x15800];
	_ =	sdelay $0x3  }
0x345: {  	s6 =	sor.u32 $0x5800, s28  }
0x346: {  	[tilespmem:s6+$0x0] =	vst.add.f32.msk $0xffff, v3  }
0x347: {  	v3 =	vld [tilespmem:s28+$0x15810];
	_ =	sdelay $0x3  }
0x348: {  	s6 =	sor.u32 $0x5810, s28  }
0x349: {  	[tilespmem:s6+$0x0] =	vst.add.f32.msk $0xffff, v3  }
0x34a: {  	v3 =	vld [tilespmem:s28+$0x15820];
	_ =	sdelay $0x3  }
0x34b: {  	s6 =	sor.u32 $0x5820, s28  }
0x34c: {  	[tilespmem:s6+$0x0] =	vst.add.f32.msk $0xffff, v3  }
0x34d: {  	v3 =	vld [tilespmem:s28+$0x15830];
	_ =	sdelay $0x3  }
0x34e: {  	s6 =	sor.u32 $0x5830, s28  }
0x34f: {  	[tilespmem:s6+$0x0] =	vst.add.f32.msk $0xffff, v3  }
0x350: {  	v3 =	vld [tilespmem:s28+$0x15840];
	_ =	sdelay $0x3  }
0x351: {  	s6 =	sor.u32 $0x5840, s28  }
0x352: {  	[tilespmem:s6+$0x0] =	vst.add.f32.msk $0xffff, v3  }
0x353: {  	v3 =	vld [tilespmem:s28+$0x15850];
	_ =	sdelay $0x3  }
0x354: {  	s6 =	sor.u32 $0x5850, s28  }
0x355: {  	[tilespmem:s6+$0x0] =	vst.add.f32.msk $0xffff, v3  }
0x356: {  	v3 =	vld [tilespmem:s28+$0x15860];
	_ =	sdelay $0x3  }
0x357: {  	s6 =	sor.u32 $0x5860, s28  }
0x358: {  	[tilespmem:s6+$0x0] =	vst.add.f32.msk $0xffff, v3  }
0x359: {  	v3 =	vld [tilespmem:s28+$0x15870];
	_ =	sdelay $0x3  }
0x35a: {  	s6 =	sor.u32 $0x5870, s28  }
0x35b: {  	[tilespmem:s6+$0x0] =	vst.add.f32.msk $0xffff, v3  }
0x35c: {  	v3 =	vld [tilespmem:s28+$0x15C00];
	_ =	sdelay $0x3  }
0x35d: {  	s6 =	sor.u32 $0x5C00, s28  }
0x35e: {  	[tilespmem:s6+$0x0] =	vst.add.f32.msk $0xffff, v3  }
0x35f: {  	v3 =	vld [tilespmem:s28+$0x15C10];
	_ =	sdelay $0x3  }
0x360: {  	s6 =	sor.u32 $0x5C10, s28  }
0x361: {  	[tilespmem:s6+$0x0] =	vst.add.f32.msk $0xffff, v3  }
0x362: {  	v3 =	vld [tilespmem:s28+$0x15C20];
	_ =	sdelay $0x3  }
0x363: {  	s6 =	sor.u32 $0x5C20, s28  }
0x364: {  	[tilespmem:s6+$0x0] =	vst.add.f32.msk $0xffff, v3  }
0x365: {  	v3 =	vld [tilespmem:s28+$0x15C30];
	_ =	sdelay $0x3  }
0x366: {  	s6 =	sor.u32 $0x5C30, s28  }
0x367: {  	[tilespmem:s6+$0x0] =	vst.add.f32.msk $0xffff, v3  }
0x368: {  	v3 =	vld [tilespmem:s28+$0x15C40];
	_ =	sdelay $0x3  }
0x369: {  	s6 =	sor.u32 $0x5C40, s28  }
0x36a: {  	[tilespmem:s6+$0x0] =	vst.add.f32.msk $0xffff, v3  }
0x36b: {  	v3 =	vld [tilespmem:s28+$0x15C50];
	_ =	sdelay $0x3  }
0x36c: {  	s6 =	sor.u32 $0x5C50, s28  }
0x36d: {  	[tilespmem:s6+$0x0] =	vst.add.f32.msk $0xffff, v3  }
0x36e: {  	v3 =	vld [tilespmem:s28+$0x15C60];
	_ =	sdelay $0x3  }
0x36f: {  	s6 =	sor.u32 $0x5C60, s28  }
0x370: {  	[tilespmem:s6+$0x0] =	vst.add.f32.msk $0xffff, v3  }
0x371: {  	v3 =	vld [tilespmem:s28+$0x15C70];
	_ =	sdelay $0x3  }
0x372: {  	s6 =	sor.u32 $0x5C70, s28  }
0x373: {  	[tilespmem:s6+$0x0] =	vst.add.f32.msk $0xffff, v3  }
0x374: {  	v3 =	vld [tilespmem:s28+$0x16070]  }
0x375: {  	v4 =	vld [tilespmem:s28+$0x16050]  }
0x376: {  	v5 =	vld [tilespmem:s28+$0x16060]  }
0x377: {  	v6 =	vld [tilespmem:s28+$0x16030]  }
0x378: {  	v7 =	vld [tilespmem:s28+$0x16000]  }
0x379: {  	[tilespmem:s28+$0x6070] =	vst.add.f32.msk $0xffff, v3  }
0x37a: {  	v3 =	vld [tilespmem:s28+$0x16020]  }
0x37b: {  	[tilespmem:s28+$0x6050] =	vst.add.f32.msk $0xffff, v4  }
0x37c: {  	v4 =	vld [tilespmem:s28+$0x16040]  }
0x37d: {  	[tilespmem:s28+$0x6060] =	vst.add.f32.msk $0xffff, v5  }
0x37e: {  	v5 =	vld [tilespmem:s28+$0x16010]  }
0x37f: {  	s6 =	sand.u32 $0x7, s26;
	[tilespmem:s28+$0x6000] =	vst.add.f32.msk $0xffff, v7  }
0x380: {  	s6 =	sshll.u32 s6, $0x7;
	[tilespmem:s28+$0x6020] =	vst.add.f32.msk $0xffff, v3  }
0x381: {  	s6 =	sadd.s32 s6, s4;
	[tilespmem:s28+$0x6040] =	vst.add.f32.msk $0xffff, v4  }
0x382: {  	s7 =	sor.u32 $0x1C00, s6;
	[tilespmem:s28+$0x6030] =	vst.add.f32.msk $0xffff, v6  }
0x383: {  	[tilespmem:s28+$0x6010] =	vst.add.f32.msk $0xffff, v5  }
0x384: {  	v3 =	vld [tilespmem:s7+$0x14800];
	_ =	sdelay $0x3  }
0x385: {  	s28 =	sor.u32 $0x1C10, s6  }
0x386: {  	[tilespmem:s7+$0x4800] =	vst.add.f32.msk $0xffff, v3  }
0x387: {  	v3 =	vld [tilespmem:s28+$0x14800];
	_ =	sdelay $0x3  }
0x388: {  	s7 =	sor.u32 $0x1C20, s6  }
0x389: {  	[tilespmem:s28+$0x4800] =	vst.add.f32.msk $0xffff, v3  }
0x38a: {  	v3 =	vld [tilespmem:s7+$0x14800];
	_ =	sdelay $0x3  }
0x38b: {  	s28 =	sor.u32 $0x1C30, s6  }
0x38c: {  	[tilespmem:s7+$0x4800] =	vst.add.f32.msk $0xffff, v3  }
0x38d: {  	v3 =	vld [tilespmem:s28+$0x14800];
	_ =	sdelay $0x3  }
0x38e: {  	s7 =	sor.u32 $0x1C40, s6  }
0x38f: {  	[tilespmem:s28+$0x4800] =	vst.add.f32.msk $0xffff, v3  }
0x390: {  	v3 =	vld [tilespmem:s7+$0x14800];
	_ =	sdelay $0x3  }
0x391: {  	s29 =	sor.u32 $0x1C50, s6  }
0x392: {  	[tilespmem:s7+$0x4800] =	vst.add.f32.msk $0xffff, v3  }
0x393: {  	v3 =	vld [tilespmem:s29+$0x14800];
	_ =	sdelay $0x1  }
.Ltmp3:
0x394: {  	(pc) =	sbr.rel @p1 .LBB2_5-.Ltmp3, $4  }
0x395: {  	_ = 	snop  }
0x396: {  	s28 =	sor.u32 $0x1C60, s6  }
0x397: {  	[tilespmem:s29+$0x4800] =	vst.add.f32.msk $0xffff, v3  }
0x398: {  	v3 =	vld [tilespmem:s28+$0x14800]  }
0x399: {  	_ =	sdelay $0x3  }
0x39a: {  	s4 =	sor.u32 $0x1C70, s6;
	[tilespmem:s28+$0x4800] =	vst.add.f32.msk $0xffff, v3  }
0x39b: {  	v3 =	vld [tilespmem:s4+$0x14800];
	_ =	sdelay $0x3  }
0x39c: {  	s7 =	rddreg [dreg:$0x8]  }
0x39d: {  	s29 =	simm.s32 $0x4800;
	[tilespmem:s4+$0x4800] =	vst.add.f32.msk $0xffff, v3;
	s4 =	sadd.s32 s14, s7  }
0x39e: {  	[hbm4b:s4+s5] =	stream.linear.scatter [tilespmem:s29], [sflag:$0x6], $0x4000, $0x38;
	[tilespmem:$0x18800] =	vst v63  }
0x39f: {  	s4 =	simm.s32 @!p0 $0x8  }
0x3a0: {  	_ =	swait.ge @!p0 [sflag:s4], $0x4000  }
0x3a1: {  	s14 =	sor.u32 $0x3, s18;
	[sflag:s4] =	ssyncset.done @!p0 $0x0  }
0x3a2: {  	s6 =	sshll.u32 s14, $0x4;
	[sflag:s4] =	ssyncadd.s32 @!p0 $0xFFFFC000  }
0x3a3: {  	v3 =	vld [tilespmem:s6+$0x0];
	_ =	sdelay $0x4  }
0x3a4: {  	v4 =	vshll.u32 v3, $0x3  }
0x3a5: {  	v3 =	vand.u32 $0x7, v3;
	v4 =	vand.u32 $0xFFFFFFC0, v4  }
0x3a6: {  	v3 =	vor.u32 v3, v4  }
0x3a7: {  	v4 =	vperm.xlane v3, v0;
	_ =	sdelay $0x1  }
0x3a8: {  	v4 =	vadd.s32 v1, v4;
	_ =	sdelay $0x3  }
0x3a9: {  	s4 =	simm.s32 $0x0  }
0x3aa: {  	[tilespmem:s2], [sflag:$0x4] =	stream.indirect_vreg.gather [hbm4b:s1+s4], $0x80, v4, vm0, $0xb8;
	[tilespmem:$0x18800] =	vst v63  }
0x3ab: {  	s7 =	simm.s32 $0xD000;
	v3 =	vperm.xlane v3, v2  }
0x3ac: {  	[tilespmem:s7], [sflag:$0x4] =	stream.indirect_vreg.gather [hbm4b:s8+s4], $0x80, v4, vm0, $0xb8;
	[tilespmem:$0x18800] =	vst v63  }
0x3ad: {  	s18 =	simm.s32 $0xD800;
	v3 =	vadd.s32 v1, v3  }
0x3ae: {  	[tilespmem:s18], [sflag:$0x4] =	stream.indirect_vreg.gather [hbm4b:s9+s4], $0x80, v4, vm0, $0xb8;
	[tilespmem:$0x18800] =	vst v63  }
0x3af: {  	s24 =	simm.s32 $0xE000  }
0x3b0: {  	[tilespmem:s24], [sflag:$0x4] =	stream.indirect_vreg.gather [hbm4b:s10+s4], $0x80, v4, vm0, $0xb8;
	[tilespmem:$0x18800] =	vst v63  }
0x3b1: {  	s25 =	simm.s32 $0xE800  }
0x3b2: {  	[tilespmem:s25], [sflag:$0x4] =	stream.indirect_vreg.gather [hbm4b:s1+s4], $0x80, v3, vm0, $0xb8;
	[tilespmem:$0x18800] =	vst v63  }
0x3b3: {  	s26 =	simm.s32 $0xF000  }
0x3b4: {  	[tilespmem:s26], [sflag:$0x4] =	stream.indirect_vreg.gather [hbm4b:s8+s4], $0x80, v3, vm0, $0xb8;
	[tilespmem:$0x18800] =	vst v63  }
0x3b5: {  	s28 =	simm.s32 $0xF800  }
0x3b6: {  	[tilespmem:s28], [sflag:$0x4] =	stream.indirect_vreg.gather [hbm4b:s9+s4], $0x80, v3, vm0, $0xb8;
	[tilespmem:$0x18800] =	vst v63  }
0x3b7: {  	s18 =	simm.s32 $0x10000  }
0x3b8: {  	[tilespmem:s18], [sflag:$0x4] =	stream.indirect_vreg.gather [hbm4b:s10+s4], $0x80, v3, vm0, $0xb8;
	[tilespmem:$0x18800] =	vst v63  }
0x3b9: {  	v3 =	vld [tilespmem:s6+$0x400];
	_ =	sdelay $0x4  }
0x3ba: {  	v4 =	vshll.u32 v3, $0x3  }
0x3bb: {  	v3 =	vand.u32 $0x7, v3;
	v4 =	vand.u32 $0xFFFFFFC0, v4  }
0x3bc: {  	v3 =	vor.u32 v3, v4  }
0x3bd: {  	v4 =	vperm.xlane v3, v0;
	_ =	sdelay $0x1  }
0x3be: {  	v4 =	vadd.s32 v1, v4;
	_ =	sdelay $0x3  }
0x3bf: {  	s24 =	simm.s32 $0x14800  }
0x3c0: {  	[tilespmem:s24], [sflag:$0xA] =	stream.indirect_vreg.gather [hbm4b:s3+s4], $0x80, v4, vm0, $0xb8;
	[tilespmem:$0x18800] =	vst v63  }
0x3c1: {  	s25 =	simm.s32 $0x15000;
	v3 =	vperm.xlane v3, v2  }
0x3c2: {  	[tilespmem:s25], [sflag:$0xA] =	stream.indirect_vreg.gather [hbm4b:s11+s4], $0x80, v4, vm0, $0xb8;
	[tilespmem:$0x18800] =	vst v63  }
0x3c3: {  	s26 =	simm.s32 $0x15800;
	v3 =	vadd.s32 v1, v3  }
0x3c4: {  	[tilespmem:s26], [sflag:$0xA] =	stream.indirect_vreg.gather [hbm4b:s12+s4], $0x80, v4, vm0, $0xb8;
	[tilespmem:$0x18800] =	vst v63  }
0x3c5: {  	s28 =	simm.s32 $0x16000  }
0x3c6: {  	[tilespmem:s28], [sflag:$0xA] =	stream.indirect_vreg.gather [hbm4b:s13+s4], $0x80, v4, vm0, $0xb8;
	[tilespmem:$0x18800] =	vst v63  }
0x3c7: {  	s7 =	simm.s32 $0x16800  }
0x3c8: {  	[tilespmem:s7], [sflag:$0xA] =	stream.indirect_vreg.gather [hbm4b:s3+s4], $0x80, v3, vm0, $0xb8;
	[tilespmem:$0x18800] =	vst v63  }
0x3c9: {  	s18 =	simm.s32 $0x17000  }
0x3ca: {  	[tilespmem:s18], [sflag:$0xA] =	stream.indirect_vreg.gather [hbm4b:s11+s4], $0x80, v3, vm0, $0xb8;
	[tilespmem:$0x18800] =	vst v63  }
0x3cb: {  	s24 =	simm.s32 $0x17800  }
0x3cc: {  	[tilespmem:s24], [sflag:$0xA] =	stream.indirect_vreg.gather [hbm4b:s12+s4], $0x80, v3, vm0, $0xb8;
	[tilespmem:$0x18800] =	vst v63  }
0x3cd: {  	s25 =	simm.s32 $0x18000  }
0x3ce: {  	[tilespmem:s25], [sflag:$0xA] =	stream.indirect_vreg.gather [hbm4b:s13+s4], $0x80, v3, vm0, $0xb8;
	[tilespmem:$0x18800] =	vst v63  }
0x3cf: {  	_ =	swait.ge [sflag:s0], $0x4000  }
0x3d0: {  	[sflag:s0] =	ssyncset.done $0x0  }
0x3d1: {  	[sflag:s0] =	ssyncadd.s32 $0xFFFFC000  }
0x3d2: {  	s26 =	simm.s32 $0x0;
	_ =	swait.ge [sflag:s20], $0x4000  }
0x3d3: {  	s6 =	sand.u32 $0x2000, s26;
	s28 =	sand.u32 $0x380, s4;
	[sflag:s20] =	ssyncset.done $0x0  }
0x3d4: {  	s18 =	sor.u32 s28, s6;
	[sflag:s20] =	ssyncadd.s32 $0xFFFFC000  }
0x3d5: {  	v3 =	vld [tilespmem:s18+$0x10800];
	_ =	sdelay $0x3  }
0x3d6: {  	s6 =	sor.u32 $0x8800, s18  }
0x3d7: {  	[tilespmem:s6+$0x0] =	vst.add.f32.msk $0xffff, v3  }
0x3d8: {  	v3 =	vld [tilespmem:s18+$0x10810];
	_ =	sdelay $0x3  }
0x3d9: {  	s7 =	sor.u32 $0x8810, s18  }
0x3da: {  	[tilespmem:s7+$0x0] =	vst.add.f32.msk $0xffff, v3  }
0x3db: {  	v3 =	vld [tilespmem:s18+$0x10820];
	_ =	sdelay $0x3  }
0x3dc: {  	s24 =	sor.u32 $0x8820, s18  }
0x3dd: {  	[tilespmem:s24+$0x0] =	vst.add.f32.msk $0xffff, v3  }
0x3de: {  	v3 =	vld [tilespmem:s18+$0x10830];
	_ =	sdelay $0x3  }
0x3df: {  	s25 =	sor.u32 $0x8830, s18  }
0x3e0: {  	[tilespmem:s25+$0x0] =	vst.add.f32.msk $0xffff, v3  }
0x3e1: {  	v3 =	vld [tilespmem:s18+$0x10840];
	_ =	sdelay $0x3  }
0x3e2: {  	s26 =	sor.u32 $0x8840, s18  }
0x3e3: {  	[tilespmem:s26+$0x0] =	vst.add.f32.msk $0xffff, v3  }
0x3e4: {  	v3 =	vld [tilespmem:s18+$0x10850];
	_ =	sdelay $0x3  }
0x3e5: {  	s28 =	sor.u32 $0x8850, s18  }
0x3e6: {  	[tilespmem:s28+$0x0] =	vst.add.f32.msk $0xffff, v3  }
0x3e7: {  	v3 =	vld [tilespmem:s18+$0x10860];
	_ =	sdelay $0x3  }
0x3e8: {  	s7 =	sor.u32 $0x8860, s18  }
0x3e9: {  	[tilespmem:s7+$0x0] =	vst.add.f32.msk $0xffff, v3  }
0x3ea: {  	v3 =	vld [tilespmem:s18+$0x10870];
	_ =	sdelay $0x3  }
0x3eb: {  	s24 =	sor.u32 $0x8870, s18  }
0x3ec: {  	[tilespmem:s24+$0x0] =	vst.add.f32.msk $0xffff, v3  }
0x3ed: {  	v3 =	vld [tilespmem:s18+$0x10C00];
	_ =	sdelay $0x3  }
0x3ee: {  	s25 =	sor.u32 $0x8C00, s18  }
0x3ef: {  	[tilespmem:s25+$0x0] =	vst.add.f32.msk $0xffff, v3  }
0x3f0: {  	v3 =	vld [tilespmem:s18+$0x10C10];
	_ =	sdelay $0x3  }
0x3f1: {  	s26 =	sor.u32 $0x8C10, s18  }
0x3f2: {  	[tilespmem:s26+$0x0] =	vst.add.f32.msk $0xffff, v3  }
0x3f3: {  	v3 =	vld [tilespmem:s18+$0x10C20];
	_ =	sdelay $0x3  }
0x3f4: {  	s28 =	sor.u32 $0x8C20, s18  }
0x3f5: {  	[tilespmem:s28+$0x0] =	vst.add.f32.msk $0xffff, v3  }
0x3f6: {  	v3 =	vld [tilespmem:s18+$0x10C30];
	_ =	sdelay $0x3  }
0x3f7: {  	s7 =	sor.u32 $0x8C30, s18  }
0x3f8: {  	[tilespmem:s7+$0x0] =	vst.add.f32.msk $0xffff, v3  }
0x3f9: {  	v3 =	vld [tilespmem:s18+$0x10C40];
	_ =	sdelay $0x3  }
0x3fa: {  	s24 =	sor.u32 $0x8C40, s18  }
0x3fb: {  	[tilespmem:s24+$0x0] =	vst.add.f32.msk $0xffff, v3  }
0x3fc: {  	v3 =	vld [tilespmem:s18+$0x10C50];
	_ =	sdelay $0x3  }
0x3fd: {  	s25 =	sor.u32 $0x8C50, s18  }
0x3fe: {  	[tilespmem:s25+$0x0] =	vst.add.f32.msk $0xffff, v3  }
0x3ff: {  	v3 =	vld [tilespmem:s18+$0x10C60];
	_ =	sdelay $0x3  }
0x400: {  	s26 =	sor.u32 $0x8C60, s18  }
0x401: {  	[tilespmem:s26+$0x0] =	vst.add.f32.msk $0xffff, v3  }
0x402: {  	v3 =	vld [tilespmem:s18+$0x10C70];
	_ =	sdelay $0x3  }
0x403: {  	s28 =	sor.u32 $0x8C70, s18  }
0x404: {  	[tilespmem:s28+$0x0] =	vst.add.f32.msk $0xffff, v3  }
0x405: {  	v3 =	vld [tilespmem:s18+$0x11000];
	_ =	sdelay $0x3  }
0x406: {  	s7 =	sor.u32 $0x9000, s18  }
0x407: {  	[tilespmem:s7+$0x0] =	vst.add.f32.msk $0xffff, v3  }
0x408: {  	v3 =	vld [tilespmem:s18+$0x11010];
	_ =	sdelay $0x3  }
0x409: {  	s24 =	sor.u32 $0x9010, s18  }
0x40a: {  	[tilespmem:s24+$0x0] =	vst.add.f32.msk $0xffff, v3  }
0x40b: {  	v3 =	vld [tilespmem:s18+$0x11020];
	_ =	sdelay $0x3  }
0x40c: {  	s25 =	sor.u32 $0x9020, s18  }
0x40d: {  	[tilespmem:s25+$0x0] =	vst.add.f32.msk $0xffff, v3  }
0x40e: {  	v3 =	vld [tilespmem:s18+$0x11030];
	_ =	sdelay $0x3  }
0x40f: {  	s26 =	sor.u32 $0x9030, s18  }
0x410: {  	[tilespmem:s26+$0x0] =	vst.add.f32.msk $0xffff, v3  }
0x411: {  	v3 =	vld [tilespmem:s18+$0x11040];
	_ =	sdelay $0x3  }
0x412: {  	s28 =	sor.u32 $0x9040, s18  }
0x413: {  	[tilespmem:s28+$0x0] =	vst.add.f32.msk $0xffff, v3  }
0x414: {  	v3 =	vld [tilespmem:s18+$0x11050];
	_ =	sdelay $0x3  }
0x415: {  	s7 =	sor.u32 $0x9050, s18  }
0x416: {  	[tilespmem:s7+$0x0] =	vst.add.f32.msk $0xffff, v3  }
0x417: {  	v3 =	vld [tilespmem:s18+$0x11060];
	_ =	sdelay $0x3  }
0x418: {  	s24 =	sor.u32 $0x9060, s18  }
0x419: {  	[tilespmem:s24+$0x0] =	vst.add.f32.msk $0xffff, v3  }
0x41a: {  	v3 =	vld [tilespmem:s18+$0x11070];
	_ =	sdelay $0x3  }
0x41b: {  	s25 =	sor.u32 $0x9070, s18  }
0x41c: {  	[tilespmem:s25+$0x0] =	vst.add.f32.msk $0xffff, v3  }
0x41d: {  	v3 =	vld [tilespmem:s18+$0x11400];
	_ =	sdelay $0x3  }
0x41e: {  	s26 =	sor.u32 $0x9400, s18  }
0x41f: {  	[tilespmem:s26+$0x0] =	vst.add.f32.msk $0xffff, v3  }
0x420: {  	v3 =	vld [tilespmem:s18+$0x11410];
	_ =	sdelay $0x3  }
0x421: {  	s28 =	sor.u32 $0x9410, s18  }
0x422: {  	[tilespmem:s28+$0x0] =	vst.add.f32.msk $0xffff, v3  }
0x423: {  	v3 =	vld [tilespmem:s18+$0x11420];
	_ =	sdelay $0x3  }
0x424: {  	s7 =	sor.u32 $0x9420, s18  }
0x425: {  	[tilespmem:s7+$0x0] =	vst.add.f32.msk $0xffff, v3  }
0x426: {  	v3 =	vld [tilespmem:s18+$0x11430];
	_ =	sdelay $0x3  }
0x427: {  	s24 =	sor.u32 $0x9430, s18  }
0x428: {  	[tilespmem:s24+$0x0] =	vst.add.f32.msk $0xffff, v3  }
0x429: {  	v3 =	vld [tilespmem:s18+$0x11440];
	_ =	sdelay $0x3  }
0x42a: {  	s25 =	sor.u32 $0x9440, s18  }
0x42b: {  	[tilespmem:s25+$0x0] =	vst.add.f32.msk $0xffff, v3  }
0x42c: {  	v3 =	vld [tilespmem:s18+$0x11450];
	_ =	sdelay $0x3  }
0x42d: {  	s26 =	sor.u32 $0x9450, s18  }
0x42e: {  	[tilespmem:s26+$0x0] =	vst.add.f32.msk $0xffff, v3  }
0x42f: {  	v3 =	vld [tilespmem:s18+$0x11460];
	_ =	sdelay $0x3  }
0x430: {  	s28 =	sor.u32 $0x9460, s18  }
0x431: {  	[tilespmem:s28+$0x0] =	vst.add.f32.msk $0xffff, v3  }
0x432: {  	v3 =	vld [tilespmem:s18+$0x11470];
	_ =	sdelay $0x3  }
0x433: {  	s7 =	sor.u32 $0x9470, s18  }
0x434: {  	[tilespmem:s7+$0x0] =	vst.add.f32.msk $0xffff, v3  }
0x435: {  	v3 =	vld [tilespmem:s18+$0x11800];
	_ =	sdelay $0x3  }
0x436: {  	s24 =	sor.u32 $0x9800, s18  }
0x437: {  	[tilespmem:s24+$0x0] =	vst.add.f32.msk $0xffff, v3  }
0x438: {  	v3 =	vld [tilespmem:s18+$0x11810];
	_ =	sdelay $0x3  }
0x439: {  	s25 =	sor.u32 $0x9810, s18  }
0x43a: {  	[tilespmem:s25+$0x0] =	vst.add.f32.msk $0xffff, v3  }
0x43b: {  	v3 =	vld [tilespmem:s18+$0x11820];
	_ =	sdelay $0x3  }
0x43c: {  	s26 =	sor.u32 $0x9820, s18  }
0x43d: {  	[tilespmem:s26+$0x0] =	vst.add.f32.msk $0xffff, v3  }
0x43e: {  	v3 =	vld [tilespmem:s18+$0x11830];
	_ =	sdelay $0x3  }
0x43f: {  	s28 =	sor.u32 $0x9830, s18  }
0x440: {  	[tilespmem:s28+$0x0] =	vst.add.f32.msk $0xffff, v3  }
0x441: {  	v3 =	vld [tilespmem:s18+$0x11840];
	_ =	sdelay $0x3  }
0x442: {  	s7 =	sor.u32 $0x9840, s18  }
0x443: {  	[tilespmem:s7+$0x0] =	vst.add.f32.msk $0xffff, v3  }
0x444: {  	v3 =	vld [tilespmem:s18+$0x11850];
	_ =	sdelay $0x3  }
0x445: {  	s24 =	sor.u32 $0x9850, s18  }
0x446: {  	[tilespmem:s24+$0x0] =	vst.add.f32.msk $0xffff, v3  }
0x447: {  	v3 =	vld [tilespmem:s18+$0x11860];
	_ =	sdelay $0x3  }
0x448: {  	s25 =	sor.u32 $0x9860, s18  }
0x449: {  	[tilespmem:s25+$0x0] =	vst.add.f32.msk $0xffff, v3  }
0x44a: {  	v3 =	vld [tilespmem:s18+$0x11870];
	_ =	sdelay $0x3  }
0x44b: {  	s26 =	sor.u32 $0x9870, s18  }
0x44c: {  	[tilespmem:s26+$0x0] =	vst.add.f32.msk $0xffff, v3  }
0x44d: {  	v3 =	vld [tilespmem:s18+$0x11C00];
	_ =	sdelay $0x3  }
0x44e: {  	s28 =	sor.u32 $0x9C00, s18  }
0x44f: {  	[tilespmem:s28+$0x0] =	vst.add.f32.msk $0xffff, v3  }
0x450: {  	v3 =	vld [tilespmem:s18+$0x11C10];
	_ =	sdelay $0x3  }
0x451: {  	s7 =	sor.u32 $0x9C10, s18  }
0x452: {  	[tilespmem:s7+$0x0] =	vst.add.f32.msk $0xffff, v3  }
0x453: {  	v3 =	vld [tilespmem:s18+$0x11C20];
	_ =	sdelay $0x3  }
0x454: {  	s24 =	sor.u32 $0x9C20, s18  }
0x455: {  	[tilespmem:s24+$0x0] =	vst.add.f32.msk $0xffff, v3  }
0x456: {  	v3 =	vld [tilespmem:s18+$0x11C30];
	_ =	sdelay $0x3  }
0x457: {  	s25 =	sor.u32 $0x9C30, s18  }
0x458: {  	[tilespmem:s25+$0x0] =	vst.add.f32.msk $0xffff, v3  }
0x459: {  	v3 =	vld [tilespmem:s18+$0x11C40];
	_ =	sdelay $0x3  }
0x45a: {  	s26 =	sor.u32 $0x9C40, s18  }
0x45b: {  	[tilespmem:s26+$0x0] =	vst.add.f32.msk $0xffff, v3  }
0x45c: {  	v3 =	vld [tilespmem:s18+$0x11C50];
	_ =	sdelay $0x3  }
0x45d: {  	s28 =	sor.u32 $0x9C50, s18  }
0x45e: {  	[tilespmem:s28+$0x0] =	vst.add.f32.msk $0xffff, v3  }
0x45f: {  	v3 =	vld [tilespmem:s18+$0x11C60];
	_ =	sdelay $0x3  }
0x460: {  	s7 =	sor.u32 $0x9C60, s18  }
0x461: {  	[tilespmem:s7+$0x0] =	vst.add.f32.msk $0xffff, v3  }
0x462: {  	v3 =	vld [tilespmem:s18+$0x11C70];
	_ =	sdelay $0x3  }
0x463: {  	s24 =	sor.u32 $0x9C70, s18  }
0x464: {  	[tilespmem:s24+$0x0] =	vst.add.f32.msk $0xffff, v3  }
0x465: {  	v3 =	vld [tilespmem:s18+$0x12070]  }
0x466: {  	v4 =	vld [tilespmem:s18+$0x12050]  }
0x467: {  	v5 =	vld [tilespmem:s18+$0x12060]  }
0x468: {  	v6 =	vld [tilespmem:s18+$0x12030]  }
0x469: {  	v7 =	vld [tilespmem:s18+$0x12000]  }
0x46a: {  	[tilespmem:s18+$0xA070] =	vst.add.f32.msk $0xffff, v3  }
0x46b: {  	v3 =	vld [tilespmem:s18+$0x12020]  }
0x46c: {  	[tilespmem:s18+$0xA050] =	vst.add.f32.msk $0xffff, v4  }
0x46d: {  	v4 =	vld [tilespmem:s18+$0x12040]  }
0x46e: {  	[tilespmem:s18+$0xA060] =	vst.add.f32.msk $0xffff, v5  }
0x46f: {  	v5 =	vld [tilespmem:s18+$0x12010]  }
0x470: {  	[tilespmem:s18+$0xA000] =	vst.add.f32.msk $0xffff, v7  }
0x471: {  	s25 =	sand.u32 $0x7, s4;
	[tilespmem:s18+$0xA030] =	vst.add.f32.msk $0xffff, v6  }
0x472: {  	s6 =	sshll.u32 s25, $0x7;
	[tilespmem:s18+$0xA020] =	vst.add.f32.msk $0xffff, v3  }
0x473: {  	s6 =	sadd.s32 $0x0, s6;
	[tilespmem:s18+$0xA040] =	vst.add.f32.msk $0xffff, v4  }
0x474: {  	s26 =	sor.u32 $0x1C00, s6;
	[tilespmem:s18+$0xA010] =	vst.add.f32.msk $0xffff, v5  }
0x475: {  	v3 =	vld [tilespmem:s26+$0x10800];
	_ =	sdelay $0x4  }
0x476: {  	s28 =	sor.u32 $0x1C10, s6;
	[tilespmem:s26+$0x8800] =	vst.add.f32.msk $0xffff, v3  }
0x477: {  	v3 =	vld [tilespmem:s28+$0x10800];
	_ =	sdelay $0x4  }
0x478: {  	s24 =	sor.u32 $0x1C20, s6;
	[tilespmem:s28+$0x8800] =	vst.add.f32.msk $0xffff, v3  }
0x479: {  	v3 =	vld [tilespmem:s24+$0x10800];
	_ =	sdelay $0x4  }
0x47a: {  	s25 =	sor.u32 $0x1C30, s6;
	[tilespmem:s24+$0x8800] =	vst.add.f32.msk $0xffff, v3  }
0x47b: {  	v3 =	vld [tilespmem:s25+$0x10800];
	_ =	sdelay $0x4  }
0x47c: {  	s26 =	sor.u32 $0x1C40, s6;
	[tilespmem:s25+$0x8800] =	vst.add.f32.msk $0xffff, v3  }
0x47d: {  	v3 =	vld [tilespmem:s26+$0x10800];
	_ =	sdelay $0x4  }
0x47e: {  	s28 =	sor.u32 $0x1C50, s6;
	[tilespmem:s26+$0x8800] =	vst.add.f32.msk $0xffff, v3  }
0x47f: {  	v3 =	vld [tilespmem:s28+$0x10800];
	_ =	sdelay $0x4  }
0x480: {  	s26 =	sor.u32 $0x1C60, s6;
	[tilespmem:s28+$0x8800] =	vst.add.f32.msk $0xffff, v3  }
0x481: {  	s18 =	simm.s32 $0xFFFFC000;
	s24 =	simm.s32 $0x80;
	s25 =	simm.s32 $0x0;
	v3 =	vld [tilespmem:s26+$0x10800]  }
.LBB2_7:
0x482: {  	s4 =	sadd.s32 $0x400, s4;
	s25 =	sadd.s32 $0x1, s25;
	s18 =	sadd.s32 $0x400, s18  }
0x483: {  	p0 =	sne.s32 s24, $0x780;
	s7 =	smov.u32 s24;
	s24 =	sadd.s32 $0x80, s24  }
0x484: {  	_ = 	snop  }
0x485: {  	s6 =	sor.u32 $0x1C70, s6  }
0x486: {  	[tilespmem:s26+$0x8800] =	vst.add.f32.msk $0xffff, v3  }
0x487: {  	v3 =	vld [tilespmem:s6+$0x10800];
	_ =	sdelay $0x2  }
0x488: {  	s26 =	sadd.s32 $0x4000, s18  }
0x489: {  	s7 =	sand.u32 $0x380, s7;
	s26 =	sand.u32 $0x2000, s26  }
0x48a: {  	s26 =	sor.u32 s7, s26;
	[tilespmem:s6+$0x8800] =	vst.add.f32.msk $0xffff, v3  }
0x48b: {  	v3 =	vld [tilespmem:s26+$0x10800];
	_ =	sdelay $0x3  }
0x48c: {  	s6 =	sor.u32 $0x8800, s26  }
0x48d: {  	[tilespmem:s6+$0x0] =	vst.add.f32.msk $0xffff, v3  }
0x48e: {  	v3 =	vld [tilespmem:s26+$0x10810];
	_ =	sdelay $0x3  }
0x48f: {  	s6 =	sor.u32 $0x8810, s26  }
0x490: {  	[tilespmem:s6+$0x0] =	vst.add.f32.msk $0xffff, v3  }
0x491: {  	v3 =	vld [tilespmem:s26+$0x10820];
	_ =	sdelay $0x3  }
0x492: {  	s6 =	sor.u32 $0x8820, s26  }
0x493: {  	[tilespmem:s6+$0x0] =	vst.add.f32.msk $0xffff, v3  }
0x494: {  	v3 =	vld [tilespmem:s26+$0x10830];
	_ =	sdelay $0x3  }
0x495: {  	s6 =	sor.u32 $0x8830, s26  }
0x496: {  	[tilespmem:s6+$0x0] =	vst.add.f32.msk $0xffff, v3  }
0x497: {  	v3 =	vld [tilespmem:s26+$0x10840];
	_ =	sdelay $0x3  }
0x498: {  	s6 =	sor.u32 $0x8840, s26  }
0x499: {  	[tilespmem:s6+$0x0] =	vst.add.f32.msk $0xffff, v3  }
0x49a: {  	v3 =	vld [tilespmem:s26+$0x10850];
	_ =	sdelay $0x3  }
0x49b: {  	s6 =	sor.u32 $0x8850, s26  }
0x49c: {  	[tilespmem:s6+$0x0] =	vst.add.f32.msk $0xffff, v3  }
0x49d: {  	v3 =	vld [tilespmem:s26+$0x10860];
	_ =	sdelay $0x3  }
0x49e: {  	s6 =	sor.u32 $0x8860, s26  }
0x49f: {  	[tilespmem:s6+$0x0] =	vst.add.f32.msk $0xffff, v3  }
0x4a0: {  	v3 =	vld [tilespmem:s26+$0x10870];
	_ =	sdelay $0x3  }
0x4a1: {  	s6 =	sor.u32 $0x8870, s26  }
0x4a2: {  	[tilespmem:s6+$0x0] =	vst.add.f32.msk $0xffff, v3  }
0x4a3: {  	v3 =	vld [tilespmem:s26+$0x10C00];
	_ =	sdelay $0x3  }
0x4a4: {  	s6 =	sor.u32 $0x8C00, s26  }
0x4a5: {  	[tilespmem:s6+$0x0] =	vst.add.f32.msk $0xffff, v3  }
0x4a6: {  	v3 =	vld [tilespmem:s26+$0x10C10];
	_ =	sdelay $0x3  }
0x4a7: {  	s6 =	sor.u32 $0x8C10, s26  }
0x4a8: {  	[tilespmem:s6+$0x0] =	vst.add.f32.msk $0xffff, v3  }
0x4a9: {  	v3 =	vld [tilespmem:s26+$0x10C20];
	_ =	sdelay $0x3  }
0x4aa: {  	s6 =	sor.u32 $0x8C20, s26  }
0x4ab: {  	[tilespmem:s6+$0x0] =	vst.add.f32.msk $0xffff, v3  }
0x4ac: {  	v3 =	vld [tilespmem:s26+$0x10C30];
	_ =	sdelay $0x3  }
0x4ad: {  	s6 =	sor.u32 $0x8C30, s26  }
0x4ae: {  	[tilespmem:s6+$0x0] =	vst.add.f32.msk $0xffff, v3  }
0x4af: {  	v3 =	vld [tilespmem:s26+$0x10C40];
	_ =	sdelay $0x3  }
0x4b0: {  	s6 =	sor.u32 $0x8C40, s26  }
0x4b1: {  	[tilespmem:s6+$0x0] =	vst.add.f32.msk $0xffff, v3  }
0x4b2: {  	v3 =	vld [tilespmem:s26+$0x10C50];
	_ =	sdelay $0x3  }
0x4b3: {  	s6 =	sor.u32 $0x8C50, s26  }
0x4b4: {  	[tilespmem:s6+$0x0] =	vst.add.f32.msk $0xffff, v3  }
0x4b5: {  	v3 =	vld [tilespmem:s26+$0x10C60];
	_ =	sdelay $0x3  }
0x4b6: {  	s6 =	sor.u32 $0x8C60, s26  }
0x4b7: {  	[tilespmem:s6+$0x0] =	vst.add.f32.msk $0xffff, v3  }
0x4b8: {  	v3 =	vld [tilespmem:s26+$0x10C70];
	_ =	sdelay $0x3  }
0x4b9: {  	s6 =	sor.u32 $0x8C70, s26  }
0x4ba: {  	[tilespmem:s6+$0x0] =	vst.add.f32.msk $0xffff, v3  }
0x4bb: {  	v3 =	vld [tilespmem:s26+$0x11000];
	_ =	sdelay $0x3  }
0x4bc: {  	s6 =	sor.u32 $0x9000, s26  }
0x4bd: {  	[tilespmem:s6+$0x0] =	vst.add.f32.msk $0xffff, v3  }
0x4be: {  	v3 =	vld [tilespmem:s26+$0x11010];
	_ =	sdelay $0x3  }
0x4bf: {  	s6 =	sor.u32 $0x9010, s26  }
0x4c0: {  	[tilespmem:s6+$0x0] =	vst.add.f32.msk $0xffff, v3  }
0x4c1: {  	v3 =	vld [tilespmem:s26+$0x11020];
	_ =	sdelay $0x3  }
0x4c2: {  	s6 =	sor.u32 $0x9020, s26  }
0x4c3: {  	[tilespmem:s6+$0x0] =	vst.add.f32.msk $0xffff, v3  }
0x4c4: {  	v3 =	vld [tilespmem:s26+$0x11030];
	_ =	sdelay $0x3  }
0x4c5: {  	s6 =	sor.u32 $0x9030, s26  }
0x4c6: {  	[tilespmem:s6+$0x0] =	vst.add.f32.msk $0xffff, v3  }
0x4c7: {  	v3 =	vld [tilespmem:s26+$0x11040];
	_ =	sdelay $0x3  }
0x4c8: {  	s6 =	sor.u32 $0x9040, s26  }
0x4c9: {  	[tilespmem:s6+$0x0] =	vst.add.f32.msk $0xffff, v3  }
0x4ca: {  	v3 =	vld [tilespmem:s26+$0x11050];
	_ =	sdelay $0x3  }
0x4cb: {  	s6 =	sor.u32 $0x9050, s26  }
0x4cc: {  	[tilespmem:s6+$0x0] =	vst.add.f32.msk $0xffff, v3  }
0x4cd: {  	v3 =	vld [tilespmem:s26+$0x11060];
	_ =	sdelay $0x3  }
0x4ce: {  	s6 =	sor.u32 $0x9060, s26  }
0x4cf: {  	[tilespmem:s6+$0x0] =	vst.add.f32.msk $0xffff, v3  }
0x4d0: {  	v3 =	vld [tilespmem:s26+$0x11070];
	_ =	sdelay $0x3  }
0x4d1: {  	s6 =	sor.u32 $0x9070, s26  }
0x4d2: {  	[tilespmem:s6+$0x0] =	vst.add.f32.msk $0xffff, v3  }
0x4d3: {  	v3 =	vld [tilespmem:s26+$0x11400];
	_ =	sdelay $0x3  }
0x4d4: {  	s6 =	sor.u32 $0x9400, s26  }
0x4d5: {  	[tilespmem:s6+$0x0] =	vst.add.f32.msk $0xffff, v3  }
0x4d6: {  	v3 =	vld [tilespmem:s26+$0x11410];
	_ =	sdelay $0x3  }
0x4d7: {  	s6 =	sor.u32 $0x9410, s26  }
0x4d8: {  	[tilespmem:s6+$0x0] =	vst.add.f32.msk $0xffff, v3  }
0x4d9: {  	v3 =	vld [tilespmem:s26+$0x11420];
	_ =	sdelay $0x3  }
0x4da: {  	s6 =	sor.u32 $0x9420, s26  }
0x4db: {  	[tilespmem:s6+$0x0] =	vst.add.f32.msk $0xffff, v3  }
0x4dc: {  	v3 =	vld [tilespmem:s26+$0x11430];
	_ =	sdelay $0x3  }
0x4dd: {  	s6 =	sor.u32 $0x9430, s26  }
0x4de: {  	[tilespmem:s6+$0x0] =	vst.add.f32.msk $0xffff, v3  }
0x4df: {  	v3 =	vld [tilespmem:s26+$0x11440];
	_ =	sdelay $0x3  }
0x4e0: {  	s6 =	sor.u32 $0x9440, s26  }
0x4e1: {  	[tilespmem:s6+$0x0] =	vst.add.f32.msk $0xffff, v3  }
0x4e2: {  	v3 =	vld [tilespmem:s26+$0x11450];
	_ =	sdelay $0x3  }
0x4e3: {  	s6 =	sor.u32 $0x9450, s26  }
0x4e4: {  	[tilespmem:s6+$0x0] =	vst.add.f32.msk $0xffff, v3  }
0x4e5: {  	v3 =	vld [tilespmem:s26+$0x11460];
	_ =	sdelay $0x3  }
0x4e6: {  	s6 =	sor.u32 $0x9460, s26  }
0x4e7: {  	[tilespmem:s6+$0x0] =	vst.add.f32.msk $0xffff, v3  }
0x4e8: {  	v3 =	vld [tilespmem:s26+$0x11470];
	_ =	sdelay $0x3  }
0x4e9: {  	s6 =	sor.u32 $0x9470, s26  }
0x4ea: {  	[tilespmem:s6+$0x0] =	vst.add.f32.msk $0xffff, v3  }
0x4eb: {  	v3 =	vld [tilespmem:s26+$0x11800];
	_ =	sdelay $0x3  }
0x4ec: {  	s6 =	sor.u32 $0x9800, s26  }
0x4ed: {  	[tilespmem:s6+$0x0] =	vst.add.f32.msk $0xffff, v3  }
0x4ee: {  	v3 =	vld [tilespmem:s26+$0x11810];
	_ =	sdelay $0x3  }
0x4ef: {  	s6 =	sor.u32 $0x9810, s26  }
0x4f0: {  	[tilespmem:s6+$0x0] =	vst.add.f32.msk $0xffff, v3  }
0x4f1: {  	v3 =	vld [tilespmem:s26+$0x11820];
	_ =	sdelay $0x3  }
0x4f2: {  	s6 =	sor.u32 $0x9820, s26  }
0x4f3: {  	[tilespmem:s6+$0x0] =	vst.add.f32.msk $0xffff, v3  }
0x4f4: {  	v3 =	vld [tilespmem:s26+$0x11830];
	_ =	sdelay $0x3  }
0x4f5: {  	s6 =	sor.u32 $0x9830, s26  }
0x4f6: {  	[tilespmem:s6+$0x0] =	vst.add.f32.msk $0xffff, v3  }
0x4f7: {  	v3 =	vld [tilespmem:s26+$0x11840];
	_ =	sdelay $0x3  }
0x4f8: {  	s6 =	sor.u32 $0x9840, s26  }
0x4f9: {  	[tilespmem:s6+$0x0] =	vst.add.f32.msk $0xffff, v3  }
0x4fa: {  	v3 =	vld [tilespmem:s26+$0x11850];
	_ =	sdelay $0x3  }
0x4fb: {  	s6 =	sor.u32 $0x9850, s26  }
0x4fc: {  	[tilespmem:s6+$0x0] =	vst.add.f32.msk $0xffff, v3  }
0x4fd: {  	v3 =	vld [tilespmem:s26+$0x11860];
	_ =	sdelay $0x3  }
0x4fe: {  	s6 =	sor.u32 $0x9860, s26  }
0x4ff: {  	[tilespmem:s6+$0x0] =	vst.add.f32.msk $0xffff, v3  }
0x500: {  	v3 =	vld [tilespmem:s26+$0x11870];
	_ =	sdelay $0x3  }
0x501: {  	s6 =	sor.u32 $0x9870, s26  }
0x502: {  	[tilespmem:s6+$0x0] =	vst.add.f32.msk $0xffff, v3  }
0x503: {  	v3 =	vld [tilespmem:s26+$0x11C00];
	_ =	sdelay $0x3  }
0x504: {  	s6 =	sor.u32 $0x9C00, s26  }
0x505: {  	[tilespmem:s6+$0x0] =	vst.add.f32.msk $0xffff, v3  }
0x506: {  	v3 =	vld [tilespmem:s26+$0x11C10];
	_ =	sdelay $0x3  }
0x507: {  	s6 =	sor.u32 $0x9C10, s26  }
0x508: {  	[tilespmem:s6+$0x0] =	vst.add.f32.msk $0xffff, v3  }
0x509: {  	v3 =	vld [tilespmem:s26+$0x11C20];
	_ =	sdelay $0x3  }
0x50a: {  	s6 =	sor.u32 $0x9C20, s26  }
0x50b: {  	[tilespmem:s6+$0x0] =	vst.add.f32.msk $0xffff, v3  }
0x50c: {  	v3 =	vld [tilespmem:s26+$0x11C30];
	_ =	sdelay $0x3  }
0x50d: {  	s6 =	sor.u32 $0x9C30, s26  }
0x50e: {  	[tilespmem:s6+$0x0] =	vst.add.f32.msk $0xffff, v3  }
0x50f: {  	v3 =	vld [tilespmem:s26+$0x11C40];
	_ =	sdelay $0x3  }
0x510: {  	s6 =	sor.u32 $0x9C40, s26  }
0x511: {  	[tilespmem:s6+$0x0] =	vst.add.f32.msk $0xffff, v3  }
0x512: {  	v3 =	vld [tilespmem:s26+$0x11C50];
	_ =	sdelay $0x3  }
0x513: {  	s6 =	sor.u32 $0x9C50, s26  }
0x514: {  	[tilespmem:s6+$0x0] =	vst.add.f32.msk $0xffff, v3  }
0x515: {  	v3 =	vld [tilespmem:s26+$0x11C60];
	_ =	sdelay $0x3  }
0x516: {  	s6 =	sor.u32 $0x9C60, s26  }
0x517: {  	[tilespmem:s6+$0x0] =	vst.add.f32.msk $0xffff, v3  }
0x518: {  	v3 =	vld [tilespmem:s26+$0x11C70];
	_ =	sdelay $0x3  }
0x519: {  	s6 =	sor.u32 $0x9C70, s26  }
0x51a: {  	[tilespmem:s6+$0x0] =	vst.add.f32.msk $0xffff, v3  }
0x51b: {  	v3 =	vld [tilespmem:s26+$0x12070]  }
0x51c: {  	v4 =	vld [tilespmem:s26+$0x12050]  }
0x51d: {  	v5 =	vld [tilespmem:s26+$0x12060]  }
0x51e: {  	v6 =	vld [tilespmem:s26+$0x12030]  }
0x51f: {  	v7 =	vld [tilespmem:s26+$0x12000]  }
0x520: {  	[tilespmem:s26+$0xA070] =	vst.add.f32.msk $0xffff, v3  }
0x521: {  	v3 =	vld [tilespmem:s26+$0x12020]  }
0x522: {  	[tilespmem:s26+$0xA050] =	vst.add.f32.msk $0xffff, v4  }
0x523: {  	v4 =	vld [tilespmem:s26+$0x12040]  }
0x524: {  	[tilespmem:s26+$0xA060] =	vst.add.f32.msk $0xffff, v5  }
0x525: {  	v5 =	vld [tilespmem:s26+$0x12010]  }
0x526: {  	s6 =	sand.u32 $0x7, s25;
	[tilespmem:s26+$0xA000] =	vst.add.f32.msk $0xffff, v7  }
0x527: {  	s6 =	sshll.u32 s6, $0x7;
	[tilespmem:s26+$0xA020] =	vst.add.f32.msk $0xffff, v3  }
0x528: {  	s6 =	sadd.s32 s6, s4;
	[tilespmem:s26+$0xA040] =	vst.add.f32.msk $0xffff, v4  }
0x529: {  	s7 =	sor.u32 $0x1C00, s6;
	[tilespmem:s26+$0xA030] =	vst.add.f32.msk $0xffff, v6  }
0x52a: {  	[tilespmem:s26+$0xA010] =	vst.add.f32.msk $0xffff, v5  }
0x52b: {  	v3 =	vld [tilespmem:s7+$0x10800];
	_ =	sdelay $0x3  }
0x52c: {  	s26 =	sor.u32 $0x1C10, s6  }
0x52d: {  	[tilespmem:s7+$0x8800] =	vst.add.f32.msk $0xffff, v3  }
0x52e: {  	v3 =	vld [tilespmem:s26+$0x10800];
	_ =	sdelay $0x3  }
0x52f: {  	s7 =	sor.u32 $0x1C20, s6  }
0x530: {  	[tilespmem:s26+$0x8800] =	vst.add.f32.msk $0xffff, v3  }
0x531: {  	v3 =	vld [tilespmem:s7+$0x10800];
	_ =	sdelay $0x3  }
0x532: {  	s26 =	sor.u32 $0x1C30, s6  }
0x533: {  	[tilespmem:s7+$0x8800] =	vst.add.f32.msk $0xffff, v3  }
0x534: {  	v3 =	vld [tilespmem:s26+$0x10800];
	_ =	sdelay $0x3  }
0x535: {  	s7 =	sor.u32 $0x1C40, s6  }
0x536: {  	[tilespmem:s26+$0x8800] =	vst.add.f32.msk $0xffff, v3  }
0x537: {  	v3 =	vld [tilespmem:s7+$0x10800];
	_ =	sdelay $0x3  }
0x538: {  	s28 =	sor.u32 $0x1C50, s6  }
0x539: {  	[tilespmem:s7+$0x8800] =	vst.add.f32.msk $0xffff, v3  }
0x53a: {  	v3 =	vld [tilespmem:s28+$0x10800];
	_ =	sdelay $0x1  }
.Ltmp4:
0x53b: {  	(pc) =	sbr.rel @p0 .LBB2_7-.Ltmp4, $4  }
0x53c: {  	_ = 	snop  }
0x53d: {  	s26 =	sor.u32 $0x1C60, s6  }
0x53e: {  	[tilespmem:s28+$0x8800] =	vst.add.f32.msk $0xffff, v3  }
0x53f: {  	v3 =	vld [tilespmem:s26+$0x10800]  }
0x540: {  	_ =	sdelay $0x3  }
0x541: {  	s4 =	sor.u32 $0x1C70, s6;
	[tilespmem:s26+$0x8800] =	vst.add.f32.msk $0xffff, v3  }
0x542: {  	v3 =	vld [tilespmem:s4+$0x10800];
	_ =	sdelay $0x3  }
0x543: {  	s23 =	sshll.u32 s23, $0xB  }
0x544: {  	s28 =	simm.s32 $0x8800;
	s24 =	sadd.s32 s23, s16;
	[tilespmem:s4+$0x8800] =	vst.add.f32.msk $0xffff, v3  }
0x545: {  	[hbm4b:s24+s5] =	stream.linear.scatter [tilespmem:s28], [sflag:$0x7], $0x4000, $0x38;
	[tilespmem:$0x18800] =	vst v63  }
0x546: {  	_ =	swait.ge [sflag:s19], $0x4000  }
0x547: {  	p0 =	seq.s32 s15, $0xF;
	[sflag:s19] =	ssyncset.done $0x0  }
0x548: {  	s4 =	sshll.u32 @!p0 s15, $0x6;
	[sflag:s19] =	ssyncadd.s32 $0xFFFFC000  }
0x549: {  	v3 =	vld @!p0 [tilespmem:s4+$0x40];
	_ =	sdelay $0x4  }
0x54a: {  	v4 =	vshll.u32 @!p0 v3, $0x3  }
0x54b: {  	v5 =	vlaneseq.u32 @!p0;
	v3 =	vand.u32 @!p0 $0x7, v3;
	v4 =	vand.u32 @!p0 $0xFFFFFFC0, v4  }
0x54c: {  	v6 =	vshrl.u32 @!p0 v5, $0x3;
	v3 =	vor.u32 @!p0 v3, v4;
	v4 =	vand.u32 @!p0 $0x7, v5  }
0x54d: {  	v6 =	vmul.u32 @!p0 $0x8, v6;
	v7 =	vperm.xlane @!p0 v3, v4;
	_ =	sdelay $0x1  }
0x54e: {  	v7 =	vadd.s32 @!p0 v6, v7;
	_ =	sdelay $0x3  }
0x54f: {  	vm1 =	vmmov @!p0 $0xffff;
	s6 =	simm.s32 @!p0 $0x0;
	s7 =	simm.s32 @!p0 $0x800  }
0x550: {  	v5 =	vor.u32 @!p0 $0x8, v5;
	[tilespmem:s7], [sflag:$0x1] =	stream.indirect_vreg.gather @!p0 [hbm4b:s1+s6], $0x80, v7, vm1, $0xb8;
	[tilespmem:$0x18800] =	vst v63  }
0x551: {  	v3 =	vperm.xlane @!p0 v3, v5;
	s7 =	simm.s32 @!p0 $0x1000  }
0x552: {  	[tilespmem:s7], [sflag:$0x1] =	stream.indirect_vreg.gather @!p0 [hbm4b:s8+s6], $0x80, v7, vm1, $0xb8;
	[tilespmem:$0x18800] =	vst v63  }
0x553: {  	v3 =	vadd.s32 @!p0 v6, v3;
	s7 =	simm.s32 @!p0 $0x1800  }
0x554: {  	[tilespmem:s7], [sflag:$0x1] =	stream.indirect_vreg.gather @!p0 [hbm4b:s9+s6], $0x80, v7, vm1, $0xb8;
	[tilespmem:$0x18800] =	vst v63  }
0x555: {  	s7 =	simm.s32 @!p0 $0x2000  }
0x556: {  	[tilespmem:s7], [sflag:$0x1] =	stream.indirect_vreg.gather @!p0 [hbm4b:s10+s6], $0x80, v7, vm1, $0xb8;
	[tilespmem:$0x18800] =	vst v63  }
0x557: {  	s7 =	simm.s32 @!p0 $0x2800  }
0x558: {  	[tilespmem:s7], [sflag:$0x1] =	stream.indirect_vreg.gather @!p0 [hbm4b:s1+s6], $0x80, v3, vm1, $0xb8;
	[tilespmem:$0x18800] =	vst v63  }
0x559: {  	s7 =	simm.s32 @!p0 $0x3000  }
0x55a: {  	[tilespmem:s7], [sflag:$0x1] =	stream.indirect_vreg.gather @!p0 [hbm4b:s8+s6], $0x80, v3, vm1, $0xb8;
	[tilespmem:$0x18800] =	vst v63  }
0x55b: {  	s7 =	simm.s32 @!p0 $0x3800  }
0x55c: {  	[tilespmem:s7], [sflag:$0x1] =	stream.indirect_vreg.gather @!p0 [hbm4b:s9+s6], $0x80, v3, vm1, $0xb8;
	[tilespmem:$0x18800] =	vst v63  }
0x55d: {  	s7 =	simm.s32 @!p0 $0x4000  }
0x55e: {  	[tilespmem:s7], [sflag:$0x1] =	stream.indirect_vreg.gather @!p0 [hbm4b:s10+s6], $0x80, v3, vm1, $0xb8;
	[tilespmem:$0x18800] =	vst v63  }
0x55f: {  	v3 =	vld @!p0 [tilespmem:s4+$0x440];
	_ =	sdelay $0x4  }
0x560: {  	v7 =	vshll.u32 @!p0 v3, $0x3  }
0x561: {  	v3 =	vand.u32 @!p0 $0x7, v3;
	v7 =	vand.u32 @!p0 $0xFFFFFFC0, v7  }
0x562: {  	v3 =	vor.u32 @!p0 v3, v7  }
0x563: {  	v4 =	vperm.xlane @!p0 v3, v4;
	_ =	sdelay $0x1  }
0x564: {  	v4 =	vadd.s32 @!p0 v6, v4;
	_ =	sdelay $0x3  }
0x565: {  	s4 =	simm.s32 @!p0 $0x10800  }
0x566: {  	[tilespmem:s4], [sflag:$0x9] =	stream.indirect_vreg.gather @!p0 [hbm4b:s3+s6], $0x80, v4, vm1, $0xb8;
	[tilespmem:$0x18800] =	vst v63  }
0x567: {  	v3 =	vperm.xlane @!p0 v3, v5;
	s4 =	simm.s32 @!p0 $0x11000  }
0x568: {  	[tilespmem:s4], [sflag:$0x9] =	stream.indirect_vreg.gather @!p0 [hbm4b:s11+s6], $0x80, v4, vm1, $0xb8;
	[tilespmem:$0x18800] =	vst v63  }
0x569: {  	v3 =	vadd.s32 @!p0 v6, v3;
	s4 =	simm.s32 @!p0 $0x11800  }
0x56a: {  	[tilespmem:s4], [sflag:$0x9] =	stream.indirect_vreg.gather @!p0 [hbm4b:s12+s6], $0x80, v4, vm1, $0xb8;
	[tilespmem:$0x18800] =	vst v63  }
0x56b: {  	s4 =	simm.s32 @!p0 $0x12000  }
0x56c: {  	[tilespmem:s4], [sflag:$0x9] =	stream.indirect_vreg.gather @!p0 [hbm4b:s13+s6], $0x80, v4, vm1, $0xb8;
	[tilespmem:$0x18800] =	vst v63  }
0x56d: {  	s4 =	simm.s32 @!p0 $0x12800  }
0x56e: {  	[tilespmem:s4], [sflag:$0x9] =	stream.indirect_vreg.gather @!p0 [hbm4b:s3+s6], $0x80, v3, vm1, $0xb8;
	[tilespmem:$0x18800] =	vst v63  }
0x56f: {  	s4 =	simm.s32 @!p0 $0x13000  }
0x570: {  	[tilespmem:s4], [sflag:$0x9] =	stream.indirect_vreg.gather @!p0 [hbm4b:s11+s6], $0x80, v3, vm1, $0xb8;
	[tilespmem:$0x18800] =	vst v63  }
0x571: {  	s4 =	simm.s32 @!p0 $0x13800  }
0x572: {  	[tilespmem:s4], [sflag:$0x9] =	stream.indirect_vreg.gather @!p0 [hbm4b:s12+s6], $0x80, v3, vm1, $0xb8;
	[tilespmem:$0x18800] =	vst v63  }
0x573: {  	s4 =	simm.s32 @!p0 $0x14000  }
0x574: {  	[tilespmem:s4], [sflag:$0x9] =	stream.indirect_vreg.gather @!p0 [hbm4b:s13+s6], $0x80, v3, vm1, $0xb8;
	[tilespmem:$0x18800] =	vst v63  }
0x575: {  	_ =	swait.ge [sflag:s21], $0x4000  }
0x576: {  	[sflag:s21] =	ssyncset.done $0x0  }
0x577: {  	[sflag:s21] =	ssyncadd.s32 $0xFFFFC000  }
0x578: {  	s25 =	simm.s32 $0x0;
	s4 =	simm.s32 $0x0;
	_ =	swait.ge [sflag:s31], $0x4000  }
0x579: {  	s6 =	sand.u32 $0x2000, s25;
	s26 =	sand.u32 $0x380, s4;
	[sflag:s31] =	ssyncset.done $0x0  }
0x57a: {  	s18 =	sor.u32 s26, s6;
	[sflag:s31] =	ssyncadd.s32 $0xFFFFC000  }
0x57b: {  	v3 =	vld [tilespmem:s18+$0x14800];
	_ =	sdelay $0x3  }
0x57c: {  	s6 =	sor.u32 $0xC800, s18  }
0x57d: {  	[tilespmem:s6+$0x0] =	vst.add.f32.msk $0xffff, v3  }
0x57e: {  	v3 =	vld [tilespmem:s18+$0x14810];
	_ =	sdelay $0x3  }
0x57f: {  	s7 =	sor.u32 $0xC810, s18  }
0x580: {  	[tilespmem:s7+$0x0] =	vst.add.f32.msk $0xffff, v3  }
0x581: {  	v3 =	vld [tilespmem:s18+$0x14820];
	_ =	sdelay $0x3  }
0x582: {  	s23 =	sor.u32 $0xC820, s18  }
0x583: {  	[tilespmem:s23+$0x0] =	vst.add.f32.msk $0xffff, v3  }
0x584: {  	v3 =	vld [tilespmem:s18+$0x14830];
	_ =	sdelay $0x3  }
0x585: {  	s24 =	sor.u32 $0xC830, s18  }
0x586: {  	[tilespmem:s24+$0x0] =	vst.add.f32.msk $0xffff, v3  }
0x587: {  	v3 =	vld [tilespmem:s18+$0x14840];
	_ =	sdelay $0x3  }
0x588: {  	s25 =	sor.u32 $0xC840, s18  }
0x589: {  	[tilespmem:s25+$0x0] =	vst.add.f32.msk $0xffff, v3  }
0x58a: {  	v3 =	vld [tilespmem:s18+$0x14850];
	_ =	sdelay $0x3  }
0x58b: {  	s26 =	sor.u32 $0xC850, s18  }
0x58c: {  	[tilespmem:s26+$0x0] =	vst.add.f32.msk $0xffff, v3  }
0x58d: {  	v3 =	vld [tilespmem:s18+$0x14860];
	_ =	sdelay $0x3  }
0x58e: {  	s7 =	sor.u32 $0xC860, s18  }
0x58f: {  	[tilespmem:s7+$0x0] =	vst.add.f32.msk $0xffff, v3  }
0x590: {  	v3 =	vld [tilespmem:s18+$0x14870];
	_ =	sdelay $0x3  }
0x591: {  	s23 =	sor.u32 $0xC870, s18  }
0x592: {  	[tilespmem:s23+$0x0] =	vst.add.f32.msk $0xffff, v3  }
0x593: {  	v3 =	vld [tilespmem:s18+$0x14C00];
	_ =	sdelay $0x3  }
0x594: {  	s24 =	sor.u32 $0xCC00, s18  }
0x595: {  	[tilespmem:s24+$0x0] =	vst.add.f32.msk $0xffff, v3  }
0x596: {  	v3 =	vld [tilespmem:s18+$0x14C10];
	_ =	sdelay $0x3  }
0x597: {  	s25 =	sor.u32 $0xCC10, s18  }
0x598: {  	[tilespmem:s25+$0x0] =	vst.add.f32.msk $0xffff, v3  }
0x599: {  	v3 =	vld [tilespmem:s18+$0x14C20];
	_ =	sdelay $0x3  }
0x59a: {  	s26 =	sor.u32 $0xCC20, s18  }
0x59b: {  	[tilespmem:s26+$0x0] =	vst.add.f32.msk $0xffff, v3  }
0x59c: {  	v3 =	vld [tilespmem:s18+$0x14C30];
	_ =	sdelay $0x3  }
0x59d: {  	s7 =	sor.u32 $0xCC30, s18  }
0x59e: {  	[tilespmem:s7+$0x0] =	vst.add.f32.msk $0xffff, v3  }
0x59f: {  	v3 =	vld [tilespmem:s18+$0x14C40];
	_ =	sdelay $0x3  }
0x5a0: {  	s23 =	sor.u32 $0xCC40, s18  }
0x5a1: {  	[tilespmem:s23+$0x0] =	vst.add.f32.msk $0xffff, v3  }
0x5a2: {  	v3 =	vld [tilespmem:s18+$0x14C50];
	_ =	sdelay $0x3  }
0x5a3: {  	s24 =	sor.u32 $0xCC50, s18  }
0x5a4: {  	[tilespmem:s24+$0x0] =	vst.add.f32.msk $0xffff, v3  }
0x5a5: {  	v3 =	vld [tilespmem:s18+$0x14C60];
	_ =	sdelay $0x3  }
0x5a6: {  	s25 =	sor.u32 $0xCC60, s18  }
0x5a7: {  	[tilespmem:s25+$0x0] =	vst.add.f32.msk $0xffff, v3  }
0x5a8: {  	v3 =	vld [tilespmem:s18+$0x14C70];
	_ =	sdelay $0x3  }
0x5a9: {  	s26 =	sor.u32 $0xCC70, s18  }
0x5aa: {  	[tilespmem:s26+$0x0] =	vst.add.f32.msk $0xffff, v3  }
0x5ab: {  	v3 =	vld [tilespmem:s18+$0x15000];
	_ =	sdelay $0x3  }
0x5ac: {  	s7 =	sor.u32 $0xD000, s18  }
0x5ad: {  	[tilespmem:s7+$0x0] =	vst.add.f32.msk $0xffff, v3  }
0x5ae: {  	v3 =	vld [tilespmem:s18+$0x15010];
	_ =	sdelay $0x3  }
0x5af: {  	s23 =	sor.u32 $0xD010, s18  }
0x5b0: {  	[tilespmem:s23+$0x0] =	vst.add.f32.msk $0xffff, v3  }
0x5b1: {  	v3 =	vld [tilespmem:s18+$0x15020];
	_ =	sdelay $0x3  }
0x5b2: {  	s24 =	sor.u32 $0xD020, s18  }
0x5b3: {  	[tilespmem:s24+$0x0] =	vst.add.f32.msk $0xffff, v3  }
0x5b4: {  	v3 =	vld [tilespmem:s18+$0x15030];
	_ =	sdelay $0x3  }
0x5b5: {  	s25 =	sor.u32 $0xD030, s18  }
0x5b6: {  	[tilespmem:s25+$0x0] =	vst.add.f32.msk $0xffff, v3  }
0x5b7: {  	v3 =	vld [tilespmem:s18+$0x15040];
	_ =	sdelay $0x3  }
0x5b8: {  	s26 =	sor.u32 $0xD040, s18  }
0x5b9: {  	[tilespmem:s26+$0x0] =	vst.add.f32.msk $0xffff, v3  }
0x5ba: {  	v3 =	vld [tilespmem:s18+$0x15050];
	_ =	sdelay $0x3  }
0x5bb: {  	s7 =	sor.u32 $0xD050, s18  }
0x5bc: {  	[tilespmem:s7+$0x0] =	vst.add.f32.msk $0xffff, v3  }
0x5bd: {  	v3 =	vld [tilespmem:s18+$0x15060];
	_ =	sdelay $0x3  }
0x5be: {  	s23 =	sor.u32 $0xD060, s18  }
0x5bf: {  	[tilespmem:s23+$0x0] =	vst.add.f32.msk $0xffff, v3  }
0x5c0: {  	v3 =	vld [tilespmem:s18+$0x15070];
	_ =	sdelay $0x3  }
0x5c1: {  	s24 =	sor.u32 $0xD070, s18  }
0x5c2: {  	[tilespmem:s24+$0x0] =	vst.add.f32.msk $0xffff, v3  }
0x5c3: {  	v3 =	vld [tilespmem:s18+$0x15400];
	_ =	sdelay $0x3  }
0x5c4: {  	s25 =	sor.u32 $0xD400, s18  }
0x5c5: {  	[tilespmem:s25+$0x0] =	vst.add.f32.msk $0xffff, v3  }
0x5c6: {  	v3 =	vld [tilespmem:s18+$0x15410];
	_ =	sdelay $0x3  }
0x5c7: {  	s26 =	sor.u32 $0xD410, s18  }
0x5c8: {  	[tilespmem:s26+$0x0] =	vst.add.f32.msk $0xffff, v3  }
0x5c9: {  	v3 =	vld [tilespmem:s18+$0x15420];
	_ =	sdelay $0x3  }
0x5ca: {  	s7 =	sor.u32 $0xD420, s18  }
0x5cb: {  	[tilespmem:s7+$0x0] =	vst.add.f32.msk $0xffff, v3  }
0x5cc: {  	v3 =	vld [tilespmem:s18+$0x15430];
	_ =	sdelay $0x3  }
0x5cd: {  	s23 =	sor.u32 $0xD430, s18  }
0x5ce: {  	[tilespmem:s23+$0x0] =	vst.add.f32.msk $0xffff, v3  }
0x5cf: {  	v3 =	vld [tilespmem:s18+$0x15440];
	_ =	sdelay $0x3  }
0x5d0: {  	s24 =	sor.u32 $0xD440, s18  }
0x5d1: {  	[tilespmem:s24+$0x0] =	vst.add.f32.msk $0xffff, v3  }
0x5d2: {  	v3 =	vld [tilespmem:s18+$0x15450];
	_ =	sdelay $0x3  }
0x5d3: {  	s25 =	sor.u32 $0xD450, s18  }
0x5d4: {  	[tilespmem:s25+$0x0] =	vst.add.f32.msk $0xffff, v3  }
0x5d5: {  	v3 =	vld [tilespmem:s18+$0x15460];
	_ =	sdelay $0x3  }
0x5d6: {  	s26 =	sor.u32 $0xD460, s18  }
0x5d7: {  	[tilespmem:s26+$0x0] =	vst.add.f32.msk $0xffff, v3  }
0x5d8: {  	v3 =	vld [tilespmem:s18+$0x15470];
	_ =	sdelay $0x3  }
0x5d9: {  	s7 =	sor.u32 $0xD470, s18  }
0x5da: {  	[tilespmem:s7+$0x0] =	vst.add.f32.msk $0xffff, v3  }
0x5db: {  	v3 =	vld [tilespmem:s18+$0x15800];
	_ =	sdelay $0x3  }
0x5dc: {  	s23 =	sor.u32 $0xD800, s18  }
0x5dd: {  	[tilespmem:s23+$0x0] =	vst.add.f32.msk $0xffff, v3  }
0x5de: {  	v3 =	vld [tilespmem:s18+$0x15810];
	_ =	sdelay $0x3  }
0x5df: {  	s24 =	sor.u32 $0xD810, s18  }
0x5e0: {  	[tilespmem:s24+$0x0] =	vst.add.f32.msk $0xffff, v3  }
0x5e1: {  	v3 =	vld [tilespmem:s18+$0x15820];
	_ =	sdelay $0x3  }
0x5e2: {  	s25 =	sor.u32 $0xD820, s18  }
0x5e3: {  	[tilespmem:s25+$0x0] =	vst.add.f32.msk $0xffff, v3  }
0x5e4: {  	v3 =	vld [tilespmem:s18+$0x15830];
	_ =	sdelay $0x3  }
0x5e5: {  	s26 =	sor.u32 $0xD830, s18  }
0x5e6: {  	[tilespmem:s26+$0x0] =	vst.add.f32.msk $0xffff, v3  }
0x5e7: {  	v3 =	vld [tilespmem:s18+$0x15840];
	_ =	sdelay $0x3  }
0x5e8: {  	s7 =	sor.u32 $0xD840, s18  }
0x5e9: {  	[tilespmem:s7+$0x0] =	vst.add.f32.msk $0xffff, v3  }
0x5ea: {  	v3 =	vld [tilespmem:s18+$0x15850];
	_ =	sdelay $0x3  }
0x5eb: {  	s23 =	sor.u32 $0xD850, s18  }
0x5ec: {  	[tilespmem:s23+$0x0] =	vst.add.f32.msk $0xffff, v3  }
0x5ed: {  	v3 =	vld [tilespmem:s18+$0x15860];
	_ =	sdelay $0x3  }
0x5ee: {  	s24 =	sor.u32 $0xD860, s18  }
0x5ef: {  	[tilespmem:s24+$0x0] =	vst.add.f32.msk $0xffff, v3  }
0x5f0: {  	v3 =	vld [tilespmem:s18+$0x15870];
	_ =	sdelay $0x3  }
0x5f1: {  	s25 =	sor.u32 $0xD870, s18  }
0x5f2: {  	[tilespmem:s25+$0x0] =	vst.add.f32.msk $0xffff, v3  }
0x5f3: {  	v3 =	vld [tilespmem:s18+$0x15C00];
	_ =	sdelay $0x3  }
0x5f4: {  	s26 =	sor.u32 $0xDC00, s18  }
0x5f5: {  	[tilespmem:s26+$0x0] =	vst.add.f32.msk $0xffff, v3  }
0x5f6: {  	v3 =	vld [tilespmem:s18+$0x15C10];
	_ =	sdelay $0x3  }
0x5f7: {  	s7 =	sor.u32 $0xDC10, s18  }
0x5f8: {  	[tilespmem:s7+$0x0] =	vst.add.f32.msk $0xffff, v3  }
0x5f9: {  	v3 =	vld [tilespmem:s18+$0x15C20];
	_ =	sdelay $0x3  }
0x5fa: {  	s23 =	sor.u32 $0xDC20, s18  }
0x5fb: {  	[tilespmem:s23+$0x0] =	vst.add.f32.msk $0xffff, v3  }
0x5fc: {  	v3 =	vld [tilespmem:s18+$0x15C30];
	_ =	sdelay $0x3  }
0x5fd: {  	s24 =	sor.u32 $0xDC30, s18  }
0x5fe: {  	[tilespmem:s24+$0x0] =	vst.add.f32.msk $0xffff, v3  }
0x5ff: {  	v3 =	vld [tilespmem:s18+$0x15C40];
	_ =	sdelay $0x3  }
0x600: {  	s25 =	sor.u32 $0xDC40, s18  }
0x601: {  	[tilespmem:s25+$0x0] =	vst.add.f32.msk $0xffff, v3  }
0x602: {  	v3 =	vld [tilespmem:s18+$0x15C50];
	_ =	sdelay $0x3  }
0x603: {  	s26 =	sor.u32 $0xDC50, s18  }
0x604: {  	[tilespmem:s26+$0x0] =	vst.add.f32.msk $0xffff, v3  }
0x605: {  	v3 =	vld [tilespmem:s18+$0x15C60];
	_ =	sdelay $0x3  }
0x606: {  	s7 =	sor.u32 $0xDC60, s18  }
0x607: {  	[tilespmem:s7+$0x0] =	vst.add.f32.msk $0xffff, v3  }
0x608: {  	v3 =	vld [tilespmem:s18+$0x15C70];
	_ =	sdelay $0x3  }
0x609: {  	s23 =	sor.u32 $0xDC70, s18  }
0x60a: {  	[tilespmem:s23+$0x0] =	vst.add.f32.msk $0xffff, v3  }
0x60b: {  	v3 =	vld [tilespmem:s18+$0x16070]  }
0x60c: {  	v4 =	vld [tilespmem:s18+$0x16050]  }
0x60d: {  	v5 =	vld [tilespmem:s18+$0x16060]  }
0x60e: {  	v62 =	vld [tilespmem:s18+$0x16030]  }
0x60f: {  	v63 =	vld [tilespmem:s18+$0x16000]  }
0x610: {  	[tilespmem:s18+$0xE070] =	vst.add.f32.msk $0xffff, v3  }
0x611: {  	v3 =	vld [tilespmem:s18+$0x16020]  }
0x612: {  	[tilespmem:s18+$0xE050] =	vst.add.f32.msk $0xffff, v4  }
0x613: {  	v4 =	vld [tilespmem:s18+$0x16040]  }
0x614: {  	[tilespmem:s18+$0xE060] =	vst.add.f32.msk $0xffff, v5  }
0x615: {  	v5 =	vld [tilespmem:s18+$0x16010]  }
0x616: {  	[tilespmem:s18+$0xE000] =	vst.add.f32.msk $0xffff, v63  }
0x617: {  	s24 =	sand.u32 $0x7, s4;
	[tilespmem:s18+$0xE030] =	vst.add.f32.msk $0xffff, v62  }
0x618: {  	s6 =	sshll.u32 s24, $0x7;
	[tilespmem:s18+$0xE020] =	vst.add.f32.msk $0xffff, v3  }
0x619: {  	s6 =	sadd.s32 $0x0, s6;
	[tilespmem:s18+$0xE040] =	vst.add.f32.msk $0xffff, v4  }
0x61a: {  	s25 =	sor.u32 $0x1C00, s6;
	[tilespmem:s18+$0xE010] =	vst.add.f32.msk $0xffff, v5  }
0x61b: {  	v3 =	vld [tilespmem:s25+$0x14800];
	_ =	sdelay $0x4  }
0x61c: {  	s26 =	sor.u32 $0x1C10, s6;
	[tilespmem:s25+$0xC800] =	vst.add.f32.msk $0xffff, v3  }
0x61d: {  	v3 =	vld [tilespmem:s26+$0x14800];
	_ =	sdelay $0x4  }
0x61e: {  	s23 =	sor.u32 $0x1C20, s6;
	[tilespmem:s26+$0xC800] =	vst.add.f32.msk $0xffff, v3  }
0x61f: {  	v3 =	vld [tilespmem:s23+$0x14800];
	_ =	sdelay $0x4  }
0x620: {  	s24 =	sor.u32 $0x1C30, s6;
	[tilespmem:s23+$0xC800] =	vst.add.f32.msk $0xffff, v3  }
0x621: {  	v3 =	vld [tilespmem:s24+$0x14800];
	_ =	sdelay $0x4  }
0x622: {  	s25 =	sor.u32 $0x1C40, s6;
	[tilespmem:s24+$0xC800] =	vst.add.f32.msk $0xffff, v3  }
0x623: {  	v3 =	vld [tilespmem:s25+$0x14800];
	_ =	sdelay $0x4  }
0x624: {  	s26 =	sor.u32 $0x1C50, s6;
	[tilespmem:s25+$0xC800] =	vst.add.f32.msk $0xffff, v3  }
0x625: {  	v3 =	vld [tilespmem:s26+$0x14800];
	_ =	sdelay $0x4  }
0x626: {  	s25 =	sor.u32 $0x1C60, s6;
	[tilespmem:s26+$0xC800] =	vst.add.f32.msk $0xffff, v3  }
0x627: {  	s18 =	simm.s32 $0xFFFFC000;
	s23 =	simm.s32 $0x80;
	s24 =	simm.s32 $0x0;
	v3 =	vld [tilespmem:s25+$0x14800]  }
.LBB2_9:
0x628: {  	s4 =	sadd.s32 $0x400, s4;
	s24 =	sadd.s32 $0x1, s24;
	s18 =	sadd.s32 $0x400, s18  }
0x629: {  	p1 =	sne.s32 s23, $0x780;
	s7 =	smov.u32 s23;
	s23 =	sadd.s32 $0x80, s23  }
0x62a: {  	_ = 	snop  }
0x62b: {  	s6 =	sor.u32 $0x1C70, s6  }
0x62c: {  	[tilespmem:s25+$0xC800] =	vst.add.f32.msk $0xffff, v3  }
0x62d: {  	v3 =	vld [tilespmem:s6+$0x14800];
	_ =	sdelay $0x2  }
0x62e: {  	s25 =	sadd.s32 $0x4000, s18  }
0x62f: {  	s7 =	sand.u32 $0x380, s7;
	s25 =	sand.u32 $0x2000, s25  }
0x630: {  	s25 =	sor.u32 s7, s25;
	[tilespmem:s6+$0xC800] =	vst.add.f32.msk $0xffff, v3  }
0x631: {  	v3 =	vld [tilespmem:s25+$0x14800];
	_ =	sdelay $0x3  }
0x632: {  	s6 =	sor.u32 $0xC800, s25  }
0x633: {  	[tilespmem:s6+$0x0] =	vst.add.f32.msk $0xffff, v3  }
0x634: {  	v3 =	vld [tilespmem:s25+$0x14810];
	_ =	sdelay $0x3  }
0x635: {  	s6 =	sor.u32 $0xC810, s25  }
0x636: {  	[tilespmem:s6+$0x0] =	vst.add.f32.msk $0xffff, v3  }
0x637: {  	v3 =	vld [tilespmem:s25+$0x14820];
	_ =	sdelay $0x3  }
0x638: {  	s6 =	sor.u32 $0xC820, s25  }
0x639: {  	[tilespmem:s6+$0x0] =	vst.add.f32.msk $0xffff, v3  }
0x63a: {  	v3 =	vld [tilespmem:s25+$0x14830];
	_ =	sdelay $0x3  }
0x63b: {  	s6 =	sor.u32 $0xC830, s25  }
0x63c: {  	[tilespmem:s6+$0x0] =	vst.add.f32.msk $0xffff, v3  }
0x63d: {  	v3 =	vld [tilespmem:s25+$0x14840];
	_ =	sdelay $0x3  }
0x63e: {  	s6 =	sor.u32 $0xC840, s25  }
0x63f: {  	[tilespmem:s6+$0x0] =	vst.add.f32.msk $0xffff, v3  }
0x640: {  	v3 =	vld [tilespmem:s25+$0x14850];
	_ =	sdelay $0x3  }
0x641: {  	s6 =	sor.u32 $0xC850, s25  }
0x642: {  	[tilespmem:s6+$0x0] =	vst.add.f32.msk $0xffff, v3  }
0x643: {  	v3 =	vld [tilespmem:s25+$0x14860];
	_ =	sdelay $0x3  }
0x644: {  	s6 =	sor.u32 $0xC860, s25  }
0x645: {  	[tilespmem:s6+$0x0] =	vst.add.f32.msk $0xffff, v3  }
0x646: {  	v3 =	vld [tilespmem:s25+$0x14870];
	_ =	sdelay $0x3  }
0x647: {  	s6 =	sor.u32 $0xC870, s25  }
0x648: {  	[tilespmem:s6+$0x0] =	vst.add.f32.msk $0xffff, v3  }
0x649: {  	v3 =	vld [tilespmem:s25+$0x14C00];
	_ =	sdelay $0x3  }
0x64a: {  	s6 =	sor.u32 $0xCC00, s25  }
0x64b: {  	[tilespmem:s6+$0x0] =	vst.add.f32.msk $0xffff, v3  }
0x64c: {  	v3 =	vld [tilespmem:s25+$0x14C10];
	_ =	sdelay $0x3  }
0x64d: {  	s6 =	sor.u32 $0xCC10, s25  }
0x64e: {  	[tilespmem:s6+$0x0] =	vst.add.f32.msk $0xffff, v3  }
0x64f: {  	v3 =	vld [tilespmem:s25+$0x14C20];
	_ =	sdelay $0x3  }
0x650: {  	s6 =	sor.u32 $0xCC20, s25  }
0x651: {  	[tilespmem:s6+$0x0] =	vst.add.f32.msk $0xffff, v3  }
0x652: {  	v3 =	vld [tilespmem:s25+$0x14C30];
	_ =	sdelay $0x3  }
0x653: {  	s6 =	sor.u32 $0xCC30, s25  }
0x654: {  	[tilespmem:s6+$0x0] =	vst.add.f32.msk $0xffff, v3  }
0x655: {  	v3 =	vld [tilespmem:s25+$0x14C40];
	_ =	sdelay $0x3  }
0x656: {  	s6 =	sor.u32 $0xCC40, s25  }
0x657: {  	[tilespmem:s6+$0x0] =	vst.add.f32.msk $0xffff, v3  }
0x658: {  	v3 =	vld [tilespmem:s25+$0x14C50];
	_ =	sdelay $0x3  }
0x659: {  	s6 =	sor.u32 $0xCC50, s25  }
0x65a: {  	[tilespmem:s6+$0x0] =	vst.add.f32.msk $0xffff, v3  }
0x65b: {  	v3 =	vld [tilespmem:s25+$0x14C60];
	_ =	sdelay $0x3  }
0x65c: {  	s6 =	sor.u32 $0xCC60, s25  }
0x65d: {  	[tilespmem:s6+$0x0] =	vst.add.f32.msk $0xffff, v3  }
0x65e: {  	v3 =	vld [tilespmem:s25+$0x14C70];
	_ =	sdelay $0x3  }
0x65f: {  	s6 =	sor.u32 $0xCC70, s25  }
0x660: {  	[tilespmem:s6+$0x0] =	vst.add.f32.msk $0xffff, v3  }
0x661: {  	v3 =	vld [tilespmem:s25+$0x15000];
	_ =	sdelay $0x3  }
0x662: {  	s6 =	sor.u32 $0xD000, s25  }
0x663: {  	[tilespmem:s6+$0x0] =	vst.add.f32.msk $0xffff, v3  }
0x664: {  	v3 =	vld [tilespmem:s25+$0x15010];
	_ =	sdelay $0x3  }
0x665: {  	s6 =	sor.u32 $0xD010, s25  }
0x666: {  	[tilespmem:s6+$0x0] =	vst.add.f32.msk $0xffff, v3  }
0x667: {  	v3 =	vld [tilespmem:s25+$0x15020];
	_ =	sdelay $0x3  }
0x668: {  	s6 =	sor.u32 $0xD020, s25  }
0x669: {  	[tilespmem:s6+$0x0] =	vst.add.f32.msk $0xffff, v3  }
0x66a: {  	v3 =	vld [tilespmem:s25+$0x15030];
	_ =	sdelay $0x3  }
0x66b: {  	s6 =	sor.u32 $0xD030, s25  }
0x66c: {  	[tilespmem:s6+$0x0] =	vst.add.f32.msk $0xffff, v3  }
0x66d: {  	v3 =	vld [tilespmem:s25+$0x15040];
	_ =	sdelay $0x3  }
0x66e: {  	s6 =	sor.u32 $0xD040, s25  }
0x66f: {  	[tilespmem:s6+$0x0] =	vst.add.f32.msk $0xffff, v3  }
0x670: {  	v3 =	vld [tilespmem:s25+$0x15050];
	_ =	sdelay $0x3  }
0x671: {  	s6 =	sor.u32 $0xD050, s25  }
0x672: {  	[tilespmem:s6+$0x0] =	vst.add.f32.msk $0xffff, v3  }
0x673: {  	v3 =	vld [tilespmem:s25+$0x15060];
	_ =	sdelay $0x3  }
0x674: {  	s6 =	sor.u32 $0xD060, s25  }
0x675: {  	[tilespmem:s6+$0x0] =	vst.add.f32.msk $0xffff, v3  }
0x676: {  	v3 =	vld [tilespmem:s25+$0x15070];
	_ =	sdelay $0x3  }
0x677: {  	s6 =	sor.u32 $0xD070, s25  }
0x678: {  	[tilespmem:s6+$0x0] =	vst.add.f32.msk $0xffff, v3  }
0x679: {  	v3 =	vld [tilespmem:s25+$0x15400];
	_ =	sdelay $0x3  }
0x67a: {  	s6 =	sor.u32 $0xD400, s25  }
0x67b: {  	[tilespmem:s6+$0x0] =	vst.add.f32.msk $0xffff, v3  }
0x67c: {  	v3 =	vld [tilespmem:s25+$0x15410];
	_ =	sdelay $0x3  }
0x67d: {  	s6 =	sor.u32 $0xD410, s25  }
0x67e: {  	[tilespmem:s6+$0x0] =	vst.add.f32.msk $0xffff, v3  }
0x67f: {  	v3 =	vld [tilespmem:s25+$0x15420];
	_ =	sdelay $0x3  }
0x680: {  	s6 =	sor.u32 $0xD420, s25  }
0x681: {  	[tilespmem:s6+$0x0] =	vst.add.f32.msk $0xffff, v3  }
0x682: {  	v3 =	vld [tilespmem:s25+$0x15430];
	_ =	sdelay $0x3  }
0x683: {  	s6 =	sor.u32 $0xD430, s25  }
0x684: {  	[tilespmem:s6+$0x0] =	vst.add.f32.msk $0xffff, v3  }
0x685: {  	v3 =	vld [tilespmem:s25+$0x15440];
	_ =	sdelay $0x3  }
0x686: {  	s6 =	sor.u32 $0xD440, s25  }
0x687: {  	[tilespmem:s6+$0x0] =	vst.add.f32.msk $0xffff, v3  }
0x688: {  	v3 =	vld [tilespmem:s25+$0x15450];
	_ =	sdelay $0x3  }
0x689: {  	s6 =	sor.u32 $0xD450, s25  }
0x68a: {  	[tilespmem:s6+$0x0] =	vst.add.f32.msk $0xffff, v3  }
0x68b: {  	v3 =	vld [tilespmem:s25+$0x15460];
	_ =	sdelay $0x3  }
0x68c: {  	s6 =	sor.u32 $0xD460, s25  }
0x68d: {  	[tilespmem:s6+$0x0] =	vst.add.f32.msk $0xffff, v3  }
0x68e: {  	v3 =	vld [tilespmem:s25+$0x15470];
	_ =	sdelay $0x3  }
0x68f: {  	s6 =	sor.u32 $0xD470, s25  }
0x690: {  	[tilespmem:s6+$0x0] =	vst.add.f32.msk $0xffff, v3  }
0x691: {  	v3 =	vld [tilespmem:s25+$0x15800];
	_ =	sdelay $0x3  }
0x692: {  	s6 =	sor.u32 $0xD800, s25  }
0x693: {  	[tilespmem:s6+$0x0] =	vst.add.f32.msk $0xffff, v3  }
0x694: {  	v3 =	vld [tilespmem:s25+$0x15810];
	_ =	sdelay $0x3  }
0x695: {  	s6 =	sor.u32 $0xD810, s25  }
0x696: {  	[tilespmem:s6+$0x0] =	vst.add.f32.msk $0xffff, v3  }
0x697: {  	v3 =	vld [tilespmem:s25+$0x15820];
	_ =	sdelay $0x3  }
0x698: {  	s6 =	sor.u32 $0xD820, s25  }
0x699: {  	[tilespmem:s6+$0x0] =	vst.add.f32.msk $0xffff, v3  }
0x69a: {  	v3 =	vld [tilespmem:s25+$0x15830];
	_ =	sdelay $0x3  }
0x69b: {  	s6 =	sor.u32 $0xD830, s25  }
0x69c: {  	[tilespmem:s6+$0x0] =	vst.add.f32.msk $0xffff, v3  }
0x69d: {  	v3 =	vld [tilespmem:s25+$0x15840];
	_ =	sdelay $0x3  }
0x69e: {  	s6 =	sor.u32 $0xD840, s25  }
0x69f: {  	[tilespmem:s6+$0x0] =	vst.add.f32.msk $0xffff, v3  }
0x6a0: {  	v3 =	vld [tilespmem:s25+$0x15850];
	_ =	sdelay $0x3  }
0x6a1: {  	s6 =	sor.u32 $0xD850, s25  }
0x6a2: {  	[tilespmem:s6+$0x0] =	vst.add.f32.msk $0xffff, v3  }
0x6a3: {  	v3 =	vld [tilespmem:s25+$0x15860];
	_ =	sdelay $0x3  }
0x6a4: {  	s6 =	sor.u32 $0xD860, s25  }
0x6a5: {  	[tilespmem:s6+$0x0] =	vst.add.f32.msk $0xffff, v3  }
0x6a6: {  	v3 =	vld [tilespmem:s25+$0x15870];
	_ =	sdelay $0x3  }
0x6a7: {  	s6 =	sor.u32 $0xD870, s25  }
0x6a8: {  	[tilespmem:s6+$0x0] =	vst.add.f32.msk $0xffff, v3  }
0x6a9: {  	v3 =	vld [tilespmem:s25+$0x15C00];
	_ =	sdelay $0x3  }
0x6aa: {  	s6 =	sor.u32 $0xDC00, s25  }
0x6ab: {  	[tilespmem:s6+$0x0] =	vst.add.f32.msk $0xffff, v3  }
0x6ac: {  	v3 =	vld [tilespmem:s25+$0x15C10];
	_ =	sdelay $0x3  }
0x6ad: {  	s6 =	sor.u32 $0xDC10, s25  }
0x6ae: {  	[tilespmem:s6+$0x0] =	vst.add.f32.msk $0xffff, v3  }
0x6af: {  	v3 =	vld [tilespmem:s25+$0x15C20];
	_ =	sdelay $0x3  }
0x6b0: {  	s6 =	sor.u32 $0xDC20, s25  }
0x6b1: {  	[tilespmem:s6+$0x0] =	vst.add.f32.msk $0xffff, v3  }
0x6b2: {  	v3 =	vld [tilespmem:s25+$0x15C30];
	_ =	sdelay $0x3  }
0x6b3: {  	s6 =	sor.u32 $0xDC30, s25  }
0x6b4: {  	[tilespmem:s6+$0x0] =	vst.add.f32.msk $0xffff, v3  }
0x6b5: {  	v3 =	vld [tilespmem:s25+$0x15C40];
	_ =	sdelay $0x3  }
0x6b6: {  	s6 =	sor.u32 $0xDC40, s25  }
0x6b7: {  	[tilespmem:s6+$0x0] =	vst.add.f32.msk $0xffff, v3  }
0x6b8: {  	v3 =	vld [tilespmem:s25+$0x15C50];
	_ =	sdelay $0x3  }
0x6b9: {  	s6 =	sor.u32 $0xDC50, s25  }
0x6ba: {  	[tilespmem:s6+$0x0] =	vst.add.f32.msk $0xffff, v3  }
0x6bb: {  	v3 =	vld [tilespmem:s25+$0x15C60];
	_ =	sdelay $0x3  }
0x6bc: {  	s6 =	sor.u32 $0xDC60, s25  }
0x6bd: {  	[tilespmem:s6+$0x0] =	vst.add.f32.msk $0xffff, v3  }
0x6be: {  	v3 =	vld [tilespmem:s25+$0x15C70];
	_ =	sdelay $0x3  }
0x6bf: {  	s6 =	sor.u32 $0xDC70, s25  }
0x6c0: {  	[tilespmem:s6+$0x0] =	vst.add.f32.msk $0xffff, v3  }
0x6c1: {  	v3 =	vld [tilespmem:s25+$0x16070]  }
0x6c2: {  	v4 =	vld [tilespmem:s25+$0x16050]  }
0x6c3: {  	v5 =	vld [tilespmem:s25+$0x16060]  }
0x6c4: {  	v6 =	vld [tilespmem:s25+$0x16030]  }
0x6c5: {  	v7 =	vld [tilespmem:s25+$0x16000]  }
0x6c6: {  	[tilespmem:s25+$0xE070] =	vst.add.f32.msk $0xffff, v3  }
0x6c7: {  	v3 =	vld [tilespmem:s25+$0x16020]  }
0x6c8: {  	[tilespmem:s25+$0xE050] =	vst.add.f32.msk $0xffff, v4  }
0x6c9: {  	v4 =	vld [tilespmem:s25+$0x16040]  }
0x6ca: {  	[tilespmem:s25+$0xE060] =	vst.add.f32.msk $0xffff, v5  }
0x6cb: {  	v5 =	vld [tilespmem:s25+$0x16010]  }
0x6cc: {  	s6 =	sand.u32 $0x7, s24;
	[tilespmem:s25+$0xE000] =	vst.add.f32.msk $0xffff, v7  }
0x6cd: {  	s6 =	sshll.u32 s6, $0x7;
	[tilespmem:s25+$0xE020] =	vst.add.f32.msk $0xffff, v3  }
0x6ce: {  	s6 =	sadd.s32 s6, s4;
	[tilespmem:s25+$0xE040] =	vst.add.f32.msk $0xffff, v4  }
0x6cf: {  	s7 =	sor.u32 $0x1C00, s6;
	[tilespmem:s25+$0xE030] =	vst.add.f32.msk $0xffff, v6  }
0x6d0: {  	[tilespmem:s25+$0xE010] =	vst.add.f32.msk $0xffff, v5  }
0x6d1: {  	v3 =	vld [tilespmem:s7+$0x14800];
	_ =	sdelay $0x3  }
0x6d2: {  	s25 =	sor.u32 $0x1C10, s6  }
0x6d3: {  	[tilespmem:s7+$0xC800] =	vst.add.f32.msk $0xffff, v3  }
0x6d4: {  	v3 =	vld [tilespmem:s25+$0x14800];
	_ =	sdelay $0x3  }
0x6d5: {  	s7 =	sor.u32 $0x1C20, s6  }
0x6d6: {  	[tilespmem:s25+$0xC800] =	vst.add.f32.msk $0xffff, v3  }
0x6d7: {  	v3 =	vld [tilespmem:s7+$0x14800];
	_ =	sdelay $0x3  }
0x6d8: {  	s25 =	sor.u32 $0x1C30, s6  }
0x6d9: {  	[tilespmem:s7+$0xC800] =	vst.add.f32.msk $0xffff, v3  }
0x6da: {  	v3 =	vld [tilespmem:s25+$0x14800];
	_ =	sdelay $0x3  }
0x6db: {  	s7 =	sor.u32 $0x1C40, s6  }
0x6dc: {  	[tilespmem:s25+$0xC800] =	vst.add.f32.msk $0xffff, v3  }
0x6dd: {  	v3 =	vld [tilespmem:s7+$0x14800];
	_ =	sdelay $0x3  }
0x6de: {  	s26 =	sor.u32 $0x1C50, s6  }
0x6df: {  	[tilespmem:s7+$0xC800] =	vst.add.f32.msk $0xffff, v3  }
0x6e0: {  	v3 =	vld [tilespmem:s26+$0x14800];
	_ =	sdelay $0x1  }
.Ltmp5:
0x6e1: {  	(pc) =	sbr.rel @p1 .LBB2_9-.Ltmp5, $4  }
0x6e2: {  	_ = 	snop  }
0x6e3: {  	s25 =	sor.u32 $0x1C60, s6  }
0x6e4: {  	[tilespmem:s26+$0xC800] =	vst.add.f32.msk $0xffff, v3  }
0x6e5: {  	v3 =	vld [tilespmem:s25+$0x14800]  }
0x6e6: {  	_ =	sdelay $0x3  }
0x6e7: {  	s4 =	sor.u32 $0x1C70, s6;
	[tilespmem:s25+$0xC800] =	vst.add.f32.msk $0xffff, v3  }
0x6e8: {  	v3 =	vld [tilespmem:s4+$0x14800];
	_ =	sdelay $0x3  }
0x6e9: {  	s25 =	sshll.u32 s14, $0xB  }
.Ltmp6:
0x6ea: {  	s26 =	sadd.s32 s25, s16;
	[tilespmem:s4+$0xC800] =	vst.add.f32.msk $0xffff, v3;
	(pc) =	sbr.rel @p0 .LBB2_12-.Ltmp6, $4  }
0x6eb: {  	[hbm4b:s26+s5] =	stream.linear.scatter [tilespmem:s2], [sflag:$0x8], $0x4000, $0x38;
	[tilespmem:$0x18800] =	vst v63  }
0x6ec: {  	_ =	swait.ge [sflag:s22], $0x4000  }
0x6ed: {  	[sflag:s22] =	ssyncset.done $0x0  }
0x6ee: {  	[sflag:s22] =	ssyncadd.s32 $0xFFFFC000  }
0x6ef: {  	s4 =	sshll.u32 s15, $0x6  }
0x6f0: {  	v3 =	vld [tilespmem:s4+$0x50];
	_ =	sdelay $0x4  }
0x6f1: {  	v4 =	vshll.u32 v3, $0x3  }
0x6f2: {  	v3 =	vand.u32 $0x7, v3;
	v4 =	vand.u32 $0xFFFFFFC0, v4  }
0x6f3: {  	v3 =	vor.u32 v3, v4  }
0x6f4: {  	v4 =	vperm.xlane v3, v0;
	_ =	sdelay $0x1  }
0x6f5: {  	v4 =	vadd.s32 v1, v4;
	_ =	sdelay $0x4  }
0x6f6: {  	[tilespmem:s29], [sflag:$0x2] =	stream.indirect_vreg.gather [hbm4b:s1+s5], $0x80, v4, vm0, $0xb8;
	[tilespmem:$0x18800] =	vst v63  }
0x6f7: {  	s6 =	simm.s32 $0x5000;
	v3 =	vperm.xlane v3, v2  }
0x6f8: {  	[tilespmem:s6], [sflag:$0x2] =	stream.indirect_vreg.gather [hbm4b:s8+s5], $0x80, v4, vm0, $0xb8;
	[tilespmem:$0x18800] =	vst v63  }
0x6f9: {  	s18 =	simm.s32 $0x5800;
	v3 =	vadd.s32 v1, v3  }
0x6fa: {  	[tilespmem:s18], [sflag:$0x2] =	stream.indirect_vreg.gather [hbm4b:s9+s5], $0x80, v4, vm0, $0xb8;
	[tilespmem:$0x18800] =	vst v63  }
0x6fb: {  	s23 =	simm.s32 $0x6000  }
0x6fc: {  	[tilespmem:s23], [sflag:$0x2] =	stream.indirect_vreg.gather [hbm4b:s10+s5], $0x80, v4, vm0, $0xb8;
	[tilespmem:$0x18800] =	vst v63  }
0x6fd: {  	s24 =	simm.s32 $0x6800  }
0x6fe: {  	[tilespmem:s24], [sflag:$0x2] =	stream.indirect_vreg.gather [hbm4b:s1+s5], $0x80, v3, vm0, $0xb8;
	[tilespmem:$0x18800] =	vst v63  }
0x6ff: {  	s25 =	simm.s32 $0x7000  }
0x700: {  	[tilespmem:s25], [sflag:$0x2] =	stream.indirect_vreg.gather [hbm4b:s8+s5], $0x80, v3, vm0, $0xb8;
	[tilespmem:$0x18800] =	vst v63  }
0x701: {  	s26 =	simm.s32 $0x7800  }
0x702: {  	[tilespmem:s26], [sflag:$0x2] =	stream.indirect_vreg.gather [hbm4b:s9+s5], $0x80, v3, vm0, $0xb8;
	[tilespmem:$0x18800] =	vst v63  }
0x703: {  	s29 =	simm.s32 $0x8000  }
0x704: {  	[tilespmem:s29], [sflag:$0x2] =	stream.indirect_vreg.gather [hbm4b:s10+s5], $0x80, v3, vm0, $0xb8;
	[tilespmem:$0x18800] =	vst v63  }
0x705: {  	v3 =	vld [tilespmem:s4+$0x450];
	_ =	sdelay $0x4  }
0x706: {  	v63 =	vshll.u32 v3, $0x3  }
0x707: {  	v3 =	vand.u32 $0x7, v3;
	v4 =	vand.u32 $0xFFFFFFC0, v63  }
0x708: {  	v3 =	vor.u32 v3, v4  }
0x709: {  	v4 =	vperm.xlane v3, v0;
	_ =	sdelay $0x1  }
0x70a: {  	v4 =	vadd.s32 v1, v4;
	_ =	sdelay $0x3  }
0x70b: {  	s7 =	simm.s32 $0x14800  }
0x70c: {  	[tilespmem:s7], [sflag:$0xA] =	stream.indirect_vreg.gather [hbm4b:s3+s5], $0x80, v4, vm0, $0xb8;
	[tilespmem:$0x18800] =	vst v63  }
0x70d: {  	s14 =	simm.s32 $0x15000;
	v3 =	vperm.xlane v3, v2  }
0x70e: {  	[tilespmem:s14], [sflag:$0xA] =	stream.indirect_vreg.gather [hbm4b:s11+s5], $0x80, v4, vm0, $0xb8;
	[tilespmem:$0x18800] =	vst v63  }
0x70f: {  	s18 =	simm.s32 $0x15800;
	v3 =	vadd.s32 v1, v3  }
0x710: {  	[tilespmem:s18], [sflag:$0xA] =	stream.indirect_vreg.gather [hbm4b:s12+s5], $0x80, v4, vm0, $0xb8;
	[tilespmem:$0x18800] =	vst v63  }
0x711: {  	s23 =	simm.s32 $0x16000  }
0x712: {  	[tilespmem:s23], [sflag:$0xA] =	stream.indirect_vreg.gather [hbm4b:s13+s5], $0x80, v4, vm0, $0xb8;
	[tilespmem:$0x18800] =	vst v63  }
0x713: {  	s24 =	simm.s32 $0x16800  }
0x714: {  	[tilespmem:s24], [sflag:$0xA] =	stream.indirect_vreg.gather [hbm4b:s3+s5], $0x80, v3, vm0, $0xb8;
	[tilespmem:$0x18800] =	vst v63  }
0x715: {  	s25 =	simm.s32 $0x17000  }
0x716: {  	[tilespmem:s25], [sflag:$0xA] =	stream.indirect_vreg.gather [hbm4b:s11+s5], $0x80, v3, vm0, $0xb8;
	[tilespmem:$0x18800] =	vst v63  }
.Ltmp7:
0x717: {  	_ = 	snop;
	(pc) =	sbr.rel .LBB2_2-.Ltmp7, $4  }
0x718: {  	s26 =	simm.s32 $0x17800  }
0x719: {  	[tilespmem:s26], [sflag:$0xA] =	stream.indirect_vreg.gather [hbm4b:s12+s5], $0x80, v3, vm0, $0xb8;
	[tilespmem:$0x18800] =	vst v63  }
0x71a: {  	s15 =	sadd.s32 $0x1, s15;
	s29 =	simm.s32 $0x18000  }
0x71b: {  	[tilespmem:s29], [sflag:$0xA] =	stream.indirect_vreg.gather [hbm4b:s13+s5], $0x80, v3, vm0, $0xb8;
	[tilespmem:$0x18800] =	vst v63  }
.LBB2_13:
0x71c: {  	_ =	sfence.sel $0x180000  }
0x71d: {  	[bflag:$0x0] =	sbarrier.arrive $0xFFFF  }
0x71e: {  	_ =	strace $0x90000047  }
0x71f: {  	s0 =	stileid.u32;
	[bflag:$0x2] =	sbarrier.arrive $0xFFFF  }
0x720: {  	p0 =	sne.s32 s0, $0x0;
	s0 =	rddreg [dreg:$0x4]  }
0x721: {  	s0 =	sadd.s32 @!p0 $0x100000, s0  }
0x722: {  	[sflag:s0] =	ssyncadd.tile.s32 @!p0 $0x1;
	_ =	shalt  }
.Lfunc_end2:
_tile_overlayer_lowered:
.L_overlay_start_2:
0x723: {  	(tag) =	ssettag $0x2  }
0x724: {  	s0 =	rddreg [dreg:$0x0];
	s2 =	stileid.u32  }
0x725: {  	s1 =	rddreg [dreg:$0x1];
	p0 =	sne.s32 s2, $0x0  }
0x726: {  	s3 =	rddreg [dreg:$0x2];
	[bflag:$0x3] =	sbarrier.arrive $0xFFFF;
	s2 =	simm.s32 @!p0 $0x1C0B  }
0x727: {  	[timem:s3], [sflag:s2] =	dma.local @!p0 [hbm:s0], s1  }
0x728: {  	s0 =	simm.s32 @!p0 $0xB  }
0x729: {  	_ =	swait.ge @!p0 [sflag:s0], s1  }
0x72a: {  	s1 =	ssub.s32 @!p0 $0x0, s1;
	[sflag:s0] =	ssyncset.done @!p0 $0x0  }
0x72b: {  	[sflag:s0] =	ssyncadd.s32 @!p0 s1  }
0x72c: {  	[bflag:$0x3] =	sbarrier.arrive $0xFFFF  }
0x72d: {  	_ =	shalt  }

</sc_bundles>
